<compile_context>
chip_gen: v7x
topology: tpu7x:2x2x1
jax: 0.10.2.dev20260603
libtpu: 0.0.44.dev20260713+nightly
codegen_flags: <defaults>
</compile_context>

<pallas_src>
import functools

import jax
import jax.numpy as jnp
from jax import lax
from jax.experimental import pallas as pl
from jax.experimental.pallas import tpu as pltpu
from jax.experimental.pallas import tpu_sc as plsc


def _tc_index_body(x_ref, rp_ref, cb_ref, out_ref, w_s, cbt_s):
    T = x_ref.shape[0]
    H, K, D = cb_ref.shape

    @pl.when(pl.program_id(0) == 0)
    def _init():
        for h in range(H):
            w_s[:, h * D:(h + 1) * D] = rp_ref[h] * -2.0
            cbt_s[h] = cb_ref[h].T

    xp = jnp.dot(x_ref[...], w_s[...],
                 preferred_element_type=jnp.float32)
    for h in range(H):
        cbt_h = cbt_s[h]
        cross = jnp.dot(xp[:, h * D:(h + 1) * D], cbt_h,
                        preferred_element_type=jnp.float32)
        cbsq = jnp.sum(cbt_h * cbt_h, axis=0, keepdims=True)
        dist = cross + cbsq
        idx = jnp.argmin(dist, axis=1, keepdims=True)
        out_ref[:, h:h + 1] = idx.astype(jnp.int32) + h * K


NBUF = 6


def _sc_gather_mean(vals_hbm, idx_hbm, out_hbm, idx_v, r0, r1, r2, r3, r4, r5,
                    tix_v, zbuf, acc_sh, g0, g1, g2, g3, g4, g5,
                    sc0, sc1, sc2, sc3, sc4, sc5):
    info = plsc.get_sparse_core_info()
    NC = info.num_cores
    NG = idx_hbm.shape[1]
    DM = zbuf.shape[1]
    TOK_W = NG * 16
    rows = [r0, r1, r2, r3, r4, r5]
    gsem = [g0, g1, g2, g3, g4, g5]
    ssem = [sc0, sc1, sc2, sc3, sc4, sc5]
    sl = lax.axis_index("s")
    wid = sl * NC + lax.axis_index("c")
    base_slot = sl * TOK_W
    pltpu.sync_copy(idx_hbm.at[wid], idx_v)

    i16 = lax.broadcasted_iota(jnp.int32, (16,), 0)
    for q in range(8):
        seg = jnp.where(i16 < 8, 2 * q, 2 * q + 1)
        for j in range(NG):
            tix_v[j, pl.ds(q * 16, 16)] = seg + (base_slot + j * 16)

    for s in range(zbuf.shape[0] // 16):
        zbuf[pl.ds(s * 16, 16), :] = jnp.zeros((16, DM), jnp.float32)
    nz = TOK_W // zbuf.shape[0]
    for z in range(nz):
        pltpu.sync_copy(zbuf, acc_sh.at[pl.ds(base_slot + z * zbuf.shape[0],
                                              zbuf.shape[0])])

    for q in range(NBUF):
        pltpu.async_copy(vals_hbm.at[idx_v.at[q]], rows[q], gsem[q])

    def super_group(p, carry):
        j0 = p * NBUF
        for q in range(NBUF):
            j = j0 + q
            pltpu.make_async_copy(vals_hbm.at[idx_v.at[j]], rows[q],
                                  gsem[q]).wait()
            pltpu.async_copy(rows[q], acc_sh.at[tix_v.at[j]], ssem[q],
                             add=True)
            pltpu.make_async_copy(rows[q], acc_sh.at[tix_v.at[j]],
                                  ssem[q]).wait()

            @pl.when(j + NBUF < NG)
            def _():
                pltpu.async_copy(vals_hbm.at[idx_v.at[j + NBUF]], rows[q],
                                 gsem[q])
        return carry

    lax.fori_loop(0, NG // NBUF, super_group, 0)
    pltpu.sync_copy(acc_sh.at[pl.ds(base_slot, TOK_W)],
                    out_hbm.at[pl.ds(wid * TOK_W, TOK_W)])


def kernel(x, rand_proj, codebook, values):
    B, N, DE = x.shape
    H, K, D = codebook.shape
    DM = values.shape[-1]
    NT = B * N

    x2 = x.reshape(NT, DE)
    vals_flat = (values * (1.0 / H)).reshape(H * K, DM)

    T = 512
    idx_tok = pl.pallas_call(
        _tc_index_body,
        grid=(NT // T,),
        in_specs=[
            pl.BlockSpec((T, DE), lambda i: (i, 0)),
            pl.BlockSpec((H, DE, D), lambda i: (0, 0, 0)),
            pl.BlockSpec((H, K, D), lambda i: (0, 0, 0)),
        ],
        out_specs=pl.BlockSpec((T, H), lambda i: (i, 0)),
        out_shape=jax.ShapeDtypeStruct((NT, H), jnp.int32),
        scratch_shapes=[
            pltpu.VMEM((DE, H * D), jnp.float32),
            pltpu.VMEM((H, D, K), jnp.float32),
        ],
    )(x2, rand_proj, codebook)

    info = plsc.get_sparse_core_info()
    NW = info.num_cores * info.num_subcores
    TOK_W = NT // NW
    NG = TOK_W * H // 128
    idx_sc = idx_tok.reshape(NW, NG, 128)

    mesh = plsc.VectorSubcoreMesh(core_axis_name="c", subcore_axis_name="s")
    out_flat = functools.partial(
        pl.kernel,
        mesh=mesh,
        compiler_params=pltpu.CompilerParams(use_tc_tiling_on_sc=False),
        out_type=jax.ShapeDtypeStruct((NT, DM), jnp.float32),
        scratch_types=(
            [pltpu.VMEM((NG, 128), jnp.int32)]
            + [pltpu.VMEM((128, DM), jnp.float32) for _ in range(NBUF)]
            + [pltpu.VMEM((NG, 128), jnp.int32)]
            + [pltpu.VMEM((128, DM), jnp.float32)]
            + [pltpu.VMEM_SHARED((info.num_subcores * TOK_W, DM),
                                 jnp.float32)]
            + [pltpu.SemaphoreType.DMA for _ in range(2 * NBUF)]
        ),
    )(_sc_gather_mean)(vals_flat, idx_sc)

    return out_flat.reshape(B, N, DM)

# --- scband reference (transcript-rebuilt; emitter-appended) ---
"""Pipeline reference for scband-discrete-key-value-bottleneck-16801912062407 (READ-ONLY COPY).

The authoritative reference and input builder live on the scoring server;
editing this copy changes nothing except your own understanding.
"""

import jax, jax.numpy as jnp
import numpy as np

B, N, DE = 32, 576, 768
H, D = 8, 64
K = 1024
DM = 64


def setup_inputs(seed: int = 0) -> dict:
    key = jax.random.key(seed)
    k1, k2, k3, k4 = jax.random.split(key, 4)
    x = jax.random.normal(k1, (B, N, DE), dtype=jnp.float32)
    # xavier normal init for rand_proj per codebook: std = sqrt(2 / (fan_in + fan_out))
    std = (2.0 / (DE + D)) ** 0.5
    rand_proj = jax.random.normal(k2, (H, DE, D), dtype=jnp.float32) * std
    codebook = jax.random.normal(k3, (H, K, D), dtype=jnp.float32)
    values = jax.random.normal(k4, (H, K, DM), dtype=jnp.float32)
    return {"x": x, "rand_proj": rand_proj, "codebook": codebook, "values": values}


def reference(x, rand_proj, codebook, values):
    # project encoder embeddings into per-codebook key space:
    # einsum('b n d, c d e -> b n c e')
    xp = jnp.einsum('bnd,cde->bnce', x, rand_proj)  # [B, N, H, D]

    # vector quantization with separate codebook per head:
    # squared L2 distances to each code
    x_sq = jnp.sum(xp ** 2, axis=-1, keepdims=True)                 # [B, N, H, 1]
    cb_sq = jnp.sum(codebook ** 2, axis=-1)[None, None, :, :]       # [1, 1, H, K]
    cross = jnp.einsum('bnhd,hkd->bnhk', xp, codebook)              # [B, N, H, K]
    dist = x_sq - 2.0 * cross + cb_sq                                # [B, N, H, K]
    indices = jnp.argmin(dist, axis=-1)                              # [B, N, H]

    # rearrange 'b n h -> b h n'
    idx = jnp.transpose(indices, (0, 2, 1))                          # [B, H, N]

    # gather memory values: values[h, idx[b,h,n], :]
    h_idx = jnp.arange(values.shape[0])[None, :, None]               # [1, H, 1]
    memories = values[h_idx, idx]                                    # [B, H, N, DM]

    # average pool over codebooks: 'b h n d -> b n d'
    memories = jnp.mean(memories, axis=1)                            # [B, N, DM]
    return memories

if __name__ == "__main__":
    import jax
    _d = setup_inputs()
    print(jax.jit(kernel)(*tuple(_d.values())))

</pallas_src>

<mosaic_0001>
#map = affine_map<(d0, d1) -> (0, 0)>
#map1 = affine_map<(d0, d1) -> (0, 0, 0)>
module attributes {stable_mosaic.version = 14 : i64} {
  func.func @_sc_gather_mean(%arg0: i32, %arg1: i32, %arg2: memref<8192x64xf32, #tpu.memory_space<hbm>>, %arg3: memref<32x36x128xi32, #tpu.memory_space<hbm>>, %arg4: memref<18432x64xf32, #tpu.memory_space<hbm>>, %arg5: memref<36x128xi32, #tpu.memory_space<vmem>>, %arg6: memref<128x64xf32, #tpu.memory_space<vmem>>, %arg7: memref<128x64xf32, #tpu.memory_space<vmem>>, %arg8: memref<128x64xf32, #tpu.memory_space<vmem>>, %arg9: memref<128x64xf32, #tpu.memory_space<vmem>>, %arg10: memref<128x64xf32, #tpu.memory_space<vmem>>, %arg11: memref<128x64xf32, #tpu.memory_space<vmem>>, %arg12: memref<36x128xi32, #tpu.memory_space<vmem>>, %arg13: memref<128x64xf32, #tpu.memory_space<vmem>>, %arg14: memref<9216x64xf32, #tpu.memory_space<vmem_shared>>, %arg15: memref<!tpu.dma_semaphore, #tpu.memory_space<semaphore_mem>>, %arg16: memref<!tpu.dma_semaphore, #tpu.memory_space<semaphore_mem>>, %arg17: memref<!tpu.dma_semaphore, #tpu.memory_space<semaphore_mem>>, %arg18: memref<!tpu.dma_semaphore, #tpu.memory_space<semaphore_mem>>, %arg19: memref<!tpu.dma_semaphore, #tpu.memory_space<semaphore_mem>>, %arg20: memref<!tpu.dma_semaphore, #tpu.memory_space<semaphore_mem>>, %arg21: memref<!tpu.dma_semaphore, #tpu.memory_space<semaphore_mem>>, %arg22: memref<!tpu.dma_semaphore, #tpu.memory_space<semaphore_mem>>, %arg23: memref<!tpu.dma_semaphore, #tpu.memory_space<semaphore_mem>>, %arg24: memref<!tpu.dma_semaphore, #tpu.memory_space<semaphore_mem>>, %arg25: memref<!tpu.dma_semaphore, #tpu.memory_space<semaphore_mem>>, %arg26: memref<!tpu.dma_semaphore, #tpu.memory_space<semaphore_mem>>) attributes {dimension_semantics = [#tpu.dimension_semantics<core_parallel>, #tpu.dimension_semantics<subcore_parallel>], iteration_bounds = array<i64: 2, 16>, scalar_prefetch = 0 : i64, scratch_operands = 22 : i64, tpu.core_type = #tpu.core_type<sc_vector_subcore>, window_params = [{transform_indices = #map}, {transform_indices = #map1}, {transform_indices = #map}]} {
    %mul3A = arith.constant 2 : i32
    %mul3A_0 = arith.muli %arg1, %mul3A : i32
    %add3A = arith.addi %mul3A_0, %arg0 : i32
    %mul3A_1 = arith.constant 576 : i32
    %mul3A_2 = arith.muli %arg1, %mul3A_1 : i32
    "tpu.region"() ({
      %run_scoped3A = tpu.sem_alloc : memref<!tpu.dma_semaphore, #tpu.memory_space<semaphore_mem>>
      %dma_start3A_3054 = arith.constant 0 : i32
      %dma_start3A_3055 = arith.constant 0 : i32
      %dma_start3A_3056 = tpu.memref_slice %arg3[%add3A, %dma_start3A_3054, %dma_start3A_3055] : memref<32x36x128xi32, #tpu.memory_space<hbm>> -> memref<1x36x128xi32, #tpu.memory_space<hbm>>
      %dma_start3A_3057 = tpu.memref_squeeze %dma_start3A_3056 : memref<1x36x128xi32, #tpu.memory_space<hbm>> -> memref<36x128xi32, #tpu.memory_space<hbm>>
      %dma_start3A_3058 = arith.constant 0 : i32
      %dma_start3A_3059 = arith.constant 0 : i32
      %dma_start3A_3060 = tpu.memref_slice %arg3[%add3A, %dma_start3A_3058, %dma_start3A_3059] : memref<32x36x128xi32, #tpu.memory_space<hbm>> -> memref<1x36x128xi32, #tpu.memory_space<hbm>>
      %dma_start3A_3061 = tpu.memref_squeeze %dma_start3A_3060 : memref<1x36x128xi32, #tpu.memory_space<hbm>> -> memref<36x128xi32, #tpu.memory_space<hbm>>
      tpu.enqueue_dma source(%dma_start3A_3061 : memref<36x128xi32, #tpu.memory_space<hbm>>) target(%arg5 : memref<36x128xi32, #tpu.memory_space<vmem>>) target_semaphore(%run_scoped3A : memref<!tpu.dma_semaphore, #tpu.memory_space<semaphore_mem>>)
      %dma_wait3A = arith.constant 0 : i32
      %dma_wait3A_3062 = arith.constant 0 : i32
      %dma_wait3A_3063 = tpu.memref_slice %arg3[%add3A, %dma_wait3A, %dma_wait3A_3062] : memref<32x36x128xi32, #tpu.memory_space<hbm>> -> memref<1x36x128xi32, #tpu.memory_space<hbm>>
      %dma_wait3A_3064 = tpu.memref_squeeze %dma_wait3A_3063 : memref<1x36x128xi32, #tpu.memory_space<hbm>> -> memref<36x128xi32, #tpu.memory_space<hbm>>
      %dma_wait3A_3065 = arith.constant 0 : i32
      %dma_wait3A_3066 = arith.constant 0 : i32
      %dma_wait3A_3067 = tpu.memref_slice %arg3[%add3A, %dma_wait3A_3065, %dma_wait3A_3066] : memref<32x36x128xi32, #tpu.memory_space<hbm>> -> memref<1x36x128xi32, #tpu.memory_space<hbm>>
      %dma_wait3A_3068 = tpu.memref_squeeze %dma_wait3A_3067 : memref<1x36x128xi32, #tpu.memory_space<hbm>> -> memref<36x128xi32, #tpu.memory_space<hbm>>
      tpu.wait_dma2 semaphore(%run_scoped3A : memref<!tpu.dma_semaphore, #tpu.memory_space<semaphore_mem>>) src(%dma_wait3A_3068 : memref<36x128xi32, #tpu.memory_space<hbm>>) dst(%arg5 : memref<36x128xi32, #tpu.memory_space<vmem>>)
      tpu.yield
    }) : () -> ()
    %iota3A = tpu.iota {dimensions = array<i32: 0>} : vector<16xi32>
    %lt3A = arith.constant 8 : i32
    %lt3A_3 = vector.broadcast %lt3A : i32 to vector<16xi32>
    %lt3A_4 = arith.cmpi slt, %iota3A, %lt3A_3 : vector<16xi32>
    %jit3A = arith.constant 0 : i32
    %jit3A_5 = arith.constant 1 : i32
    %broadcast_in_dim3A = vector.broadcast %jit3A : i32 to vector<16xi32>
    %broadcast_in_dim3A_6 = vector.broadcast %jit3A_5 : i32 to vector<16xi32>
    %select_n3A = arith.select %lt3A_4, %broadcast_in_dim3A, %broadcast_in_dim3A_6 : vector<16xi1>, vector<16xi32>
    %add3A_7 = arith.constant 0 : i32
    %add3A_8 = arith.addi %mul3A_2, %add3A_7 : i32
    %add3A_9 = vector.broadcast %add3A_8 : i32 to vector<16xi32>
    %add3A_10 = arith.addi %select_n3A, %add3A_9 : vector<16xi32>
    %swap3A = arith.constant 0 : i32
    %swap3A_11 = arith.index_cast %swap3A : i32 to index
    %swap3A_12 = arith.constant 0 : index
    %swap3A_13 = tpu.vector_load %arg12[%swap3A_11, %swap3A_12] {strides = array<i32>} : memref<36x128xi32, #tpu.memory_space<vmem>>, vector<1x16xi32>,
    %swap3A_14 = vector.shape_cast %swap3A_13 : vector<1x16xi32> to vector<16xi32>
    %swap3A_15 = vector.shape_cast %add3A_10 : vector<16xi32> to vector<1x16xi32>
    tpu.vector_store %arg12[%swap3A_11, %swap3A_12], %swap3A_15 {strides = array<i32>} : memref<36x128xi32, #tpu.memory_space<vmem>>, vector<1x16xi32>,
    %add3A_16 = arith.constant 16 : i32
    %add3A_17 = arith.addi %mul3A_2, %add3A_16 : i32
    %add3A_18 = vector.broadcast %add3A_17 : i32 to vector<16xi32>
    %add3A_19 = arith.addi %select_n3A, %add3A_18 : vector<16xi32>
    %swap3A_20 = arith.constant 1 : i32
    %swap3A_21 = arith.index_cast %swap3A_20 : i32 to index
    %swap3A_22 = arith.constant 0 : index
    %swap3A_23 = tpu.vector_load %arg12[%swap3A_21, %swap3A_22] {strides = array<i32>} : memref<36x128xi32, #tpu.memory_space<vmem>>, vector<1x16xi32>,
    %swap3A_24 = vector.shape_cast %swap3A_23 : vector<1x16xi32> to vector<16xi32>
    %swap3A_25 = vector.shape_cast %add3A_19 : vector<16xi32> to vector<1x16xi32>
    tpu.vector_store %arg12[%swap3A_21, %swap3A_22], %swap3A_25 {strides = array<i32>} : memref<36x128xi32, #tpu.memory_space<vmem>>, vector<1x16xi32>,
    %add3A_26 = arith.constant 32 : i32
    %add3A_27 = arith.addi %mul3A_2, %add3A_26 : i32
    %add3A_28 = vector.broadcast %add3A_27 : i32 to vector<16xi32>
    %add3A_29 = arith.addi %select_n3A, %add3A_28 : vector<16xi32>
    %swap3A_30 = arith.constant 2 : i32
    %swap3A_31 = arith.index_cast %swap3A_30 : i32 to index
    %swap3A_32 = arith.constant 0 : index
    %swap3A_33 = tpu.vector_load %arg12[%swap3A_31, %swap3A_32] {strides = array<i32>} : memref<36x128xi32, #tpu.memory_space<vmem>>, vector<1x16xi32>,
    %swap3A_34 = vector.shape_cast %swap3A_33 : vector<1x16xi32> to vector<16xi32>
    %swap3A_35 = vector.shape_cast %add3A_29 : vector<16xi32> to vector<1x16xi32>
    tpu.vector_store %arg12[%swap3A_31, %swap3A_32], %swap3A_35 {strides = array<i32>} : memref<36x128xi32, #tpu.memory_space<vmem>>, vector<1x16xi32>,
    %add3A_36 = arith.constant 48 : i32
    %add3A_37 = arith.addi %mul3A_2, %add3A_36 : i32
    %add3A_38 = vector.broadcast %add3A_37 : i32 to vector<16xi32>
    %add3A_39 = arith.addi %select_n3A, %add3A_38 : vector<16xi32>
    %swap3A_40 = arith.constant 3 : i32
    %swap3A_41 = arith.index_cast %swap3A_40 : i32 to index
    %swap3A_42 = arith.constant 0 : index
    %swap3A_43 = tpu.vector_load %arg12[%swap3A_41, %swap3A_42] {strides = array<i32>} : memref<36x128xi32, #tpu.memory_space<vmem>>, vector<1x16xi32>,
    %swap3A_44 = vector.shape_cast %swap3A_43 : vector<1x16xi32> to vector<16xi32>
    %swap3A_45 = vector.shape_cast %add3A_39 : vector<16xi32> to vector<1x16xi32>
    tpu.vector_store %arg12[%swap3A_41, %swap3A_42], %swap3A_45 {strides = array<i32>} : memref<36x128xi32, #tpu.memory_space<vmem>>, vector<1x16xi32>,
    %add3A_46 = arith.constant 64 : i32
    %add3A_47 = arith.addi %mul3A_2, %add3A_46 : i32
    %add3A_48 = vector.broadcast %add3A_47 : i32 to vector<16xi32>
    %add3A_49 = arith.addi %select_n3A, %add3A_48 : vector<16xi32>
    %swap3A_50 = arith.constant 4 : i32
    %swap3A_51 = arith.index_cast %swap3A_50 : i32 to index
    %swap3A_52 = arith.constant 0 : index
    %swap3A_53 = tpu.vector_load %arg12[%swap3A_51, %swap3A_52] {strides = array<i32>} : memref<36x128xi32, #tpu.memory_space<vmem>>, vector<1x16xi32>,
    %swap3A_54 = vector.shape_cast %swap3A_53 : vector<1x16xi32> to vector<16xi32>
    %swap3A_55 = vector.shape_cast %add3A_49 : vector<16xi32> to vector<1x16xi32>
    tpu.vector_store %arg12[%swap3A_51, %swap3A_52], %swap3A_55 {strides = array<i32>} : memref<36x128xi32, #tpu.memory_space<vmem>>, vector<1x16xi32>,
    %add3A_56 = arith.constant 80 : i32
    %add3A_57 = arith.addi %mul3A_2, %add3A_56 : i32
    %add3A_58 = vector.broadcast %add3A_57 : i32 to vector<16xi32>
    %add3A_59 = arith.addi %select_n3A, %add3A_58 : vector<16xi32>
    %swap3A_60 = arith.constant 5 : i32
    %swap3A_61 = arith.index_cast %swap3A_60 : i32 to index
    %swap3A_62 = arith.constant 0 : index
    %swap3A_63 = tpu.vector_load %arg12[%swap3A_61, %swap3A_62] {strides = array<i32>} : memref<36x128xi32, #tpu.memory_space<vmem>>, vector<1x16xi32>,
    %swap3A_64 = vector.shape_cast %swap3A_63 : vector<1x16xi32> to vector<16xi32>
    %swap3A_65 = vector.shape_cast %add3A_59 : vector<16xi32> to vector<1x16xi32>
    tpu.vector_store %arg12[%swap3A_61, %swap3A_62], %swap3A_65 {strides = array<i32>} : memref<36x128xi32, #tpu.memory_space<vmem>>, vector<1x16xi32>,
    %add3A_66 = arith.constant 96 : i32
    %add3A_67 = arith.addi %mul3A_2, %add3A_66 : i32
    %add3A_68 = vector.broadcast %add3A_67 : i32 to vector<16xi32>
    %add3A_69 = arith.addi %select_n3A, %add3A_68 : vector<16xi32>
    %swap3A_70 = arith.constant 6 : i32
    %swap3A_71 = arith.index_cast %swap3A_70 : i32 to index
    %swap3A_72 = arith.constant 0 : index
    %swap3A_73 = tpu.vector_load %arg12[%swap3A_71, %swap3A_72] {strides = array<i32>} : memref<36x128xi32, #tpu.memory_space<vmem>>, vector<1x16xi32>,
    %swap3A_74 = vector.shape_cast %swap3A_73 : vector<1x16xi32> to vector<16xi32>
    %swap3A_75 = vector.shape_cast %add3A_69 : vector<16xi32> to vector<1x16xi32>
    tpu.vector_store %arg12[%swap3A_71, %swap3A_72], %swap3A_75 {strides = array<i32>} : memref<36x128xi32, #tpu.memory_space<vmem>>, vector<1x16xi32>,
    %add3A_76 = arith.constant 112 : i32
    %add3A_77 = arith.addi %mul3A_2, %add3A_76 : i32
    %add3A_78 = vector.broadcast %add3A_77 : i32 to vector<16xi32>
    %add3A_79 = arith.addi %select_n3A, %add3A_78 : vector<16xi32>
    %swap3A_80 = arith.constant 7 : i32
    %swap3A_81 = arith.index_cast %swap3A_80 : i32 to index
    %swap3A_82 = arith.constant 0 : index
    %swap3A_83 = tpu.vector_load %arg12[%swap3A_81, %swap3A_82] {strides = array<i32>} : memref<36x128xi32, #tpu.memory_space<vmem>>, vector<1x16xi32>,
    %swap3A_84 = vector.shape_cast %swap3A_83 : vector<1x16xi32> to vector<16xi32>
    %swap3A_85 = vector.shape_cast %add3A_79 : vector<16xi32> to vector<1x16xi32>
    tpu.vector_store %arg12[%swap3A_81, %swap3A_82], %swap3A_85 {strides = array<i32>} : memref<36x128xi32, #tpu.memory_space<vmem>>, vector<1x16xi32>,
    %add3A_86 = arith.constant 128 : i32
    %add3A_87 = arith.addi %mul3A_2, %add3A_86 : i32
    %add3A_88 = vector.broadcast %add3A_87 : i32 to vector<16xi32>
    %add3A_89 = arith.addi %select_n3A, %add3A_88 : vector<16xi32>
    %swap3A_90 = arith.constant 8 : i32
    %swap3A_91 = arith.index_cast %swap3A_90 : i32 to index
    %swap3A_92 = arith.constant 0 : index
    %swap3A_93 = tpu.vector_load %arg12[%swap3A_91, %swap3A_92] {strides = array<i32>} : memref<36x128xi32, #tpu.memory_space<vmem>>, vector<1x16xi32>,
    %swap3A_94 = vector.shape_cast %swap3A_93 : vector<1x16xi32> to vector<16xi32>
    %swap3A_95 = vector.shape_cast %add3A_89 : vector<16xi32> to vector<1x16xi32>
    tpu.vector_store %arg12[%swap3A_91, %swap3A_92], %swap3A_95 {strides = array<i32>} : memref<36x128xi32, #tpu.memory_space<vmem>>, vector<1x16xi32>,
    %add3A_96 = arith.constant 144 : i32
    %add3A_97 = arith.addi %mul3A_2, %add3A_96 : i32
    %add3A_98 = vector.broadcast %add3A_97 : i32 to vector<16xi32>
    %add3A_99 = arith.addi %select_n3A, %add3A_98 : vector<16xi32>
    %swap3A_100 = arith.constant 9 : i32
    %swap3A_101 = arith.index_cast %swap3A_100 : i32 to index
    %swap3A_102 = arith.constant 0 : index
    %swap3A_103 = tpu.vector_load %arg12[%swap3A_101, %swap3A_102] {strides = array<i32>} : memref<36x128xi32, #tpu.memory_space<vmem>>, vector<1x16xi32>,
    %swap3A_104 = vector.shape_cast %swap3A_103 : vector<1x16xi32> to vector<16xi32>
    %swap3A_105 = vector.shape_cast %add3A_99 : vector<16xi32> to vector<1x16xi32>
    tpu.vector_store %arg12[%swap3A_101, %swap3A_102], %swap3A_105 {strides = array<i32>} : memref<36x128xi32, #tpu.memory_space<vmem>>, vector<1x16xi32>,
    %add3A_106 = arith.constant 160 : i32
    %add3A_107 = arith.addi %mul3A_2, %add3A_106 : i32
    %add3A_108 = vector.broadcast %add3A_107 : i32 to vector<16xi32>
    %add3A_109 = arith.addi %select_n3A, %add3A_108 : vector<16xi32>
    %swap3A_110 = arith.constant 10 : i32
    %swap3A_111 = arith.index_cast %swap3A_110 : i32 to index
    %swap3A_112 = arith.constant 0 : index
    %swap3A_113 = tpu.vector_load %arg12[%swap3A_111, %swap3A_112] {strides = array<i32>} : memref<36x128xi32, #tpu.memory_space<vmem>>, vector<1x16xi32>,
    %swap3A_114 = vector.shape_cast %swap3A_113 : vector<1x16xi32> to vector<16xi32>
    %swap3A_115 = vector.shape_cast %add3A_109 : vector<16xi32> to vector<1x16xi32>
    tpu.vector_store %arg12[%swap3A_111, %swap3A_112], %swap3A_115 {strides = array<i32>} : memref<36x128xi32, #tpu.memory_space<vmem>>, vector<1x16xi32>,
    %add3A_116 = arith.constant 176 : i32
    %add3A_117 = arith.addi %mul3A_2, %add3A_116 : i32
    %add3A_118 = vector.broadcast %add3A_117 : i32 to vector<16xi32>
    %add3A_119 = arith.addi %select_n3A, %add3A_118 : vector<16xi32>
    %swap3A_120 = arith.constant 11 : i32
    %swap3A_121 = arith.index_cast %swap3A_120 : i32 to index
    %swap3A_122 = arith.constant 0 : index
    %swap3A_123 = tpu.vector_load %arg12[%swap3A_121, %swap3A_122] {strides = array<i32>} : memref<36x128xi32, #tpu.memory_space<vmem>>, vector<1x16xi32>,
    %swap3A_124 = vector.shape_cast %swap3A_123 : vector<1x16xi32> to vector<16xi32>
    %swap3A_125 = vector.shape_cast %add3A_119 : vector<16xi32> to vector<1x16xi32>
    tpu.vector_store %arg12[%swap3A_121, %swap3A_122], %swap3A_125 {strides = array<i32>} : memref<36x128xi32, #tpu.memory_space<vmem>>, vector<1x16xi32>,
    %add3A_126 = arith.constant 192 : i32
    %add3A_127 = arith.addi %mul3A_2, %add3A_126 : i32
    %add3A_128 = vector.broadcast %add3A_127 : i32 to vector<16xi32>
    %add3A_129 = arith.addi %select_n3A, %add3A_128 : vector<16xi32>
    %swap3A_130 = arith.constant 12 : i32
    %swap3A_131 = arith.index_cast %swap3A_130 : i32 to index
    %swap3A_132 = arith.constant 0 : index
    %swap3A_133 = tpu.vector_load %arg12[%swap3A_131, %swap3A_132] {strides = array<i32>} : memref<36x128xi32, #tpu.memory_space<vmem>>, vector<1x16xi32>,
    %swap3A_134 = vector.shape_cast %swap3A_133 : vector<1x16xi32> to vector<16xi32>
    %swap3A_135 = vector.shape_cast %add3A_129 : vector<16xi32> to vector<1x16xi32>
    tpu.vector_store %arg12[%swap3A_131, %swap3A_132], %swap3A_135 {strides = array<i32>} : memref<36x128xi32, #tpu.memory_space<vmem>>, vector<1x16xi32>,
    %add3A_136 = arith.constant 208 : i32
    %add3A_137 = arith.addi %mul3A_2, %add3A_136 : i32
    %add3A_138 = vector.broadcast %add3A_137 : i32 to vector<16xi32>
    %add3A_139 = arith.addi %select_n3A, %add3A_138 : vector<16xi32>
    %swap3A_140 = arith.constant 13 : i32
    %swap3A_141 = arith.index_cast %swap3A_140 : i32 to index
    %swap3A_142 = arith.constant 0 : index
    %swap3A_143 = tpu.vector_load %arg12[%swap3A_141, %swap3A_142] {strides = array<i32>} : memref<36x128xi32, #tpu.memory_space<vmem>>, vector<1x16xi32>,
    %swap3A_144 = vector.shape_cast %swap3A_143 : vector<1x16xi32> to vector<16xi32>
    %swap3A_145 = vector.shape_cast %add3A_139 : vector<16xi32> to vector<1x16xi32>
    tpu.vector_store %arg12[%swap3A_141, %swap3A_142], %swap3A_145 {strides = array<i32>} : memref<36x128xi32, #tpu.memory_space<vmem>>, vector<1x16xi32>,
    %add3A_146 = arith.constant 224 : i32
    %add3A_147 = arith.addi %mul3A_2, %add3A_146 : i32
    %add3A_148 = vector.broadcast %add3A_147 : i32 to vector<16xi32>
    %add3A_149 = arith.addi %select_n3A, %add3A_148 : vector<16xi32>
    %swap3A_150 = arith.constant 14 : i32
    %swap3A_151 = arith.index_cast %swap3A_150 : i32 to index
    %swap3A_152 = arith.constant 0 : index
    %swap3A_153 = tpu.vector_load %arg12[%swap3A_151, %swap3A_152] {strides = array<i32>} : memref<36x128xi32, #tpu.memory_space<vmem>>, vector<1x16xi32>,
    %swap3A_154 = vector.shape_cast %swap3A_153 : vector<1x16xi32> to vector<16xi32>
    %swap3A_155 = vector.shape_cast %add3A_149 : vector<16xi32> to vector<1x16xi32>
    tpu.vector_store %arg12[%swap3A_151, %swap3A_152], %swap3A_155 {strides = array<i32>} : memref<36x128xi32, #tpu.memory_space<vmem>>, vector<1x16xi32>,
    %add3A_156 = arith.constant 240 : i32
    %add3A_157 = arith.addi %mul3A_2, %add3A_156 : i32
    %add3A_158 = vector.broadcast %add3A_157 : i32 to vector<16xi32>
    %add3A_159 = arith.addi %select_n3A, %add3A_158 : vector<16xi32>
    %swap3A_160 = arith.constant 15 : i32
    %swap3A_161 = arith.index_cast %swap3A_160 : i32 to index
    %swap3A_162 = arith.constant 0 : index
    %swap3A_163 = tpu.vector_load %arg12[%swap3A_161, %swap3A_162] {strides = array<i32>} : memref<36x128xi32, #tpu.memory_space<vmem>>, vector<1x16xi32>,
    %swap3A_164 = vector.shape_cast %swap3A_163 : vector<1x16xi32> to vector<16xi32>
    %swap3A_165 = vector.shape_cast %add3A_159 : vector<16xi32> to vector<1x16xi32>
    tpu.vector_store %arg12[%swap3A_161, %swap3A_162], %swap3A_165 {strides = array<i32>} : memref<36x128xi32, #tpu.memory_space<vmem>>, vector<1x16xi32>,
    %add3A_166 = arith.constant 256 : i32
    %add3A_167 = arith.addi %mul3A_2, %add3A_166 : i32
    %add3A_168 = vector.broadcast %add3A_167 : i32 to vector<16xi32>
    %add3A_169 = arith.addi %select_n3A, %add3A_168 : vector<16xi32>
    %swap3A_170 = arith.constant 16 : i32
    %swap3A_171 = arith.index_cast %swap3A_170 : i32 to index
    %swap3A_172 = arith.constant 0 : index
    %swap3A_173 = tpu.vector_load %arg12[%swap3A_171, %swap3A_172] {strides = array<i32>} : memref<36x128xi32, #tpu.memory_space<vmem>>, vector<1x16xi32>,
    %swap3A_174 = vector.shape_cast %swap3A_173 : vector<1x16xi32> to vector<16xi32>
    %swap3A_175 = vector.shape_cast %add3A_169 : vector<16xi32> to vector<1x16xi32>
    tpu.vector_store %arg12[%swap3A_171, %swap3A_172], %swap3A_175 {strides = array<i32>} : memref<36x128xi32, #tpu.memory_space<vmem>>, vector<1x16xi32>,
    %add3A_176 = arith.constant 272 : i32
    %add3A_177 = arith.addi %mul3A_2, %add3A_176 : i32
    %add3A_178 = vector.broadcast %add3A_177 : i32 to vector<16xi32>
    %add3A_179 = arith.addi %select_n3A, %add3A_178 : vector<16xi32>
    %swap3A_180 = arith.constant 17 : i32
    %swap3A_181 = arith.index_cast %swap3A_180 : i32 to index
    %swap3A_182 = arith.constant 0 : index
    %swap3A_183 = tpu.vector_load %arg12[%swap3A_181, %swap3A_182] {strides = array<i32>} : memref<36x128xi32, #tpu.memory_space<vmem>>, vector<1x16xi32>,
    %swap3A_184 = vector.shape_cast %swap3A_183 : vector<1x16xi32> to vector<16xi32>
    %swap3A_185 = vector.shape_cast %add3A_179 : vector<16xi32> to vector<1x16xi32>
    tpu.vector_store %arg12[%swap3A_181, %swap3A_182], %swap3A_185 {strides = array<i32>} : memref<36x128xi32, #tpu.memory_space<vmem>>, vector<1x16xi32>,
    %add3A_186 = arith.constant 288 : i32
    %add3A_187 = arith.addi %mul3A_2, %add3A_186 : i32
    %add3A_188 = vector.broadcast %add3A_187 : i32 to vector<16xi32>
    %add3A_189 = arith.addi %select_n3A, %add3A_188 : vector<16xi32>
    %swap3A_190 = arith.constant 18 : i32
    %swap3A_191 = arith.index_cast %swap3A_190 : i32 to index
    %swap3A_192 = arith.constant 0 : index
    %swap3A_193 = tpu.vector_load %arg12[%swap3A_191, %swap3A_192] {strides = array<i32>} : memref<36x128xi32, #tpu.memory_space<vmem>>, vector<1x16xi32>,
    %swap3A_194 = vector.shape_cast %swap3A_193 : vector<1x16xi32> to vector<16xi32>
    %swap3A_195 = vector.shape_cast %add3A_189 : vector<16xi32> to vector<1x16xi32>
    tpu.vector_store %arg12[%swap3A_191, %swap3A_192], %swap3A_195 {strides = array<i32>} : memref<36x128xi32, #tpu.memory_space<vmem>>, vector<1x16xi32>,
    %add3A_196 = arith.constant 304 : i32
    %add3A_197 = arith.addi %mul3A_2, %add3A_196 : i32
    %add3A_198 = vector.broadcast %add3A_197 : i32 to vector<16xi32>
    %add3A_199 = arith.addi %select_n3A, %add3A_198 : vector<16xi32>
    %swap3A_200 = arith.constant 19 : i32
    %swap3A_201 = arith.index_cast %swap3A_200 : i32 to index
    %swap3A_202 = arith.constant 0 : index
    %swap3A_203 = tpu.vector_load %arg12[%swap3A_201, %swap3A_202] {strides = array<i32>} : memref<36x128xi32, #tpu.memory_space<vmem>>, vector<1x16xi32>,
    %swap3A_204 = vector.shape_cast %swap3A_203 : vector<1x16xi32> to vector<16xi32>
    %swap3A_205 = vector.shape_cast %add3A_199 : vector<16xi32> to vector<1x16xi32>
    tpu.vector_store %arg12[%swap3A_201, %swap3A_202], %swap3A_205 {strides = array<i32>} : memref<36x128xi32, #tpu.memory_space<vmem>>, vector<1x16xi32>,
    %add3A_206 = arith.constant 320 : i32
    %add3A_207 = arith.addi %mul3A_2, %add3A_206 : i32
    %add3A_208 = vector.broadcast %add3A_207 : i32 to vector<16xi32>
    %add3A_209 = arith.addi %select_n3A, %add3A_208 : vector<16xi32>
    %swap3A_210 = arith.constant 20 : i32
    %swap3A_211 = arith.index_cast %swap3A_210 : i32 to index
    %swap3A_212 = arith.constant 0 : index
    %swap3A_213 = tpu.vector_load %arg12[%swap3A_211, %swap3A_212] {strides = array<i32>} : memref<36x128xi32, #tpu.memory_space<vmem>>, vector<1x16xi32>,
    %swap3A_214 = vector.shape_cast %swap3A_213 : vector<1x16xi32> to vector<16xi32>
    %swap3A_215 = vector.shape_cast %add3A_209 : vector<16xi32> to vector<1x16xi32>
    tpu.vector_store %arg12[%swap3A_211, %swap3A_212], %swap3A_215 {strides = array<i32>} : memref<36x128xi32, #tpu.memory_space<vmem>>, vector<1x16xi32>,
    %add3A_216 = arith.constant 336 : i32
    %add3A_217 = arith.addi %mul3A_2, %add3A_216 : i32
    %add3A_218 = vector.broadcast %add3A_217 : i32 to vector<16xi32>
    %add3A_219 = arith.addi %select_n3A, %add3A_218 : vector<16xi32>
    %swap3A_220 = arith.constant 21 : i32
    %swap3A_221 = arith.index_cast %swap3A_220 : i32 to index
    %swap3A_222 = arith.constant 0 : index
    %swap3A_223 = tpu.vector_load %arg12[%swap3A_221, %swap3A_222] {strides = array<i32>} : memref<36x128xi32, #tpu.memory_space<vmem>>, vector<1x16xi32>,
    %swap3A_224 = vector.shape_cast %swap3A_223 : vector<1x16xi32> to vector<16xi32>
    %swap3A_225 = vector.shape_cast %add3A_219 : vector<16xi32> to vector<1x16xi32>
    tpu.vector_store %arg12[%swap3A_221, %swap3A_222], %swap3A_225 {strides = array<i32>} : memref<36x128xi32, #tpu.memory_space<vmem>>, vector<1x16xi32>,
    %add3A_226 = arith.constant 352 : i32
    %add3A_227 = arith.addi %mul3A_2, %add3A_226 : i32
    %add3A_228 = vector.broadcast %add3A_227 : i32 to vector<16xi32>
    %add3A_229 = arith.addi %select_n3A, %add3A_228 : vector<16xi32>
    %swap3A_230 = arith.constant 22 : i32
    %swap3A_231 = arith.index_cast %swap3A_230 : i32 to index
    %swap3A_232 = arith.constant 0 : index
    %swap3A_233 = tpu.vector_load %arg12[%swap3A_231, %swap3A_232] {strides = array<i32>} : memref<36x128xi32, #tpu.memory_space<vmem>>, vector<1x16xi32>,
    %swap3A_234 = vector.shape_cast %swap3A_233 : vector<1x16xi32> to vector<16xi32>
    %swap3A_235 = vector.shape_cast %add3A_229 : vector<16xi32> to vector<1x16xi32>
    tpu.vector_store %arg12[%swap3A_231, %swap3A_232], %swap3A_235 {strides = array<i32>} : memref<36x128xi32, #tpu.memory_space<vmem>>, vector<1x16xi32>,
    %add3A_236 = arith.constant 368 : i32
    %add3A_237 = arith.addi %mul3A_2, %add3A_236 : i32
    %add3A_238 = vector.broadcast %add3A_237 : i32 to vector<16xi32>
    %add3A_239 = arith.addi %select_n3A, %add3A_238 : vector<16xi32>
    %swap3A_240 = arith.constant 23 : i32
    %swap3A_241 = arith.index_cast %swap3A_240 : i32 to index
    %swap3A_242 = arith.constant 0 : index
    %swap3A_243 = tpu.vector_load %arg12[%swap3A_241, %swap3A_242] {strides = array<i32>} : memref<36x128xi32, #tpu.memory_space<vmem>>, vector<1x16xi32>,
    %swap3A_244 = vector.shape_cast %swap3A_243 : vector<1x16xi32> to vector<16xi32>
    %swap3A_245 = vector.shape_cast %add3A_239 : vector<16xi32> to vector<1x16xi32>
    tpu.vector_store %arg12[%swap3A_241, %swap3A_242], %swap3A_245 {strides = array<i32>} : memref<36x128xi32, #tpu.memory_space<vmem>>, vector<1x16xi32>,
    %add3A_246 = arith.constant 384 : i32
    %add3A_247 = arith.addi %mul3A_2, %add3A_246 : i32
    %add3A_248 = vector.broadcast %add3A_247 : i32 to vector<16xi32>
    %add3A_249 = arith.addi %select_n3A, %add3A_248 : vector<16xi32>
    %swap3A_250 = arith.constant 24 : i32
    %swap3A_251 = arith.index_cast %swap3A_250 : i32 to index
    %swap3A_252 = arith.constant 0 : index
    %swap3A_253 = tpu.vector_load %arg12[%swap3A_251, %swap3A_252] {strides = array<i32>} : memref<36x128xi32, #tpu.memory_space<vmem>>, vector<1x16xi32>,
    %swap3A_254 = vector.shape_cast %swap3A_253 : vector<1x16xi32> to vector<16xi32>
    %swap3A_255 = vector.shape_cast %add3A_249 : vector<16xi32> to vector<1x16xi32>
    tpu.vector_store %arg12[%swap3A_251, %swap3A_252], %swap3A_255 {strides = array<i32>} : memref<36x128xi32, #tpu.memory_space<vmem>>, vector<1x16xi32>,
    %add3A_256 = arith.constant 400 : i32
    %add3A_257 = arith.addi %mul3A_2, %add3A_256 : i32
    %add3A_258 = vector.broadcast %add3A_257 : i32 to vector<16xi32>
    %add3A_259 = arith.addi %select_n3A, %add3A_258 : vector<16xi32>
    %swap3A_260 = arith.constant 25 : i32
    %swap3A_261 = arith.index_cast %swap3A_260 : i32 to index
    %swap3A_262 = arith.constant 0 : index
    %swap3A_263 = tpu.vector_load %arg12[%swap3A_261, %swap3A_262] {strides = array<i32>} : memref<36x128xi32, #tpu.memory_space<vmem>>, vector<1x16xi32>,
    %swap3A_264 = vector.shape_cast %swap3A_263 : vector<1x16xi32> to vector<16xi32>
    %swap3A_265 = vector.shape_cast %add3A_259 : vector<16xi32> to vector<1x16xi32>
    tpu.vector_store %arg12[%swap3A_261, %swap3A_262], %swap3A_265 {strides = array<i32>} : memref<36x128xi32, #tpu.memory_space<vmem>>, vector<1x16xi32>,
    %add3A_266 = arith.constant 416 : i32
    %add3A_267 = arith.addi %mul3A_2, %add3A_266 : i32
    %add3A_268 = vector.broadcast %add3A_267 : i32 to vector<16xi32>
    %add3A_269 = arith.addi %select_n3A, %add3A_268 : vector<16xi32>
    %swap3A_270 = arith.constant 26 : i32
    %swap3A_271 = arith.index_cast %swap3A_270 : i32 to index
    %swap3A_272 = arith.constant 0 : index
    %swap3A_273 = tpu.vector_load %arg12[%swap3A_271, %swap3A_272] {strides = array<i32>} : memref<36x128xi32, #tpu.memory_space<vmem>>, vector<1x16xi32>,
    %swap3A_274 = vector.shape_cast %swap3A_273 : vector<1x16xi32> to vector<16xi32>
    %swap3A_275 = vector.shape_cast %add3A_269 : vector<16xi32> to vector<1x16xi32>
    tpu.vector_store %arg12[%swap3A_271, %swap3A_272], %swap3A_275 {strides = array<i32>} : memref<36x128xi32, #tpu.memory_space<vmem>>, vector<1x16xi32>,
    %add3A_276 = arith.constant 432 : i32
    %add3A_277 = arith.addi %mul3A_2, %add3A_276 : i32
    %add3A_278 = vector.broadcast %add3A_277 : i32 to vector<16xi32>
    %add3A_279 = arith.addi %select_n3A, %add3A_278 : vector<16xi32>
    %swap3A_280 = arith.constant 27 : i32
    %swap3A_281 = arith.index_cast %swap3A_280 : i32 to index
    %swap3A_282 = arith.constant 0 : index
    %swap3A_283 = tpu.vector_load %arg12[%swap3A_281, %swap3A_282] {strides = array<i32>} : memref<36x128xi32, #tpu.memory_space<vmem>>, vector<1x16xi32>,
    %swap3A_284 = vector.shape_cast %swap3A_283 : vector<1x16xi32> to vector<16xi32>
    %swap3A_285 = vector.shape_cast %add3A_279 : vector<16xi32> to vector<1x16xi32>
    tpu.vector_store %arg12[%swap3A_281, %swap3A_282], %swap3A_285 {strides = array<i32>} : memref<36x128xi32, #tpu.memory_space<vmem>>, vector<1x16xi32>,
    %add3A_286 = arith.constant 448 : i32
    %add3A_287 = arith.addi %mul3A_2, %add3A_286 : i32
    %add3A_288 = vector.broadcast %add3A_287 : i32 to vector<16xi32>
    %add3A_289 = arith.addi %select_n3A, %add3A_288 : vector<16xi32>
    %swap3A_290 = arith.constant 28 : i32
    %swap3A_291 = arith.index_cast %swap3A_290 : i32 to index
    %swap3A_292 = arith.constant 0 : index
    %swap3A_293 = tpu.vector_load %arg12[%swap3A_291, %swap3A_292] {strides = array<i32>} : memref<36x128xi32, #tpu.memory_space<vmem>>, vector<1x16xi32>,
    %swap3A_294 = vector.shape_cast %swap3A_293 : vector<1x16xi32> to vector<16xi32>
    %swap3A_295 = vector.shape_cast %add3A_289 : vector<16xi32> to vector<1x16xi32>
    tpu.vector_store %arg12[%swap3A_291, %swap3A_292], %swap3A_295 {strides = array<i32>} : memref<36x128xi32, #tpu.memory_space<vmem>>, vector<1x16xi32>,
    %add3A_296 = arith.constant 464 : i32
    %add3A_297 = arith.addi %mul3A_2, %add3A_296 : i32
    %add3A_298 = vector.broadcast %add3A_297 : i32 to vector<16xi32>
    %add3A_299 = arith.addi %select_n3A, %add3A_298 : vector<16xi32>
    %swap3A_300 = arith.constant 29 : i32
    %swap3A_301 = arith.index_cast %swap3A_300 : i32 to index
    %swap3A_302 = arith.constant 0 : index
    %swap3A_303 = tpu.vector_load %arg12[%swap3A_301, %swap3A_302] {strides = array<i32>} : memref<36x128xi32, #tpu.memory_space<vmem>>, vector<1x16xi32>,
    %swap3A_304 = vector.shape_cast %swap3A_303 : vector<1x16xi32> to vector<16xi32>
    %swap3A_305 = vector.shape_cast %add3A_299 : vector<16xi32> to vector<1x16xi32>
    tpu.vector_store %arg12[%swap3A_301, %swap3A_302], %swap3A_305 {strides = array<i32>} : memref<36x128xi32, #tpu.memory_space<vmem>>, vector<1x16xi32>,
    %add3A_306 = arith.constant 480 : i32
    %add3A_307 = arith.addi %mul3A_2, %add3A_306 : i32
    %add3A_308 = vector.broadcast %add3A_307 : i32 to vector<16xi32>
    %add3A_309 = arith.addi %select_n3A, %add3A_308 : vector<16xi32>
    %swap3A_310 = arith.constant 30 : i32
    %swap3A_311 = arith.index_cast %swap3A_310 : i32 to index
    %swap3A_312 = arith.constant 0 : index
    %swap3A_313 = tpu.vector_load %arg12[%swap3A_311, %swap3A_312] {strides = array<i32>} : memref<36x128xi32, #tpu.memory_space<vmem>>, vector<1x16xi32>,
    %swap3A_314 = vector.shape_cast %swap3A_313 : vector<1x16xi32> to vector<16xi32>
    %swap3A_315 = vector.shape_cast %add3A_309 : vector<16xi32> to vector<1x16xi32>
    tpu.vector_store %arg12[%swap3A_311, %swap3A_312], %swap3A_315 {strides = array<i32>} : memref<36x128xi32, #tpu.memory_space<vmem>>, vector<1x16xi32>,
    %add3A_316 = arith.constant 496 : i32
    %add3A_317 = arith.addi %mul3A_2, %add3A_316 : i32
    %add3A_318 = vector.broadcast %add3A_317 : i32 to vector<16xi32>
    %add3A_319 = arith.addi %select_n3A, %add3A_318 : vector<16xi32>
    %swap3A_320 = arith.constant 31 : i32
    %swap3A_321 = arith.index_cast %swap3A_320 : i32 to index
    %swap3A_322 = arith.constant 0 : index
    %swap3A_323 = tpu.vector_load %arg12[%swap3A_321, %swap3A_322] {strides = array<i32>} : memref<36x128xi32, #tpu.memory_space<vmem>>, vector<1x16xi32>,
    %swap3A_324 = vector.shape_cast %swap3A_323 : vector<1x16xi32> to vector<16xi32>
    %swap3A_325 = vector.shape_cast %add3A_319 : vector<16xi32> to vector<1x16xi32>
    tpu.vector_store %arg12[%swap3A_321, %swap3A_322], %swap3A_325 {strides = array<i32>} : memref<36x128xi32, #tpu.memory_space<vmem>>, vector<1x16xi32>,
    %add3A_326 = arith.constant 512 : i32
    %add3A_327 = arith.addi %mul3A_2, %add3A_326 : i32
    %add3A_328 = vector.broadcast %add3A_327 : i32 to vector<16xi32>
    %add3A_329 = arith.addi %select_n3A, %add3A_328 : vector<16xi32>
    %swap3A_330 = arith.constant 32 : i32
    %swap3A_331 = arith.index_cast %swap3A_330 : i32 to index
    %swap3A_332 = arith.constant 0 : index
    %swap3A_333 = tpu.vector_load %arg12[%swap3A_331, %swap3A_332] {strides = array<i32>} : memref<36x128xi32, #tpu.memory_space<vmem>>, vector<1x16xi32>,
    %swap3A_334 = vector.shape_cast %swap3A_333 : vector<1x16xi32> to vector<16xi32>
    %swap3A_335 = vector.shape_cast %add3A_329 : vector<16xi32> to vector<1x16xi32>
    tpu.vector_store %arg12[%swap3A_331, %swap3A_332], %swap3A_335 {strides = array<i32>} : memref<36x128xi32, #tpu.memory_space<vmem>>, vector<1x16xi32>,
    %add3A_336 = arith.constant 528 : i32
    %add3A_337 = arith.addi %mul3A_2, %add3A_336 : i32
    %add3A_338 = vector.broadcast %add3A_337 : i32 to vector<16xi32>
    %add3A_339 = arith.addi %select_n3A, %add3A_338 : vector<16xi32>
    %swap3A_340 = arith.constant 33 : i32
    %swap3A_341 = arith.index_cast %swap3A_340 : i32 to index
    %swap3A_342 = arith.constant 0 : index
    %swap3A_343 = tpu.vector_load %arg12[%swap3A_341, %swap3A_342] {strides = array<i32>} : memref<36x128xi32, #tpu.memory_space<vmem>>, vector<1x16xi32>,
    %swap3A_344 = vector.shape_cast %swap3A_343 : vector<1x16xi32> to vector<16xi32>
    %swap3A_345 = vector.shape_cast %add3A_339 : vector<16xi32> to vector<1x16xi32>
    tpu.vector_store %arg12[%swap3A_341, %swap3A_342], %swap3A_345 {strides = array<i32>} : memref<36x128xi32, #tpu.memory_space<vmem>>, vector<1x16xi32>,
    %add3A_346 = arith.constant 544 : i32
    %add3A_347 = arith.addi %mul3A_2, %add3A_346 : i32
    %add3A_348 = vector.broadcast %add3A_347 : i32 to vector<16xi32>
    %add3A_349 = arith.addi %select_n3A, %add3A_348 : vector<16xi32>
    %swap3A_350 = arith.constant 34 : i32
    %swap3A_351 = arith.index_cast %swap3A_350 : i32 to index
    %swap3A_352 = arith.constant 0 : index
    %swap3A_353 = tpu.vector_load %arg12[%swap3A_351, %swap3A_352] {strides = array<i32>} : memref<36x128xi32, #tpu.memory_space<vmem>>, vector<1x16xi32>,
    %swap3A_354 = vector.shape_cast %swap3A_353 : vector<1x16xi32> to vector<16xi32>
    %swap3A_355 = vector.shape_cast %add3A_349 : vector<16xi32> to vector<1x16xi32>
    tpu.vector_store %arg12[%swap3A_351, %swap3A_352], %swap3A_355 {strides = array<i32>} : memref<36x128xi32, #tpu.memory_space<vmem>>, vector<1x16xi32>,
    %add3A_356 = arith.constant 560 : i32
    %add3A_357 = arith.addi %mul3A_2, %add3A_356 : i32
    %add3A_358 = vector.broadcast %add3A_357 : i32 to vector<16xi32>
    %add3A_359 = arith.addi %select_n3A, %add3A_358 : vector<16xi32>
    %swap3A_360 = arith.constant 35 : i32
    %swap3A_361 = arith.index_cast %swap3A_360 : i32 to index
    %swap3A_362 = arith.constant 0 : index
    %swap3A_363 = tpu.vector_load %arg12[%swap3A_361, %swap3A_362] {strides = array<i32>} : memref<36x128xi32, #tpu.memory_space<vmem>>, vector<1x16xi32>,
    %swap3A_364 = vector.shape_cast %swap3A_363 : vector<1x16xi32> to vector<16xi32>
    %swap3A_365 = vector.shape_cast %add3A_359 : vector<16xi32> to vector<1x16xi32>
    tpu.vector_store %arg12[%swap3A_361, %swap3A_362], %swap3A_365 {strides = array<i32>} : memref<36x128xi32, #tpu.memory_space<vmem>>, vector<1x16xi32>,
    %lt3A_366 = arith.constant 8 : i32
    %lt3A_367 = vector.broadcast %lt3A_366 : i32 to vector<16xi32>
    %lt3A_368 = arith.cmpi slt, %iota3A, %lt3A_367 : vector<16xi32>
    %jit3A_369 = arith.constant 2 : i32
    %jit3A_370 = arith.constant 3 : i32
    %broadcast_in_dim3A_371 = vector.broadcast %jit3A_369 : i32 to vector<16xi32>
    %broadcast_in_dim3A_372 = vector.broadcast %jit3A_370 : i32 to vector<16xi32>
    %select_n3A_373 = arith.select %lt3A_368, %broadcast_in_dim3A_371, %broadcast_in_dim3A_372 : vector<16xi1>, vector<16xi32>
    %add3A_374 = arith.constant 0 : i32
    %add3A_375 = arith.addi %mul3A_2, %add3A_374 : i32
    %add3A_376 = vector.broadcast %add3A_375 : i32 to vector<16xi32>
    %add3A_377 = arith.addi %select_n3A_373, %add3A_376 : vector<16xi32>
    %swap3A_378 = arith.constant 0 : i32
    %swap3A_379 = arith.index_cast %swap3A_378 : i32 to index
    %swap3A_380 = arith.constant 16 : index
    %swap3A_381 = tpu.vector_load %arg12[%swap3A_379, %swap3A_380] {strides = array<i32>} : memref<36x128xi32, #tpu.memory_space<vmem>>, vector<1x16xi32>,
    %swap3A_382 = vector.shape_cast %swap3A_381 : vector<1x16xi32> to vector<16xi32>
    %swap3A_383 = vector.shape_cast %add3A_377 : vector<16xi32> to vector<1x16xi32>
    tpu.vector_store %arg12[%swap3A_379, %swap3A_380], %swap3A_383 {strides = array<i32>} : memref<36x128xi32, #tpu.memory_space<vmem>>, vector<1x16xi32>,
    %add3A_384 = arith.constant 16 : i32
    %add3A_385 = arith.addi %mul3A_2, %add3A_384 : i32
    %add3A_386 = vector.broadcast %add3A_385 : i32 to vector<16xi32>
    %add3A_387 = arith.addi %select_n3A_373, %add3A_386 : vector<16xi32>
    %swap3A_388 = arith.constant 1 : i32
    %swap3A_389 = arith.index_cast %swap3A_388 : i32 to index
    %swap3A_390 = arith.constant 16 : index
    %swap3A_391 = tpu.vector_load %arg12[%swap3A_389, %swap3A_390] {strides = array<i32>} : memref<36x128xi32, #tpu.memory_space<vmem>>, vector<1x16xi32>,
    %swap3A_392 = vector.shape_cast %swap3A_391 : vector<1x16xi32> to vector<16xi32>
    %swap3A_393 = vector.shape_cast %add3A_387 : vector<16xi32> to vector<1x16xi32>
    tpu.vector_store %arg12[%swap3A_389, %swap3A_390], %swap3A_393 {strides = array<i32>} : memref<36x128xi32, #tpu.memory_space<vmem>>, vector<1x16xi32>,
    %add3A_394 = arith.constant 32 : i32
    %add3A_395 = arith.addi %mul3A_2, %add3A_394 : i32
    %add3A_396 = vector.broadcast %add3A_395 : i32 to vector<16xi32>
    %add3A_397 = arith.addi %select_n3A_373, %add3A_396 : vector<16xi32>
    %swap3A_398 = arith.constant 2 : i32
    %swap3A_399 = arith.index_cast %swap3A_398 : i32 to index
    %swap3A_400 = arith.constant 16 : index
    %swap3A_401 = tpu.vector_load %arg12[%swap3A_399, %swap3A_400] {strides = array<i32>} : memref<36x128xi32, #tpu.memory_space<vmem>>, vector<1x16xi32>,
    %swap3A_402 = vector.shape_cast %swap3A_401 : vector<1x16xi32> to vector<16xi32>
    %swap3A_403 = vector.shape_cast %add3A_397 : vector<16xi32> to vector<1x16xi32>
    tpu.vector_store %arg12[%swap3A_399, %swap3A_400], %swap3A_403 {strides = array<i32>} : memref<36x128xi32, #tpu.memory_space<vmem>>, vector<1x16xi32>,
    %add3A_404 = arith.constant 48 : i32
    %add3A_405 = arith.addi %mul3A_2, %add3A_404 : i32
    %add3A_406 = vector.broadcast %add3A_405 : i32 to vector<16xi32>
    %add3A_407 = arith.addi %select_n3A_373, %add3A_406 : vector<16xi32>
    %swap3A_408 = arith.constant 3 : i32
    %swap3A_409 = arith.index_cast %swap3A_408 : i32 to index
    %swap3A_410 = arith.constant 16 : index
    %swap3A_411 = tpu.vector_load %arg12[%swap3A_409, %swap3A_410] {strides = array<i32>} : memref<36x128xi32, #tpu.memory_space<vmem>>, vector<1x16xi32>,
    %swap3A_412 = vector.shape_cast %swap3A_411 : vector<1x16xi32> to vector<16xi32>
    %swap3A_413 = vector.shape_cast %add3A_407 : vector<16xi32> to vector<1x16xi32>
    tpu.vector_store %arg12[%swap3A_409, %swap3A_410], %swap3A_413 {strides = array<i32>} : memref<36x128xi32, #tpu.memory_space<vmem>>, vector<1x16xi32>,
    %add3A_414 = arith.constant 64 : i32
    %add3A_415 = arith.addi %mul3A_2, %add3A_414 : i32
    %add3A_416 = vector.broadcast %add3A_415 : i32 to vector<16xi32>
    %add3A_417 = arith.addi %select_n3A_373, %add3A_416 : vector<16xi32>
    %swap3A_418 = arith.constant 4 : i32
    %swap3A_419 = arith.index_cast %swap3A_418 : i32 to index
    %swap3A_420 = arith.constant 16 : index
    %swap3A_421 = tpu.vector_load %arg12[%swap3A_419, %swap3A_420] {strides = array<i32>} : memref<36x128xi32, #tpu.memory_space<vmem>>, vector<1x16xi32>,
    %swap3A_422 = vector.shape_cast %swap3A_421 : vector<1x16xi32> to vector<16xi32>
    %swap3A_423 = vector.shape_cast %add3A_417 : vector<16xi32> to vector<1x16xi32>
    tpu.vector_store %arg12[%swap3A_419, %swap3A_420], %swap3A_423 {strides = array<i32>} : memref<36x128xi32, #tpu.memory_space<vmem>>, vector<1x16xi32>,
    %add3A_424 = arith.constant 80 : i32
    %add3A_425 = arith.addi %mul3A_2, %add3A_424 : i32
    %add3A_426 = vector.broadcast %add3A_425 : i32 to vector<16xi32>
    %add3A_427 = arith.addi %select_n3A_373, %add3A_426 : vector<16xi32>
    %swap3A_428 = arith.constant 5 : i32
    %swap3A_429 = arith.index_cast %swap3A_428 : i32 to index
    %swap3A_430 = arith.constant 16 : index
    %swap3A_431 = tpu.vector_load %arg12[%swap3A_429, %swap3A_430] {strides = array<i32>} : memref<36x128xi32, #tpu.memory_space<vmem>>, vector<1x16xi32>,
    %swap3A_432 = vector.shape_cast %swap3A_431 : vector<1x16xi32> to vector<16xi32>
    %swap3A_433 = vector.shape_cast %add3A_427 : vector<16xi32> to vector<1x16xi32>
    tpu.vector_store %arg12[%swap3A_429, %swap3A_430], %swap3A_433 {strides = array<i32>} : memref<36x128xi32, #tpu.memory_space<vmem>>, vector<1x16xi32>,
    %add3A_434 = arith.constant 96 : i32
    %add3A_435 = arith.addi %mul3A_2, %add3A_434 : i32
    %add3A_436 = vector.broadcast %add3A_435 : i32 to vector<16xi32>
    %add3A_437 = arith.addi %select_n3A_373, %add3A_436 : vector<16xi32>
    %swap3A_438 = arith.constant 6 : i32
    %swap3A_439 = arith.index_cast %swap3A_438 : i32 to index
    %swap3A_440 = arith.constant 16 : index
    %swap3A_441 = tpu.vector_load %arg12[%swap3A_439, %swap3A_440] {strides = array<i32>} : memref<36x128xi32, #tpu.memory_space<vmem>>, vector<1x16xi32>,
    %swap3A_442 = vector.shape_cast %swap3A_441 : vector<1x16xi32> to vector<16xi32>
    %swap3A_443 = vector.shape_cast %add3A_437 : vector<16xi32> to vector<1x16xi32>
    tpu.vector_store %arg12[%swap3A_439, %swap3A_440], %swap3A_443 {strides = array<i32>} : memref<36x128xi32, #tpu.memory_space<vmem>>, vector<1x16xi32>,
    %add3A_444 = arith.constant 112 : i32
    %add3A_445 = arith.addi %mul3A_2, %add3A_444 : i32
    %add3A_446 = vector.broadcast %add3A_445 : i32 to vector<16xi32>
    %add3A_447 = arith.addi %select_n3A_373, %add3A_446 : vector<16xi32>
    %swap3A_448 = arith.constant 7 : i32
    %swap3A_449 = arith.index_cast %swap3A_448 : i32 to index
    %swap3A_450 = arith.constant 16 : index
    %swap3A_451 = tpu.vector_load %arg12[%swap3A_449, %swap3A_450] {strides = array<i32>} : memref<36x128xi32, #tpu.memory_space<vmem>>, vector<1x16xi32>,
    %swap3A_452 = vector.shape_cast %swap3A_451 : vector<1x16xi32> to vector<16xi32>
    %swap3A_453 = vector.shape_cast %add3A_447 : vector<16xi32> to vector<1x16xi32>
    tpu.vector_store %arg12[%swap3A_449, %swap3A_450], %swap3A_453 {strides = array<i32>} : memref<36x128xi32, #tpu.memory_space<vmem>>, vector<1x16xi32>,
    %add3A_454 = arith.constant 128 : i32
    %add3A_455 = arith.addi %mul3A_2, %add3A_454 : i32
    %add3A_456 = vector.broadcast %add3A_455 : i32 to vector<16xi32>
    %add3A_457 = arith.addi %select_n3A_373, %add3A_456 : vector<16xi32>
    %swap3A_458 = arith.constant 8 : i32
    %swap3A_459 = arith.index_cast %swap3A_458 : i32 to index
    %swap3A_460 = arith.constant 16 : index
    %swap3A_461 = tpu.vector_load %arg12[%swap3A_459, %swap3A_460] {strides = array<i32>} : memref<36x128xi32, #tpu.memory_space<vmem>>, vector<1x16xi32>,
    %swap3A_462 = vector.shape_cast %swap3A_461 : vector<1x16xi32> to vector<16xi32>
    %swap3A_463 = vector.shape_cast %add3A_457 : vector<16xi32> to vector<1x16xi32>
    tpu.vector_store %arg12[%swap3A_459, %swap3A_460], %swap3A_463 {strides = array<i32>} : memref<36x128xi32, #tpu.memory_space<vmem>>, vector<1x16xi32>,
    %add3A_464 = arith.constant 144 : i32
    %add3A_465 = arith.addi %mul3A_2, %add3A_464 : i32
    %add3A_466 = vector.broadcast %add3A_465 : i32 to vector<16xi32>
    %add3A_467 = arith.addi %select_n3A_373, %add3A_466 : vector<16xi32>
    %swap3A_468 = arith.constant 9 : i32
    %swap3A_469 = arith.index_cast %swap3A_468 : i32 to index
    %swap3A_470 = arith.constant 16 : index
    %swap3A_471 = tpu.vector_load %arg12[%swap3A_469, %swap3A_470] {strides = array<i32>} : memref<36x128xi32, #tpu.memory_space<vmem>>, vector<1x16xi32>,
    %swap3A_472 = vector.shape_cast %swap3A_471 : vector<1x16xi32> to vector<16xi32>
    %swap3A_473 = vector.shape_cast %add3A_467 : vector<16xi32> to vector<1x16xi32>
    tpu.vector_store %arg12[%swap3A_469, %swap3A_470], %swap3A_473 {strides = array<i32>} : memref<36x128xi32, #tpu.memory_space<vmem>>, vector<1x16xi32>,
    %add3A_474 = arith.constant 160 : i32
    %add3A_475 = arith.addi %mul3A_2, %add3A_474 : i32
    %add3A_476 = vector.broadcast %add3A_475 : i32 to vector<16xi32>
    %add3A_477 = arith.addi %select_n3A_373, %add3A_476 : vector<16xi32>
    %swap3A_478 = arith.constant 10 : i32
    %swap3A_479 = arith.index_cast %swap3A_478 : i32 to index
    %swap3A_480 = arith.constant 16 : index
    %swap3A_481 = tpu.vector_load %arg12[%swap3A_479, %swap3A_480] {strides = array<i32>} : memref<36x128xi32, #tpu.memory_space<vmem>>, vector<1x16xi32>,
    %swap3A_482 = vector.shape_cast %swap3A_481 : vector<1x16xi32> to vector<16xi32>
    %swap3A_483 = vector.shape_cast %add3A_477 : vector<16xi32> to vector<1x16xi32>
    tpu.vector_store %arg12[%swap3A_479, %swap3A_480], %swap3A_483 {strides = array<i32>} : memref<36x128xi32, #tpu.memory_space<vmem>>, vector<1x16xi32>,
    %add3A_484 = arith.constant 176 : i32
    %add3A_485 = arith.addi %mul3A_2, %add3A_484 : i32
    %add3A_486 = vector.broadcast %add3A_485 : i32 to vector<16xi32>
    %add3A_487 = arith.addi %select_n3A_373, %add3A_486 : vector<16xi32>
    %swap3A_488 = arith.constant 11 : i32
    %swap3A_489 = arith.index_cast %swap3A_488 : i32 to index
    %swap3A_490 = arith.constant 16 : index
    %swap3A_491 = tpu.vector_load %arg12[%swap3A_489, %swap3A_490] {strides = array<i32>} : memref<36x128xi32, #tpu.memory_space<vmem>>, vector<1x16xi32>,
    %swap3A_492 = vector.shape_cast %swap3A_491 : vector<1x16xi32> to vector<16xi32>
    %swap3A_493 = vector.shape_cast %add3A_487 : vector<16xi32> to vector<1x16xi32>
    tpu.vector_store %arg12[%swap3A_489, %swap3A_490], %swap3A_493 {strides = array<i32>} : memref<36x128xi32, #tpu.memory_space<vmem>>, vector<1x16xi32>,
    %add3A_494 = arith.constant 192 : i32
    %add3A_495 = arith.addi %mul3A_2, %add3A_494 : i32
    %add3A_496 = vector.broadcast %add3A_495 : i32 to vector<16xi32>
    %add3A_497 = arith.addi %select_n3A_373, %add3A_496 : vector<16xi32>
    %swap3A_498 = arith.constant 12 : i32
    %swap3A_499 = arith.index_cast %swap3A_498 : i32 to index
    %swap3A_500 = arith.constant 16 : index
    %swap3A_501 = tpu.vector_load %arg12[%swap3A_499, %swap3A_500] {strides = array<i32>} : memref<36x128xi32, #tpu.memory_space<vmem>>, vector<1x16xi32>,
    %swap3A_502 = vector.shape_cast %swap3A_501 : vector<1x16xi32> to vector<16xi32>
    %swap3A_503 = vector.shape_cast %add3A_497 : vector<16xi32> to vector<1x16xi32>
    tpu.vector_store %arg12[%swap3A_499, %swap3A_500], %swap3A_503 {strides = array<i32>} : memref<36x128xi32, #tpu.memory_space<vmem>>, vector<1x16xi32>,
    %add3A_504 = arith.constant 208 : i32
    %add3A_505 = arith.addi %mul3A_2, %add3A_504 : i32
    %add3A_506 = vector.broadcast %add3A_505 : i32 to vector<16xi32>
    %add3A_507 = arith.addi %select_n3A_373, %add3A_506 : vector<16xi32>
    %swap3A_508 = arith.constant 13 : i32
    %swap3A_509 = arith.index_cast %swap3A_508 : i32 to index
    %swap3A_510 = arith.constant 16 : index
    %swap3A_511 = tpu.vector_load %arg12[%swap3A_509, %swap3A_510] {strides = array<i32>} : memref<36x128xi32, #tpu.memory_space<vmem>>, vector<1x16xi32>,
    %swap3A_512 = vector.shape_cast %swap3A_511 : vector<1x16xi32> to vector<16xi32>
    %swap3A_513 = vector.shape_cast %add3A_507 : vector<16xi32> to vector<1x16xi32>
    tpu.vector_store %arg12[%swap3A_509, %swap3A_510], %swap3A_513 {strides = array<i32>} : memref<36x128xi32, #tpu.memory_space<vmem>>, vector<1x16xi32>,
    %add3A_514 = arith.constant 224 : i32
    %add3A_515 = arith.addi %mul3A_2, %add3A_514 : i32
    %add3A_516 = vector.broadcast %add3A_515 : i32 to vector<16xi32>
    %add3A_517 = arith.addi %select_n3A_373, %add3A_516 : vector<16xi32>
    %swap3A_518 = arith.constant 14 : i32
    %swap3A_519 = arith.index_cast %swap3A_518 : i32 to index
    %swap3A_520 = arith.constant 16 : index
    %swap3A_521 = tpu.vector_load %arg12[%swap3A_519, %swap3A_520] {strides = array<i32>} : memref<36x128xi32, #tpu.memory_space<vmem>>, vector<1x16xi32>,
    %swap3A_522 = vector.shape_cast %swap3A_521 : vector<1x16xi32> to vector<16xi32>
    %swap3A_523 = vector.shape_cast %add3A_517 : vector<16xi32> to vector<1x16xi32>
    tpu.vector_store %arg12[%swap3A_519, %swap3A_520], %swap3A_523 {strides = array<i32>} : memref<36x128xi32, #tpu.memory_space<vmem>>, vector<1x16xi32>,
    %add3A_524 = arith.constant 240 : i32
    %add3A_525 = arith.addi %mul3A_2, %add3A_524 : i32
    %add3A_526 = vector.broadcast %add3A_525 : i32 to vector<16xi32>
    %add3A_527 = arith.addi %select_n3A_373, %add3A_526 : vector<16xi32>
    %swap3A_528 = arith.constant 15 : i32
    %swap3A_529 = arith.index_cast %swap3A_528 : i32 to index
    %swap3A_530 = arith.constant 16 : index
    %swap3A_531 = tpu.vector_load %arg12[%swap3A_529, %swap3A_530] {strides = array<i32>} : memref<36x128xi32, #tpu.memory_space<vmem>>, vector<1x16xi32>,
    %swap3A_532 = vector.shape_cast %swap3A_531 : vector<1x16xi32> to vector<16xi32>
    %swap3A_533 = vector.shape_cast %add3A_527 : vector<16xi32> to vector<1x16xi32>
    tpu.vector_store %arg12[%swap3A_529, %swap3A_530], %swap3A_533 {strides = array<i32>} : memref<36x128xi32, #tpu.memory_space<vmem>>, vector<1x16xi32>,
    %add3A_534 = arith.constant 256 : i32
    %add3A_535 = arith.addi %mul3A_2, %add3A_534 : i32
    %add3A_536 = vector.broadcast %add3A_535 : i32 to vector<16xi32>
    %add3A_537 = arith.addi %select_n3A_373, %add3A_536 : vector<16xi32>
    %swap3A_538 = arith.constant 16 : i32
    %swap3A_539 = arith.index_cast %swap3A_538 : i32 to index
    %swap3A_540 = arith.constant 16 : index
    %swap3A_541 = tpu.vector_load %arg12[%swap3A_539, %swap3A_540] {strides = array<i32>} : memref<36x128xi32, #tpu.memory_space<vmem>>, vector<1x16xi32>,
    %swap3A_542 = vector.shape_cast %swap3A_541 : vector<1x16xi32> to vector<16xi32>
    %swap3A_543 = vector.shape_cast %add3A_537 : vector<16xi32> to vector<1x16xi32>
    tpu.vector_store %arg12[%swap3A_539, %swap3A_540], %swap3A_543 {strides = array<i32>} : memref<36x128xi32, #tpu.memory_space<vmem>>, vector<1x16xi32>,
    %add3A_544 = arith.constant 272 : i32
    %add3A_545 = arith.addi %mul3A_2, %add3A_544 : i32
    %add3A_546 = vector.broadcast %add3A_545 : i32 to vector<16xi32>
    %add3A_547 = arith.addi %select_n3A_373, %add3A_546 : vector<16xi32>
    %swap3A_548 = arith.constant 17 : i32
    %swap3A_549 = arith.index_cast %swap3A_548 : i32 to index
    %swap3A_550 = arith.constant 16 : index
    %swap3A_551 = tpu.vector_load %arg12[%swap3A_549, %swap3A_550] {strides = array<i32>} : memref<36x128xi32, #tpu.memory_space<vmem>>, vector<1x16xi32>,
    %swap3A_552 = vector.shape_cast %swap3A_551 : vector<1x16xi32> to vector<16xi32>
    %swap3A_553 = vector.shape_cast %add3A_547 : vector<16xi32> to vector<1x16xi32>
    tpu.vector_store %arg12[%swap3A_549, %swap3A_550], %swap3A_553 {strides = array<i32>} : memref<36x128xi32, #tpu.memory_space<vmem>>, vector<1x16xi32>,
    %add3A_554 = arith.constant 288 : i32
    %add3A_555 = arith.addi %mul3A_2, %add3A_554 : i32
    %add3A_556 = vector.broadcast %add3A_555 : i32 to vector<16xi32>
    %add3A_557 = arith.addi %select_n3A_373, %add3A_556 : vector<16xi32>
    %swap3A_558 = arith.constant 18 : i32
    %swap3A_559 = arith.index_cast %swap3A_558 : i32 to index
    %swap3A_560 = arith.constant 16 : index
    %swap3A_561 = tpu.vector_load %arg12[%swap3A_559, %swap3A_560] {strides = array<i32>} : memref<36x128xi32, #tpu.memory_space<vmem>>, vector<1x16xi32>,
    %swap3A_562 = vector.shape_cast %swap3A_561 : vector<1x16xi32> to vector<16xi32>
    %swap3A_563 = vector.shape_cast %add3A_557 : vector<16xi32> to vector<1x16xi32>
    tpu.vector_store %arg12[%swap3A_559, %swap3A_560], %swap3A_563 {strides = array<i32>} : memref<36x128xi32, #tpu.memory_space<vmem>>, vector<1x16xi32>,
    %add3A_564 = arith.constant 304 : i32
    %add3A_565 = arith.addi %mul3A_2, %add3A_564 : i32
    %add3A_566 = vector.broadcast %add3A_565 : i32 to vector<16xi32>
    %add3A_567 = arith.addi %select_n3A_373, %add3A_566 : vector<16xi32>
    %swap3A_568 = arith.constant 19 : i32
    %swap3A_569 = arith.index_cast %swap3A_568 : i32 to index
    %swap3A_570 = arith.constant 16 : index
    %swap3A_571 = tpu.vector_load %arg12[%swap3A_569, %swap3A_570] {strides = array<i32>} : memref<36x128xi32, #tpu.memory_space<vmem>>, vector<1x16xi32>,
    %swap3A_572 = vector.shape_cast %swap3A_571 : vector<1x16xi32> to vector<16xi32>
    %swap3A_573 = vector.shape_cast %add3A_567 : vector<16xi32> to vector<1x16xi32>
    tpu.vector_store %arg12[%swap3A_569, %swap3A_570], %swap3A_573 {strides = array<i32>} : memref<36x128xi32, #tpu.memory_space<vmem>>, vector<1x16xi32>,
    %add3A_574 = arith.constant 320 : i32
    %add3A_575 = arith.addi %mul3A_2, %add3A_574 : i32
    %add3A_576 = vector.broadcast %add3A_575 : i32 to vector<16xi32>
    %add3A_577 = arith.addi %select_n3A_373, %add3A_576 : vector<16xi32>
    %swap3A_578 = arith.constant 20 : i32
    %swap3A_579 = arith.index_cast %swap3A_578 : i32 to index
    %swap3A_580 = arith.constant 16 : index
    %swap3A_581 = tpu.vector_load %arg12[%swap3A_579, %swap3A_580] {strides = array<i32>} : memref<36x128xi32, #tpu.memory_space<vmem>>, vector<1x16xi32>,
    %swap3A_582 = vector.shape_cast %swap3A_581 : vector<1x16xi32> to vector<16xi32>
    %swap3A_583 = vector.shape_cast %add3A_577 : vector<16xi32> to vector<1x16xi32>
    tpu.vector_store %arg12[%swap3A_579, %swap3A_580], %swap3A_583 {strides = array<i32>} : memref<36x128xi32, #tpu.memory_space<vmem>>, vector<1x16xi32>,
    %add3A_584 = arith.constant 336 : i32
    %add3A_585 = arith.addi %mul3A_2, %add3A_584 : i32
    %add3A_586 = vector.broadcast %add3A_585 : i32 to vector<16xi32>
    %add3A_587 = arith.addi %select_n3A_373, %add3A_586 : vector<16xi32>
    %swap3A_588 = arith.constant 21 : i32
    %swap3A_589 = arith.index_cast %swap3A_588 : i32 to index
    %swap3A_590 = arith.constant 16 : index
    %swap3A_591 = tpu.vector_load %arg12[%swap3A_589, %swap3A_590] {strides = array<i32>} : memref<36x128xi32, #tpu.memory_space<vmem>>, vector<1x16xi32>,
    %swap3A_592 = vector.shape_cast %swap3A_591 : vector<1x16xi32> to vector<16xi32>
    %swap3A_593 = vector.shape_cast %add3A_587 : vector<16xi32> to vector<1x16xi32>
    tpu.vector_store %arg12[%swap3A_589, %swap3A_590], %swap3A_593 {strides = array<i32>} : memref<36x128xi32, #tpu.memory_space<vmem>>, vector<1x16xi32>,
    %add3A_594 = arith.constant 352 : i32
    %add3A_595 = arith.addi %mul3A_2, %add3A_594 : i32
    %add3A_596 = vector.broadcast %add3A_595 : i32 to vector<16xi32>
    %add3A_597 = arith.addi %select_n3A_373, %add3A_596 : vector<16xi32>
    %swap3A_598 = arith.constant 22 : i32
    %swap3A_599 = arith.index_cast %swap3A_598 : i32 to index
    %swap3A_600 = arith.constant 16 : index
    %swap3A_601 = tpu.vector_load %arg12[%swap3A_599, %swap3A_600] {strides = array<i32>} : memref<36x128xi32, #tpu.memory_space<vmem>>, vector<1x16xi32>,
    %swap3A_602 = vector.shape_cast %swap3A_601 : vector<1x16xi32> to vector<16xi32>
    %swap3A_603 = vector.shape_cast %add3A_597 : vector<16xi32> to vector<1x16xi32>
    tpu.vector_store %arg12[%swap3A_599, %swap3A_600], %swap3A_603 {strides = array<i32>} : memref<36x128xi32, #tpu.memory_space<vmem>>, vector<1x16xi32>,
    %add3A_604 = arith.constant 368 : i32
    %add3A_605 = arith.addi %mul3A_2, %add3A_604 : i32
    %add3A_606 = vector.broadcast %add3A_605 : i32 to vector<16xi32>
    %add3A_607 = arith.addi %select_n3A_373, %add3A_606 : vector<16xi32>
    %swap3A_608 = arith.constant 23 : i32
    %swap3A_609 = arith.index_cast %swap3A_608 : i32 to index
    %swap3A_610 = arith.constant 16 : index
    %swap3A_611 = tpu.vector_load %arg12[%swap3A_609, %swap3A_610] {strides = array<i32>} : memref<36x128xi32, #tpu.memory_space<vmem>>, vector<1x16xi32>,
    %swap3A_612 = vector.shape_cast %swap3A_611 : vector<1x16xi32> to vector<16xi32>
    %swap3A_613 = vector.shape_cast %add3A_607 : vector<16xi32> to vector<1x16xi32>
    tpu.vector_store %arg12[%swap3A_609, %swap3A_610], %swap3A_613 {strides = array<i32>} : memref<36x128xi32, #tpu.memory_space<vmem>>, vector<1x16xi32>,
    %add3A_614 = arith.constant 384 : i32
    %add3A_615 = arith.addi %mul3A_2, %add3A_614 : i32
    %add3A_616 = vector.broadcast %add3A_615 : i32 to vector<16xi32>
    %add3A_617 = arith.addi %select_n3A_373, %add3A_616 : vector<16xi32>
    %swap3A_618 = arith.constant 24 : i32
    %swap3A_619 = arith.index_cast %swap3A_618 : i32 to index
    %swap3A_620 = arith.constant 16 : index
    %swap3A_621 = tpu.vector_load %arg12[%swap3A_619, %swap3A_620] {strides = array<i32>} : memref<36x128xi32, #tpu.memory_space<vmem>>, vector<1x16xi32>,
    %swap3A_622 = vector.shape_cast %swap3A_621 : vector<1x16xi32> to vector<16xi32>
    %swap3A_623 = vector.shape_cast %add3A_617 : vector<16xi32> to vector<1x16xi32>
    tpu.vector_store %arg12[%swap3A_619, %swap3A_620], %swap3A_623 {strides = array<i32>} : memref<36x128xi32, #tpu.memory_space<vmem>>, vector<1x16xi32>,
    %add3A_624 = arith.constant 400 : i32
    %add3A_625 = arith.addi %mul3A_2, %add3A_624 : i32
    %add3A_626 = vector.broadcast %add3A_625 : i32 to vector<16xi32>
    %add3A_627 = arith.addi %select_n3A_373, %add3A_626 : vector<16xi32>
    %swap3A_628 = arith.constant 25 : i32
    %swap3A_629 = arith.index_cast %swap3A_628 : i32 to index
    %swap3A_630 = arith.constant 16 : index
    %swap3A_631 = tpu.vector_load %arg12[%swap3A_629, %swap3A_630] {strides = array<i32>} : memref<36x128xi32, #tpu.memory_space<vmem>>, vector<1x16xi32>,
    %swap3A_632 = vector.shape_cast %swap3A_631 : vector<1x16xi32> to vector<16xi32>
    %swap3A_633 = vector.shape_cast %add3A_627 : vector<16xi32> to vector<1x16xi32>
    tpu.vector_store %arg12[%swap3A_629, %swap3A_630], %swap3A_633 {strides = array<i32>} : memref<36x128xi32, #tpu.memory_space<vmem>>, vector<1x16xi32>,
    %add3A_634 = arith.constant 416 : i32
    %add3A_635 = arith.addi %mul3A_2, %add3A_634 : i32
    %add3A_636 = vector.broadcast %add3A_635 : i32 to vector<16xi32>
    %add3A_637 = arith.addi %select_n3A_373, %add3A_636 : vector<16xi32>
    %swap3A_638 = arith.constant 26 : i32
    %swap3A_639 = arith.index_cast %swap3A_638 : i32 to index
    %swap3A_640 = arith.constant 16 : index
    %swap3A_641 = tpu.vector_load %arg12[%swap3A_639, %swap3A_640] {strides = array<i32>} : memref<36x128xi32, #tpu.memory_space<vmem>>, vector<1x16xi32>,
    %swap3A_642 = vector.shape_cast %swap3A_641 : vector<1x16xi32> to vector<16xi32>
    %swap3A_643 = vector.shape_cast %add3A_637 : vector<16xi32> to vector<1x16xi32>
    tpu.vector_store %arg12[%swap3A_639, %swap3A_640], %swap3A_643 {strides = array<i32>} : memref<36x128xi32, #tpu.memory_space<vmem>>, vector<1x16xi32>,
    %add3A_644 = arith.constant 432 : i32
    %add3A_645 = arith.addi %mul3A_2, %add3A_644 : i32
    %add3A_646 = vector.broadcast %add3A_645 : i32 to vector<16xi32>
    %add3A_647 = arith.addi %select_n3A_373, %add3A_646 : vector<16xi32>
    %swap3A_648 = arith.constant 27 : i32
    %swap3A_649 = arith.index_cast %swap3A_648 : i32 to index
    %swap3A_650 = arith.constant 16 : index
    %swap3A_651 = tpu.vector_load %arg12[%swap3A_649, %swap3A_650] {strides = array<i32>} : memref<36x128xi32, #tpu.memory_space<vmem>>, vector<1x16xi32>,
    %swap3A_652 = vector.shape_cast %swap3A_651 : vector<1x16xi32> to vector<16xi32>
    %swap3A_653 = vector.shape_cast %add3A_647 : vector<16xi32> to vector<1x16xi32>
    tpu.vector_store %arg12[%swap3A_649, %swap3A_650], %swap3A_653 {strides = array<i32>} : memref<36x128xi32, #tpu.memory_space<vmem>>, vector<1x16xi32>,
    %add3A_654 = arith.constant 448 : i32
    %add3A_655 = arith.addi %mul3A_2, %add3A_654 : i32
    %add3A_656 = vector.broadcast %add3A_655 : i32 to vector<16xi32>
    %add3A_657 = arith.addi %select_n3A_373, %add3A_656 : vector<16xi32>
    %swap3A_658 = arith.constant 28 : i32
    %swap3A_659 = arith.index_cast %swap3A_658 : i32 to index
    %swap3A_660 = arith.constant 16 : index
    %swap3A_661 = tpu.vector_load %arg12[%swap3A_659, %swap3A_660] {strides = array<i32>} : memref<36x128xi32, #tpu.memory_space<vmem>>, vector<1x16xi32>,
    %swap3A_662 = vector.shape_cast %swap3A_661 : vector<1x16xi32> to vector<16xi32>
    %swap3A_663 = vector.shape_cast %add3A_657 : vector<16xi32> to vector<1x16xi32>
    tpu.vector_store %arg12[%swap3A_659, %swap3A_660], %swap3A_663 {strides = array<i32>} : memref<36x128xi32, #tpu.memory_space<vmem>>, vector<1x16xi32>,
    %add3A_664 = arith.constant 464 : i32
    %add3A_665 = arith.addi %mul3A_2, %add3A_664 : i32
    %add3A_666 = vector.broadcast %add3A_665 : i32 to vector<16xi32>
    %add3A_667 = arith.addi %select_n3A_373, %add3A_666 : vector<16xi32>
    %swap3A_668 = arith.constant 29 : i32
    %swap3A_669 = arith.index_cast %swap3A_668 : i32 to index
    %swap3A_670 = arith.constant 16 : index
    %swap3A_671 = tpu.vector_load %arg12[%swap3A_669, %swap3A_670] {strides = array<i32>} : memref<36x128xi32, #tpu.memory_space<vmem>>, vector<1x16xi32>,
    %swap3A_672 = vector.shape_cast %swap3A_671 : vector<1x16xi32> to vector<16xi32>
    %swap3A_673 = vector.shape_cast %add3A_667 : vector<16xi32> to vector<1x16xi32>
    tpu.vector_store %arg12[%swap3A_669, %swap3A_670], %swap3A_673 {strides = array<i32>} : memref<36x128xi32, #tpu.memory_space<vmem>>, vector<1x16xi32>,
    %add3A_674 = arith.constant 480 : i32
    %add3A_675 = arith.addi %mul3A_2, %add3A_674 : i32
    %add3A_676 = vector.broadcast %add3A_675 : i32 to vector<16xi32>
    %add3A_677 = arith.addi %select_n3A_373, %add3A_676 : vector<16xi32>
    %swap3A_678 = arith.constant 30 : i32
    %swap3A_679 = arith.index_cast %swap3A_678 : i32 to index
    %swap3A_680 = arith.constant 16 : index
    %swap3A_681 = tpu.vector_load %arg12[%swap3A_679, %swap3A_680] {strides = array<i32>} : memref<36x128xi32, #tpu.memory_space<vmem>>, vector<1x16xi32>,
    %swap3A_682 = vector.shape_cast %swap3A_681 : vector<1x16xi32> to vector<16xi32>
    %swap3A_683 = vector.shape_cast %add3A_677 : vector<16xi32> to vector<1x16xi32>
    tpu.vector_store %arg12[%swap3A_679, %swap3A_680], %swap3A_683 {strides = array<i32>} : memref<36x128xi32, #tpu.memory_space<vmem>>, vector<1x16xi32>,
    %add3A_684 = arith.constant 496 : i32
    %add3A_685 = arith.addi %mul3A_2, %add3A_684 : i32
    %add3A_686 = vector.broadcast %add3A_685 : i32 to vector<16xi32>
    %add3A_687 = arith.addi %select_n3A_373, %add3A_686 : vector<16xi32>
    %swap3A_688 = arith.constant 31 : i32
    %swap3A_689 = arith.index_cast %swap3A_688 : i32 to index
    %swap3A_690 = arith.constant 16 : index
    %swap3A_691 = tpu.vector_load %arg12[%swap3A_689, %swap3A_690] {strides = array<i32>} : memref<36x128xi32, #tpu.memory_space<vmem>>, vector<1x16xi32>,
    %swap3A_692 = vector.shape_cast %swap3A_691 : vector<1x16xi32> to vector<16xi32>
    %swap3A_693 = vector.shape_cast %add3A_687 : vector<16xi32> to vector<1x16xi32>
    tpu.vector_store %arg12[%swap3A_689, %swap3A_690], %swap3A_693 {strides = array<i32>} : memref<36x128xi32, #tpu.memory_space<vmem>>, vector<1x16xi32>,
    %add3A_694 = arith.constant 512 : i32
    %add3A_695 = arith.addi %mul3A_2, %add3A_694 : i32
    %add3A_696 = vector.broadcast %add3A_695 : i32 to vector<16xi32>
    %add3A_697 = arith.addi %select_n3A_373, %add3A_696 : vector<16xi32>
    %swap3A_698 = arith.constant 32 : i32
    %swap3A_699 = arith.index_cast %swap3A_698 : i32 to index
    %swap3A_700 = arith.constant 16 : index
    %swap3A_701 = tpu.vector_load %arg12[%swap3A_699, %swap3A_700] {strides = array<i32>} : memref<36x128xi32, #tpu.memory_space<vmem>>, vector<1x16xi32>,
    %swap3A_702 = vector.shape_cast %swap3A_701 : vector<1x16xi32> to vector<16xi32>
    %swap3A_703 = vector.shape_cast %add3A_697 : vector<16xi32> to vector<1x16xi32>
    tpu.vector_store %arg12[%swap3A_699, %swap3A_700], %swap3A_703 {strides = array<i32>} : memref<36x128xi32, #tpu.memory_space<vmem>>, vector<1x16xi32>,
    %add3A_704 = arith.constant 528 : i32
    %add3A_705 = arith.addi %mul3A_2, %add3A_704 : i32
    %add3A_706 = vector.broadcast %add3A_705 : i32 to vector<16xi32>
    %add3A_707 = arith.addi %select_n3A_373, %add3A_706 : vector<16xi32>
    %swap3A_708 = arith.constant 33 : i32
    %swap3A_709 = arith.index_cast %swap3A_708 : i32 to index
    %swap3A_710 = arith.constant 16 : index
    %swap3A_711 = tpu.vector_load %arg12[%swap3A_709, %swap3A_710] {strides = array<i32>} : memref<36x128xi32, #tpu.memory_space<vmem>>, vector<1x16xi32>,
    %swap3A_712 = vector.shape_cast %swap3A_711 : vector<1x16xi32> to vector<16xi32>
    %swap3A_713 = vector.shape_cast %add3A_707 : vector<16xi32> to vector<1x16xi32>
    tpu.vector_store %arg12[%swap3A_709, %swap3A_710], %swap3A_713 {strides = array<i32>} : memref<36x128xi32, #tpu.memory_space<vmem>>, vector<1x16xi32>,
    %add3A_714 = arith.constant 544 : i32
    %add3A_715 = arith.addi %mul3A_2, %add3A_714 : i32
    %add3A_716 = vector.broadcast %add3A_715 : i32 to vector<16xi32>
    %add3A_717 = arith.addi %select_n3A_373, %add3A_716 : vector<16xi32>
    %swap3A_718 = arith.constant 34 : i32
    %swap3A_719 = arith.index_cast %swap3A_718 : i32 to index
    %swap3A_720 = arith.constant 16 : index
    %swap3A_721 = tpu.vector_load %arg12[%swap3A_719, %swap3A_720] {strides = array<i32>} : memref<36x128xi32, #tpu.memory_space<vmem>>, vector<1x16xi32>,
    %swap3A_722 = vector.shape_cast %swap3A_721 : vector<1x16xi32> to vector<16xi32>
    %swap3A_723 = vector.shape_cast %add3A_717 : vector<16xi32> to vector<1x16xi32>
    tpu.vector_store %arg12[%swap3A_719, %swap3A_720], %swap3A_723 {strides = array<i32>} : memref<36x128xi32, #tpu.memory_space<vmem>>, vector<1x16xi32>,
    %add3A_724 = arith.constant 560 : i32
    %add3A_725 = arith.addi %mul3A_2, %add3A_724 : i32
    %add3A_726 = vector.broadcast %add3A_725 : i32 to vector<16xi32>
    %add3A_727 = arith.addi %select_n3A_373, %add3A_726 : vector<16xi32>
    %swap3A_728 = arith.constant 35 : i32
    %swap3A_729 = arith.index_cast %swap3A_728 : i32 to index
    %swap3A_730 = arith.constant 16 : index
    %swap3A_731 = tpu.vector_load %arg12[%swap3A_729, %swap3A_730] {strides = array<i32>} : memref<36x128xi32, #tpu.memory_space<vmem>>, vector<1x16xi32>,
    %swap3A_732 = vector.shape_cast %swap3A_731 : vector<1x16xi32> to vector<16xi32>
    %swap3A_733 = vector.shape_cast %add3A_727 : vector<16xi32> to vector<1x16xi32>
    tpu.vector_store %arg12[%swap3A_729, %swap3A_730], %swap3A_733 {strides = array<i32>} : memref<36x128xi32, #tpu.memory_space<vmem>>, vector<1x16xi32>,
    %lt3A_734 = arith.constant 8 : i32
    %lt3A_735 = vector.broadcast %lt3A_734 : i32 to vector<16xi32>
    %lt3A_736 = arith.cmpi slt, %iota3A, %lt3A_735 : vector<16xi32>
    %jit3A_737 = arith.constant 4 : i32
    %jit3A_738 = arith.constant 5 : i32
    %broadcast_in_dim3A_739 = vector.broadcast %jit3A_737 : i32 to vector<16xi32>
    %broadcast_in_dim3A_740 = vector.broadcast %jit3A_738 : i32 to vector<16xi32>
    %select_n3A_741 = arith.select %lt3A_736, %broadcast_in_dim3A_739, %broadcast_in_dim3A_740 : vector<16xi1>, vector<16xi32>
    %add3A_742 = arith.constant 0 : i32
    %add3A_743 = arith.addi %mul3A_2, %add3A_742 : i32
    %add3A_744 = vector.broadcast %add3A_743 : i32 to vector<16xi32>
    %add3A_745 = arith.addi %select_n3A_741, %add3A_744 : vector<16xi32>
    %swap3A_746 = arith.constant 0 : i32
    %swap3A_747 = arith.index_cast %swap3A_746 : i32 to index
    %swap3A_748 = arith.constant 32 : index
    %swap3A_749 = tpu.vector_load %arg12[%swap3A_747, %swap3A_748] {strides = array<i32>} : memref<36x128xi32, #tpu.memory_space<vmem>>, vector<1x16xi32>,
    %swap3A_750 = vector.shape_cast %swap3A_749 : vector<1x16xi32> to vector<16xi32>
    %swap3A_751 = vector.shape_cast %add3A_745 : vector<16xi32> to vector<1x16xi32>
    tpu.vector_store %arg12[%swap3A_747, %swap3A_748], %swap3A_751 {strides = array<i32>} : memref<36x128xi32, #tpu.memory_space<vmem>>, vector<1x16xi32>,
    %add3A_752 = arith.constant 16 : i32
    %add3A_753 = arith.addi %mul3A_2, %add3A_752 : i32
    %add3A_754 = vector.broadcast %add3A_753 : i32 to vector<16xi32>
    %add3A_755 = arith.addi %select_n3A_741, %add3A_754 : vector<16xi32>
    %swap3A_756 = arith.constant 1 : i32
    %swap3A_757 = arith.index_cast %swap3A_756 : i32 to index
    %swap3A_758 = arith.constant 32 : index
    %swap3A_759 = tpu.vector_load %arg12[%swap3A_757, %swap3A_758] {strides = array<i32>} : memref<36x128xi32, #tpu.memory_space<vmem>>, vector<1x16xi32>,
    %swap3A_760 = vector.shape_cast %swap3A_759 : vector<1x16xi32> to vector<16xi32>
    %swap3A_761 = vector.shape_cast %add3A_755 : vector<16xi32> to vector<1x16xi32>
    tpu.vector_store %arg12[%swap3A_757, %swap3A_758], %swap3A_761 {strides = array<i32>} : memref<36x128xi32, #tpu.memory_space<vmem>>, vector<1x16xi32>,
    %add3A_762 = arith.constant 32 : i32
    %add3A_763 = arith.addi %mul3A_2, %add3A_762 : i32
    %add3A_764 = vector.broadcast %add3A_763 : i32 to vector<16xi32>
    %add3A_765 = arith.addi %select_n3A_741, %add3A_764 : vector<16xi32>
    %swap3A_766 = arith.constant 2 : i32
    %swap3A_767 = arith.index_cast %swap3A_766 : i32 to index
    %swap3A_768 = arith.constant 32 : index
    %swap3A_769 = tpu.vector_load %arg12[%swap3A_767, %swap3A_768] {strides = array<i32>} : memref<36x128xi32, #tpu.memory_space<vmem>>, vector<1x16xi32>,
    %swap3A_770 = vector.shape_cast %swap3A_769 : vector<1x16xi32> to vector<16xi32>
    %swap3A_771 = vector.shape_cast %add3A_765 : vector<16xi32> to vector<1x16xi32>
    tpu.vector_store %arg12[%swap3A_767, %swap3A_768], %swap3A_771 {strides = array<i32>} : memref<36x128xi32, #tpu.memory_space<vmem>>, vector<1x16xi32>,
    %add3A_772 = arith.constant 48 : i32
    %add3A_773 = arith.addi %mul3A_2, %add3A_772 : i32
    %add3A_774 = vector.broadcast %add3A_773 : i32 to vector<16xi32>
    %add3A_775 = arith.addi %select_n3A_741, %add3A_774 : vector<16xi32>
    %swap3A_776 = arith.constant 3 : i32
    %swap3A_777 = arith.index_cast %swap3A_776 : i32 to index
    %swap3A_778 = arith.constant 32 : index
    %swap3A_779 = tpu.vector_load %arg12[%swap3A_777, %swap3A_778] {strides = array<i32>} : memref<36x128xi32, #tpu.memory_space<vmem>>, vector<1x16xi32>,
    %swap3A_780 = vector.shape_cast %swap3A_779 : vector<1x16xi32> to vector<16xi32>
    %swap3A_781 = vector.shape_cast %add3A_775 : vector<16xi32> to vector<1x16xi32>
    tpu.vector_store %arg12[%swap3A_777, %swap3A_778], %swap3A_781 {strides = array<i32>} : memref<36x128xi32, #tpu.memory_space<vmem>>, vector<1x16xi32>,
    %add3A_782 = arith.constant 64 : i32
    %add3A_783 = arith.addi %mul3A_2, %add3A_782 : i32
    %add3A_784 = vector.broadcast %add3A_783 : i32 to vector<16xi32>
    %add3A_785 = arith.addi %select_n3A_741, %add3A_784 : vector<16xi32>
    %swap3A_786 = arith.constant 4 : i32
    %swap3A_787 = arith.index_cast %swap3A_786 : i32 to index
    %swap3A_788 = arith.constant 32 : index
    %swap3A_789 = tpu.vector_load %arg12[%swap3A_787, %swap3A_788] {strides = array<i32>} : memref<36x128xi32, #tpu.memory_space<vmem>>, vector<1x16xi32>,
    %swap3A_790 = vector.shape_cast %swap3A_789 : vector<1x16xi32> to vector<16xi32>
    %swap3A_791 = vector.shape_cast %add3A_785 : vector<16xi32> to vector<1x16xi32>
    tpu.vector_store %arg12[%swap3A_787, %swap3A_788], %swap3A_791 {strides = array<i32>} : memref<36x128xi32, #tpu.memory_space<vmem>>, vector<1x16xi32>,
    %add3A_792 = arith.constant 80 : i32
    %add3A_793 = arith.addi %mul3A_2, %add3A_792 : i32
    %add3A_794 = vector.broadcast %add3A_793 : i32 to vector<16xi32>
    %add3A_795 = arith.addi %select_n3A_741, %add3A_794 : vector<16xi32>
    %swap3A_796 = arith.constant 5 : i32
    %swap3A_797 = arith.index_cast %swap3A_796 : i32 to index
    %swap3A_798 = arith.constant 32 : index
    %swap3A_799 = tpu.vector_load %arg12[%swap3A_797, %swap3A_798] {strides = array<i32>} : memref<36x128xi32, #tpu.memory_space<vmem>>, vector<1x16xi32>,
    %swap3A_800 = vector.shape_cast %swap3A_799 : vector<1x16xi32> to vector<16xi32>
    %swap3A_801 = vector.shape_cast %add3A_795 : vector<16xi32> to vector<1x16xi32>
    tpu.vector_store %arg12[%swap3A_797, %swap3A_798], %swap3A_801 {strides = array<i32>} : memref<36x128xi32, #tpu.memory_space<vmem>>, vector<1x16xi32>,
    %add3A_802 = arith.constant 96 : i32
    %add3A_803 = arith.addi %mul3A_2, %add3A_802 : i32
    %add3A_804 = vector.broadcast %add3A_803 : i32 to vector<16xi32>
    %add3A_805 = arith.addi %select_n3A_741, %add3A_804 : vector<16xi32>
    %swap3A_806 = arith.constant 6 : i32
    %swap3A_807 = arith.index_cast %swap3A_806 : i32 to index
    %swap3A_808 = arith.constant 32 : index
    %swap3A_809 = tpu.vector_load %arg12[%swap3A_807, %swap3A_808] {strides = array<i32>} : memref<36x128xi32, #tpu.memory_space<vmem>>, vector<1x16xi32>,
    %swap3A_810 = vector.shape_cast %swap3A_809 : vector<1x16xi32> to vector<16xi32>
    %swap3A_811 = vector.shape_cast %add3A_805 : vector<16xi32> to vector<1x16xi32>
    tpu.vector_store %arg12[%swap3A_807, %swap3A_808], %swap3A_811 {strides = array<i32>} : memref<36x128xi32, #tpu.memory_space<vmem>>, vector<1x16xi32>,
    %add3A_812 = arith.constant 112 : i32
    %add3A_813 = arith.addi %mul3A_2, %add3A_812 : i32
    %add3A_814 = vector.broadcast %add3A_813 : i32 to vector<16xi32>
    %add3A_815 = arith.addi %select_n3A_741, %add3A_814 : vector<16xi32>
    %swap3A_816 = arith.constant 7 : i32
    %swap3A_817 = arith.index_cast %swap3A_816 : i32 to index
    %swap3A_818 = arith.constant 32 : index
    %swap3A_819 = tpu.vector_load %arg12[%swap3A_817, %swap3A_818] {strides = array<i32>} : memref<36x128xi32, #tpu.memory_space<vmem>>, vector<1x16xi32>,
    %swap3A_820 = vector.shape_cast %swap3A_819 : vector<1x16xi32> to vector<16xi32>
    %swap3A_821 = vector.shape_cast %add3A_815 : vector<16xi32> to vector<1x16xi32>
    tpu.vector_store %arg12[%swap3A_817, %swap3A_818], %swap3A_821 {strides = array<i32>} : memref<36x128xi32, #tpu.memory_space<vmem>>, vector<1x16xi32>,
    %add3A_822 = arith.constant 128 : i32
    %add3A_823 = arith.addi %mul3A_2, %add3A_822 : i32
    %add3A_824 = vector.broadcast %add3A_823 : i32 to vector<16xi32>
    %add3A_825 = arith.addi %select_n3A_741, %add3A_824 : vector<16xi32>
    %swap3A_826 = arith.constant 8 : i32
    %swap3A_827 = arith.index_cast %swap3A_826 : i32 to index
    %swap3A_828 = arith.constant 32 : index
    %swap3A_829 = tpu.vector_load %arg12[%swap3A_827, %swap3A_828] {strides = array<i32>} : memref<36x128xi32, #tpu.memory_space<vmem>>, vector<1x16xi32>,
    %swap3A_830 = vector.shape_cast %swap3A_829 : vector<1x16xi32> to vector<16xi32>
    %swap3A_831 = vector.shape_cast %add3A_825 : vector<16xi32> to vector<1x16xi32>
    tpu.vector_store %arg12[%swap3A_827, %swap3A_828], %swap3A_831 {strides = array<i32>} : memref<36x128xi32, #tpu.memory_space<vmem>>, vector<1x16xi32>,
    %add3A_832 = arith.constant 144 : i32
    %add3A_833 = arith.addi %mul3A_2, %add3A_832 : i32
    %add3A_834 = vector.broadcast %add3A_833 : i32 to vector<16xi32>
    %add3A_835 = arith.addi %select_n3A_741, %add3A_834 : vector<16xi32>
    %swap3A_836 = arith.constant 9 : i32
    %swap3A_837 = arith.index_cast %swap3A_836 : i32 to index
    %swap3A_838 = arith.constant 32 : index
    %swap3A_839 = tpu.vector_load %arg12[%swap3A_837, %swap3A_838] {strides = array<i32>} : memref<36x128xi32, #tpu.memory_space<vmem>>, vector<1x16xi32>,
    %swap3A_840 = vector.shape_cast %swap3A_839 : vector<1x16xi32> to vector<16xi32>
    %swap3A_841 = vector.shape_cast %add3A_835 : vector<16xi32> to vector<1x16xi32>
    tpu.vector_store %arg12[%swap3A_837, %swap3A_838], %swap3A_841 {strides = array<i32>} : memref<36x128xi32, #tpu.memory_space<vmem>>, vector<1x16xi32>,
    %add3A_842 = arith.constant 160 : i32
    %add3A_843 = arith.addi %mul3A_2, %add3A_842 : i32
    %add3A_844 = vector.broadcast %add3A_843 : i32 to vector<16xi32>
    %add3A_845 = arith.addi %select_n3A_741, %add3A_844 : vector<16xi32>
    %swap3A_846 = arith.constant 10 : i32
    %swap3A_847 = arith.index_cast %swap3A_846 : i32 to index
    %swap3A_848 = arith.constant 32 : index
    %swap3A_849 = tpu.vector_load %arg12[%swap3A_847, %swap3A_848] {strides = array<i32>} : memref<36x128xi32, #tpu.memory_space<vmem>>, vector<1x16xi32>,
    %swap3A_850 = vector.shape_cast %swap3A_849 : vector<1x16xi32> to vector<16xi32>
    %swap3A_851 = vector.shape_cast %add3A_845 : vector<16xi32> to vector<1x16xi32>
    tpu.vector_store %arg12[%swap3A_847, %swap3A_848], %swap3A_851 {strides = array<i32>} : memref<36x128xi32, #tpu.memory_space<vmem>>, vector<1x16xi32>,
    %add3A_852 = arith.constant 176 : i32
    %add3A_853 = arith.addi %mul3A_2, %add3A_852 : i32
    %add3A_854 = vector.broadcast %add3A_853 : i32 to vector<16xi32>
    %add3A_855 = arith.addi %select_n3A_741, %add3A_854 : vector<16xi32>
    %swap3A_856 = arith.constant 11 : i32
    %swap3A_857 = arith.index_cast %swap3A_856 : i32 to index
    %swap3A_858 = arith.constant 32 : index
    %swap3A_859 = tpu.vector_load %arg12[%swap3A_857, %swap3A_858] {strides = array<i32>} : memref<36x128xi32, #tpu.memory_space<vmem>>, vector<1x16xi32>,
    %swap3A_860 = vector.shape_cast %swap3A_859 : vector<1x16xi32> to vector<16xi32>
    %swap3A_861 = vector.shape_cast %add3A_855 : vector<16xi32> to vector<1x16xi32>
    tpu.vector_store %arg12[%swap3A_857, %swap3A_858], %swap3A_861 {strides = array<i32>} : memref<36x128xi32, #tpu.memory_space<vmem>>, vector<1x16xi32>,
    %add3A_862 = arith.constant 192 : i32
    %add3A_863 = arith.addi %mul3A_2, %add3A_862 : i32
    %add3A_864 = vector.broadcast %add3A_863 : i32 to vector<16xi32>
    %add3A_865 = arith.addi %select_n3A_741, %add3A_864 : vector<16xi32>
    %swap3A_866 = arith.constant 12 : i32
    %swap3A_867 = arith.index_cast %swap3A_866 : i32 to index
    %swap3A_868 = arith.constant 32 : index
    %swap3A_869 = tpu.vector_load %arg12[%swap3A_867, %swap3A_868] {strides = array<i32>} : memref<36x128xi32, #tpu.memory_space<vmem>>, vector<1x16xi32>,
    %swap3A_870 = vector.shape_cast %swap3A_869 : vector<1x16xi32> to vector<16xi32>
    %swap3A_871 = vector.shape_cast %add3A_865 : vector<16xi32> to vector<1x16xi32>
    tpu.vector_store %arg12[%swap3A_867, %swap3A_868], %swap3A_871 {strides = array<i32>} : memref<36x128xi32, #tpu.memory_space<vmem>>, vector<1x16xi32>,
    %add3A_872 = arith.constant 208 : i32
    %add3A_873 = arith.addi %mul3A_2, %add3A_872 : i32
    %add3A_874 = vector.broadcast %add3A_873 : i32 to vector<16xi32>
    %add3A_875 = arith.addi %select_n3A_741, %add3A_874 : vector<16xi32>
    %swap3A_876 = arith.constant 13 : i32
    %swap3A_877 = arith.index_cast %swap3A_876 : i32 to index
    %swap3A_878 = arith.constant 32 : index
    %swap3A_879 = tpu.vector_load %arg12[%swap3A_877, %swap3A_878] {strides = array<i32>} : memref<36x128xi32, #tpu.memory_space<vmem>>, vector<1x16xi32>,
    %swap3A_880 = vector.shape_cast %swap3A_879 : vector<1x16xi32> to vector<16xi32>
    %swap3A_881 = vector.shape_cast %add3A_875 : vector<16xi32> to vector<1x16xi32>
    tpu.vector_store %arg12[%swap3A_877, %swap3A_878], %swap3A_881 {strides = array<i32>} : memref<36x128xi32, #tpu.memory_space<vmem>>, vector<1x16xi32>,
    %add3A_882 = arith.constant 224 : i32
    %add3A_883 = arith.addi %mul3A_2, %add3A_882 : i32
    %add3A_884 = vector.broadcast %add3A_883 : i32 to vector<16xi32>
    %add3A_885 = arith.addi %select_n3A_741, %add3A_884 : vector<16xi32>
    %swap3A_886 = arith.constant 14 : i32
    %swap3A_887 = arith.index_cast %swap3A_886 : i32 to index
    %swap3A_888 = arith.constant 32 : index
    %swap3A_889 = tpu.vector_load %arg12[%swap3A_887, %swap3A_888] {strides = array<i32>} : memref<36x128xi32, #tpu.memory_space<vmem>>, vector<1x16xi32>,
    %swap3A_890 = vector.shape_cast %swap3A_889 : vector<1x16xi32> to vector<16xi32>
    %swap3A_891 = vector.shape_cast %add3A_885 : vector<16xi32> to vector<1x16xi32>
    tpu.vector_store %arg12[%swap3A_887, %swap3A_888], %swap3A_891 {strides = array<i32>} : memref<36x128xi32, #tpu.memory_space<vmem>>, vector<1x16xi32>,
    %add3A_892 = arith.constant 240 : i32
    %add3A_893 = arith.addi %mul3A_2, %add3A_892 : i32
    %add3A_894 = vector.broadcast %add3A_893 : i32 to vector<16xi32>
    %add3A_895 = arith.addi %select_n3A_741, %add3A_894 : vector<16xi32>
    %swap3A_896 = arith.constant 15 : i32
    %swap3A_897 = arith.index_cast %swap3A_896 : i32 to index
    %swap3A_898 = arith.constant 32 : index
    %swap3A_899 = tpu.vector_load %arg12[%swap3A_897, %swap3A_898] {strides = array<i32>} : memref<36x128xi32, #tpu.memory_space<vmem>>, vector<1x16xi32>,
    %swap3A_900 = vector.shape_cast %swap3A_899 : vector<1x16xi32> to vector<16xi32>
    %swap3A_901 = vector.shape_cast %add3A_895 : vector<16xi32> to vector<1x16xi32>
    tpu.vector_store %arg12[%swap3A_897, %swap3A_898], %swap3A_901 {strides = array<i32>} : memref<36x128xi32, #tpu.memory_space<vmem>>, vector<1x16xi32>,
    %add3A_902 = arith.constant 256 : i32
    %add3A_903 = arith.addi %mul3A_2, %add3A_902 : i32
    %add3A_904 = vector.broadcast %add3A_903 : i32 to vector<16xi32>
    %add3A_905 = arith.addi %select_n3A_741, %add3A_904 : vector<16xi32>
    %swap3A_906 = arith.constant 16 : i32
    %swap3A_907 = arith.index_cast %swap3A_906 : i32 to index
    %swap3A_908 = arith.constant 32 : index
    %swap3A_909 = tpu.vector_load %arg12[%swap3A_907, %swap3A_908] {strides = array<i32>} : memref<36x128xi32, #tpu.memory_space<vmem>>, vector<1x16xi32>,
    %swap3A_910 = vector.shape_cast %swap3A_909 : vector<1x16xi32> to vector<16xi32>
    %swap3A_911 = vector.shape_cast %add3A_905 : vector<16xi32> to vector<1x16xi32>
    tpu.vector_store %arg12[%swap3A_907, %swap3A_908], %swap3A_911 {strides = array<i32>} : memref<36x128xi32, #tpu.memory_space<vmem>>, vector<1x16xi32>,
    %add3A_912 = arith.constant 272 : i32
    %add3A_913 = arith.addi %mul3A_2, %add3A_912 : i32
    %add3A_914 = vector.broadcast %add3A_913 : i32 to vector<16xi32>
    %add3A_915 = arith.addi %select_n3A_741, %add3A_914 : vector<16xi32>
    %swap3A_916 = arith.constant 17 : i32
    %swap3A_917 = arith.index_cast %swap3A_916 : i32 to index
    %swap3A_918 = arith.constant 32 : index
    %swap3A_919 = tpu.vector_load %arg12[%swap3A_917, %swap3A_918] {strides = array<i32>} : memref<36x128xi32, #tpu.memory_space<vmem>>, vector<1x16xi32>,
    %swap3A_920 = vector.shape_cast %swap3A_919 : vector<1x16xi32> to vector<16xi32>
    %swap3A_921 = vector.shape_cast %add3A_915 : vector<16xi32> to vector<1x16xi32>
    tpu.vector_store %arg12[%swap3A_917, %swap3A_918], %swap3A_921 {strides = array<i32>} : memref<36x128xi32, #tpu.memory_space<vmem>>, vector<1x16xi32>,
    %add3A_922 = arith.constant 288 : i32
    %add3A_923 = arith.addi %mul3A_2, %add3A_922 : i32
    %add3A_924 = vector.broadcast %add3A_923 : i32 to vector<16xi32>
    %add3A_925 = arith.addi %select_n3A_741, %add3A_924 : vector<16xi32>
    %swap3A_926 = arith.constant 18 : i32
    %swap3A_927 = arith.index_cast %swap3A_926 : i32 to index
    %swap3A_928 = arith.constant 32 : index
    %swap3A_929 = tpu.vector_load %arg12[%swap3A_927, %swap3A_928] {strides = array<i32>} : memref<36x128xi32, #tpu.memory_space<vmem>>, vector<1x16xi32>,
    %swap3A_930 = vector.shape_cast %swap3A_929 : vector<1x16xi32> to vector<16xi32>
    %swap3A_931 = vector.shape_cast %add3A_925 : vector<16xi32> to vector<1x16xi32>
    tpu.vector_store %arg12[%swap3A_927, %swap3A_928], %swap3A_931 {strides = array<i32>} : memref<36x128xi32, #tpu.memory_space<vmem>>, vector<1x16xi32>,
    %add3A_932 = arith.constant 304 : i32
    %add3A_933 = arith.addi %mul3A_2, %add3A_932 : i32
    %add3A_934 = vector.broadcast %add3A_933 : i32 to vector<16xi32>
    %add3A_935 = arith.addi %select_n3A_741, %add3A_934 : vector<16xi32>
    %swap3A_936 = arith.constant 19 : i32
    %swap3A_937 = arith.index_cast %swap3A_936 : i32 to index
    %swap3A_938 = arith.constant 32 : index
    %swap3A_939 = tpu.vector_load %arg12[%swap3A_937, %swap3A_938] {strides = array<i32>} : memref<36x128xi32, #tpu.memory_space<vmem>>, vector<1x16xi32>,
    %swap3A_940 = vector.shape_cast %swap3A_939 : vector<1x16xi32> to vector<16xi32>
    %swap3A_941 = vector.shape_cast %add3A_935 : vector<16xi32> to vector<1x16xi32>
    tpu.vector_store %arg12[%swap3A_937, %swap3A_938], %swap3A_941 {strides = array<i32>} : memref<36x128xi32, #tpu.memory_space<vmem>>, vector<1x16xi32>,
    %add3A_942 = arith.constant 320 : i32
    %add3A_943 = arith.addi %mul3A_2, %add3A_942 : i32
    %add3A_944 = vector.broadcast %add3A_943 : i32 to vector<16xi32>
    %add3A_945 = arith.addi %select_n3A_741, %add3A_944 : vector<16xi32>
    %swap3A_946 = arith.constant 20 : i32
    %swap3A_947 = arith.index_cast %swap3A_946 : i32 to index
    %swap3A_948 = arith.constant 32 : index
    %swap3A_949 = tpu.vector_load %arg12[%swap3A_947, %swap3A_948] {strides = array<i32>} : memref<36x128xi32, #tpu.memory_space<vmem>>, vector<1x16xi32>,
    %swap3A_950 = vector.shape_cast %swap3A_949 : vector<1x16xi32> to vector<16xi32>
    %swap3A_951 = vector.shape_cast %add3A_945 : vector<16xi32> to vector<1x16xi32>
    tpu.vector_store %arg12[%swap3A_947, %swap3A_948], %swap3A_951 {strides = array<i32>} : memref<36x128xi32, #tpu.memory_space<vmem>>, vector<1x16xi32>,
    %add3A_952 = arith.constant 336 : i32
    %add3A_953 = arith.addi %mul3A_2, %add3A_952 : i32
    %add3A_954 = vector.broadcast %add3A_953 : i32 to vector<16xi32>
    %add3A_955 = arith.addi %select_n3A_741, %add3A_954 : vector<16xi32>
    %swap3A_956 = arith.constant 21 : i32
    %swap3A_957 = arith.index_cast %swap3A_956 : i32 to index
    %swap3A_958 = arith.constant 32 : index
    %swap3A_959 = tpu.vector_load %arg12[%swap3A_957, %swap3A_958] {strides = array<i32>} : memref<36x128xi32, #tpu.memory_space<vmem>>, vector<1x16xi32>,
    %swap3A_960 = vector.shape_cast %swap3A_959 : vector<1x16xi32> to vector<16xi32>
    %swap3A_961 = vector.shape_cast %add3A_955 : vector<16xi32> to vector<1x16xi32>
    tpu.vector_store %arg12[%swap3A_957, %swap3A_958], %swap3A_961 {strides = array<i32>} : memref<36x128xi32, #tpu.memory_space<vmem>>, vector<1x16xi32>,
    %add3A_962 = arith.constant 352 : i32
    %add3A_963 = arith.addi %mul3A_2, %add3A_962 : i32
    %add3A_964 = vector.broadcast %add3A_963 : i32 to vector<16xi32>
    %add3A_965 = arith.addi %select_n3A_741, %add3A_964 : vector<16xi32>
    %swap3A_966 = arith.constant 22 : i32
    %swap3A_967 = arith.index_cast %swap3A_966 : i32 to index
    %swap3A_968 = arith.constant 32 : index
    %swap3A_969 = tpu.vector_load %arg12[%swap3A_967, %swap3A_968] {strides = array<i32>} : memref<36x128xi32, #tpu.memory_space<vmem>>, vector<1x16xi32>,
    %swap3A_970 = vector.shape_cast %swap3A_969 : vector<1x16xi32> to vector<16xi32>
    %swap3A_971 = vector.shape_cast %add3A_965 : vector<16xi32> to vector<1x16xi32>
    tpu.vector_store %arg12[%swap3A_967, %swap3A_968], %swap3A_971 {strides = array<i32>} : memref<36x128xi32, #tpu.memory_space<vmem>>, vector<1x16xi32>,
    %add3A_972 = arith.constant 368 : i32
    %add3A_973 = arith.addi %mul3A_2, %add3A_972 : i32
    %add3A_974 = vector.broadcast %add3A_973 : i32 to vector<16xi32>
    %add3A_975 = arith.addi %select_n3A_741, %add3A_974 : vector<16xi32>
    %swap3A_976 = arith.constant 23 : i32
    %swap3A_977 = arith.index_cast %swap3A_976 : i32 to index
    %swap3A_978 = arith.constant 32 : index
    %swap3A_979 = tpu.vector_load %arg12[%swap3A_977, %swap3A_978] {strides = array<i32>} : memref<36x128xi32, #tpu.memory_space<vmem>>, vector<1x16xi32>,
    %swap3A_980 = vector.shape_cast %swap3A_979 : vector<1x16xi32> to vector<16xi32>
    %swap3A_981 = vector.shape_cast %add3A_975 : vector<16xi32> to vector<1x16xi32>
    tpu.vector_store %arg12[%swap3A_977, %swap3A_978], %swap3A_981 {strides = array<i32>} : memref<36x128xi32, #tpu.memory_space<vmem>>, vector<1x16xi32>,
    %add3A_982 = arith.constant 384 : i32
    %add3A_983 = arith.addi %mul3A_2, %add3A_982 : i32
    %add3A_984 = vector.broadcast %add3A_983 : i32 to vector<16xi32>
    %add3A_985 = arith.addi %select_n3A_741, %add3A_984 : vector<16xi32>
    %swap3A_986 = arith.constant 24 : i32
    %swap3A_987 = arith.index_cast %swap3A_986 : i32 to index
    %swap3A_988 = arith.constant 32 : index
    %swap3A_989 = tpu.vector_load %arg12[%swap3A_987, %swap3A_988] {strides = array<i32>} : memref<36x128xi32, #tpu.memory_space<vmem>>, vector<1x16xi32>,
    %swap3A_990 = vector.shape_cast %swap3A_989 : vector<1x16xi32> to vector<16xi32>
    %swap3A_991 = vector.shape_cast %add3A_985 : vector<16xi32> to vector<1x16xi32>
    tpu.vector_store %arg12[%swap3A_987, %swap3A_988], %swap3A_991 {strides = array<i32>} : memref<36x128xi32, #tpu.memory_space<vmem>>, vector<1x16xi32>,
    %add3A_992 = arith.constant 400 : i32
    %add3A_993 = arith.addi %mul3A_2, %add3A_992 : i32
    %add3A_994 = vector.broadcast %add3A_993 : i32 to vector<16xi32>
    %add3A_995 = arith.addi %select_n3A_741, %add3A_994 : vector<16xi32>
    %swap3A_996 = arith.constant 25 : i32
    %swap3A_997 = arith.index_cast %swap3A_996 : i32 to index
    %swap3A_998 = arith.constant 32 : index
    %swap3A_999 = tpu.vector_load %arg12[%swap3A_997, %swap3A_998] {strides = array<i32>} : memref<36x128xi32, #tpu.memory_space<vmem>>, vector<1x16xi32>,
    %swap3A_1000 = vector.shape_cast %swap3A_999 : vector<1x16xi32> to vector<16xi32>
    %swap3A_1001 = vector.shape_cast %add3A_995 : vector<16xi32> to vector<1x16xi32>
    tpu.vector_store %arg12[%swap3A_997, %swap3A_998], %swap3A_1001 {strides = array<i32>} : memref<36x128xi32, #tpu.memory_space<vmem>>, vector<1x16xi32>,
    %add3A_1002 = arith.constant 416 : i32
    %add3A_1003 = arith.addi %mul3A_2, %add3A_1002 : i32
    %add3A_1004 = vector.broadcast %add3A_1003 : i32 to vector<16xi32>
    %add3A_1005 = arith.addi %select_n3A_741, %add3A_1004 : vector<16xi32>
    %swap3A_1006 = arith.constant 26 : i32
    %swap3A_1007 = arith.index_cast %swap3A_1006 : i32 to index
    %swap3A_1008 = arith.constant 32 : index
    %swap3A_1009 = tpu.vector_load %arg12[%swap3A_1007, %swap3A_1008] {strides = array<i32>} : memref<36x128xi32, #tpu.memory_space<vmem>>, vector<1x16xi32>,
    %swap3A_1010 = vector.shape_cast %swap3A_1009 : vector<1x16xi32> to vector<16xi32>
    %swap3A_1011 = vector.shape_cast %add3A_1005 : vector<16xi32> to vector<1x16xi32>
    tpu.vector_store %arg12[%swap3A_1007, %swap3A_1008], %swap3A_1011 {strides = array<i32>} : memref<36x128xi32, #tpu.memory_space<vmem>>, vector<1x16xi32>,
    %add3A_1012 = arith.constant 432 : i32
    %add3A_1013 = arith.addi %mul3A_2, %add3A_1012 : i32
    %add3A_1014 = vector.broadcast %add3A_1013 : i32 to vector<16xi32>
    %add3A_1015 = arith.addi %select_n3A_741, %add3A_1014 : vector<16xi32>
    %swap3A_1016 = arith.constant 27 : i32
    %swap3A_1017 = arith.index_cast %swap3A_1016 : i32 to index
    %swap3A_1018 = arith.constant 32 : index
    %swap3A_1019 = tpu.vector_load %arg12[%swap3A_1017, %swap3A_1018] {strides = array<i32>} : memref<36x128xi32, #tpu.memory_space<vmem>>, vector<1x16xi32>,
    %swap3A_1020 = vector.shape_cast %swap3A_1019 : vector<1x16xi32> to vector<16xi32>
    %swap3A_1021 = vector.shape_cast %add3A_1015 : vector<16xi32> to vector<1x16xi32>
    tpu.vector_store %arg12[%swap3A_1017, %swap3A_1018], %swap3A_1021 {strides = array<i32>} : memref<36x128xi32, #tpu.memory_space<vmem>>, vector<1x16xi32>,
    %add3A_1022 = arith.constant 448 : i32
    %add3A_1023 = arith.addi %mul3A_2, %add3A_1022 : i32
    %add3A_1024 = vector.broadcast %add3A_1023 : i32 to vector<16xi32>
    %add3A_1025 = arith.addi %select_n3A_741, %add3A_1024 : vector<16xi32>
    %swap3A_1026 = arith.constant 28 : i32
    %swap3A_1027 = arith.index_cast %swap3A_1026 : i32 to index
    %swap3A_1028 = arith.constant 32 : index
    %swap3A_1029 = tpu.vector_load %arg12[%swap3A_1027, %swap3A_1028] {strides = array<i32>} : memref<36x128xi32, #tpu.memory_space<vmem>>, vector<1x16xi32>,
    %swap3A_1030 = vector.shape_cast %swap3A_1029 : vector<1x16xi32> to vector<16xi32>
    %swap3A_1031 = vector.shape_cast %add3A_1025 : vector<16xi32> to vector<1x16xi32>
    tpu.vector_store %arg12[%swap3A_1027, %swap3A_1028], %swap3A_1031 {strides = array<i32>} : memref<36x128xi32, #tpu.memory_space<vmem>>, vector<1x16xi32>,
    %add3A_1032 = arith.constant 464 : i32
    %add3A_1033 = arith.addi %mul3A_2, %add3A_1032 : i32
    %add3A_1034 = vector.broadcast %add3A_1033 : i32 to vector<16xi32>
    %add3A_1035 = arith.addi %select_n3A_741, %add3A_1034 : vector<16xi32>
    %swap3A_1036 = arith.constant 29 : i32
    %swap3A_1037 = arith.index_cast %swap3A_1036 : i32 to index
    %swap3A_1038 = arith.constant 32 : index
    %swap3A_1039 = tpu.vector_load %arg12[%swap3A_1037, %swap3A_1038] {strides = array<i32>} : memref<36x128xi32, #tpu.memory_space<vmem>>, vector<1x16xi32>,
    %swap3A_1040 = vector.shape_cast %swap3A_1039 : vector<1x16xi32> to vector<16xi32>
    %swap3A_1041 = vector.shape_cast %add3A_1035 : vector<16xi32> to vector<1x16xi32>
    tpu.vector_store %arg12[%swap3A_1037, %swap3A_1038], %swap3A_1041 {strides = array<i32>} : memref<36x128xi32, #tpu.memory_space<vmem>>, vector<1x16xi32>,
    %add3A_1042 = arith.constant 480 : i32
    %add3A_1043 = arith.addi %mul3A_2, %add3A_1042 : i32
    %add3A_1044 = vector.broadcast %add3A_1043 : i32 to vector<16xi32>
    %add3A_1045 = arith.addi %select_n3A_741, %add3A_1044 : vector<16xi32>
    %swap3A_1046 = arith.constant 30 : i32
    %swap3A_1047 = arith.index_cast %swap3A_1046 : i32 to index
    %swap3A_1048 = arith.constant 32 : index
    %swap3A_1049 = tpu.vector_load %arg12[%swap3A_1047, %swap3A_1048] {strides = array<i32>} : memref<36x128xi32, #tpu.memory_space<vmem>>, vector<1x16xi32>,
    %swap3A_1050 = vector.shape_cast %swap3A_1049 : vector<1x16xi32> to vector<16xi32>
    %swap3A_1051 = vector.shape_cast %add3A_1045 : vector<16xi32> to vector<1x16xi32>
    tpu.vector_store %arg12[%swap3A_1047, %swap3A_1048], %swap3A_1051 {strides = array<i32>} : memref<36x128xi32, #tpu.memory_space<vmem>>, vector<1x16xi32>,
    %add3A_1052 = arith.constant 496 : i32
    %add3A_1053 = arith.addi %mul3A_2, %add3A_1052 : i32
    %add3A_1054 = vector.broadcast %add3A_1053 : i32 to vector<16xi32>
    %add3A_1055 = arith.addi %select_n3A_741, %add3A_1054 : vector<16xi32>
    %swap3A_1056 = arith.constant 31 : i32
    %swap3A_1057 = arith.index_cast %swap3A_1056 : i32 to index
    %swap3A_1058 = arith.constant 32 : index
    %swap3A_1059 = tpu.vector_load %arg12[%swap3A_1057, %swap3A_1058] {strides = array<i32>} : memref<36x128xi32, #tpu.memory_space<vmem>>, vector<1x16xi32>,
    %swap3A_1060 = vector.shape_cast %swap3A_1059 : vector<1x16xi32> to vector<16xi32>
    %swap3A_1061 = vector.shape_cast %add3A_1055 : vector<16xi32> to vector<1x16xi32>
    tpu.vector_store %arg12[%swap3A_1057, %swap3A_1058], %swap3A_1061 {strides = array<i32>} : memref<36x128xi32, #tpu.memory_space<vmem>>, vector<1x16xi32>,
    %add3A_1062 = arith.constant 512 : i32
    %add3A_1063 = arith.addi %mul3A_2, %add3A_1062 : i32
    %add3A_1064 = vector.broadcast %add3A_1063 : i32 to vector<16xi32>
    %add3A_1065 = arith.addi %select_n3A_741, %add3A_1064 : vector<16xi32>
    %swap3A_1066 = arith.constant 32 : i32
    %swap3A_1067 = arith.index_cast %swap3A_1066 : i32 to index
    %swap3A_1068 = arith.constant 32 : index
    %swap3A_1069 = tpu.vector_load %arg12[%swap3A_1067, %swap3A_1068] {strides = array<i32>} : memref<36x128xi32, #tpu.memory_space<vmem>>, vector<1x16xi32>,
    %swap3A_1070 = vector.shape_cast %swap3A_1069 : vector<1x16xi32> to vector<16xi32>
    %swap3A_1071 = vector.shape_cast %add3A_1065 : vector<16xi32> to vector<1x16xi32>
    tpu.vector_store %arg12[%swap3A_1067, %swap3A_1068], %swap3A_1071 {strides = array<i32>} : memref<36x128xi32, #tpu.memory_space<vmem>>, vector<1x16xi32>,
    %add3A_1072 = arith.constant 528 : i32
    %add3A_1073 = arith.addi %mul3A_2, %add3A_1072 : i32
    %add3A_1074 = vector.broadcast %add3A_1073 : i32 to vector<16xi32>
    %add3A_1075 = arith.addi %select_n3A_741, %add3A_1074 : vector<16xi32>
    %swap3A_1076 = arith.constant 33 : i32
    %swap3A_1077 = arith.index_cast %swap3A_1076 : i32 to index
    %swap3A_1078 = arith.constant 32 : index
    %swap3A_1079 = tpu.vector_load %arg12[%swap3A_1077, %swap3A_1078] {strides = array<i32>} : memref<36x128xi32, #tpu.memory_space<vmem>>, vector<1x16xi32>,
    %swap3A_1080 = vector.shape_cast %swap3A_1079 : vector<1x16xi32> to vector<16xi32>
    %swap3A_1081 = vector.shape_cast %add3A_1075 : vector<16xi32> to vector<1x16xi32>
    tpu.vector_store %arg12[%swap3A_1077, %swap3A_1078], %swap3A_1081 {strides = array<i32>} : memref<36x128xi32, #tpu.memory_space<vmem>>, vector<1x16xi32>,
    %add3A_1082 = arith.constant 544 : i32
    %add3A_1083 = arith.addi %mul3A_2, %add3A_1082 : i32
    %add3A_1084 = vector.broadcast %add3A_1083 : i32 to vector<16xi32>
    %add3A_1085 = arith.addi %select_n3A_741, %add3A_1084 : vector<16xi32>
    %swap3A_1086 = arith.constant 34 : i32
    %swap3A_1087 = arith.index_cast %swap3A_1086 : i32 to index
    %swap3A_1088 = arith.constant 32 : index
    %swap3A_1089 = tpu.vector_load %arg12[%swap3A_1087, %swap3A_1088] {strides = array<i32>} : memref<36x128xi32, #tpu.memory_space<vmem>>, vector<1x16xi32>,
    %swap3A_1090 = vector.shape_cast %swap3A_1089 : vector<1x16xi32> to vector<16xi32>
    %swap3A_1091 = vector.shape_cast %add3A_1085 : vector<16xi32> to vector<1x16xi32>
    tpu.vector_store %arg12[%swap3A_1087, %swap3A_1088], %swap3A_1091 {strides = array<i32>} : memref<36x128xi32, #tpu.memory_space<vmem>>, vector<1x16xi32>,
    %add3A_1092 = arith.constant 560 : i32
    %add3A_1093 = arith.addi %mul3A_2, %add3A_1092 : i32
    %add3A_1094 = vector.broadcast %add3A_1093 : i32 to vector<16xi32>
    %add3A_1095 = arith.addi %select_n3A_741, %add3A_1094 : vector<16xi32>
    %swap3A_1096 = arith.constant 35 : i32
    %swap3A_1097 = arith.index_cast %swap3A_1096 : i32 to index
    %swap3A_1098 = arith.constant 32 : index
    %swap3A_1099 = tpu.vector_load %arg12[%swap3A_1097, %swap3A_1098] {strides = array<i32>} : memref<36x128xi32, #tpu.memory_space<vmem>>, vector<1x16xi32>,
    %swap3A_1100 = vector.shape_cast %swap3A_1099 : vector<1x16xi32> to vector<16xi32>
    %swap3A_1101 = vector.shape_cast %add3A_1095 : vector<16xi32> to vector<1x16xi32>
    tpu.vector_store %arg12[%swap3A_1097, %swap3A_1098], %swap3A_1101 {strides = array<i32>} : memref<36x128xi32, #tpu.memory_space<vmem>>, vector<1x16xi32>,
    %lt3A_1102 = arith.constant 8 : i32
    %lt3A_1103 = vector.broadcast %lt3A_1102 : i32 to vector<16xi32>
    %lt3A_1104 = arith.cmpi slt, %iota3A, %lt3A_1103 : vector<16xi32>
    %jit3A_1105 = arith.constant 6 : i32
    %jit3A_1106 = arith.constant 7 : i32
    %broadcast_in_dim3A_1107 = vector.broadcast %jit3A_1105 : i32 to vector<16xi32>
    %broadcast_in_dim3A_1108 = vector.broadcast %jit3A_1106 : i32 to vector<16xi32>
    %select_n3A_1109 = arith.select %lt3A_1104, %broadcast_in_dim3A_1107, %broadcast_in_dim3A_1108 : vector<16xi1>, vector<16xi32>
    %add3A_1110 = arith.constant 0 : i32
    %add3A_1111 = arith.addi %mul3A_2, %add3A_1110 : i32
    %add3A_1112 = vector.broadcast %add3A_1111 : i32 to vector<16xi32>
    %add3A_1113 = arith.addi %select_n3A_1109, %add3A_1112 : vector<16xi32>
    %swap3A_1114 = arith.constant 0 : i32
    %swap3A_1115 = arith.index_cast %swap3A_1114 : i32 to index
    %swap3A_1116 = arith.constant 48 : index
    %swap3A_1117 = tpu.vector_load %arg12[%swap3A_1115, %swap3A_1116] {strides = array<i32>} : memref<36x128xi32, #tpu.memory_space<vmem>>, vector<1x16xi32>,
    %swap3A_1118 = vector.shape_cast %swap3A_1117 : vector<1x16xi32> to vector<16xi32>
    %swap3A_1119 = vector.shape_cast %add3A_1113 : vector<16xi32> to vector<1x16xi32>
    tpu.vector_store %arg12[%swap3A_1115, %swap3A_1116], %swap3A_1119 {strides = array<i32>} : memref<36x128xi32, #tpu.memory_space<vmem>>, vector<1x16xi32>,
    %add3A_1120 = arith.constant 16 : i32
    %add3A_1121 = arith.addi %mul3A_2, %add3A_1120 : i32
    %add3A_1122 = vector.broadcast %add3A_1121 : i32 to vector<16xi32>
    %add3A_1123 = arith.addi %select_n3A_1109, %add3A_1122 : vector<16xi32>
    %swap3A_1124 = arith.constant 1 : i32
    %swap3A_1125 = arith.index_cast %swap3A_1124 : i32 to index
    %swap3A_1126 = arith.constant 48 : index
    %swap3A_1127 = tpu.vector_load %arg12[%swap3A_1125, %swap3A_1126] {strides = array<i32>} : memref<36x128xi32, #tpu.memory_space<vmem>>, vector<1x16xi32>,
    %swap3A_1128 = vector.shape_cast %swap3A_1127 : vector<1x16xi32> to vector<16xi32>
    %swap3A_1129 = vector.shape_cast %add3A_1123 : vector<16xi32> to vector<1x16xi32>
    tpu.vector_store %arg12[%swap3A_1125, %swap3A_1126], %swap3A_1129 {strides = array<i32>} : memref<36x128xi32, #tpu.memory_space<vmem>>, vector<1x16xi32>,
    %add3A_1130 = arith.constant 32 : i32
    %add3A_1131 = arith.addi %mul3A_2, %add3A_1130 : i32
    %add3A_1132 = vector.broadcast %add3A_1131 : i32 to vector<16xi32>
    %add3A_1133 = arith.addi %select_n3A_1109, %add3A_1132 : vector<16xi32>
    %swap3A_1134 = arith.constant 2 : i32
    %swap3A_1135 = arith.index_cast %swap3A_1134 : i32 to index
    %swap3A_1136 = arith.constant 48 : index
    %swap3A_1137 = tpu.vector_load %arg12[%swap3A_1135, %swap3A_1136] {strides = array<i32>} : memref<36x128xi32, #tpu.memory_space<vmem>>, vector<1x16xi32>,
    %swap3A_1138 = vector.shape_cast %swap3A_1137 : vector<1x16xi32> to vector<16xi32>
    %swap3A_1139 = vector.shape_cast %add3A_1133 : vector<16xi32> to vector<1x16xi32>
    tpu.vector_store %arg12[%swap3A_1135, %swap3A_1136], %swap3A_1139 {strides = array<i32>} : memref<36x128xi32, #tpu.memory_space<vmem>>, vector<1x16xi32>,
    %add3A_1140 = arith.constant 48 : i32
    %add3A_1141 = arith.addi %mul3A_2, %add3A_1140 : i32
    %add3A_1142 = vector.broadcast %add3A_1141 : i32 to vector<16xi32>
    %add3A_1143 = arith.addi %select_n3A_1109, %add3A_1142 : vector<16xi32>
    %swap3A_1144 = arith.constant 3 : i32
    %swap3A_1145 = arith.index_cast %swap3A_1144 : i32 to index
    %swap3A_1146 = arith.constant 48 : index
    %swap3A_1147 = tpu.vector_load %arg12[%swap3A_1145, %swap3A_1146] {strides = array<i32>} : memref<36x128xi32, #tpu.memory_space<vmem>>, vector<1x16xi32>,
    %swap3A_1148 = vector.shape_cast %swap3A_1147 : vector<1x16xi32> to vector<16xi32>
    %swap3A_1149 = vector.shape_cast %add3A_1143 : vector<16xi32> to vector<1x16xi32>
    tpu.vector_store %arg12[%swap3A_1145, %swap3A_1146], %swap3A_1149 {strides = array<i32>} : memref<36x128xi32, #tpu.memory_space<vmem>>, vector<1x16xi32>,
    %add3A_1150 = arith.constant 64 : i32
    %add3A_1151 = arith.addi %mul3A_2, %add3A_1150 : i32
    %add3A_1152 = vector.broadcast %add3A_1151 : i32 to vector<16xi32>
    %add3A_1153 = arith.addi %select_n3A_1109, %add3A_1152 : vector<16xi32>
    %swap3A_1154 = arith.constant 4 : i32
    %swap3A_1155 = arith.index_cast %swap3A_1154 : i32 to index
    %swap3A_1156 = arith.constant 48 : index
    %swap3A_1157 = tpu.vector_load %arg12[%swap3A_1155, %swap3A_1156] {strides = array<i32>} : memref<36x128xi32, #tpu.memory_space<vmem>>, vector<1x16xi32>,
    %swap3A_1158 = vector.shape_cast %swap3A_1157 : vector<1x16xi32> to vector<16xi32>
    %swap3A_1159 = vector.shape_cast %add3A_1153 : vector<16xi32> to vector<1x16xi32>
    tpu.vector_store %arg12[%swap3A_1155, %swap3A_1156], %swap3A_1159 {strides = array<i32>} : memref<36x128xi32, #tpu.memory_space<vmem>>, vector<1x16xi32>,
    %add3A_1160 = arith.constant 80 : i32
    %add3A_1161 = arith.addi %mul3A_2, %add3A_1160 : i32
    %add3A_1162 = vector.broadcast %add3A_1161 : i32 to vector<16xi32>
    %add3A_1163 = arith.addi %select_n3A_1109, %add3A_1162 : vector<16xi32>
    %swap3A_1164 = arith.constant 5 : i32
    %swap3A_1165 = arith.index_cast %swap3A_1164 : i32 to index
    %swap3A_1166 = arith.constant 48 : index
    %swap3A_1167 = tpu.vector_load %arg12[%swap3A_1165, %swap3A_1166] {strides = array<i32>} : memref<36x128xi32, #tpu.memory_space<vmem>>, vector<1x16xi32>,
    %swap3A_1168 = vector.shape_cast %swap3A_1167 : vector<1x16xi32> to vector<16xi32>
    %swap3A_1169 = vector.shape_cast %add3A_1163 : vector<16xi32> to vector<1x16xi32>
    tpu.vector_store %arg12[%swap3A_1165, %swap3A_1166], %swap3A_1169 {strides = array<i32>} : memref<36x128xi32, #tpu.memory_space<vmem>>, vector<1x16xi32>,
    %add3A_1170 = arith.constant 96 : i32
    %add3A_1171 = arith.addi %mul3A_2, %add3A_1170 : i32
    %add3A_1172 = vector.broadcast %add3A_1171 : i32 to vector<16xi32>
    %add3A_1173 = arith.addi %select_n3A_1109, %add3A_1172 : vector<16xi32>
    %swap3A_1174 = arith.constant 6 : i32
    %swap3A_1175 = arith.index_cast %swap3A_1174 : i32 to index
    %swap3A_1176 = arith.constant 48 : index
    %swap3A_1177 = tpu.vector_load %arg12[%swap3A_1175, %swap3A_1176] {strides = array<i32>} : memref<36x128xi32, #tpu.memory_space<vmem>>, vector<1x16xi32>,
    %swap3A_1178 = vector.shape_cast %swap3A_1177 : vector<1x16xi32> to vector<16xi32>
    %swap3A_1179 = vector.shape_cast %add3A_1173 : vector<16xi32> to vector<1x16xi32>
    tpu.vector_store %arg12[%swap3A_1175, %swap3A_1176], %swap3A_1179 {strides = array<i32>} : memref<36x128xi32, #tpu.memory_space<vmem>>, vector<1x16xi32>,
    %add3A_1180 = arith.constant 112 : i32
    %add3A_1181 = arith.addi %mul3A_2, %add3A_1180 : i32
    %add3A_1182 = vector.broadcast %add3A_1181 : i32 to vector<16xi32>
    %add3A_1183 = arith.addi %select_n3A_1109, %add3A_1182 : vector<16xi32>
    %swap3A_1184 = arith.constant 7 : i32
    %swap3A_1185 = arith.index_cast %swap3A_1184 : i32 to index
    %swap3A_1186 = arith.constant 48 : index
    %swap3A_1187 = tpu.vector_load %arg12[%swap3A_1185, %swap3A_1186] {strides = array<i32>} : memref<36x128xi32, #tpu.memory_space<vmem>>, vector<1x16xi32>,
    %swap3A_1188 = vector.shape_cast %swap3A_1187 : vector<1x16xi32> to vector<16xi32>
    %swap3A_1189 = vector.shape_cast %add3A_1183 : vector<16xi32> to vector<1x16xi32>
    tpu.vector_store %arg12[%swap3A_1185, %swap3A_1186], %swap3A_1189 {strides = array<i32>} : memref<36x128xi32, #tpu.memory_space<vmem>>, vector<1x16xi32>,
    %add3A_1190 = arith.constant 128 : i32
    %add3A_1191 = arith.addi %mul3A_2, %add3A_1190 : i32
    %add3A_1192 = vector.broadcast %add3A_1191 : i32 to vector<16xi32>
    %add3A_1193 = arith.addi %select_n3A_1109, %add3A_1192 : vector<16xi32>
    %swap3A_1194 = arith.constant 8 : i32
    %swap3A_1195 = arith.index_cast %swap3A_1194 : i32 to index
    %swap3A_1196 = arith.constant 48 : index
    %swap3A_1197 = tpu.vector_load %arg12[%swap3A_1195, %swap3A_1196] {strides = array<i32>} : memref<36x128xi32, #tpu.memory_space<vmem>>, vector<1x16xi32>,
    %swap3A_1198 = vector.shape_cast %swap3A_1197 : vector<1x16xi32> to vector<16xi32>
    %swap3A_1199 = vector.shape_cast %add3A_1193 : vector<16xi32> to vector<1x16xi32>
    tpu.vector_store %arg12[%swap3A_1195, %swap3A_1196], %swap3A_1199 {strides = array<i32>} : memref<36x128xi32, #tpu.memory_space<vmem>>, vector<1x16xi32>,
    %add3A_1200 = arith.constant 144 : i32
    %add3A_1201 = arith.addi %mul3A_2, %add3A_1200 : i32
    %add3A_1202 = vector.broadcast %add3A_1201 : i32 to vector<16xi32>
    %add3A_1203 = arith.addi %select_n3A_1109, %add3A_1202 : vector<16xi32>
    %swap3A_1204 = arith.constant 9 : i32
    %swap3A_1205 = arith.index_cast %swap3A_1204 : i32 to index
    %swap3A_1206 = arith.constant 48 : index
    %swap3A_1207 = tpu.vector_load %arg12[%swap3A_1205, %swap3A_1206] {strides = array<i32>} : memref<36x128xi32, #tpu.memory_space<vmem>>, vector<1x16xi32>,
    %swap3A_1208 = vector.shape_cast %swap3A_1207 : vector<1x16xi32> to vector<16xi32>
    %swap3A_1209 = vector.shape_cast %add3A_1203 : vector<16xi32> to vector<1x16xi32>
    tpu.vector_store %arg12[%swap3A_1205, %swap3A_1206], %swap3A_1209 {strides = array<i32>} : memref<36x128xi32, #tpu.memory_space<vmem>>, vector<1x16xi32>,
    %add3A_1210 = arith.constant 160 : i32
    %add3A_1211 = arith.addi %mul3A_2, %add3A_1210 : i32
    %add3A_1212 = vector.broadcast %add3A_1211 : i32 to vector<16xi32>
    %add3A_1213 = arith.addi %select_n3A_1109, %add3A_1212 : vector<16xi32>
    %swap3A_1214 = arith.constant 10 : i32
    %swap3A_1215 = arith.index_cast %swap3A_1214 : i32 to index
    %swap3A_1216 = arith.constant 48 : index
    %swap3A_1217 = tpu.vector_load %arg12[%swap3A_1215, %swap3A_1216] {strides = array<i32>} : memref<36x128xi32, #tpu.memory_space<vmem>>, vector<1x16xi32>,
    %swap3A_1218 = vector.shape_cast %swap3A_1217 : vector<1x16xi32> to vector<16xi32>
    %swap3A_1219 = vector.shape_cast %add3A_1213 : vector<16xi32> to vector<1x16xi32>
    tpu.vector_store %arg12[%swap3A_1215, %swap3A_1216], %swap3A_1219 {strides = array<i32>} : memref<36x128xi32, #tpu.memory_space<vmem>>, vector<1x16xi32>,
    %add3A_1220 = arith.constant 176 : i32
    %add3A_1221 = arith.addi %mul3A_2, %add3A_1220 : i32
    %add3A_1222 = vector.broadcast %add3A_1221 : i32 to vector<16xi32>
    %add3A_1223 = arith.addi %select_n3A_1109, %add3A_1222 : vector<16xi32>
    %swap3A_1224 = arith.constant 11 : i32
    %swap3A_1225 = arith.index_cast %swap3A_1224 : i32 to index
    %swap3A_1226 = arith.constant 48 : index
    %swap3A_1227 = tpu.vector_load %arg12[%swap3A_1225, %swap3A_1226] {strides = array<i32>} : memref<36x128xi32, #tpu.memory_space<vmem>>, vector<1x16xi32>,
    %swap3A_1228 = vector.shape_cast %swap3A_1227 : vector<1x16xi32> to vector<16xi32>
    %swap3A_1229 = vector.shape_cast %add3A_1223 : vector<16xi32> to vector<1x16xi32>
    tpu.vector_store %arg12[%swap3A_1225, %swap3A_1226], %swap3A_1229 {strides = array<i32>} : memref<36x128xi32, #tpu.memory_space<vmem>>, vector<1x16xi32>,
    %add3A_1230 = arith.constant 192 : i32
    %add3A_1231 = arith.addi %mul3A_2, %add3A_1230 : i32
    %add3A_1232 = vector.broadcast %add3A_1231 : i32 to vector<16xi32>
    %add3A_1233 = arith.addi %select_n3A_1109, %add3A_1232 : vector<16xi32>
    %swap3A_1234 = arith.constant 12 : i32
    %swap3A_1235 = arith.index_cast %swap3A_1234 : i32 to index
    %swap3A_1236 = arith.constant 48 : index
    %swap3A_1237 = tpu.vector_load %arg12[%swap3A_1235, %swap3A_1236] {strides = array<i32>} : memref<36x128xi32, #tpu.memory_space<vmem>>, vector<1x16xi32>,
    %swap3A_1238 = vector.shape_cast %swap3A_1237 : vector<1x16xi32> to vector<16xi32>
    %swap3A_1239 = vector.shape_cast %add3A_1233 : vector<16xi32> to vector<1x16xi32>
    tpu.vector_store %arg12[%swap3A_1235, %swap3A_1236], %swap3A_1239 {strides = array<i32>} : memref<36x128xi32, #tpu.memory_space<vmem>>, vector<1x16xi32>,
    %add3A_1240 = arith.constant 208 : i32
    %add3A_1241 = arith.addi %mul3A_2, %add3A_1240 : i32
    %add3A_1242 = vector.broadcast %add3A_1241 : i32 to vector<16xi32>
    %add3A_1243 = arith.addi %select_n3A_1109, %add3A_1242 : vector<16xi32>
    %swap3A_1244 = arith.constant 13 : i32
    %swap3A_1245 = arith.index_cast %swap3A_1244 : i32 to index
    %swap3A_1246 = arith.constant 48 : index
    %swap3A_1247 = tpu.vector_load %arg12[%swap3A_1245, %swap3A_1246] {strides = array<i32>} : memref<36x128xi32, #tpu.memory_space<vmem>>, vector<1x16xi32>,
    %swap3A_1248 = vector.shape_cast %swap3A_1247 : vector<1x16xi32> to vector<16xi32>
    %swap3A_1249 = vector.shape_cast %add3A_1243 : vector<16xi32> to vector<1x16xi32>
    tpu.vector_store %arg12[%swap3A_1245, %swap3A_1246], %swap3A_1249 {strides = array<i32>} : memref<36x128xi32, #tpu.memory_space<vmem>>, vector<1x16xi32>,
    %add3A_1250 = arith.constant 224 : i32
    %add3A_1251 = arith.addi %mul3A_2, %add3A_1250 : i32
    %add3A_1252 = vector.broadcast %add3A_1251 : i32 to vector<16xi32>
    %add3A_1253 = arith.addi %select_n3A_1109, %add3A_1252 : vector<16xi32>
    %swap3A_1254 = arith.constant 14 : i32
    %swap3A_1255 = arith.index_cast %swap3A_1254 : i32 to index
    %swap3A_1256 = arith.constant 48 : index
    %swap3A_1257 = tpu.vector_load %arg12[%swap3A_1255, %swap3A_1256] {strides = array<i32>} : memref<36x128xi32, #tpu.memory_space<vmem>>, vector<1x16xi32>,
    %swap3A_1258 = vector.shape_cast %swap3A_1257 : vector<1x16xi32> to vector<16xi32>
    %swap3A_1259 = vector.shape_cast %add3A_1253 : vector<16xi32> to vector<1x16xi32>
    tpu.vector_store %arg12[%swap3A_1255, %swap3A_1256], %swap3A_1259 {strides = array<i32>} : memref<36x128xi32, #tpu.memory_space<vmem>>, vector<1x16xi32>,
    %add3A_1260 = arith.constant 240 : i32
    %add3A_1261 = arith.addi %mul3A_2, %add3A_1260 : i32
    %add3A_1262 = vector.broadcast %add3A_1261 : i32 to vector<16xi32>
    %add3A_1263 = arith.addi %select_n3A_1109, %add3A_1262 : vector<16xi32>
    %swap3A_1264 = arith.constant 15 : i32
    %swap3A_1265 = arith.index_cast %swap3A_1264 : i32 to index
    %swap3A_1266 = arith.constant 48 : index
    %swap3A_1267 = tpu.vector_load %arg12[%swap3A_1265, %swap3A_1266] {strides = array<i32>} : memref<36x128xi32, #tpu.memory_space<vmem>>, vector<1x16xi32>,
    %swap3A_1268 = vector.shape_cast %swap3A_1267 : vector<1x16xi32> to vector<16xi32>
    %swap3A_1269 = vector.shape_cast %add3A_1263 : vector<16xi32> to vector<1x16xi32>
    tpu.vector_store %arg12[%swap3A_1265, %swap3A_1266], %swap3A_1269 {strides = array<i32>} : memref<36x128xi32, #tpu.memory_space<vmem>>, vector<1x16xi32>,
    %add3A_1270 = arith.constant 256 : i32
    %add3A_1271 = arith.addi %mul3A_2, %add3A_1270 : i32
    %add3A_1272 = vector.broadcast %add3A_1271 : i32 to vector<16xi32>
    %add3A_1273 = arith.addi %select_n3A_1109, %add3A_1272 : vector<16xi32>
    %swap3A_1274 = arith.constant 16 : i32
    %swap3A_1275 = arith.index_cast %swap3A_1274 : i32 to index
    %swap3A_1276 = arith.constant 48 : index
    %swap3A_1277 = tpu.vector_load %arg12[%swap3A_1275, %swap3A_1276] {strides = array<i32>} : memref<36x128xi32, #tpu.memory_space<vmem>>, vector<1x16xi32>,
    %swap3A_1278 = vector.shape_cast %swap3A_1277 : vector<1x16xi32> to vector<16xi32>
    %swap3A_1279 = vector.shape_cast %add3A_1273 : vector<16xi32> to vector<1x16xi32>
    tpu.vector_store %arg12[%swap3A_1275, %swap3A_1276], %swap3A_1279 {strides = array<i32>} : memref<36x128xi32, #tpu.memory_space<vmem>>, vector<1x16xi32>,
    %add3A_1280 = arith.constant 272 : i32
    %add3A_1281 = arith.addi %mul3A_2, %add3A_1280 : i32
    %add3A_1282 = vector.broadcast %add3A_1281 : i32 to vector<16xi32>
    %add3A_1283 = arith.addi %select_n3A_1109, %add3A_1282 : vector<16xi32>
    %swap3A_1284 = arith.constant 17 : i32
    %swap3A_1285 = arith.index_cast %swap3A_1284 : i32 to index
    %swap3A_1286 = arith.constant 48 : index
    %swap3A_1287 = tpu.vector_load %arg12[%swap3A_1285, %swap3A_1286] {strides = array<i32>} : memref<36x128xi32, #tpu.memory_space<vmem>>, vector<1x16xi32>,
    %swap3A_1288 = vector.shape_cast %swap3A_1287 : vector<1x16xi32> to vector<16xi32>
    %swap3A_1289 = vector.shape_cast %add3A_1283 : vector<16xi32> to vector<1x16xi32>
    tpu.vector_store %arg12[%swap3A_1285, %swap3A_1286], %swap3A_1289 {strides = array<i32>} : memref<36x128xi32, #tpu.memory_space<vmem>>, vector<1x16xi32>,
    %add3A_1290 = arith.constant 288 : i32
    %add3A_1291 = arith.addi %mul3A_2, %add3A_1290 : i32
    %add3A_1292 = vector.broadcast %add3A_1291 : i32 to vector<16xi32>
    %add3A_1293 = arith.addi %select_n3A_1109, %add3A_1292 : vector<16xi32>
    %swap3A_1294 = arith.constant 18 : i32
    %swap3A_1295 = arith.index_cast %swap3A_1294 : i32 to index
    %swap3A_1296 = arith.constant 48 : index
    %swap3A_1297 = tpu.vector_load %arg12[%swap3A_1295, %swap3A_1296] {strides = array<i32>} : memref<36x128xi32, #tpu.memory_space<vmem>>, vector<1x16xi32>,
    %swap3A_1298 = vector.shape_cast %swap3A_1297 : vector<1x16xi32> to vector<16xi32>
    %swap3A_1299 = vector.shape_cast %add3A_1293 : vector<16xi32> to vector<1x16xi32>
    tpu.vector_store %arg12[%swap3A_1295, %swap3A_1296], %swap3A_1299 {strides = array<i32>} : memref<36x128xi32, #tpu.memory_space<vmem>>, vector<1x16xi32>,
    %add3A_1300 = arith.constant 304 : i32
    %add3A_1301 = arith.addi %mul3A_2, %add3A_1300 : i32
    %add3A_1302 = vector.broadcast %add3A_1301 : i32 to vector<16xi32>
    %add3A_1303 = arith.addi %select_n3A_1109, %add3A_1302 : vector<16xi32>
    %swap3A_1304 = arith.constant 19 : i32
    %swap3A_1305 = arith.index_cast %swap3A_1304 : i32 to index
    %swap3A_1306 = arith.constant 48 : index
    %swap3A_1307 = tpu.vector_load %arg12[%swap3A_1305, %swap3A_1306] {strides = array<i32>} : memref<36x128xi32, #tpu.memory_space<vmem>>, vector<1x16xi32>,
    %swap3A_1308 = vector.shape_cast %swap3A_1307 : vector<1x16xi32> to vector<16xi32>
    %swap3A_1309 = vector.shape_cast %add3A_1303 : vector<16xi32> to vector<1x16xi32>
    tpu.vector_store %arg12[%swap3A_1305, %swap3A_1306], %swap3A_1309 {strides = array<i32>} : memref<36x128xi32, #tpu.memory_space<vmem>>, vector<1x16xi32>,
    %add3A_1310 = arith.constant 320 : i32
    %add3A_1311 = arith.addi %mul3A_2, %add3A_1310 : i32
    %add3A_1312 = vector.broadcast %add3A_1311 : i32 to vector<16xi32>
    %add3A_1313 = arith.addi %select_n3A_1109, %add3A_1312 : vector<16xi32>
    %swap3A_1314 = arith.constant 20 : i32
    %swap3A_1315 = arith.index_cast %swap3A_1314 : i32 to index
    %swap3A_1316 = arith.constant 48 : index
    %swap3A_1317 = tpu.vector_load %arg12[%swap3A_1315, %swap3A_1316] {strides = array<i32>} : memref<36x128xi32, #tpu.memory_space<vmem>>, vector<1x16xi32>,
    %swap3A_1318 = vector.shape_cast %swap3A_1317 : vector<1x16xi32> to vector<16xi32>
    %swap3A_1319 = vector.shape_cast %add3A_1313 : vector<16xi32> to vector<1x16xi32>
    tpu.vector_store %arg12[%swap3A_1315, %swap3A_1316], %swap3A_1319 {strides = array<i32>} : memref<36x128xi32, #tpu.memory_space<vmem>>, vector<1x16xi32>,
    %add3A_1320 = arith.constant 336 : i32
    %add3A_1321 = arith.addi %mul3A_2, %add3A_1320 : i32
    %add3A_1322 = vector.broadcast %add3A_1321 : i32 to vector<16xi32>
    %add3A_1323 = arith.addi %select_n3A_1109, %add3A_1322 : vector<16xi32>
    %swap3A_1324 = arith.constant 21 : i32
    %swap3A_1325 = arith.index_cast %swap3A_1324 : i32 to index
    %swap3A_1326 = arith.constant 48 : index
    %swap3A_1327 = tpu.vector_load %arg12[%swap3A_1325, %swap3A_1326] {strides = array<i32>} : memref<36x128xi32, #tpu.memory_space<vmem>>, vector<1x16xi32>,
    %swap3A_1328 = vector.shape_cast %swap3A_1327 : vector<1x16xi32> to vector<16xi32>
    %swap3A_1329 = vector.shape_cast %add3A_1323 : vector<16xi32> to vector<1x16xi32>
    tpu.vector_store %arg12[%swap3A_1325, %swap3A_1326], %swap3A_1329 {strides = array<i32>} : memref<36x128xi32, #tpu.memory_space<vmem>>, vector<1x16xi32>,
    %add3A_1330 = arith.constant 352 : i32
    %add3A_1331 = arith.addi %mul3A_2, %add3A_1330 : i32
    %add3A_1332 = vector.broadcast %add3A_1331 : i32 to vector<16xi32>
    %add3A_1333 = arith.addi %select_n3A_1109, %add3A_1332 : vector<16xi32>
    %swap3A_1334 = arith.constant 22 : i32
    %swap3A_1335 = arith.index_cast %swap3A_1334 : i32 to index
    %swap3A_1336 = arith.constant 48 : index
    %swap3A_1337 = tpu.vector_load %arg12[%swap3A_1335, %swap3A_1336] {strides = array<i32>} : memref<36x128xi32, #tpu.memory_space<vmem>>, vector<1x16xi32>,
    %swap3A_1338 = vector.shape_cast %swap3A_1337 : vector<1x16xi32> to vector<16xi32>
    %swap3A_1339 = vector.shape_cast %add3A_1333 : vector<16xi32> to vector<1x16xi32>
    tpu.vector_store %arg12[%swap3A_1335, %swap3A_1336], %swap3A_1339 {strides = array<i32>} : memref<36x128xi32, #tpu.memory_space<vmem>>, vector<1x16xi32>,
    %add3A_1340 = arith.constant 368 : i32
    %add3A_1341 = arith.addi %mul3A_2, %add3A_1340 : i32
    %add3A_1342 = vector.broadcast %add3A_1341 : i32 to vector<16xi32>
    %add3A_1343 = arith.addi %select_n3A_1109, %add3A_1342 : vector<16xi32>
    %swap3A_1344 = arith.constant 23 : i32
    %swap3A_1345 = arith.index_cast %swap3A_1344 : i32 to index
    %swap3A_1346 = arith.constant 48 : index
    %swap3A_1347 = tpu.vector_load %arg12[%swap3A_1345, %swap3A_1346] {strides = array<i32>} : memref<36x128xi32, #tpu.memory_space<vmem>>, vector<1x16xi32>,
    %swap3A_1348 = vector.shape_cast %swap3A_1347 : vector<1x16xi32> to vector<16xi32>
    %swap3A_1349 = vector.shape_cast %add3A_1343 : vector<16xi32> to vector<1x16xi32>
    tpu.vector_store %arg12[%swap3A_1345, %swap3A_1346], %swap3A_1349 {strides = array<i32>} : memref<36x128xi32, #tpu.memory_space<vmem>>, vector<1x16xi32>,
    %add3A_1350 = arith.constant 384 : i32
    %add3A_1351 = arith.addi %mul3A_2, %add3A_1350 : i32
    %add3A_1352 = vector.broadcast %add3A_1351 : i32 to vector<16xi32>
    %add3A_1353 = arith.addi %select_n3A_1109, %add3A_1352 : vector<16xi32>
    %swap3A_1354 = arith.constant 24 : i32
    %swap3A_1355 = arith.index_cast %swap3A_1354 : i32 to index
    %swap3A_1356 = arith.constant 48 : index
    %swap3A_1357 = tpu.vector_load %arg12[%swap3A_1355, %swap3A_1356] {strides = array<i32>} : memref<36x128xi32, #tpu.memory_space<vmem>>, vector<1x16xi32>,
    %swap3A_1358 = vector.shape_cast %swap3A_1357 : vector<1x16xi32> to vector<16xi32>
    %swap3A_1359 = vector.shape_cast %add3A_1353 : vector<16xi32> to vector<1x16xi32>
    tpu.vector_store %arg12[%swap3A_1355, %swap3A_1356], %swap3A_1359 {strides = array<i32>} : memref<36x128xi32, #tpu.memory_space<vmem>>, vector<1x16xi32>,
    %add3A_1360 = arith.constant 400 : i32
    %add3A_1361 = arith.addi %mul3A_2, %add3A_1360 : i32
    %add3A_1362 = vector.broadcast %add3A_1361 : i32 to vector<16xi32>
    %add3A_1363 = arith.addi %select_n3A_1109, %add3A_1362 : vector<16xi32>
    %swap3A_1364 = arith.constant 25 : i32
    %swap3A_1365 = arith.index_cast %swap3A_1364 : i32 to index
    %swap3A_1366 = arith.constant 48 : index
    %swap3A_1367 = tpu.vector_load %arg12[%swap3A_1365, %swap3A_1366] {strides = array<i32>} : memref<36x128xi32, #tpu.memory_space<vmem>>, vector<1x16xi32>,
    %swap3A_1368 = vector.shape_cast %swap3A_1367 : vector<1x16xi32> to vector<16xi32>
    %swap3A_1369 = vector.shape_cast %add3A_1363 : vector<16xi32> to vector<1x16xi32>
    tpu.vector_store %arg12[%swap3A_1365, %swap3A_1366], %swap3A_1369 {strides = array<i32>} : memref<36x128xi32, #tpu.memory_space<vmem>>, vector<1x16xi32>,
    %add3A_1370 = arith.constant 416 : i32
    %add3A_1371 = arith.addi %mul3A_2, %add3A_1370 : i32
    %add3A_1372 = vector.broadcast %add3A_1371 : i32 to vector<16xi32>
    %add3A_1373 = arith.addi %select_n3A_1109, %add3A_1372 : vector<16xi32>
    %swap3A_1374 = arith.constant 26 : i32
    %swap3A_1375 = arith.index_cast %swap3A_1374 : i32 to index
    %swap3A_1376 = arith.constant 48 : index
    %swap3A_1377 = tpu.vector_load %arg12[%swap3A_1375, %swap3A_1376] {strides = array<i32>} : memref<36x128xi32, #tpu.memory_space<vmem>>, vector<1x16xi32>,
    %swap3A_1378 = vector.shape_cast %swap3A_1377 : vector<1x16xi32> to vector<16xi32>
    %swap3A_1379 = vector.shape_cast %add3A_1373 : vector<16xi32> to vector<1x16xi32>
    tpu.vector_store %arg12[%swap3A_1375, %swap3A_1376], %swap3A_1379 {strides = array<i32>} : memref<36x128xi32, #tpu.memory_space<vmem>>, vector<1x16xi32>,
    %add3A_1380 = arith.constant 432 : i32
    %add3A_1381 = arith.addi %mul3A_2, %add3A_1380 : i32
    %add3A_1382 = vector.broadcast %add3A_1381 : i32 to vector<16xi32>
    %add3A_1383 = arith.addi %select_n3A_1109, %add3A_1382 : vector<16xi32>
    %swap3A_1384 = arith.constant 27 : i32
    %swap3A_1385 = arith.index_cast %swap3A_1384 : i32 to index
    %swap3A_1386 = arith.constant 48 : index
    %swap3A_1387 = tpu.vector_load %arg12[%swap3A_1385, %swap3A_1386] {strides = array<i32>} : memref<36x128xi32, #tpu.memory_space<vmem>>, vector<1x16xi32>,
    %swap3A_1388 = vector.shape_cast %swap3A_1387 : vector<1x16xi32> to vector<16xi32>
    %swap3A_1389 = vector.shape_cast %add3A_1383 : vector<16xi32> to vector<1x16xi32>
    tpu.vector_store %arg12[%swap3A_1385, %swap3A_1386], %swap3A_1389 {strides = array<i32>} : memref<36x128xi32, #tpu.memory_space<vmem>>, vector<1x16xi32>,
    %add3A_1390 = arith.constant 448 : i32
    %add3A_1391 = arith.addi %mul3A_2, %add3A_1390 : i32
    %add3A_1392 = vector.broadcast %add3A_1391 : i32 to vector<16xi32>
    %add3A_1393 = arith.addi %select_n3A_1109, %add3A_1392 : vector<16xi32>
    %swap3A_1394 = arith.constant 28 : i32
    %swap3A_1395 = arith.index_cast %swap3A_1394 : i32 to index
    %swap3A_1396 = arith.constant 48 : index
    %swap3A_1397 = tpu.vector_load %arg12[%swap3A_1395, %swap3A_1396] {strides = array<i32>} : memref<36x128xi32, #tpu.memory_space<vmem>>, vector<1x16xi32>,
    %swap3A_1398 = vector.shape_cast %swap3A_1397 : vector<1x16xi32> to vector<16xi32>
    %swap3A_1399 = vector.shape_cast %add3A_1393 : vector<16xi32> to vector<1x16xi32>
    tpu.vector_store %arg12[%swap3A_1395, %swap3A_1396], %swap3A_1399 {strides = array<i32>} : memref<36x128xi32, #tpu.memory_space<vmem>>, vector<1x16xi32>,
    %add3A_1400 = arith.constant 464 : i32
    %add3A_1401 = arith.addi %mul3A_2, %add3A_1400 : i32
    %add3A_1402 = vector.broadcast %add3A_1401 : i32 to vector<16xi32>
    %add3A_1403 = arith.addi %select_n3A_1109, %add3A_1402 : vector<16xi32>
    %swap3A_1404 = arith.constant 29 : i32
    %swap3A_1405 = arith.index_cast %swap3A_1404 : i32 to index
    %swap3A_1406 = arith.constant 48 : index
    %swap3A_1407 = tpu.vector_load %arg12[%swap3A_1405, %swap3A_1406] {strides = array<i32>} : memref<36x128xi32, #tpu.memory_space<vmem>>, vector<1x16xi32>,
    %swap3A_1408 = vector.shape_cast %swap3A_1407 : vector<1x16xi32> to vector<16xi32>
    %swap3A_1409 = vector.shape_cast %add3A_1403 : vector<16xi32> to vector<1x16xi32>
    tpu.vector_store %arg12[%swap3A_1405, %swap3A_1406], %swap3A_1409 {strides = array<i32>} : memref<36x128xi32, #tpu.memory_space<vmem>>, vector<1x16xi32>,
    %add3A_1410 = arith.constant 480 : i32
    %add3A_1411 = arith.addi %mul3A_2, %add3A_1410 : i32
    %add3A_1412 = vector.broadcast %add3A_1411 : i32 to vector<16xi32>
    %add3A_1413 = arith.addi %select_n3A_1109, %add3A_1412 : vector<16xi32>
    %swap3A_1414 = arith.constant 30 : i32
    %swap3A_1415 = arith.index_cast %swap3A_1414 : i32 to index
    %swap3A_1416 = arith.constant 48 : index
    %swap3A_1417 = tpu.vector_load %arg12[%swap3A_1415, %swap3A_1416] {strides = array<i32>} : memref<36x128xi32, #tpu.memory_space<vmem>>, vector<1x16xi32>,
    %swap3A_1418 = vector.shape_cast %swap3A_1417 : vector<1x16xi32> to vector<16xi32>
    %swap3A_1419 = vector.shape_cast %add3A_1413 : vector<16xi32> to vector<1x16xi32>
    tpu.vector_store %arg12[%swap3A_1415, %swap3A_1416], %swap3A_1419 {strides = array<i32>} : memref<36x128xi32, #tpu.memory_space<vmem>>, vector<1x16xi32>,
    %add3A_1420 = arith.constant 496 : i32
    %add3A_1421 = arith.addi %mul3A_2, %add3A_1420 : i32
    %add3A_1422 = vector.broadcast %add3A_1421 : i32 to vector<16xi32>
    %add3A_1423 = arith.addi %select_n3A_1109, %add3A_1422 : vector<16xi32>
    %swap3A_1424 = arith.constant 31 : i32
    %swap3A_1425 = arith.index_cast %swap3A_1424 : i32 to index
    %swap3A_1426 = arith.constant 48 : index
    %swap3A_1427 = tpu.vector_load %arg12[%swap3A_1425, %swap3A_1426] {strides = array<i32>} : memref<36x128xi32, #tpu.memory_space<vmem>>, vector<1x16xi32>,
    %swap3A_1428 = vector.shape_cast %swap3A_1427 : vector<1x16xi32> to vector<16xi32>
    %swap3A_1429 = vector.shape_cast %add3A_1423 : vector<16xi32> to vector<1x16xi32>
    tpu.vector_store %arg12[%swap3A_1425, %swap3A_1426], %swap3A_1429 {strides = array<i32>} : memref<36x128xi32, #tpu.memory_space<vmem>>, vector<1x16xi32>,
    %add3A_1430 = arith.constant 512 : i32
    %add3A_1431 = arith.addi %mul3A_2, %add3A_1430 : i32
    %add3A_1432 = vector.broadcast %add3A_1431 : i32 to vector<16xi32>
    %add3A_1433 = arith.addi %select_n3A_1109, %add3A_1432 : vector<16xi32>
    %swap3A_1434 = arith.constant 32 : i32
    %swap3A_1435 = arith.index_cast %swap3A_1434 : i32 to index
    %swap3A_1436 = arith.constant 48 : index
    %swap3A_1437 = tpu.vector_load %arg12[%swap3A_1435, %swap3A_1436] {strides = array<i32>} : memref<36x128xi32, #tpu.memory_space<vmem>>, vector<1x16xi32>,
    %swap3A_1438 = vector.shape_cast %swap3A_1437 : vector<1x16xi32> to vector<16xi32>
    %swap3A_1439 = vector.shape_cast %add3A_1433 : vector<16xi32> to vector<1x16xi32>
    tpu.vector_store %arg12[%swap3A_1435, %swap3A_1436], %swap3A_1439 {strides = array<i32>} : memref<36x128xi32, #tpu.memory_space<vmem>>, vector<1x16xi32>,
    %add3A_1440 = arith.constant 528 : i32
    %add3A_1441 = arith.addi %mul3A_2, %add3A_1440 : i32
    %add3A_1442 = vector.broadcast %add3A_1441 : i32 to vector<16xi32>
    %add3A_1443 = arith.addi %select_n3A_1109, %add3A_1442 : vector<16xi32>
    %swap3A_1444 = arith.constant 33 : i32
    %swap3A_1445 = arith.index_cast %swap3A_1444 : i32 to index
    %swap3A_1446 = arith.constant 48 : index
    %swap3A_1447 = tpu.vector_load %arg12[%swap3A_1445, %swap3A_1446] {strides = array<i32>} : memref<36x128xi32, #tpu.memory_space<vmem>>, vector<1x16xi32>,
    %swap3A_1448 = vector.shape_cast %swap3A_1447 : vector<1x16xi32> to vector<16xi32>
    %swap3A_1449 = vector.shape_cast %add3A_1443 : vector<16xi32> to vector<1x16xi32>
    tpu.vector_store %arg12[%swap3A_1445, %swap3A_1446], %swap3A_1449 {strides = array<i32>} : memref<36x128xi32, #tpu.memory_space<vmem>>, vector<1x16xi32>,
    %add3A_1450 = arith.constant 544 : i32
    %add3A_1451 = arith.addi %mul3A_2, %add3A_1450 : i32
    %add3A_1452 = vector.broadcast %add3A_1451 : i32 to vector<16xi32>
    %add3A_1453 = arith.addi %select_n3A_1109, %add3A_1452 : vector<16xi32>
    %swap3A_1454 = arith.constant 34 : i32
    %swap3A_1455 = arith.index_cast %swap3A_1454 : i32 to index
    %swap3A_1456 = arith.constant 48 : index
    %swap3A_1457 = tpu.vector_load %arg12[%swap3A_1455, %swap3A_1456] {strides = array<i32>} : memref<36x128xi32, #tpu.memory_space<vmem>>, vector<1x16xi32>,
    %swap3A_1458 = vector.shape_cast %swap3A_1457 : vector<1x16xi32> to vector<16xi32>
    %swap3A_1459 = vector.shape_cast %add3A_1453 : vector<16xi32> to vector<1x16xi32>
    tpu.vector_store %arg12[%swap3A_1455, %swap3A_1456], %swap3A_1459 {strides = array<i32>} : memref<36x128xi32, #tpu.memory_space<vmem>>, vector<1x16xi32>,
    %add3A_1460 = arith.constant 560 : i32
    %add3A_1461 = arith.addi %mul3A_2, %add3A_1460 : i32
    %add3A_1462 = vector.broadcast %add3A_1461 : i32 to vector<16xi32>
    %add3A_1463 = arith.addi %select_n3A_1109, %add3A_1462 : vector<16xi32>
    %swap3A_1464 = arith.constant 35 : i32
    %swap3A_1465 = arith.index_cast %swap3A_1464 : i32 to index
    %swap3A_1466 = arith.constant 48 : index
    %swap3A_1467 = tpu.vector_load %arg12[%swap3A_1465, %swap3A_1466] {strides = array<i32>} : memref<36x128xi32, #tpu.memory_space<vmem>>, vector<1x16xi32>,
    %swap3A_1468 = vector.shape_cast %swap3A_1467 : vector<1x16xi32> to vector<16xi32>
    %swap3A_1469 = vector.shape_cast %add3A_1463 : vector<16xi32> to vector<1x16xi32>
    tpu.vector_store %arg12[%swap3A_1465, %swap3A_1466], %swap3A_1469 {strides = array<i32>} : memref<36x128xi32, #tpu.memory_space<vmem>>, vector<1x16xi32>,
    %lt3A_1470 = arith.constant 8 : i32
    %lt3A_1471 = vector.broadcast %lt3A_1470 : i32 to vector<16xi32>
    %lt3A_1472 = arith.cmpi slt, %iota3A, %lt3A_1471 : vector<16xi32>
    %jit3A_1473 = arith.constant 8 : i32
    %jit3A_1474 = arith.constant 9 : i32
    %broadcast_in_dim3A_1475 = vector.broadcast %jit3A_1473 : i32 to vector<16xi32>
    %broadcast_in_dim3A_1476 = vector.broadcast %jit3A_1474 : i32 to vector<16xi32>
    %select_n3A_1477 = arith.select %lt3A_1472, %broadcast_in_dim3A_1475, %broadcast_in_dim3A_1476 : vector<16xi1>, vector<16xi32>
    %add3A_1478 = arith.constant 0 : i32
    %add3A_1479 = arith.addi %mul3A_2, %add3A_1478 : i32
    %add3A_1480 = vector.broadcast %add3A_1479 : i32 to vector<16xi32>
    %add3A_1481 = arith.addi %select_n3A_1477, %add3A_1480 : vector<16xi32>
    %swap3A_1482 = arith.constant 0 : i32
    %swap3A_1483 = arith.index_cast %swap3A_1482 : i32 to index
    %swap3A_1484 = arith.constant 64 : index
    %swap3A_1485 = tpu.vector_load %arg12[%swap3A_1483, %swap3A_1484] {strides = array<i32>} : memref<36x128xi32, #tpu.memory_space<vmem>>, vector<1x16xi32>,
    %swap3A_1486 = vector.shape_cast %swap3A_1485 : vector<1x16xi32> to vector<16xi32>
    %swap3A_1487 = vector.shape_cast %add3A_1481 : vector<16xi32> to vector<1x16xi32>
    tpu.vector_store %arg12[%swap3A_1483, %swap3A_1484], %swap3A_1487 {strides = array<i32>} : memref<36x128xi32, #tpu.memory_space<vmem>>, vector<1x16xi32>,
    %add3A_1488 = arith.constant 16 : i32
    %add3A_1489 = arith.addi %mul3A_2, %add3A_1488 : i32
    %add3A_1490 = vector.broadcast %add3A_1489 : i32 to vector<16xi32>
    %add3A_1491 = arith.addi %select_n3A_1477, %add3A_1490 : vector<16xi32>
    %swap3A_1492 = arith.constant 1 : i32
    %swap3A_1493 = arith.index_cast %swap3A_1492 : i32 to index
    %swap3A_1494 = arith.constant 64 : index
    %swap3A_1495 = tpu.vector_load %arg12[%swap3A_1493, %swap3A_1494] {strides = array<i32>} : memref<36x128xi32, #tpu.memory_space<vmem>>, vector<1x16xi32>,
    %swap3A_1496 = vector.shape_cast %swap3A_1495 : vector<1x16xi32> to vector<16xi32>
    %swap3A_1497 = vector.shape_cast %add3A_1491 : vector<16xi32> to vector<1x16xi32>
    tpu.vector_store %arg12[%swap3A_1493, %swap3A_1494], %swap3A_1497 {strides = array<i32>} : memref<36x128xi32, #tpu.memory_space<vmem>>, vector<1x16xi32>,
    %add3A_1498 = arith.constant 32 : i32
    %add3A_1499 = arith.addi %mul3A_2, %add3A_1498 : i32
    %add3A_1500 = vector.broadcast %add3A_1499 : i32 to vector<16xi32>
    %add3A_1501 = arith.addi %select_n3A_1477, %add3A_1500 : vector<16xi32>
    %swap3A_1502 = arith.constant 2 : i32
    %swap3A_1503 = arith.index_cast %swap3A_1502 : i32 to index
    %swap3A_1504 = arith.constant 64 : index
    %swap3A_1505 = tpu.vector_load %arg12[%swap3A_1503, %swap3A_1504] {strides = array<i32>} : memref<36x128xi32, #tpu.memory_space<vmem>>, vector<1x16xi32>,
    %swap3A_1506 = vector.shape_cast %swap3A_1505 : vector<1x16xi32> to vector<16xi32>
    %swap3A_1507 = vector.shape_cast %add3A_1501 : vector<16xi32> to vector<1x16xi32>
    tpu.vector_store %arg12[%swap3A_1503, %swap3A_1504], %swap3A_1507 {strides = array<i32>} : memref<36x128xi32, #tpu.memory_space<vmem>>, vector<1x16xi32>,
    %add3A_1508 = arith.constant 48 : i32
    %add3A_1509 = arith.addi %mul3A_2, %add3A_1508 : i32
    %add3A_1510 = vector.broadcast %add3A_1509 : i32 to vector<16xi32>
    %add3A_1511 = arith.addi %select_n3A_1477, %add3A_1510 : vector<16xi32>
    %swap3A_1512 = arith.constant 3 : i32
    %swap3A_1513 = arith.index_cast %swap3A_1512 : i32 to index
    %swap3A_1514 = arith.constant 64 : index
    %swap3A_1515 = tpu.vector_load %arg12[%swap3A_1513, %swap3A_1514] {strides = array<i32>} : memref<36x128xi32, #tpu.memory_space<vmem>>, vector<1x16xi32>,
    %swap3A_1516 = vector.shape_cast %swap3A_1515 : vector<1x16xi32> to vector<16xi32>
    %swap3A_1517 = vector.shape_cast %add3A_1511 : vector<16xi32> to vector<1x16xi32>
    tpu.vector_store %arg12[%swap3A_1513, %swap3A_1514], %swap3A_1517 {strides = array<i32>} : memref<36x128xi32, #tpu.memory_space<vmem>>, vector<1x16xi32>,
    %add3A_1518 = arith.constant 64 : i32
    %add3A_1519 = arith.addi %mul3A_2, %add3A_1518 : i32
    %add3A_1520 = vector.broadcast %add3A_1519 : i32 to vector<16xi32>
    %add3A_1521 = arith.addi %select_n3A_1477, %add3A_1520 : vector<16xi32>
    %swap3A_1522 = arith.constant 4 : i32
    %swap3A_1523 = arith.index_cast %swap3A_1522 : i32 to index
    %swap3A_1524 = arith.constant 64 : index
    %swap3A_1525 = tpu.vector_load %arg12[%swap3A_1523, %swap3A_1524] {strides = array<i32>} : memref<36x128xi32, #tpu.memory_space<vmem>>, vector<1x16xi32>,
    %swap3A_1526 = vector.shape_cast %swap3A_1525 : vector<1x16xi32> to vector<16xi32>
    %swap3A_1527 = vector.shape_cast %add3A_1521 : vector<16xi32> to vector<1x16xi32>
    tpu.vector_store %arg12[%swap3A_1523, %swap3A_1524], %swap3A_1527 {strides = array<i32>} : memref<36x128xi32, #tpu.memory_space<vmem>>, vector<1x16xi32>,
    %add3A_1528 = arith.constant 80 : i32
    %add3A_1529 = arith.addi %mul3A_2, %add3A_1528 : i32
    %add3A_1530 = vector.broadcast %add3A_1529 : i32 to vector<16xi32>
    %add3A_1531 = arith.addi %select_n3A_1477, %add3A_1530 : vector<16xi32>
    %swap3A_1532 = arith.constant 5 : i32
    %swap3A_1533 = arith.index_cast %swap3A_1532 : i32 to index
    %swap3A_1534 = arith.constant 64 : index
    %swap3A_1535 = tpu.vector_load %arg12[%swap3A_1533, %swap3A_1534] {strides = array<i32>} : memref<36x128xi32, #tpu.memory_space<vmem>>, vector<1x16xi32>,
    %swap3A_1536 = vector.shape_cast %swap3A_1535 : vector<1x16xi32> to vector<16xi32>
    %swap3A_1537 = vector.shape_cast %add3A_1531 : vector<16xi32> to vector<1x16xi32>
    tpu.vector_store %arg12[%swap3A_1533, %swap3A_1534], %swap3A_1537 {strides = array<i32>} : memref<36x128xi32, #tpu.memory_space<vmem>>, vector<1x16xi32>,
    %add3A_1538 = arith.constant 96 : i32
    %add3A_1539 = arith.addi %mul3A_2, %add3A_1538 : i32
    %add3A_1540 = vector.broadcast %add3A_1539 : i32 to vector<16xi32>
    %add3A_1541 = arith.addi %select_n3A_1477, %add3A_1540 : vector<16xi32>
    %swap3A_1542 = arith.constant 6 : i32
    %swap3A_1543 = arith.index_cast %swap3A_1542 : i32 to index
    %swap3A_1544 = arith.constant 64 : index
    %swap3A_1545 = tpu.vector_load %arg12[%swap3A_1543, %swap3A_1544] {strides = array<i32>} : memref<36x128xi32, #tpu.memory_space<vmem>>, vector<1x16xi32>,
    %swap3A_1546 = vector.shape_cast %swap3A_1545 : vector<1x16xi32> to vector<16xi32>
    %swap3A_1547 = vector.shape_cast %add3A_1541 : vector<16xi32> to vector<1x16xi32>
    tpu.vector_store %arg12[%swap3A_1543, %swap3A_1544], %swap3A_1547 {strides = array<i32>} : memref<36x128xi32, #tpu.memory_space<vmem>>, vector<1x16xi32>,
    %add3A_1548 = arith.constant 112 : i32
    %add3A_1549 = arith.addi %mul3A_2, %add3A_1548 : i32
    %add3A_1550 = vector.broadcast %add3A_1549 : i32 to vector<16xi32>
    %add3A_1551 = arith.addi %select_n3A_1477, %add3A_1550 : vector<16xi32>
    %swap3A_1552 = arith.constant 7 : i32
    %swap3A_1553 = arith.index_cast %swap3A_1552 : i32 to index
    %swap3A_1554 = arith.constant 64 : index
    %swap3A_1555 = tpu.vector_load %arg12[%swap3A_1553, %swap3A_1554] {strides = array<i32>} : memref<36x128xi32, #tpu.memory_space<vmem>>, vector<1x16xi32>,
    %swap3A_1556 = vector.shape_cast %swap3A_1555 : vector<1x16xi32> to vector<16xi32>
    %swap3A_1557 = vector.shape_cast %add3A_1551 : vector<16xi32> to vector<1x16xi32>
    tpu.vector_store %arg12[%swap3A_1553, %swap3A_1554], %swap3A_1557 {strides = array<i32>} : memref<36x128xi32, #tpu.memory_space<vmem>>, vector<1x16xi32>,
    %add3A_1558 = arith.constant 128 : i32
    %add3A_1559 = arith.addi %mul3A_2, %add3A_1558 : i32
    %add3A_1560 = vector.broadcast %add3A_1559 : i32 to vector<16xi32>
    %add3A_1561 = arith.addi %select_n3A_1477, %add3A_1560 : vector<16xi32>
    %swap3A_1562 = arith.constant 8 : i32
    %swap3A_1563 = arith.index_cast %swap3A_1562 : i32 to index
    %swap3A_1564 = arith.constant 64 : index
    %swap3A_1565 = tpu.vector_load %arg12[%swap3A_1563, %swap3A_1564] {strides = array<i32>} : memref<36x128xi32, #tpu.memory_space<vmem>>, vector<1x16xi32>,
    %swap3A_1566 = vector.shape_cast %swap3A_1565 : vector<1x16xi32> to vector<16xi32>
    %swap3A_1567 = vector.shape_cast %add3A_1561 : vector<16xi32> to vector<1x16xi32>
    tpu.vector_store %arg12[%swap3A_1563, %swap3A_1564], %swap3A_1567 {strides = array<i32>} : memref<36x128xi32, #tpu.memory_space<vmem>>, vector<1x16xi32>,
    %add3A_1568 = arith.constant 144 : i32
    %add3A_1569 = arith.addi %mul3A_2, %add3A_1568 : i32
    %add3A_1570 = vector.broadcast %add3A_1569 : i32 to vector<16xi32>
    %add3A_1571 = arith.addi %select_n3A_1477, %add3A_1570 : vector<16xi32>
    %swap3A_1572 = arith.constant 9 : i32
    %swap3A_1573 = arith.index_cast %swap3A_1572 : i32 to index
    %swap3A_1574 = arith.constant 64 : index
    %swap3A_1575 = tpu.vector_load %arg12[%swap3A_1573, %swap3A_1574] {strides = array<i32>} : memref<36x128xi32, #tpu.memory_space<vmem>>, vector<1x16xi32>,
    %swap3A_1576 = vector.shape_cast %swap3A_1575 : vector<1x16xi32> to vector<16xi32>
    %swap3A_1577 = vector.shape_cast %add3A_1571 : vector<16xi32> to vector<1x16xi32>
    tpu.vector_store %arg12[%swap3A_1573, %swap3A_1574], %swap3A_1577 {strides = array<i32>} : memref<36x128xi32, #tpu.memory_space<vmem>>, vector<1x16xi32>,
    %add3A_1578 = arith.constant 160 : i32
    %add3A_1579 = arith.addi %mul3A_2, %add3A_1578 : i32
    %add3A_1580 = vector.broadcast %add3A_1579 : i32 to vector<16xi32>
    %add3A_1581 = arith.addi %select_n3A_1477, %add3A_1580 : vector<16xi32>
    %swap3A_1582 = arith.constant 10 : i32
    %swap3A_1583 = arith.index_cast %swap3A_1582 : i32 to index
    %swap3A_1584 = arith.constant 64 : index
    %swap3A_1585 = tpu.vector_load %arg12[%swap3A_1583, %swap3A_1584] {strides = array<i32>} : memref<36x128xi32, #tpu.memory_space<vmem>>, vector<1x16xi32>,
    %swap3A_1586 = vector.shape_cast %swap3A_1585 : vector<1x16xi32> to vector<16xi32>
    %swap3A_1587 = vector.shape_cast %add3A_1581 : vector<16xi32> to vector<1x16xi32>
    tpu.vector_store %arg12[%swap3A_1583, %swap3A_1584], %swap3A_1587 {strides = array<i32>} : memref<36x128xi32, #tpu.memory_space<vmem>>, vector<1x16xi32>,
    %add3A_1588 = arith.constant 176 : i32
    %add3A_1589 = arith.addi %mul3A_2, %add3A_1588 : i32
    %add3A_1590 = vector.broadcast %add3A_1589 : i32 to vector<16xi32>
    %add3A_1591 = arith.addi %select_n3A_1477, %add3A_1590 : vector<16xi32>
    %swap3A_1592 = arith.constant 11 : i32
    %swap3A_1593 = arith.index_cast %swap3A_1592 : i32 to index
    %swap3A_1594 = arith.constant 64 : index
    %swap3A_1595 = tpu.vector_load %arg12[%swap3A_1593, %swap3A_1594] {strides = array<i32>} : memref<36x128xi32, #tpu.memory_space<vmem>>, vector<1x16xi32>,
    %swap3A_1596 = vector.shape_cast %swap3A_1595 : vector<1x16xi32> to vector<16xi32>
    %swap3A_1597 = vector.shape_cast %add3A_1591 : vector<16xi32> to vector<1x16xi32>
    tpu.vector_store %arg12[%swap3A_1593, %swap3A_1594], %swap3A_1597 {strides = array<i32>} : memref<36x128xi32, #tpu.memory_space<vmem>>, vector<1x16xi32>,
    %add3A_1598 = arith.constant 192 : i32
    %add3A_1599 = arith.addi %mul3A_2, %add3A_1598 : i32
    %add3A_1600 = vector.broadcast %add3A_1599 : i32 to vector<16xi32>
    %add3A_1601 = arith.addi %select_n3A_1477, %add3A_1600 : vector<16xi32>
    %swap3A_1602 = arith.constant 12 : i32
    %swap3A_1603 = arith.index_cast %swap3A_1602 : i32 to index
    %swap3A_1604 = arith.constant 64 : index
    %swap3A_1605 = tpu.vector_load %arg12[%swap3A_1603, %swap3A_1604] {strides = array<i32>} : memref<36x128xi32, #tpu.memory_space<vmem>>, vector<1x16xi32>,
    %swap3A_1606 = vector.shape_cast %swap3A_1605 : vector<1x16xi32> to vector<16xi32>
    %swap3A_1607 = vector.shape_cast %add3A_1601 : vector<16xi32> to vector<1x16xi32>
    tpu.vector_store %arg12[%swap3A_1603, %swap3A_1604], %swap3A_1607 {strides = array<i32>} : memref<36x128xi32, #tpu.memory_space<vmem>>, vector<1x16xi32>,
    %add3A_1608 = arith.constant 208 : i32
    %add3A_1609 = arith.addi %mul3A_2, %add3A_1608 : i32
    %add3A_1610 = vector.broadcast %add3A_1609 : i32 to vector<16xi32>
    %add3A_1611 = arith.addi %select_n3A_1477, %add3A_1610 : vector<16xi32>
    %swap3A_1612 = arith.constant 13 : i32
    %swap3A_1613 = arith.index_cast %swap3A_1612 : i32 to index
    %swap3A_1614 = arith.constant 64 : index
    %swap3A_1615 = tpu.vector_load %arg12[%swap3A_1613, %swap3A_1614] {strides = array<i32>} : memref<36x128xi32, #tpu.memory_space<vmem>>, vector<1x16xi32>,
    %swap3A_1616 = vector.shape_cast %swap3A_1615 : vector<1x16xi32> to vector<16xi32>
    %swap3A_1617 = vector.shape_cast %add3A_1611 : vector<16xi32> to vector<1x16xi32>
    tpu.vector_store %arg12[%swap3A_1613, %swap3A_1614], %swap3A_1617 {strides = array<i32>} : memref<36x128xi32, #tpu.memory_space<vmem>>, vector<1x16xi32>,
    %add3A_1618 = arith.constant 224 : i32
    %add3A_1619 = arith.addi %mul3A_2, %add3A_1618 : i32
    %add3A_1620 = vector.broadcast %add3A_1619 : i32 to vector<16xi32>
    %add3A_1621 = arith.addi %select_n3A_1477, %add3A_1620 : vector<16xi32>
    %swap3A_1622 = arith.constant 14 : i32
    %swap3A_1623 = arith.index_cast %swap3A_1622 : i32 to index
    %swap3A_1624 = arith.constant 64 : index
    %swap3A_1625 = tpu.vector_load %arg12[%swap3A_1623, %swap3A_1624] {strides = array<i32>} : memref<36x128xi32, #tpu.memory_space<vmem>>, vector<1x16xi32>,
    %swap3A_1626 = vector.shape_cast %swap3A_1625 : vector<1x16xi32> to vector<16xi32>
    %swap3A_1627 = vector.shape_cast %add3A_1621 : vector<16xi32> to vector<1x16xi32>
    tpu.vector_store %arg12[%swap3A_1623, %swap3A_1624], %swap3A_1627 {strides = array<i32>} : memref<36x128xi32, #tpu.memory_space<vmem>>, vector<1x16xi32>,
    %add3A_1628 = arith.constant 240 : i32
    %add3A_1629 = arith.addi %mul3A_2, %add3A_1628 : i32
    %add3A_1630 = vector.broadcast %add3A_1629 : i32 to vector<16xi32>
    %add3A_1631 = arith.addi %select_n3A_1477, %add3A_1630 : vector<16xi32>
    %swap3A_1632 = arith.constant 15 : i32
    %swap3A_1633 = arith.index_cast %swap3A_1632 : i32 to index
    %swap3A_1634 = arith.constant 64 : index
    %swap3A_1635 = tpu.vector_load %arg12[%swap3A_1633, %swap3A_1634] {strides = array<i32>} : memref<36x128xi32, #tpu.memory_space<vmem>>, vector<1x16xi32>,
    %swap3A_1636 = vector.shape_cast %swap3A_1635 : vector<1x16xi32> to vector<16xi32>
    %swap3A_1637 = vector.shape_cast %add3A_1631 : vector<16xi32> to vector<1x16xi32>
    tpu.vector_store %arg12[%swap3A_1633, %swap3A_1634], %swap3A_1637 {strides = array<i32>} : memref<36x128xi32, #tpu.memory_space<vmem>>, vector<1x16xi32>,
    %add3A_1638 = arith.constant 256 : i32
    %add3A_1639 = arith.addi %mul3A_2, %add3A_1638 : i32
    %add3A_1640 = vector.broadcast %add3A_1639 : i32 to vector<16xi32>
    %add3A_1641 = arith.addi %select_n3A_1477, %add3A_1640 : vector<16xi32>
    %swap3A_1642 = arith.constant 16 : i32
    %swap3A_1643 = arith.index_cast %swap3A_1642 : i32 to index
    %swap3A_1644 = arith.constant 64 : index
    %swap3A_1645 = tpu.vector_load %arg12[%swap3A_1643, %swap3A_1644] {strides = array<i32>} : memref<36x128xi32, #tpu.memory_space<vmem>>, vector<1x16xi32>,
    %swap3A_1646 = vector.shape_cast %swap3A_1645 : vector<1x16xi32> to vector<16xi32>
    %swap3A_1647 = vector.shape_cast %add3A_1641 : vector<16xi32> to vector<1x16xi32>
    tpu.vector_store %arg12[%swap3A_1643, %swap3A_1644], %swap3A_1647 {strides = array<i32>} : memref<36x128xi32, #tpu.memory_space<vmem>>, vector<1x16xi32>,
    %add3A_1648 = arith.constant 272 : i32
    %add3A_1649 = arith.addi %mul3A_2, %add3A_1648 : i32
    %add3A_1650 = vector.broadcast %add3A_1649 : i32 to vector<16xi32>
    %add3A_1651 = arith.addi %select_n3A_1477, %add3A_1650 : vector<16xi32>
    %swap3A_1652 = arith.constant 17 : i32
    %swap3A_1653 = arith.index_cast %swap3A_1652 : i32 to index
    %swap3A_1654 = arith.constant 64 : index
    %swap3A_1655 = tpu.vector_load %arg12[%swap3A_1653, %swap3A_1654] {strides = array<i32>} : memref<36x128xi32, #tpu.memory_space<vmem>>, vector<1x16xi32>,
    %swap3A_1656 = vector.shape_cast %swap3A_1655 : vector<1x16xi32> to vector<16xi32>
    %swap3A_1657 = vector.shape_cast %add3A_1651 : vector<16xi32> to vector<1x16xi32>
    tpu.vector_store %arg12[%swap3A_1653, %swap3A_1654], %swap3A_1657 {strides = array<i32>} : memref<36x128xi32, #tpu.memory_space<vmem>>, vector<1x16xi32>,
    %add3A_1658 = arith.constant 288 : i32
    %add3A_1659 = arith.addi %mul3A_2, %add3A_1658 : i32
    %add3A_1660 = vector.broadcast %add3A_1659 : i32 to vector<16xi32>
    %add3A_1661 = arith.addi %select_n3A_1477, %add3A_1660 : vector<16xi32>
    %swap3A_1662 = arith.constant 18 : i32
    %swap3A_1663 = arith.index_cast %swap3A_1662 : i32 to index
    %swap3A_1664 = arith.constant 64 : index
    %swap3A_1665 = tpu.vector_load %arg12[%swap3A_1663, %swap3A_1664] {strides = array<i32>} : memref<36x128xi32, #tpu.memory_space<vmem>>, vector<1x16xi32>,
    %swap3A_1666 = vector.shape_cast %swap3A_1665 : vector<1x16xi32> to vector<16xi32>
    %swap3A_1667 = vector.shape_cast %add3A_1661 : vector<16xi32> to vector<1x16xi32>
    tpu.vector_store %arg12[%swap3A_1663, %swap3A_1664], %swap3A_1667 {strides = array<i32>} : memref<36x128xi32, #tpu.memory_space<vmem>>, vector<1x16xi32>,
    %add3A_1668 = arith.constant 304 : i32
    %add3A_1669 = arith.addi %mul3A_2, %add3A_1668 : i32
    %add3A_1670 = vector.broadcast %add3A_1669 : i32 to vector<16xi32>
    %add3A_1671 = arith.addi %select_n3A_1477, %add3A_1670 : vector<16xi32>
    %swap3A_1672 = arith.constant 19 : i32
    %swap3A_1673 = arith.index_cast %swap3A_1672 : i32 to index
    %swap3A_1674 = arith.constant 64 : index
    %swap3A_1675 = tpu.vector_load %arg12[%swap3A_1673, %swap3A_1674] {strides = array<i32>} : memref<36x128xi32, #tpu.memory_space<vmem>>, vector<1x16xi32>,
    %swap3A_1676 = vector.shape_cast %swap3A_1675 : vector<1x16xi32> to vector<16xi32>
    %swap3A_1677 = vector.shape_cast %add3A_1671 : vector<16xi32> to vector<1x16xi32>
    tpu.vector_store %arg12[%swap3A_1673, %swap3A_1674], %swap3A_1677 {strides = array<i32>} : memref<36x128xi32, #tpu.memory_space<vmem>>, vector<1x16xi32>,
    %add3A_1678 = arith.constant 320 : i32
    %add3A_1679 = arith.addi %mul3A_2, %add3A_1678 : i32
    %add3A_1680 = vector.broadcast %add3A_1679 : i32 to vector<16xi32>
    %add3A_1681 = arith.addi %select_n3A_1477, %add3A_1680 : vector<16xi32>
    %swap3A_1682 = arith.constant 20 : i32
    %swap3A_1683 = arith.index_cast %swap3A_1682 : i32 to index
    %swap3A_1684 = arith.constant 64 : index
    %swap3A_1685 = tpu.vector_load %arg12[%swap3A_1683, %swap3A_1684] {strides = array<i32>} : memref<36x128xi32, #tpu.memory_space<vmem>>, vector<1x16xi32>,
    %swap3A_1686 = vector.shape_cast %swap3A_1685 : vector<1x16xi32> to vector<16xi32>
    %swap3A_1687 = vector.shape_cast %add3A_1681 : vector<16xi32> to vector<1x16xi32>
    tpu.vector_store %arg12[%swap3A_1683, %swap3A_1684], %swap3A_1687 {strides = array<i32>} : memref<36x128xi32, #tpu.memory_space<vmem>>, vector<1x16xi32>,
    %add3A_1688 = arith.constant 336 : i32
    %add3A_1689 = arith.addi %mul3A_2, %add3A_1688 : i32
    %add3A_1690 = vector.broadcast %add3A_1689 : i32 to vector<16xi32>
    %add3A_1691 = arith.addi %select_n3A_1477, %add3A_1690 : vector<16xi32>
    %swap3A_1692 = arith.constant 21 : i32
    %swap3A_1693 = arith.index_cast %swap3A_1692 : i32 to index
    %swap3A_1694 = arith.constant 64 : index
    %swap3A_1695 = tpu.vector_load %arg12[%swap3A_1693, %swap3A_1694] {strides = array<i32>} : memref<36x128xi32, #tpu.memory_space<vmem>>, vector<1x16xi32>,
    %swap3A_1696 = vector.shape_cast %swap3A_1695 : vector<1x16xi32> to vector<16xi32>
    %swap3A_1697 = vector.shape_cast %add3A_1691 : vector<16xi32> to vector<1x16xi32>
    tpu.vector_store %arg12[%swap3A_1693, %swap3A_1694], %swap3A_1697 {strides = array<i32>} : memref<36x128xi32, #tpu.memory_space<vmem>>, vector<1x16xi32>,
    %add3A_1698 = arith.constant 352 : i32
    %add3A_1699 = arith.addi %mul3A_2, %add3A_1698 : i32
    %add3A_1700 = vector.broadcast %add3A_1699 : i32 to vector<16xi32>
    %add3A_1701 = arith.addi %select_n3A_1477, %add3A_1700 : vector<16xi32>
    %swap3A_1702 = arith.constant 22 : i32
    %swap3A_1703 = arith.index_cast %swap3A_1702 : i32 to index
    %swap3A_1704 = arith.constant 64 : index
    %swap3A_1705 = tpu.vector_load %arg12[%swap3A_1703, %swap3A_1704] {strides = array<i32>} : memref<36x128xi32, #tpu.memory_space<vmem>>, vector<1x16xi32>,
    %swap3A_1706 = vector.shape_cast %swap3A_1705 : vector<1x16xi32> to vector<16xi32>
    %swap3A_1707 = vector.shape_cast %add3A_1701 : vector<16xi32> to vector<1x16xi32>
    tpu.vector_store %arg12[%swap3A_1703, %swap3A_1704], %swap3A_1707 {strides = array<i32>} : memref<36x128xi32, #tpu.memory_space<vmem>>, vector<1x16xi32>,
    %add3A_1708 = arith.constant 368 : i32
    %add3A_1709 = arith.addi %mul3A_2, %add3A_1708 : i32
    %add3A_1710 = vector.broadcast %add3A_1709 : i32 to vector<16xi32>
    %add3A_1711 = arith.addi %select_n3A_1477, %add3A_1710 : vector<16xi32>
    %swap3A_1712 = arith.constant 23 : i32
    %swap3A_1713 = arith.index_cast %swap3A_1712 : i32 to index
    %swap3A_1714 = arith.constant 64 : index
    %swap3A_1715 = tpu.vector_load %arg12[%swap3A_1713, %swap3A_1714] {strides = array<i32>} : memref<36x128xi32, #tpu.memory_space<vmem>>, vector<1x16xi32>,
    %swap3A_1716 = vector.shape_cast %swap3A_1715 : vector<1x16xi32> to vector<16xi32>
    %swap3A_1717 = vector.shape_cast %add3A_1711 : vector<16xi32> to vector<1x16xi32>
    tpu.vector_store %arg12[%swap3A_1713, %swap3A_1714], %swap3A_1717 {strides = array<i32>} : memref<36x128xi32, #tpu.memory_space<vmem>>, vector<1x16xi32>,
    %add3A_1718 = arith.constant 384 : i32
    %add3A_1719 = arith.addi %mul3A_2, %add3A_1718 : i32
    %add3A_1720 = vector.broadcast %add3A_1719 : i32 to vector<16xi32>
    %add3A_1721 = arith.addi %select_n3A_1477, %add3A_1720 : vector<16xi32>
    %swap3A_1722 = arith.constant 24 : i32
    %swap3A_1723 = arith.index_cast %swap3A_1722 : i32 to index
    %swap3A_1724 = arith.constant 64 : index
    %swap3A_1725 = tpu.vector_load %arg12[%swap3A_1723, %swap3A_1724] {strides = array<i32>} : memref<36x128xi32, #tpu.memory_space<vmem>>, vector<1x16xi32>,
    %swap3A_1726 = vector.shape_cast %swap3A_1725 : vector<1x16xi32> to vector<16xi32>
    %swap3A_1727 = vector.shape_cast %add3A_1721 : vector<16xi32> to vector<1x16xi32>
    tpu.vector_store %arg12[%swap3A_1723, %swap3A_1724], %swap3A_1727 {strides = array<i32>} : memref<36x128xi32, #tpu.memory_space<vmem>>, vector<1x16xi32>,
    %add3A_1728 = arith.constant 400 : i32
    %add3A_1729 = arith.addi %mul3A_2, %add3A_1728 : i32
    %add3A_1730 = vector.broadcast %add3A_1729 : i32 to vector<16xi32>
    %add3A_1731 = arith.addi %select_n3A_1477, %add3A_1730 : vector<16xi32>
    %swap3A_1732 = arith.constant 25 : i32
    %swap3A_1733 = arith.index_cast %swap3A_1732 : i32 to index
    %swap3A_1734 = arith.constant 64 : index
    %swap3A_1735 = tpu.vector_load %arg12[%swap3A_1733, %swap3A_1734] {strides = array<i32>} : memref<36x128xi32, #tpu.memory_space<vmem>>, vector<1x16xi32>,
    %swap3A_1736 = vector.shape_cast %swap3A_1735 : vector<1x16xi32> to vector<16xi32>
    %swap3A_1737 = vector.shape_cast %add3A_1731 : vector<16xi32> to vector<1x16xi32>
    tpu.vector_store %arg12[%swap3A_1733, %swap3A_1734], %swap3A_1737 {strides = array<i32>} : memref<36x128xi32, #tpu.memory_space<vmem>>, vector<1x16xi32>,
    %add3A_1738 = arith.constant 416 : i32
    %add3A_1739 = arith.addi %mul3A_2, %add3A_1738 : i32
    %add3A_1740 = vector.broadcast %add3A_1739 : i32 to vector<16xi32>
    %add3A_1741 = arith.addi %select_n3A_1477, %add3A_1740 : vector<16xi32>
    %swap3A_1742 = arith.constant 26 : i32
    %swap3A_1743 = arith.index_cast %swap3A_1742 : i32 to index
    %swap3A_1744 = arith.constant 64 : index
    %swap3A_1745 = tpu.vector_load %arg12[%swap3A_1743, %swap3A_1744] {strides = array<i32>} : memref<36x128xi32, #tpu.memory_space<vmem>>, vector<1x16xi32>,
    %swap3A_1746 = vector.shape_cast %swap3A_1745 : vector<1x16xi32> to vector<16xi32>
    %swap3A_1747 = vector.shape_cast %add3A_1741 : vector<16xi32> to vector<1x16xi32>
    tpu.vector_store %arg12[%swap3A_1743, %swap3A_1744], %swap3A_1747 {strides = array<i32>} : memref<36x128xi32, #tpu.memory_space<vmem>>, vector<1x16xi32>,
    %add3A_1748 = arith.constant 432 : i32
    %add3A_1749 = arith.addi %mul3A_2, %add3A_1748 : i32
    %add3A_1750 = vector.broadcast %add3A_1749 : i32 to vector<16xi32>
    %add3A_1751 = arith.addi %select_n3A_1477, %add3A_1750 : vector<16xi32>
    %swap3A_1752 = arith.constant 27 : i32
    %swap3A_1753 = arith.index_cast %swap3A_1752 : i32 to index
    %swap3A_1754 = arith.constant 64 : index
    %swap3A_1755 = tpu.vector_load %arg12[%swap3A_1753, %swap3A_1754] {strides = array<i32>} : memref<36x128xi32, #tpu.memory_space<vmem>>, vector<1x16xi32>,
    %swap3A_1756 = vector.shape_cast %swap3A_1755 : vector<1x16xi32> to vector<16xi32>
    %swap3A_1757 = vector.shape_cast %add3A_1751 : vector<16xi32> to vector<1x16xi32>
    tpu.vector_store %arg12[%swap3A_1753, %swap3A_1754], %swap3A_1757 {strides = array<i32>} : memref<36x128xi32, #tpu.memory_space<vmem>>, vector<1x16xi32>,
    %add3A_1758 = arith.constant 448 : i32
    %add3A_1759 = arith.addi %mul3A_2, %add3A_1758 : i32
    %add3A_1760 = vector.broadcast %add3A_1759 : i32 to vector<16xi32>
    %add3A_1761 = arith.addi %select_n3A_1477, %add3A_1760 : vector<16xi32>
    %swap3A_1762 = arith.constant 28 : i32
    %swap3A_1763 = arith.index_cast %swap3A_1762 : i32 to index
    %swap3A_1764 = arith.constant 64 : index
    %swap3A_1765 = tpu.vector_load %arg12[%swap3A_1763, %swap3A_1764] {strides = array<i32>} : memref<36x128xi32, #tpu.memory_space<vmem>>, vector<1x16xi32>,
    %swap3A_1766 = vector.shape_cast %swap3A_1765 : vector<1x16xi32> to vector<16xi32>
    %swap3A_1767 = vector.shape_cast %add3A_1761 : vector<16xi32> to vector<1x16xi32>
    tpu.vector_store %arg12[%swap3A_1763, %swap3A_1764], %swap3A_1767 {strides = array<i32>} : memref<36x128xi32, #tpu.memory_space<vmem>>, vector<1x16xi32>,
    %add3A_1768 = arith.constant 464 : i32
    %add3A_1769 = arith.addi %mul3A_2, %add3A_1768 : i32
    %add3A_1770 = vector.broadcast %add3A_1769 : i32 to vector<16xi32>
    %add3A_1771 = arith.addi %select_n3A_1477, %add3A_1770 : vector<16xi32>
    %swap3A_1772 = arith.constant 29 : i32
    %swap3A_1773 = arith.index_cast %swap3A_1772 : i32 to index
    %swap3A_1774 = arith.constant 64 : index
    %swap3A_1775 = tpu.vector_load %arg12[%swap3A_1773, %swap3A_1774] {strides = array<i32>} : memref<36x128xi32, #tpu.memory_space<vmem>>, vector<1x16xi32>,
    %swap3A_1776 = vector.shape_cast %swap3A_1775 : vector<1x16xi32> to vector<16xi32>
    %swap3A_1777 = vector.shape_cast %add3A_1771 : vector<16xi32> to vector<1x16xi32>
    tpu.vector_store %arg12[%swap3A_1773, %swap3A_1774], %swap3A_1777 {strides = array<i32>} : memref<36x128xi32, #tpu.memory_space<vmem>>, vector<1x16xi32>,
    %add3A_1778 = arith.constant 480 : i32
    %add3A_1779 = arith.addi %mul3A_2, %add3A_1778 : i32
    %add3A_1780 = vector.broadcast %add3A_1779 : i32 to vector<16xi32>
    %add3A_1781 = arith.addi %select_n3A_1477, %add3A_1780 : vector<16xi32>
    %swap3A_1782 = arith.constant 30 : i32
    %swap3A_1783 = arith.index_cast %swap3A_1782 : i32 to index
    %swap3A_1784 = arith.constant 64 : index
    %swap3A_1785 = tpu.vector_load %arg12[%swap3A_1783, %swap3A_1784] {strides = array<i32>} : memref<36x128xi32, #tpu.memory_space<vmem>>, vector<1x16xi32>,
    %swap3A_1786 = vector.shape_cast %swap3A_1785 : vector<1x16xi32> to vector<16xi32>
    %swap3A_1787 = vector.shape_cast %add3A_1781 : vector<16xi32> to vector<1x16xi32>
    tpu.vector_store %arg12[%swap3A_1783, %swap3A_1784], %swap3A_1787 {strides = array<i32>} : memref<36x128xi32, #tpu.memory_space<vmem>>, vector<1x16xi32>,
    %add3A_1788 = arith.constant 496 : i32
    %add3A_1789 = arith.addi %mul3A_2, %add3A_1788 : i32
    %add3A_1790 = vector.broadcast %add3A_1789 : i32 to vector<16xi32>
    %add3A_1791 = arith.addi %select_n3A_1477, %add3A_1790 : vector<16xi32>
    %swap3A_1792 = arith.constant 31 : i32
    %swap3A_1793 = arith.index_cast %swap3A_1792 : i32 to index
    %swap3A_1794 = arith.constant 64 : index
    %swap3A_1795 = tpu.vector_load %arg12[%swap3A_1793, %swap3A_1794] {strides = array<i32>} : memref<36x128xi32, #tpu.memory_space<vmem>>, vector<1x16xi32>,
    %swap3A_1796 = vector.shape_cast %swap3A_1795 : vector<1x16xi32> to vector<16xi32>
    %swap3A_1797 = vector.shape_cast %add3A_1791 : vector<16xi32> to vector<1x16xi32>
    tpu.vector_store %arg12[%swap3A_1793, %swap3A_1794], %swap3A_1797 {strides = array<i32>} : memref<36x128xi32, #tpu.memory_space<vmem>>, vector<1x16xi32>,
    %add3A_1798 = arith.constant 512 : i32
    %add3A_1799 = arith.addi %mul3A_2, %add3A_1798 : i32
    %add3A_1800 = vector.broadcast %add3A_1799 : i32 to vector<16xi32>
    %add3A_1801 = arith.addi %select_n3A_1477, %add3A_1800 : vector<16xi32>
    %swap3A_1802 = arith.constant 32 : i32
    %swap3A_1803 = arith.index_cast %swap3A_1802 : i32 to index
    %swap3A_1804 = arith.constant 64 : index
    %swap3A_1805 = tpu.vector_load %arg12[%swap3A_1803, %swap3A_1804] {strides = array<i32>} : memref<36x128xi32, #tpu.memory_space<vmem>>, vector<1x16xi32>,
    %swap3A_1806 = vector.shape_cast %swap3A_1805 : vector<1x16xi32> to vector<16xi32>
    %swap3A_1807 = vector.shape_cast %add3A_1801 : vector<16xi32> to vector<1x16xi32>
    tpu.vector_store %arg12[%swap3A_1803, %swap3A_1804], %swap3A_1807 {strides = array<i32>} : memref<36x128xi32, #tpu.memory_space<vmem>>, vector<1x16xi32>,
    %add3A_1808 = arith.constant 528 : i32
    %add3A_1809 = arith.addi %mul3A_2, %add3A_1808 : i32
    %add3A_1810 = vector.broadcast %add3A_1809 : i32 to vector<16xi32>
    %add3A_1811 = arith.addi %select_n3A_1477, %add3A_1810 : vector<16xi32>
    %swap3A_1812 = arith.constant 33 : i32
    %swap3A_1813 = arith.index_cast %swap3A_1812 : i32 to index
    %swap3A_1814 = arith.constant 64 : index
    %swap3A_1815 = tpu.vector_load %arg12[%swap3A_1813, %swap3A_1814] {strides = array<i32>} : memref<36x128xi32, #tpu.memory_space<vmem>>, vector<1x16xi32>,
    %swap3A_1816 = vector.shape_cast %swap3A_1815 : vector<1x16xi32> to vector<16xi32>
    %swap3A_1817 = vector.shape_cast %add3A_1811 : vector<16xi32> to vector<1x16xi32>
    tpu.vector_store %arg12[%swap3A_1813, %swap3A_1814], %swap3A_1817 {strides = array<i32>} : memref<36x128xi32, #tpu.memory_space<vmem>>, vector<1x16xi32>,
    %add3A_1818 = arith.constant 544 : i32
    %add3A_1819 = arith.addi %mul3A_2, %add3A_1818 : i32
    %add3A_1820 = vector.broadcast %add3A_1819 : i32 to vector<16xi32>
    %add3A_1821 = arith.addi %select_n3A_1477, %add3A_1820 : vector<16xi32>
    %swap3A_1822 = arith.constant 34 : i32
    %swap3A_1823 = arith.index_cast %swap3A_1822 : i32 to index
    %swap3A_1824 = arith.constant 64 : index
    %swap3A_1825 = tpu.vector_load %arg12[%swap3A_1823, %swap3A_1824] {strides = array<i32>} : memref<36x128xi32, #tpu.memory_space<vmem>>, vector<1x16xi32>,
    %swap3A_1826 = vector.shape_cast %swap3A_1825 : vector<1x16xi32> to vector<16xi32>
    %swap3A_1827 = vector.shape_cast %add3A_1821 : vector<16xi32> to vector<1x16xi32>
    tpu.vector_store %arg12[%swap3A_1823, %swap3A_1824], %swap3A_1827 {strides = array<i32>} : memref<36x128xi32, #tpu.memory_space<vmem>>, vector<1x16xi32>,
    %add3A_1828 = arith.constant 560 : i32
    %add3A_1829 = arith.addi %mul3A_2, %add3A_1828 : i32
    %add3A_1830 = vector.broadcast %add3A_1829 : i32 to vector<16xi32>
    %add3A_1831 = arith.addi %select_n3A_1477, %add3A_1830 : vector<16xi32>
    %swap3A_1832 = arith.constant 35 : i32
    %swap3A_1833 = arith.index_cast %swap3A_1832 : i32 to index
    %swap3A_1834 = arith.constant 64 : index
    %swap3A_1835 = tpu.vector_load %arg12[%swap3A_1833, %swap3A_1834] {strides = array<i32>} : memref<36x128xi32, #tpu.memory_space<vmem>>, vector<1x16xi32>,
    %swap3A_1836 = vector.shape_cast %swap3A_1835 : vector<1x16xi32> to vector<16xi32>
    %swap3A_1837 = vector.shape_cast %add3A_1831 : vector<16xi32> to vector<1x16xi32>
    tpu.vector_store %arg12[%swap3A_1833, %swap3A_1834], %swap3A_1837 {strides = array<i32>} : memref<36x128xi32, #tpu.memory_space<vmem>>, vector<1x16xi32>,
    %lt3A_1838 = arith.constant 8 : i32
    %lt3A_1839 = vector.broadcast %lt3A_1838 : i32 to vector<16xi32>
    %lt3A_1840 = arith.cmpi slt, %iota3A, %lt3A_1839 : vector<16xi32>
    %jit3A_1841 = arith.constant 10 : i32
    %jit3A_1842 = arith.constant 11 : i32
    %broadcast_in_dim3A_1843 = vector.broadcast %jit3A_1841 : i32 to vector<16xi32>
    %broadcast_in_dim3A_1844 = vector.broadcast %jit3A_1842 : i32 to vector<16xi32>
    %select_n3A_1845 = arith.select %lt3A_1840, %broadcast_in_dim3A_1843, %broadcast_in_dim3A_1844 : vector<16xi1>, vector<16xi32>
    %add3A_1846 = arith.constant 0 : i32
    %add3A_1847 = arith.addi %mul3A_2, %add3A_1846 : i32
    %add3A_1848 = vector.broadcast %add3A_1847 : i32 to vector<16xi32>
    %add3A_1849 = arith.addi %select_n3A_1845, %add3A_1848 : vector<16xi32>
    %swap3A_1850 = arith.constant 0 : i32
    %swap3A_1851 = arith.index_cast %swap3A_1850 : i32 to index
    %swap3A_1852 = arith.constant 80 : index
    %swap3A_1853 = tpu.vector_load %arg12[%swap3A_1851, %swap3A_1852] {strides = array<i32>} : memref<36x128xi32, #tpu.memory_space<vmem>>, vector<1x16xi32>,
    %swap3A_1854 = vector.shape_cast %swap3A_1853 : vector<1x16xi32> to vector<16xi32>
    %swap3A_1855 = vector.shape_cast %add3A_1849 : vector<16xi32> to vector<1x16xi32>
    tpu.vector_store %arg12[%swap3A_1851, %swap3A_1852], %swap3A_1855 {strides = array<i32>} : memref<36x128xi32, #tpu.memory_space<vmem>>, vector<1x16xi32>,
    %add3A_1856 = arith.constant 16 : i32
    %add3A_1857 = arith.addi %mul3A_2, %add3A_1856 : i32
    %add3A_1858 = vector.broadcast %add3A_1857 : i32 to vector<16xi32>
    %add3A_1859 = arith.addi %select_n3A_1845, %add3A_1858 : vector<16xi32>
    %swap3A_1860 = arith.constant 1 : i32
    %swap3A_1861 = arith.index_cast %swap3A_1860 : i32 to index
    %swap3A_1862 = arith.constant 80 : index
    %swap3A_1863 = tpu.vector_load %arg12[%swap3A_1861, %swap3A_1862] {strides = array<i32>} : memref<36x128xi32, #tpu.memory_space<vmem>>, vector<1x16xi32>,
    %swap3A_1864 = vector.shape_cast %swap3A_1863 : vector<1x16xi32> to vector<16xi32>
    %swap3A_1865 = vector.shape_cast %add3A_1859 : vector<16xi32> to vector<1x16xi32>
    tpu.vector_store %arg12[%swap3A_1861, %swap3A_1862], %swap3A_1865 {strides = array<i32>} : memref<36x128xi32, #tpu.memory_space<vmem>>, vector<1x16xi32>,
    %add3A_1866 = arith.constant 32 : i32
    %add3A_1867 = arith.addi %mul3A_2, %add3A_1866 : i32
    %add3A_1868 = vector.broadcast %add3A_1867 : i32 to vector<16xi32>
    %add3A_1869 = arith.addi %select_n3A_1845, %add3A_1868 : vector<16xi32>
    %swap3A_1870 = arith.constant 2 : i32
    %swap3A_1871 = arith.index_cast %swap3A_1870 : i32 to index
    %swap3A_1872 = arith.constant 80 : index
    %swap3A_1873 = tpu.vector_load %arg12[%swap3A_1871, %swap3A_1872] {strides = array<i32>} : memref<36x128xi32, #tpu.memory_space<vmem>>, vector<1x16xi32>,
    %swap3A_1874 = vector.shape_cast %swap3A_1873 : vector<1x16xi32> to vector<16xi32>
    %swap3A_1875 = vector.shape_cast %add3A_1869 : vector<16xi32> to vector<1x16xi32>
    tpu.vector_store %arg12[%swap3A_1871, %swap3A_1872], %swap3A_1875 {strides = array<i32>} : memref<36x128xi32, #tpu.memory_space<vmem>>, vector<1x16xi32>,
    %add3A_1876 = arith.constant 48 : i32
    %add3A_1877 = arith.addi %mul3A_2, %add3A_1876 : i32
    %add3A_1878 = vector.broadcast %add3A_1877 : i32 to vector<16xi32>
    %add3A_1879 = arith.addi %select_n3A_1845, %add3A_1878 : vector<16xi32>
    %swap3A_1880 = arith.constant 3 : i32
    %swap3A_1881 = arith.index_cast %swap3A_1880 : i32 to index
    %swap3A_1882 = arith.constant 80 : index
    %swap3A_1883 = tpu.vector_load %arg12[%swap3A_1881, %swap3A_1882] {strides = array<i32>} : memref<36x128xi32, #tpu.memory_space<vmem>>, vector<1x16xi32>,
    %swap3A_1884 = vector.shape_cast %swap3A_1883 : vector<1x16xi32> to vector<16xi32>
    %swap3A_1885 = vector.shape_cast %add3A_1879 : vector<16xi32> to vector<1x16xi32>
    tpu.vector_store %arg12[%swap3A_1881, %swap3A_1882], %swap3A_1885 {strides = array<i32>} : memref<36x128xi32, #tpu.memory_space<vmem>>, vector<1x16xi32>,
    %add3A_1886 = arith.constant 64 : i32
    %add3A_1887 = arith.addi %mul3A_2, %add3A_1886 : i32
    %add3A_1888 = vector.broadcast %add3A_1887 : i32 to vector<16xi32>
    %add3A_1889 = arith.addi %select_n3A_1845, %add3A_1888 : vector<16xi32>
    %swap3A_1890 = arith.constant 4 : i32
    %swap3A_1891 = arith.index_cast %swap3A_1890 : i32 to index
    %swap3A_1892 = arith.constant 80 : index
    %swap3A_1893 = tpu.vector_load %arg12[%swap3A_1891, %swap3A_1892] {strides = array<i32>} : memref<36x128xi32, #tpu.memory_space<vmem>>, vector<1x16xi32>,
    %swap3A_1894 = vector.shape_cast %swap3A_1893 : vector<1x16xi32> to vector<16xi32>
    %swap3A_1895 = vector.shape_cast %add3A_1889 : vector<16xi32> to vector<1x16xi32>
    tpu.vector_store %arg12[%swap3A_1891, %swap3A_1892], %swap3A_1895 {strides = array<i32>} : memref<36x128xi32, #tpu.memory_space<vmem>>, vector<1x16xi32>,
    %add3A_1896 = arith.constant 80 : i32
    %add3A_1897 = arith.addi %mul3A_2, %add3A_1896 : i32
    %add3A_1898 = vector.broadcast %add3A_1897 : i32 to vector<16xi32>
    %add3A_1899 = arith.addi %select_n3A_1845, %add3A_1898 : vector<16xi32>
    %swap3A_1900 = arith.constant 5 : i32
    %swap3A_1901 = arith.index_cast %swap3A_1900 : i32 to index
    %swap3A_1902 = arith.constant 80 : index
    %swap3A_1903 = tpu.vector_load %arg12[%swap3A_1901, %swap3A_1902] {strides = array<i32>} : memref<36x128xi32, #tpu.memory_space<vmem>>, vector<1x16xi32>,
    %swap3A_1904 = vector.shape_cast %swap3A_1903 : vector<1x16xi32> to vector<16xi32>
    %swap3A_1905 = vector.shape_cast %add3A_1899 : vector<16xi32> to vector<1x16xi32>
    tpu.vector_store %arg12[%swap3A_1901, %swap3A_1902], %swap3A_1905 {strides = array<i32>} : memref<36x128xi32, #tpu.memory_space<vmem>>, vector<1x16xi32>,
    %add3A_1906 = arith.constant 96 : i32
    %add3A_1907 = arith.addi %mul3A_2, %add3A_1906 : i32
    %add3A_1908 = vector.broadcast %add3A_1907 : i32 to vector<16xi32>
    %add3A_1909 = arith.addi %select_n3A_1845, %add3A_1908 : vector<16xi32>
    %swap3A_1910 = arith.constant 6 : i32
    %swap3A_1911 = arith.index_cast %swap3A_1910 : i32 to index
    %swap3A_1912 = arith.constant 80 : index
    %swap3A_1913 = tpu.vector_load %arg12[%swap3A_1911, %swap3A_1912] {strides = array<i32>} : memref<36x128xi32, #tpu.memory_space<vmem>>, vector<1x16xi32>,
    %swap3A_1914 = vector.shape_cast %swap3A_1913 : vector<1x16xi32> to vector<16xi32>
    %swap3A_1915 = vector.shape_cast %add3A_1909 : vector<16xi32> to vector<1x16xi32>
    tpu.vector_store %arg12[%swap3A_1911, %swap3A_1912], %swap3A_1915 {strides = array<i32>} : memref<36x128xi32, #tpu.memory_space<vmem>>, vector<1x16xi32>,
    %add3A_1916 = arith.constant 112 : i32
    %add3A_1917 = arith.addi %mul3A_2, %add3A_1916 : i32
    %add3A_1918 = vector.broadcast %add3A_1917 : i32 to vector<16xi32>
    %add3A_1919 = arith.addi %select_n3A_1845, %add3A_1918 : vector<16xi32>
    %swap3A_1920 = arith.constant 7 : i32
    %swap3A_1921 = arith.index_cast %swap3A_1920 : i32 to index
    %swap3A_1922 = arith.constant 80 : index
    %swap3A_1923 = tpu.vector_load %arg12[%swap3A_1921, %swap3A_1922] {strides = array<i32>} : memref<36x128xi32, #tpu.memory_space<vmem>>, vector<1x16xi32>,
    %swap3A_1924 = vector.shape_cast %swap3A_1923 : vector<1x16xi32> to vector<16xi32>
    %swap3A_1925 = vector.shape_cast %add3A_1919 : vector<16xi32> to vector<1x16xi32>
    tpu.vector_store %arg12[%swap3A_1921, %swap3A_1922], %swap3A_1925 {strides = array<i32>} : memref<36x128xi32, #tpu.memory_space<vmem>>, vector<1x16xi32>,
    %add3A_1926 = arith.constant 128 : i32
    %add3A_1927 = arith.addi %mul3A_2, %add3A_1926 : i32
    %add3A_1928 = vector.broadcast %add3A_1927 : i32 to vector<16xi32>
    %add3A_1929 = arith.addi %select_n3A_1845, %add3A_1928 : vector<16xi32>
    %swap3A_1930 = arith.constant 8 : i32
    %swap3A_1931 = arith.index_cast %swap3A_1930 : i32 to index
    %swap3A_1932 = arith.constant 80 : index
    %swap3A_1933 = tpu.vector_load %arg12[%swap3A_1931, %swap3A_1932] {strides = array<i32>} : memref<36x128xi32, #tpu.memory_space<vmem>>, vector<1x16xi32>,
    %swap3A_1934 = vector.shape_cast %swap3A_1933 : vector<1x16xi32> to vector<16xi32>
    %swap3A_1935 = vector.shape_cast %add3A_1929 : vector<16xi32> to vector<1x16xi32>
    tpu.vector_store %arg12[%swap3A_1931, %swap3A_1932], %swap3A_1935 {strides = array<i32>} : memref<36x128xi32, #tpu.memory_space<vmem>>, vector<1x16xi32>,
    %add3A_1936 = arith.constant 144 : i32
    %add3A_1937 = arith.addi %mul3A_2, %add3A_1936 : i32
    %add3A_1938 = vector.broadcast %add3A_1937 : i32 to vector<16xi32>
    %add3A_1939 = arith.addi %select_n3A_1845, %add3A_1938 : vector<16xi32>
    %swap3A_1940 = arith.constant 9 : i32
    %swap3A_1941 = arith.index_cast %swap3A_1940 : i32 to index
    %swap3A_1942 = arith.constant 80 : index
    %swap3A_1943 = tpu.vector_load %arg12[%swap3A_1941, %swap3A_1942] {strides = array<i32>} : memref<36x128xi32, #tpu.memory_space<vmem>>, vector<1x16xi32>,
    %swap3A_1944 = vector.shape_cast %swap3A_1943 : vector<1x16xi32> to vector<16xi32>
    %swap3A_1945 = vector.shape_cast %add3A_1939 : vector<16xi32> to vector<1x16xi32>
    tpu.vector_store %arg12[%swap3A_1941, %swap3A_1942], %swap3A_1945 {strides = array<i32>} : memref<36x128xi32, #tpu.memory_space<vmem>>, vector<1x16xi32>,
    %add3A_1946 = arith.constant 160 : i32
    %add3A_1947 = arith.addi %mul3A_2, %add3A_1946 : i32
    %add3A_1948 = vector.broadcast %add3A_1947 : i32 to vector<16xi32>
    %add3A_1949 = arith.addi %select_n3A_1845, %add3A_1948 : vector<16xi32>
    %swap3A_1950 = arith.constant 10 : i32
    %swap3A_1951 = arith.index_cast %swap3A_1950 : i32 to index
    %swap3A_1952 = arith.constant 80 : index
    %swap3A_1953 = tpu.vector_load %arg12[%swap3A_1951, %swap3A_1952] {strides = array<i32>} : memref<36x128xi32, #tpu.memory_space<vmem>>, vector<1x16xi32>,
    %swap3A_1954 = vector.shape_cast %swap3A_1953 : vector<1x16xi32> to vector<16xi32>
    %swap3A_1955 = vector.shape_cast %add3A_1949 : vector<16xi32> to vector<1x16xi32>
    tpu.vector_store %arg12[%swap3A_1951, %swap3A_1952], %swap3A_1955 {strides = array<i32>} : memref<36x128xi32, #tpu.memory_space<vmem>>, vector<1x16xi32>,
    %add3A_1956 = arith.constant 176 : i32
    %add3A_1957 = arith.addi %mul3A_2, %add3A_1956 : i32
    %add3A_1958 = vector.broadcast %add3A_1957 : i32 to vector<16xi32>
    %add3A_1959 = arith.addi %select_n3A_1845, %add3A_1958 : vector<16xi32>
    %swap3A_1960 = arith.constant 11 : i32
    %swap3A_1961 = arith.index_cast %swap3A_1960 : i32 to index
    %swap3A_1962 = arith.constant 80 : index
    %swap3A_1963 = tpu.vector_load %arg12[%swap3A_1961, %swap3A_1962] {strides = array<i32>} : memref<36x128xi32, #tpu.memory_space<vmem>>, vector<1x16xi32>,
    %swap3A_1964 = vector.shape_cast %swap3A_1963 : vector<1x16xi32> to vector<16xi32>
    %swap3A_1965 = vector.shape_cast %add3A_1959 : vector<16xi32> to vector<1x16xi32>
    tpu.vector_store %arg12[%swap3A_1961, %swap3A_1962], %swap3A_1965 {strides = array<i32>} : memref<36x128xi32, #tpu.memory_space<vmem>>, vector<1x16xi32>,
    %add3A_1966 = arith.constant 192 : i32
    %add3A_1967 = arith.addi %mul3A_2, %add3A_1966 : i32
    %add3A_1968 = vector.broadcast %add3A_1967 : i32 to vector<16xi32>
    %add3A_1969 = arith.addi %select_n3A_1845, %add3A_1968 : vector<16xi32>
    %swap3A_1970 = arith.constant 12 : i32
    %swap3A_1971 = arith.index_cast %swap3A_1970 : i32 to index
    %swap3A_1972 = arith.constant 80 : index
    %swap3A_1973 = tpu.vector_load %arg12[%swap3A_1971, %swap3A_1972] {strides = array<i32>} : memref<36x128xi32, #tpu.memory_space<vmem>>, vector<1x16xi32>,
    %swap3A_1974 = vector.shape_cast %swap3A_1973 : vector<1x16xi32> to vector<16xi32>
    %swap3A_1975 = vector.shape_cast %add3A_1969 : vector<16xi32> to vector<1x16xi32>
    tpu.vector_store %arg12[%swap3A_1971, %swap3A_1972], %swap3A_1975 {strides = array<i32>} : memref<36x128xi32, #tpu.memory_space<vmem>>, vector<1x16xi32>,
    %add3A_1976 = arith.constant 208 : i32
    %add3A_1977 = arith.addi %mul3A_2, %add3A_1976 : i32
    %add3A_1978 = vector.broadcast %add3A_1977 : i32 to vector<16xi32>
    %add3A_1979 = arith.addi %select_n3A_1845, %add3A_1978 : vector<16xi32>
    %swap3A_1980 = arith.constant 13 : i32
    %swap3A_1981 = arith.index_cast %swap3A_1980 : i32 to index
    %swap3A_1982 = arith.constant 80 : index
    %swap3A_1983 = tpu.vector_load %arg12[%swap3A_1981, %swap3A_1982] {strides = array<i32>} : memref<36x128xi32, #tpu.memory_space<vmem>>, vector<1x16xi32>,
    %swap3A_1984 = vector.shape_cast %swap3A_1983 : vector<1x16xi32> to vector<16xi32>
    %swap3A_1985 = vector.shape_cast %add3A_1979 : vector<16xi32> to vector<1x16xi32>
    tpu.vector_store %arg12[%swap3A_1981, %swap3A_1982], %swap3A_1985 {strides = array<i32>} : memref<36x128xi32, #tpu.memory_space<vmem>>, vector<1x16xi32>,
    %add3A_1986 = arith.constant 224 : i32
    %add3A_1987 = arith.addi %mul3A_2, %add3A_1986 : i32
    %add3A_1988 = vector.broadcast %add3A_1987 : i32 to vector<16xi32>
    %add3A_1989 = arith.addi %select_n3A_1845, %add3A_1988 : vector<16xi32>
    %swap3A_1990 = arith.constant 14 : i32
    %swap3A_1991 = arith.index_cast %swap3A_1990 : i32 to index
    %swap3A_1992 = arith.constant 80 : index
    %swap3A_1993 = tpu.vector_load %arg12[%swap3A_1991, %swap3A_1992] {strides = array<i32>} : memref<36x128xi32, #tpu.memory_space<vmem>>, vector<1x16xi32>,
    %swap3A_1994 = vector.shape_cast %swap3A_1993 : vector<1x16xi32> to vector<16xi32>
    %swap3A_1995 = vector.shape_cast %add3A_1989 : vector<16xi32> to vector<1x16xi32>
    tpu.vector_store %arg12[%swap3A_1991, %swap3A_1992], %swap3A_1995 {strides = array<i32>} : memref<36x128xi32, #tpu.memory_space<vmem>>, vector<1x16xi32>,
    %add3A_1996 = arith.constant 240 : i32
    %add3A_1997 = arith.addi %mul3A_2, %add3A_1996 : i32
    %add3A_1998 = vector.broadcast %add3A_1997 : i32 to vector<16xi32>
    %add3A_1999 = arith.addi %select_n3A_1845, %add3A_1998 : vector<16xi32>
    %swap3A_2000 = arith.constant 15 : i32
    %swap3A_2001 = arith.index_cast %swap3A_2000 : i32 to index
    %swap3A_2002 = arith.constant 80 : index
    %swap3A_2003 = tpu.vector_load %arg12[%swap3A_2001, %swap3A_2002] {strides = array<i32>} : memref<36x128xi32, #tpu.memory_space<vmem>>, vector<1x16xi32>,
    %swap3A_2004 = vector.shape_cast %swap3A_2003 : vector<1x16xi32> to vector<16xi32>
    %swap3A_2005 = vector.shape_cast %add3A_1999 : vector<16xi32> to vector<1x16xi32>
    tpu.vector_store %arg12[%swap3A_2001, %swap3A_2002], %swap3A_2005 {strides = array<i32>} : memref<36x128xi32, #tpu.memory_space<vmem>>, vector<1x16xi32>,
    %add3A_2006 = arith.constant 256 : i32
    %add3A_2007 = arith.addi %mul3A_2, %add3A_2006 : i32
    %add3A_2008 = vector.broadcast %add3A_2007 : i32 to vector<16xi32>
    %add3A_2009 = arith.addi %select_n3A_1845, %add3A_2008 : vector<16xi32>
    %swap3A_2010 = arith.constant 16 : i32
    %swap3A_2011 = arith.index_cast %swap3A_2010 : i32 to index
    %swap3A_2012 = arith.constant 80 : index
    %swap3A_2013 = tpu.vector_load %arg12[%swap3A_2011, %swap3A_2012] {strides = array<i32>} : memref<36x128xi32, #tpu.memory_space<vmem>>, vector<1x16xi32>,
    %swap3A_2014 = vector.shape_cast %swap3A_2013 : vector<1x16xi32> to vector<16xi32>
    %swap3A_2015 = vector.shape_cast %add3A_2009 : vector<16xi32> to vector<1x16xi32>
    tpu.vector_store %arg12[%swap3A_2011, %swap3A_2012], %swap3A_2015 {strides = array<i32>} : memref<36x128xi32, #tpu.memory_space<vmem>>, vector<1x16xi32>,
    %add3A_2016 = arith.constant 272 : i32
    %add3A_2017 = arith.addi %mul3A_2, %add3A_2016 : i32
    %add3A_2018 = vector.broadcast %add3A_2017 : i32 to vector<16xi32>
    %add3A_2019 = arith.addi %select_n3A_1845, %add3A_2018 : vector<16xi32>
    %swap3A_2020 = arith.constant 17 : i32
    %swap3A_2021 = arith.index_cast %swap3A_2020 : i32 to index
    %swap3A_2022 = arith.constant 80 : index
    %swap3A_2023 = tpu.vector_load %arg12[%swap3A_2021, %swap3A_2022] {strides = array<i32>} : memref<36x128xi32, #tpu.memory_space<vmem>>, vector<1x16xi32>,
    %swap3A_2024 = vector.shape_cast %swap3A_2023 : vector<1x16xi32> to vector<16xi32>
    %swap3A_2025 = vector.shape_cast %add3A_2019 : vector<16xi32> to vector<1x16xi32>
    tpu.vector_store %arg12[%swap3A_2021, %swap3A_2022], %swap3A_2025 {strides = array<i32>} : memref<36x128xi32, #tpu.memory_space<vmem>>, vector<1x16xi32>,
    %add3A_2026 = arith.constant 288 : i32
    %add3A_2027 = arith.addi %mul3A_2, %add3A_2026 : i32
    %add3A_2028 = vector.broadcast %add3A_2027 : i32 to vector<16xi32>
    %add3A_2029 = arith.addi %select_n3A_1845, %add3A_2028 : vector<16xi32>
    %swap3A_2030 = arith.constant 18 : i32
    %swap3A_2031 = arith.index_cast %swap3A_2030 : i32 to index
    %swap3A_2032 = arith.constant 80 : index
    %swap3A_2033 = tpu.vector_load %arg12[%swap3A_2031, %swap3A_2032] {strides = array<i32>} : memref<36x128xi32, #tpu.memory_space<vmem>>, vector<1x16xi32>,
    %swap3A_2034 = vector.shape_cast %swap3A_2033 : vector<1x16xi32> to vector<16xi32>
    %swap3A_2035 = vector.shape_cast %add3A_2029 : vector<16xi32> to vector<1x16xi32>
    tpu.vector_store %arg12[%swap3A_2031, %swap3A_2032], %swap3A_2035 {strides = array<i32>} : memref<36x128xi32, #tpu.memory_space<vmem>>, vector<1x16xi32>,
    %add3A_2036 = arith.constant 304 : i32
    %add3A_2037 = arith.addi %mul3A_2, %add3A_2036 : i32
    %add3A_2038 = vector.broadcast %add3A_2037 : i32 to vector<16xi32>
    %add3A_2039 = arith.addi %select_n3A_1845, %add3A_2038 : vector<16xi32>
    %swap3A_2040 = arith.constant 19 : i32
    %swap3A_2041 = arith.index_cast %swap3A_2040 : i32 to index
    %swap3A_2042 = arith.constant 80 : index
    %swap3A_2043 = tpu.vector_load %arg12[%swap3A_2041, %swap3A_2042] {strides = array<i32>} : memref<36x128xi32, #tpu.memory_space<vmem>>, vector<1x16xi32>,
    %swap3A_2044 = vector.shape_cast %swap3A_2043 : vector<1x16xi32> to vector<16xi32>
    %swap3A_2045 = vector.shape_cast %add3A_2039 : vector<16xi32> to vector<1x16xi32>
    tpu.vector_store %arg12[%swap3A_2041, %swap3A_2042], %swap3A_2045 {strides = array<i32>} : memref<36x128xi32, #tpu.memory_space<vmem>>, vector<1x16xi32>,
    %add3A_2046 = arith.constant 320 : i32
    %add3A_2047 = arith.addi %mul3A_2, %add3A_2046 : i32
    %add3A_2048 = vector.broadcast %add3A_2047 : i32 to vector<16xi32>
    %add3A_2049 = arith.addi %select_n3A_1845, %add3A_2048 : vector<16xi32>
    %swap3A_2050 = arith.constant 20 : i32
    %swap3A_2051 = arith.index_cast %swap3A_2050 : i32 to index
    %swap3A_2052 = arith.constant 80 : index
    %swap3A_2053 = tpu.vector_load %arg12[%swap3A_2051, %swap3A_2052] {strides = array<i32>} : memref<36x128xi32, #tpu.memory_space<vmem>>, vector<1x16xi32>,
    %swap3A_2054 = vector.shape_cast %swap3A_2053 : vector<1x16xi32> to vector<16xi32>
    %swap3A_2055 = vector.shape_cast %add3A_2049 : vector<16xi32> to vector<1x16xi32>
    tpu.vector_store %arg12[%swap3A_2051, %swap3A_2052], %swap3A_2055 {strides = array<i32>} : memref<36x128xi32, #tpu.memory_space<vmem>>, vector<1x16xi32>,
    %add3A_2056 = arith.constant 336 : i32
    %add3A_2057 = arith.addi %mul3A_2, %add3A_2056 : i32
    %add3A_2058 = vector.broadcast %add3A_2057 : i32 to vector<16xi32>
    %add3A_2059 = arith.addi %select_n3A_1845, %add3A_2058 : vector<16xi32>
    %swap3A_2060 = arith.constant 21 : i32
    %swap3A_2061 = arith.index_cast %swap3A_2060 : i32 to index
    %swap3A_2062 = arith.constant 80 : index
    %swap3A_2063 = tpu.vector_load %arg12[%swap3A_2061, %swap3A_2062] {strides = array<i32>} : memref<36x128xi32, #tpu.memory_space<vmem>>, vector<1x16xi32>,
    %swap3A_2064 = vector.shape_cast %swap3A_2063 : vector<1x16xi32> to vector<16xi32>
    %swap3A_2065 = vector.shape_cast %add3A_2059 : vector<16xi32> to vector<1x16xi32>
    tpu.vector_store %arg12[%swap3A_2061, %swap3A_2062], %swap3A_2065 {strides = array<i32>} : memref<36x128xi32, #tpu.memory_space<vmem>>, vector<1x16xi32>,
    %add3A_2066 = arith.constant 352 : i32
    %add3A_2067 = arith.addi %mul3A_2, %add3A_2066 : i32
    %add3A_2068 = vector.broadcast %add3A_2067 : i32 to vector<16xi32>
    %add3A_2069 = arith.addi %select_n3A_1845, %add3A_2068 : vector<16xi32>
    %swap3A_2070 = arith.constant 22 : i32
    %swap3A_2071 = arith.index_cast %swap3A_2070 : i32 to index
    %swap3A_2072 = arith.constant 80 : index
    %swap3A_2073 = tpu.vector_load %arg12[%swap3A_2071, %swap3A_2072] {strides = array<i32>} : memref<36x128xi32, #tpu.memory_space<vmem>>, vector<1x16xi32>,
    %swap3A_2074 = vector.shape_cast %swap3A_2073 : vector<1x16xi32> to vector<16xi32>
    %swap3A_2075 = vector.shape_cast %add3A_2069 : vector<16xi32> to vector<1x16xi32>
    tpu.vector_store %arg12[%swap3A_2071, %swap3A_2072], %swap3A_2075 {strides = array<i32>} : memref<36x128xi32, #tpu.memory_space<vmem>>, vector<1x16xi32>,
    %add3A_2076 = arith.constant 368 : i32
    %add3A_2077 = arith.addi %mul3A_2, %add3A_2076 : i32
    %add3A_2078 = vector.broadcast %add3A_2077 : i32 to vector<16xi32>
    %add3A_2079 = arith.addi %select_n3A_1845, %add3A_2078 : vector<16xi32>
    %swap3A_2080 = arith.constant 23 : i32
    %swap3A_2081 = arith.index_cast %swap3A_2080 : i32 to index
    %swap3A_2082 = arith.constant 80 : index
    %swap3A_2083 = tpu.vector_load %arg12[%swap3A_2081, %swap3A_2082] {strides = array<i32>} : memref<36x128xi32, #tpu.memory_space<vmem>>, vector<1x16xi32>,
    %swap3A_2084 = vector.shape_cast %swap3A_2083 : vector<1x16xi32> to vector<16xi32>
    %swap3A_2085 = vector.shape_cast %add3A_2079 : vector<16xi32> to vector<1x16xi32>
    tpu.vector_store %arg12[%swap3A_2081, %swap3A_2082], %swap3A_2085 {strides = array<i32>} : memref<36x128xi32, #tpu.memory_space<vmem>>, vector<1x16xi32>,
    %add3A_2086 = arith.constant 384 : i32
    %add3A_2087 = arith.addi %mul3A_2, %add3A_2086 : i32
    %add3A_2088 = vector.broadcast %add3A_2087 : i32 to vector<16xi32>
    %add3A_2089 = arith.addi %select_n3A_1845, %add3A_2088 : vector<16xi32>
    %swap3A_2090 = arith.constant 24 : i32
    %swap3A_2091 = arith.index_cast %swap3A_2090 : i32 to index
    %swap3A_2092 = arith.constant 80 : index
    %swap3A_2093 = tpu.vector_load %arg12[%swap3A_2091, %swap3A_2092] {strides = array<i32>} : memref<36x128xi32, #tpu.memory_space<vmem>>, vector<1x16xi32>,
    %swap3A_2094 = vector.shape_cast %swap3A_2093 : vector<1x16xi32> to vector<16xi32>
    %swap3A_2095 = vector.shape_cast %add3A_2089 : vector<16xi32> to vector<1x16xi32>
    tpu.vector_store %arg12[%swap3A_2091, %swap3A_2092], %swap3A_2095 {strides = array<i32>} : memref<36x128xi32, #tpu.memory_space<vmem>>, vector<1x16xi32>,
    %add3A_2096 = arith.constant 400 : i32
    %add3A_2097 = arith.addi %mul3A_2, %add3A_2096 : i32
    %add3A_2098 = vector.broadcast %add3A_2097 : i32 to vector<16xi32>
    %add3A_2099 = arith.addi %select_n3A_1845, %add3A_2098 : vector<16xi32>
    %swap3A_2100 = arith.constant 25 : i32
    %swap3A_2101 = arith.index_cast %swap3A_2100 : i32 to index
    %swap3A_2102 = arith.constant 80 : index
    %swap3A_2103 = tpu.vector_load %arg12[%swap3A_2101, %swap3A_2102] {strides = array<i32>} : memref<36x128xi32, #tpu.memory_space<vmem>>, vector<1x16xi32>,
    %swap3A_2104 = vector.shape_cast %swap3A_2103 : vector<1x16xi32> to vector<16xi32>
    %swap3A_2105 = vector.shape_cast %add3A_2099 : vector<16xi32> to vector<1x16xi32>
    tpu.vector_store %arg12[%swap3A_2101, %swap3A_2102], %swap3A_2105 {strides = array<i32>} : memref<36x128xi32, #tpu.memory_space<vmem>>, vector<1x16xi32>,
    %add3A_2106 = arith.constant 416 : i32
    %add3A_2107 = arith.addi %mul3A_2, %add3A_2106 : i32
    %add3A_2108 = vector.broadcast %add3A_2107 : i32 to vector<16xi32>
    %add3A_2109 = arith.addi %select_n3A_1845, %add3A_2108 : vector<16xi32>
    %swap3A_2110 = arith.constant 26 : i32
    %swap3A_2111 = arith.index_cast %swap3A_2110 : i32 to index
    %swap3A_2112 = arith.constant 80 : index
    %swap3A_2113 = tpu.vector_load %arg12[%swap3A_2111, %swap3A_2112] {strides = array<i32>} : memref<36x128xi32, #tpu.memory_space<vmem>>, vector<1x16xi32>,
    %swap3A_2114 = vector.shape_cast %swap3A_2113 : vector<1x16xi32> to vector<16xi32>
    %swap3A_2115 = vector.shape_cast %add3A_2109 : vector<16xi32> to vector<1x16xi32>
    tpu.vector_store %arg12[%swap3A_2111, %swap3A_2112], %swap3A_2115 {strides = array<i32>} : memref<36x128xi32, #tpu.memory_space<vmem>>, vector<1x16xi32>,
    %add3A_2116 = arith.constant 432 : i32
    %add3A_2117 = arith.addi %mul3A_2, %add3A_2116 : i32
    %add3A_2118 = vector.broadcast %add3A_2117 : i32 to vector<16xi32>
    %add3A_2119 = arith.addi %select_n3A_1845, %add3A_2118 : vector<16xi32>
    %swap3A_2120 = arith.constant 27 : i32
    %swap3A_2121 = arith.index_cast %swap3A_2120 : i32 to index
    %swap3A_2122 = arith.constant 80 : index
    %swap3A_2123 = tpu.vector_load %arg12[%swap3A_2121, %swap3A_2122] {strides = array<i32>} : memref<36x128xi32, #tpu.memory_space<vmem>>, vector<1x16xi32>,
    %swap3A_2124 = vector.shape_cast %swap3A_2123 : vector<1x16xi32> to vector<16xi32>
    %swap3A_2125 = vector.shape_cast %add3A_2119 : vector<16xi32> to vector<1x16xi32>
    tpu.vector_store %arg12[%swap3A_2121, %swap3A_2122], %swap3A_2125 {strides = array<i32>} : memref<36x128xi32, #tpu.memory_space<vmem>>, vector<1x16xi32>,
    %add3A_2126 = arith.constant 448 : i32
    %add3A_2127 = arith.addi %mul3A_2, %add3A_2126 : i32
    %add3A_2128 = vector.broadcast %add3A_2127 : i32 to vector<16xi32>
    %add3A_2129 = arith.addi %select_n3A_1845, %add3A_2128 : vector<16xi32>
    %swap3A_2130 = arith.constant 28 : i32
    %swap3A_2131 = arith.index_cast %swap3A_2130 : i32 to index
    %swap3A_2132 = arith.constant 80 : index
    %swap3A_2133 = tpu.vector_load %arg12[%swap3A_2131, %swap3A_2132] {strides = array<i32>} : memref<36x128xi32, #tpu.memory_space<vmem>>, vector<1x16xi32>,
    %swap3A_2134 = vector.shape_cast %swap3A_2133 : vector<1x16xi32> to vector<16xi32>
    %swap3A_2135 = vector.shape_cast %add3A_2129 : vector<16xi32> to vector<1x16xi32>
    tpu.vector_store %arg12[%swap3A_2131, %swap3A_2132], %swap3A_2135 {strides = array<i32>} : memref<36x128xi32, #tpu.memory_space<vmem>>, vector<1x16xi32>,
    %add3A_2136 = arith.constant 464 : i32
    %add3A_2137 = arith.addi %mul3A_2, %add3A_2136 : i32
    %add3A_2138 = vector.broadcast %add3A_2137 : i32 to vector<16xi32>
    %add3A_2139 = arith.addi %select_n3A_1845, %add3A_2138 : vector<16xi32>
    %swap3A_2140 = arith.constant 29 : i32
    %swap3A_2141 = arith.index_cast %swap3A_2140 : i32 to index
    %swap3A_2142 = arith.constant 80 : index
    %swap3A_2143 = tpu.vector_load %arg12[%swap3A_2141, %swap3A_2142] {strides = array<i32>} : memref<36x128xi32, #tpu.memory_space<vmem>>, vector<1x16xi32>,
    %swap3A_2144 = vector.shape_cast %swap3A_2143 : vector<1x16xi32> to vector<16xi32>
    %swap3A_2145 = vector.shape_cast %add3A_2139 : vector<16xi32> to vector<1x16xi32>
    tpu.vector_store %arg12[%swap3A_2141, %swap3A_2142], %swap3A_2145 {strides = array<i32>} : memref<36x128xi32, #tpu.memory_space<vmem>>, vector<1x16xi32>,
    %add3A_2146 = arith.constant 480 : i32
    %add3A_2147 = arith.addi %mul3A_2, %add3A_2146 : i32
    %add3A_2148 = vector.broadcast %add3A_2147 : i32 to vector<16xi32>
    %add3A_2149 = arith.addi %select_n3A_1845, %add3A_2148 : vector<16xi32>
    %swap3A_2150 = arith.constant 30 : i32
    %swap3A_2151 = arith.index_cast %swap3A_2150 : i32 to index
    %swap3A_2152 = arith.constant 80 : index
    %swap3A_2153 = tpu.vector_load %arg12[%swap3A_2151, %swap3A_2152] {strides = array<i32>} : memref<36x128xi32, #tpu.memory_space<vmem>>, vector<1x16xi32>,
    %swap3A_2154 = vector.shape_cast %swap3A_2153 : vector<1x16xi32> to vector<16xi32>
    %swap3A_2155 = vector.shape_cast %add3A_2149 : vector<16xi32> to vector<1x16xi32>
    tpu.vector_store %arg12[%swap3A_2151, %swap3A_2152], %swap3A_2155 {strides = array<i32>} : memref<36x128xi32, #tpu.memory_space<vmem>>, vector<1x16xi32>,
    %add3A_2156 = arith.constant 496 : i32
    %add3A_2157 = arith.addi %mul3A_2, %add3A_2156 : i32
    %add3A_2158 = vector.broadcast %add3A_2157 : i32 to vector<16xi32>
    %add3A_2159 = arith.addi %select_n3A_1845, %add3A_2158 : vector<16xi32>
    %swap3A_2160 = arith.constant 31 : i32
    %swap3A_2161 = arith.index_cast %swap3A_2160 : i32 to index
    %swap3A_2162 = arith.constant 80 : index
    %swap3A_2163 = tpu.vector_load %arg12[%swap3A_2161, %swap3A_2162] {strides = array<i32>} : memref<36x128xi32, #tpu.memory_space<vmem>>, vector<1x16xi32>,
    %swap3A_2164 = vector.shape_cast %swap3A_2163 : vector<1x16xi32> to vector<16xi32>
    %swap3A_2165 = vector.shape_cast %add3A_2159 : vector<16xi32> to vector<1x16xi32>
    tpu.vector_store %arg12[%swap3A_2161, %swap3A_2162], %swap3A_2165 {strides = array<i32>} : memref<36x128xi32, #tpu.memory_space<vmem>>, vector<1x16xi32>,
    %add3A_2166 = arith.constant 512 : i32
    %add3A_2167 = arith.addi %mul3A_2, %add3A_2166 : i32
    %add3A_2168 = vector.broadcast %add3A_2167 : i32 to vector<16xi32>
    %add3A_2169 = arith.addi %select_n3A_1845, %add3A_2168 : vector<16xi32>
    %swap3A_2170 = arith.constant 32 : i32
    %swap3A_2171 = arith.index_cast %swap3A_2170 : i32 to index
    %swap3A_2172 = arith.constant 80 : index
    %swap3A_2173 = tpu.vector_load %arg12[%swap3A_2171, %swap3A_2172] {strides = array<i32>} : memref<36x128xi32, #tpu.memory_space<vmem>>, vector<1x16xi32>,
    %swap3A_2174 = vector.shape_cast %swap3A_2173 : vector<1x16xi32> to vector<16xi32>
    %swap3A_2175 = vector.shape_cast %add3A_2169 : vector<16xi32> to vector<1x16xi32>
    tpu.vector_store %arg12[%swap3A_2171, %swap3A_2172], %swap3A_2175 {strides = array<i32>} : memref<36x128xi32, #tpu.memory_space<vmem>>, vector<1x16xi32>,
    %add3A_2176 = arith.constant 528 : i32
    %add3A_2177 = arith.addi %mul3A_2, %add3A_2176 : i32
    %add3A_2178 = vector.broadcast %add3A_2177 : i32 to vector<16xi32>
    %add3A_2179 = arith.addi %select_n3A_1845, %add3A_2178 : vector<16xi32>
    %swap3A_2180 = arith.constant 33 : i32
    %swap3A_2181 = arith.index_cast %swap3A_2180 : i32 to index
    %swap3A_2182 = arith.constant 80 : index
    %swap3A_2183 = tpu.vector_load %arg12[%swap3A_2181, %swap3A_2182] {strides = array<i32>} : memref<36x128xi32, #tpu.memory_space<vmem>>, vector<1x16xi32>,
    %swap3A_2184 = vector.shape_cast %swap3A_2183 : vector<1x16xi32> to vector<16xi32>
    %swap3A_2185 = vector.shape_cast %add3A_2179 : vector<16xi32> to vector<1x16xi32>
    tpu.vector_store %arg12[%swap3A_2181, %swap3A_2182], %swap3A_2185 {strides = array<i32>} : memref<36x128xi32, #tpu.memory_space<vmem>>, vector<1x16xi32>,
    %add3A_2186 = arith.constant 544 : i32
    %add3A_2187 = arith.addi %mul3A_2, %add3A_2186 : i32
    %add3A_2188 = vector.broadcast %add3A_2187 : i32 to vector<16xi32>
    %add3A_2189 = arith.addi %select_n3A_1845, %add3A_2188 : vector<16xi32>
    %swap3A_2190 = arith.constant 34 : i32
    %swap3A_2191 = arith.index_cast %swap3A_2190 : i32 to index
    %swap3A_2192 = arith.constant 80 : index
    %swap3A_2193 = tpu.vector_load %arg12[%swap3A_2191, %swap3A_2192] {strides = array<i32>} : memref<36x128xi32, #tpu.memory_space<vmem>>, vector<1x16xi32>,
    %swap3A_2194 = vector.shape_cast %swap3A_2193 : vector<1x16xi32> to vector<16xi32>
    %swap3A_2195 = vector.shape_cast %add3A_2189 : vector<16xi32> to vector<1x16xi32>
    tpu.vector_store %arg12[%swap3A_2191, %swap3A_2192], %swap3A_2195 {strides = array<i32>} : memref<36x128xi32, #tpu.memory_space<vmem>>, vector<1x16xi32>,
    %add3A_2196 = arith.constant 560 : i32
    %add3A_2197 = arith.addi %mul3A_2, %add3A_2196 : i32
    %add3A_2198 = vector.broadcast %add3A_2197 : i32 to vector<16xi32>
    %add3A_2199 = arith.addi %select_n3A_1845, %add3A_2198 : vector<16xi32>
    %swap3A_2200 = arith.constant 35 : i32
    %swap3A_2201 = arith.index_cast %swap3A_2200 : i32 to index
    %swap3A_2202 = arith.constant 80 : index
    %swap3A_2203 = tpu.vector_load %arg12[%swap3A_2201, %swap3A_2202] {strides = array<i32>} : memref<36x128xi32, #tpu.memory_space<vmem>>, vector<1x16xi32>,
    %swap3A_2204 = vector.shape_cast %swap3A_2203 : vector<1x16xi32> to vector<16xi32>
    %swap3A_2205 = vector.shape_cast %add3A_2199 : vector<16xi32> to vector<1x16xi32>
    tpu.vector_store %arg12[%swap3A_2201, %swap3A_2202], %swap3A_2205 {strides = array<i32>} : memref<36x128xi32, #tpu.memory_space<vmem>>, vector<1x16xi32>,
    %lt3A_2206 = arith.constant 8 : i32
    %lt3A_2207 = vector.broadcast %lt3A_2206 : i32 to vector<16xi32>
    %lt3A_2208 = arith.cmpi slt, %iota3A, %lt3A_2207 : vector<16xi32>
    %jit3A_2209 = arith.constant 12 : i32
    %jit3A_2210 = arith.constant 13 : i32
    %broadcast_in_dim3A_2211 = vector.broadcast %jit3A_2209 : i32 to vector<16xi32>
    %broadcast_in_dim3A_2212 = vector.broadcast %jit3A_2210 : i32 to vector<16xi32>
    %select_n3A_2213 = arith.select %lt3A_2208, %broadcast_in_dim3A_2211, %broadcast_in_dim3A_2212 : vector<16xi1>, vector<16xi32>
    %add3A_2214 = arith.constant 0 : i32
    %add3A_2215 = arith.addi %mul3A_2, %add3A_2214 : i32
    %add3A_2216 = vector.broadcast %add3A_2215 : i32 to vector<16xi32>
    %add3A_2217 = arith.addi %select_n3A_2213, %add3A_2216 : vector<16xi32>
    %swap3A_2218 = arith.constant 0 : i32
    %swap3A_2219 = arith.index_cast %swap3A_2218 : i32 to index
    %swap3A_2220 = arith.constant 96 : index
    %swap3A_2221 = tpu.vector_load %arg12[%swap3A_2219, %swap3A_2220] {strides = array<i32>} : memref<36x128xi32, #tpu.memory_space<vmem>>, vector<1x16xi32>,
    %swap3A_2222 = vector.shape_cast %swap3A_2221 : vector<1x16xi32> to vector<16xi32>
    %swap3A_2223 = vector.shape_cast %add3A_2217 : vector<16xi32> to vector<1x16xi32>
    tpu.vector_store %arg12[%swap3A_2219, %swap3A_2220], %swap3A_2223 {strides = array<i32>} : memref<36x128xi32, #tpu.memory_space<vmem>>, vector<1x16xi32>,
    %add3A_2224 = arith.constant 16 : i32
    %add3A_2225 = arith.addi %mul3A_2, %add3A_2224 : i32
    %add3A_2226 = vector.broadcast %add3A_2225 : i32 to vector<16xi32>
    %add3A_2227 = arith.addi %select_n3A_2213, %add3A_2226 : vector<16xi32>
    %swap3A_2228 = arith.constant 1 : i32
    %swap3A_2229 = arith.index_cast %swap3A_2228 : i32 to index
    %swap3A_2230 = arith.constant 96 : index
    %swap3A_2231 = tpu.vector_load %arg12[%swap3A_2229, %swap3A_2230] {strides = array<i32>} : memref<36x128xi32, #tpu.memory_space<vmem>>, vector<1x16xi32>,
    %swap3A_2232 = vector.shape_cast %swap3A_2231 : vector<1x16xi32> to vector<16xi32>
    %swap3A_2233 = vector.shape_cast %add3A_2227 : vector<16xi32> to vector<1x16xi32>
    tpu.vector_store %arg12[%swap3A_2229, %swap3A_2230], %swap3A_2233 {strides = array<i32>} : memref<36x128xi32, #tpu.memory_space<vmem>>, vector<1x16xi32>,
    %add3A_2234 = arith.constant 32 : i32
    %add3A_2235 = arith.addi %mul3A_2, %add3A_2234 : i32
    %add3A_2236 = vector.broadcast %add3A_2235 : i32 to vector<16xi32>
    %add3A_2237 = arith.addi %select_n3A_2213, %add3A_2236 : vector<16xi32>
    %swap3A_2238 = arith.constant 2 : i32
    %swap3A_2239 = arith.index_cast %swap3A_2238 : i32 to index
    %swap3A_2240 = arith.constant 96 : index
    %swap3A_2241 = tpu.vector_load %arg12[%swap3A_2239, %swap3A_2240] {strides = array<i32>} : memref<36x128xi32, #tpu.memory_space<vmem>>, vector<1x16xi32>,
    %swap3A_2242 = vector.shape_cast %swap3A_2241 : vector<1x16xi32> to vector<16xi32>
    %swap3A_2243 = vector.shape_cast %add3A_2237 : vector<16xi32> to vector<1x16xi32>
    tpu.vector_store %arg12[%swap3A_2239, %swap3A_2240], %swap3A_2243 {strides = array<i32>} : memref<36x128xi32, #tpu.memory_space<vmem>>, vector<1x16xi32>,
    %add3A_2244 = arith.constant 48 : i32
    %add3A_2245 = arith.addi %mul3A_2, %add3A_2244 : i32
    %add3A_2246 = vector.broadcast %add3A_2245 : i32 to vector<16xi32>
    %add3A_2247 = arith.addi %select_n3A_2213, %add3A_2246 : vector<16xi32>
    %swap3A_2248 = arith.constant 3 : i32
    %swap3A_2249 = arith.index_cast %swap3A_2248 : i32 to index
    %swap3A_2250 = arith.constant 96 : index
    %swap3A_2251 = tpu.vector_load %arg12[%swap3A_2249, %swap3A_2250] {strides = array<i32>} : memref<36x128xi32, #tpu.memory_space<vmem>>, vector<1x16xi32>,
    %swap3A_2252 = vector.shape_cast %swap3A_2251 : vector<1x16xi32> to vector<16xi32>
    %swap3A_2253 = vector.shape_cast %add3A_2247 : vector<16xi32> to vector<1x16xi32>
    tpu.vector_store %arg12[%swap3A_2249, %swap3A_2250], %swap3A_2253 {strides = array<i32>} : memref<36x128xi32, #tpu.memory_space<vmem>>, vector<1x16xi32>,
    %add3A_2254 = arith.constant 64 : i32
    %add3A_2255 = arith.addi %mul3A_2, %add3A_2254 : i32
    %add3A_2256 = vector.broadcast %add3A_2255 : i32 to vector<16xi32>
    %add3A_2257 = arith.addi %select_n3A_2213, %add3A_2256 : vector<16xi32>
    %swap3A_2258 = arith.constant 4 : i32
    %swap3A_2259 = arith.index_cast %swap3A_2258 : i32 to index
    %swap3A_2260 = arith.constant 96 : index
    %swap3A_2261 = tpu.vector_load %arg12[%swap3A_2259, %swap3A_2260] {strides = array<i32>} : memref<36x128xi32, #tpu.memory_space<vmem>>, vector<1x16xi32>,
    %swap3A_2262 = vector.shape_cast %swap3A_2261 : vector<1x16xi32> to vector<16xi32>
    %swap3A_2263 = vector.shape_cast %add3A_2257 : vector<16xi32> to vector<1x16xi32>
    tpu.vector_store %arg12[%swap3A_2259, %swap3A_2260], %swap3A_2263 {strides = array<i32>} : memref<36x128xi32, #tpu.memory_space<vmem>>, vector<1x16xi32>,
    %add3A_2264 = arith.constant 80 : i32
    %add3A_2265 = arith.addi %mul3A_2, %add3A_2264 : i32
    %add3A_2266 = vector.broadcast %add3A_2265 : i32 to vector<16xi32>
    %add3A_2267 = arith.addi %select_n3A_2213, %add3A_2266 : vector<16xi32>
    %swap3A_2268 = arith.constant 5 : i32
    %swap3A_2269 = arith.index_cast %swap3A_2268 : i32 to index
    %swap3A_2270 = arith.constant 96 : index
    %swap3A_2271 = tpu.vector_load %arg12[%swap3A_2269, %swap3A_2270] {strides = array<i32>} : memref<36x128xi32, #tpu.memory_space<vmem>>, vector<1x16xi32>,
    %swap3A_2272 = vector.shape_cast %swap3A_2271 : vector<1x16xi32> to vector<16xi32>
    %swap3A_2273 = vector.shape_cast %add3A_2267 : vector<16xi32> to vector<1x16xi32>
    tpu.vector_store %arg12[%swap3A_2269, %swap3A_2270], %swap3A_2273 {strides = array<i32>} : memref<36x128xi32, #tpu.memory_space<vmem>>, vector<1x16xi32>,
    %add3A_2274 = arith.constant 96 : i32
    %add3A_2275 = arith.addi %mul3A_2, %add3A_2274 : i32
    %add3A_2276 = vector.broadcast %add3A_2275 : i32 to vector<16xi32>
    %add3A_2277 = arith.addi %select_n3A_2213, %add3A_2276 : vector<16xi32>
    %swap3A_2278 = arith.constant 6 : i32
    %swap3A_2279 = arith.index_cast %swap3A_2278 : i32 to index
    %swap3A_2280 = arith.constant 96 : index
    %swap3A_2281 = tpu.vector_load %arg12[%swap3A_2279, %swap3A_2280] {strides = array<i32>} : memref<36x128xi32, #tpu.memory_space<vmem>>, vector<1x16xi32>,
    %swap3A_2282 = vector.shape_cast %swap3A_2281 : vector<1x16xi32> to vector<16xi32>
    %swap3A_2283 = vector.shape_cast %add3A_2277 : vector<16xi32> to vector<1x16xi32>
    tpu.vector_store %arg12[%swap3A_2279, %swap3A_2280], %swap3A_2283 {strides = array<i32>} : memref<36x128xi32, #tpu.memory_space<vmem>>, vector<1x16xi32>,
    %add3A_2284 = arith.constant 112 : i32
    %add3A_2285 = arith.addi %mul3A_2, %add3A_2284 : i32
    %add3A_2286 = vector.broadcast %add3A_2285 : i32 to vector<16xi32>
    %add3A_2287 = arith.addi %select_n3A_2213, %add3A_2286 : vector<16xi32>
    %swap3A_2288 = arith.constant 7 : i32
    %swap3A_2289 = arith.index_cast %swap3A_2288 : i32 to index
    %swap3A_2290 = arith.constant 96 : index
    %swap3A_2291 = tpu.vector_load %arg12[%swap3A_2289, %swap3A_2290] {strides = array<i32>} : memref<36x128xi32, #tpu.memory_space<vmem>>, vector<1x16xi32>,
    %swap3A_2292 = vector.shape_cast %swap3A_2291 : vector<1x16xi32> to vector<16xi32>
    %swap3A_2293 = vector.shape_cast %add3A_2287 : vector<16xi32> to vector<1x16xi32>
    tpu.vector_store %arg12[%swap3A_2289, %swap3A_2290], %swap3A_2293 {strides = array<i32>} : memref<36x128xi32, #tpu.memory_space<vmem>>, vector<1x16xi32>,
    %add3A_2294 = arith.constant 128 : i32
    %add3A_2295 = arith.addi %mul3A_2, %add3A_2294 : i32
    %add3A_2296 = vector.broadcast %add3A_2295 : i32 to vector<16xi32>
    %add3A_2297 = arith.addi %select_n3A_2213, %add3A_2296 : vector<16xi32>
    %swap3A_2298 = arith.constant 8 : i32
    %swap3A_2299 = arith.index_cast %swap3A_2298 : i32 to index
    %swap3A_2300 = arith.constant 96 : index
    %swap3A_2301 = tpu.vector_load %arg12[%swap3A_2299, %swap3A_2300] {strides = array<i32>} : memref<36x128xi32, #tpu.memory_space<vmem>>, vector<1x16xi32>,
    %swap3A_2302 = vector.shape_cast %swap3A_2301 : vector<1x16xi32> to vector<16xi32>
    %swap3A_2303 = vector.shape_cast %add3A_2297 : vector<16xi32> to vector<1x16xi32>
    tpu.vector_store %arg12[%swap3A_2299, %swap3A_2300], %swap3A_2303 {strides = array<i32>} : memref<36x128xi32, #tpu.memory_space<vmem>>, vector<1x16xi32>,
    %add3A_2304 = arith.constant 144 : i32
    %add3A_2305 = arith.addi %mul3A_2, %add3A_2304 : i32
    %add3A_2306 = vector.broadcast %add3A_2305 : i32 to vector<16xi32>
    %add3A_2307 = arith.addi %select_n3A_2213, %add3A_2306 : vector<16xi32>
    %swap3A_2308 = arith.constant 9 : i32
    %swap3A_2309 = arith.index_cast %swap3A_2308 : i32 to index
    %swap3A_2310 = arith.constant 96 : index
    %swap3A_2311 = tpu.vector_load %arg12[%swap3A_2309, %swap3A_2310] {strides = array<i32>} : memref<36x128xi32, #tpu.memory_space<vmem>>, vector<1x16xi32>,
    %swap3A_2312 = vector.shape_cast %swap3A_2311 : vector<1x16xi32> to vector<16xi32>
    %swap3A_2313 = vector.shape_cast %add3A_2307 : vector<16xi32> to vector<1x16xi32>
    tpu.vector_store %arg12[%swap3A_2309, %swap3A_2310], %swap3A_2313 {strides = array<i32>} : memref<36x128xi32, #tpu.memory_space<vmem>>, vector<1x16xi32>,
    %add3A_2314 = arith.constant 160 : i32
    %add3A_2315 = arith.addi %mul3A_2, %add3A_2314 : i32
    %add3A_2316 = vector.broadcast %add3A_2315 : i32 to vector<16xi32>
    %add3A_2317 = arith.addi %select_n3A_2213, %add3A_2316 : vector<16xi32>
    %swap3A_2318 = arith.constant 10 : i32
    %swap3A_2319 = arith.index_cast %swap3A_2318 : i32 to index
    %swap3A_2320 = arith.constant 96 : index
    %swap3A_2321 = tpu.vector_load %arg12[%swap3A_2319, %swap3A_2320] {strides = array<i32>} : memref<36x128xi32, #tpu.memory_space<vmem>>, vector<1x16xi32>,
    %swap3A_2322 = vector.shape_cast %swap3A_2321 : vector<1x16xi32> to vector<16xi32>
    %swap3A_2323 = vector.shape_cast %add3A_2317 : vector<16xi32> to vector<1x16xi32>
    tpu.vector_store %arg12[%swap3A_2319, %swap3A_2320], %swap3A_2323 {strides = array<i32>} : memref<36x128xi32, #tpu.memory_space<vmem>>, vector<1x16xi32>,
    %add3A_2324 = arith.constant 176 : i32
    %add3A_2325 = arith.addi %mul3A_2, %add3A_2324 : i32
    %add3A_2326 = vector.broadcast %add3A_2325 : i32 to vector<16xi32>
    %add3A_2327 = arith.addi %select_n3A_2213, %add3A_2326 : vector<16xi32>
    %swap3A_2328 = arith.constant 11 : i32
    %swap3A_2329 = arith.index_cast %swap3A_2328 : i32 to index
    %swap3A_2330 = arith.constant 96 : index
    %swap3A_2331 = tpu.vector_load %arg12[%swap3A_2329, %swap3A_2330] {strides = array<i32>} : memref<36x128xi32, #tpu.memory_space<vmem>>, vector<1x16xi32>,
    %swap3A_2332 = vector.shape_cast %swap3A_2331 : vector<1x16xi32> to vector<16xi32>
    %swap3A_2333 = vector.shape_cast %add3A_2327 : vector<16xi32> to vector<1x16xi32>
    tpu.vector_store %arg12[%swap3A_2329, %swap3A_2330], %swap3A_2333 {strides = array<i32>} : memref<36x128xi32, #tpu.memory_space<vmem>>, vector<1x16xi32>,
    %add3A_2334 = arith.constant 192 : i32
    %add3A_2335 = arith.addi %mul3A_2, %add3A_2334 : i32
    %add3A_2336 = vector.broadcast %add3A_2335 : i32 to vector<16xi32>
    %add3A_2337 = arith.addi %select_n3A_2213, %add3A_2336 : vector<16xi32>
    %swap3A_2338 = arith.constant 12 : i32
    %swap3A_2339 = arith.index_cast %swap3A_2338 : i32 to index
    %swap3A_2340 = arith.constant 96 : index
    %swap3A_2341 = tpu.vector_load %arg12[%swap3A_2339, %swap3A_2340] {strides = array<i32>} : memref<36x128xi32, #tpu.memory_space<vmem>>, vector<1x16xi32>,
    %swap3A_2342 = vector.shape_cast %swap3A_2341 : vector<1x16xi32> to vector<16xi32>
    %swap3A_2343 = vector.shape_cast %add3A_2337 : vector<16xi32> to vector<1x16xi32>
    tpu.vector_store %arg12[%swap3A_2339, %swap3A_2340], %swap3A_2343 {strides = array<i32>} : memref<36x128xi32, #tpu.memory_space<vmem>>, vector<1x16xi32>,
    %add3A_2344 = arith.constant 208 : i32
    %add3A_2345 = arith.addi %mul3A_2, %add3A_2344 : i32
    %add3A_2346 = vector.broadcast %add3A_2345 : i32 to vector<16xi32>
    %add3A_2347 = arith.addi %select_n3A_2213, %add3A_2346 : vector<16xi32>
    %swap3A_2348 = arith.constant 13 : i32
    %swap3A_2349 = arith.index_cast %swap3A_2348 : i32 to index
    %swap3A_2350 = arith.constant 96 : index
    %swap3A_2351 = tpu.vector_load %arg12[%swap3A_2349, %swap3A_2350] {strides = array<i32>} : memref<36x128xi32, #tpu.memory_space<vmem>>, vector<1x16xi32>,
    %swap3A_2352 = vector.shape_cast %swap3A_2351 : vector<1x16xi32> to vector<16xi32>
    %swap3A_2353 = vector.shape_cast %add3A_2347 : vector<16xi32> to vector<1x16xi32>
    tpu.vector_store %arg12[%swap3A_2349, %swap3A_2350], %swap3A_2353 {strides = array<i32>} : memref<36x128xi32, #tpu.memory_space<vmem>>, vector<1x16xi32>,
    %add3A_2354 = arith.constant 224 : i32
    %add3A_2355 = arith.addi %mul3A_2, %add3A_2354 : i32
    %add3A_2356 = vector.broadcast %add3A_2355 : i32 to vector<16xi32>
    %add3A_2357 = arith.addi %select_n3A_2213, %add3A_2356 : vector<16xi32>
    %swap3A_2358 = arith.constant 14 : i32
    %swap3A_2359 = arith.index_cast %swap3A_2358 : i32 to index
    %swap3A_2360 = arith.constant 96 : index
    %swap3A_2361 = tpu.vector_load %arg12[%swap3A_2359, %swap3A_2360] {strides = array<i32>} : memref<36x128xi32, #tpu.memory_space<vmem>>, vector<1x16xi32>,
    %swap3A_2362 = vector.shape_cast %swap3A_2361 : vector<1x16xi32> to vector<16xi32>
    %swap3A_2363 = vector.shape_cast %add3A_2357 : vector<16xi32> to vector<1x16xi32>
    tpu.vector_store %arg12[%swap3A_2359, %swap3A_2360], %swap3A_2363 {strides = array<i32>} : memref<36x128xi32, #tpu.memory_space<vmem>>, vector<1x16xi32>,
    %add3A_2364 = arith.constant 240 : i32
    %add3A_2365 = arith.addi %mul3A_2, %add3A_2364 : i32
    %add3A_2366 = vector.broadcast %add3A_2365 : i32 to vector<16xi32>
    %add3A_2367 = arith.addi %select_n3A_2213, %add3A_2366 : vector<16xi32>
    %swap3A_2368 = arith.constant 15 : i32
    %swap3A_2369 = arith.index_cast %swap3A_2368 : i32 to index
    %swap3A_2370 = arith.constant 96 : index
    %swap3A_2371 = tpu.vector_load %arg12[%swap3A_2369, %swap3A_2370] {strides = array<i32>} : memref<36x128xi32, #tpu.memory_space<vmem>>, vector<1x16xi32>,
    %swap3A_2372 = vector.shape_cast %swap3A_2371 : vector<1x16xi32> to vector<16xi32>
    %swap3A_2373 = vector.shape_cast %add3A_2367 : vector<16xi32> to vector<1x16xi32>
    tpu.vector_store %arg12[%swap3A_2369, %swap3A_2370], %swap3A_2373 {strides = array<i32>} : memref<36x128xi32, #tpu.memory_space<vmem>>, vector<1x16xi32>,
    %add3A_2374 = arith.constant 256 : i32
    %add3A_2375 = arith.addi %mul3A_2, %add3A_2374 : i32
    %add3A_2376 = vector.broadcast %add3A_2375 : i32 to vector<16xi32>
    %add3A_2377 = arith.addi %select_n3A_2213, %add3A_2376 : vector<16xi32>
    %swap3A_2378 = arith.constant 16 : i32
    %swap3A_2379 = arith.index_cast %swap3A_2378 : i32 to index
    %swap3A_2380 = arith.constant 96 : index
    %swap3A_2381 = tpu.vector_load %arg12[%swap3A_2379, %swap3A_2380] {strides = array<i32>} : memref<36x128xi32, #tpu.memory_space<vmem>>, vector<1x16xi32>,
    %swap3A_2382 = vector.shape_cast %swap3A_2381 : vector<1x16xi32> to vector<16xi32>
    %swap3A_2383 = vector.shape_cast %add3A_2377 : vector<16xi32> to vector<1x16xi32>
    tpu.vector_store %arg12[%swap3A_2379, %swap3A_2380], %swap3A_2383 {strides = array<i32>} : memref<36x128xi32, #tpu.memory_space<vmem>>, vector<1x16xi32>,
    %add3A_2384 = arith.constant 272 : i32
    %add3A_2385 = arith.addi %mul3A_2, %add3A_2384 : i32
    %add3A_2386 = vector.broadcast %add3A_2385 : i32 to vector<16xi32>
    %add3A_2387 = arith.addi %select_n3A_2213, %add3A_2386 : vector<16xi32>
    %swap3A_2388 = arith.constant 17 : i32
    %swap3A_2389 = arith.index_cast %swap3A_2388 : i32 to index
    %swap3A_2390 = arith.constant 96 : index
    %swap3A_2391 = tpu.vector_load %arg12[%swap3A_2389, %swap3A_2390] {strides = array<i32>} : memref<36x128xi32, #tpu.memory_space<vmem>>, vector<1x16xi32>,
    %swap3A_2392 = vector.shape_cast %swap3A_2391 : vector<1x16xi32> to vector<16xi32>
    %swap3A_2393 = vector.shape_cast %add3A_2387 : vector<16xi32> to vector<1x16xi32>
    tpu.vector_store %arg12[%swap3A_2389, %swap3A_2390], %swap3A_2393 {strides = array<i32>} : memref<36x128xi32, #tpu.memory_space<vmem>>, vector<1x16xi32>,
    %add3A_2394 = arith.constant 288 : i32
    %add3A_2395 = arith.addi %mul3A_2, %add3A_2394 : i32
    %add3A_2396 = vector.broadcast %add3A_2395 : i32 to vector<16xi32>
    %add3A_2397 = arith.addi %select_n3A_2213, %add3A_2396 : vector<16xi32>
    %swap3A_2398 = arith.constant 18 : i32
    %swap3A_2399 = arith.index_cast %swap3A_2398 : i32 to index
    %swap3A_2400 = arith.constant 96 : index
    %swap3A_2401 = tpu.vector_load %arg12[%swap3A_2399, %swap3A_2400] {strides = array<i32>} : memref<36x128xi32, #tpu.memory_space<vmem>>, vector<1x16xi32>,
    %swap3A_2402 = vector.shape_cast %swap3A_2401 : vector<1x16xi32> to vector<16xi32>
    %swap3A_2403 = vector.shape_cast %add3A_2397 : vector<16xi32> to vector<1x16xi32>
    tpu.vector_store %arg12[%swap3A_2399, %swap3A_2400], %swap3A_2403 {strides = array<i32>} : memref<36x128xi32, #tpu.memory_space<vmem>>, vector<1x16xi32>,
    %add3A_2404 = arith.constant 304 : i32
    %add3A_2405 = arith.addi %mul3A_2, %add3A_2404 : i32
    %add3A_2406 = vector.broadcast %add3A_2405 : i32 to vector<16xi32>
    %add3A_2407 = arith.addi %select_n3A_2213, %add3A_2406 : vector<16xi32>
    %swap3A_2408 = arith.constant 19 : i32
    %swap3A_2409 = arith.index_cast %swap3A_2408 : i32 to index
    %swap3A_2410 = arith.constant 96 : index
    %swap3A_2411 = tpu.vector_load %arg12[%swap3A_2409, %swap3A_2410] {strides = array<i32>} : memref<36x128xi32, #tpu.memory_space<vmem>>, vector<1x16xi32>,
    %swap3A_2412 = vector.shape_cast %swap3A_2411 : vector<1x16xi32> to vector<16xi32>
    %swap3A_2413 = vector.shape_cast %add3A_2407 : vector<16xi32> to vector<1x16xi32>
    tpu.vector_store %arg12[%swap3A_2409, %swap3A_2410], %swap3A_2413 {strides = array<i32>} : memref<36x128xi32, #tpu.memory_space<vmem>>, vector<1x16xi32>,
    %add3A_2414 = arith.constant 320 : i32
    %add3A_2415 = arith.addi %mul3A_2, %add3A_2414 : i32
    %add3A_2416 = vector.broadcast %add3A_2415 : i32 to vector<16xi32>
    %add3A_2417 = arith.addi %select_n3A_2213, %add3A_2416 : vector<16xi32>
    %swap3A_2418 = arith.constant 20 : i32
    %swap3A_2419 = arith.index_cast %swap3A_2418 : i32 to index
    %swap3A_2420 = arith.constant 96 : index
    %swap3A_2421 = tpu.vector_load %arg12[%swap3A_2419, %swap3A_2420] {strides = array<i32>} : memref<36x128xi32, #tpu.memory_space<vmem>>, vector<1x16xi32>,
    %swap3A_2422 = vector.shape_cast %swap3A_2421 : vector<1x16xi32> to vector<16xi32>
    %swap3A_2423 = vector.shape_cast %add3A_2417 : vector<16xi32> to vector<1x16xi32>
    tpu.vector_store %arg12[%swap3A_2419, %swap3A_2420], %swap3A_2423 {strides = array<i32>} : memref<36x128xi32, #tpu.memory_space<vmem>>, vector<1x16xi32>,
    %add3A_2424 = arith.constant 336 : i32
    %add3A_2425 = arith.addi %mul3A_2, %add3A_2424 : i32
    %add3A_2426 = vector.broadcast %add3A_2425 : i32 to vector<16xi32>
    %add3A_2427 = arith.addi %select_n3A_2213, %add3A_2426 : vector<16xi32>
    %swap3A_2428 = arith.constant 21 : i32
    %swap3A_2429 = arith.index_cast %swap3A_2428 : i32 to index
    %swap3A_2430 = arith.constant 96 : index
    %swap3A_2431 = tpu.vector_load %arg12[%swap3A_2429, %swap3A_2430] {strides = array<i32>} : memref<36x128xi32, #tpu.memory_space<vmem>>, vector<1x16xi32>,
    %swap3A_2432 = vector.shape_cast %swap3A_2431 : vector<1x16xi32> to vector<16xi32>
    %swap3A_2433 = vector.shape_cast %add3A_2427 : vector<16xi32> to vector<1x16xi32>
    tpu.vector_store %arg12[%swap3A_2429, %swap3A_2430], %swap3A_2433 {strides = array<i32>} : memref<36x128xi32, #tpu.memory_space<vmem>>, vector<1x16xi32>,
    %add3A_2434 = arith.constant 352 : i32
    %add3A_2435 = arith.addi %mul3A_2, %add3A_2434 : i32
    %add3A_2436 = vector.broadcast %add3A_2435 : i32 to vector<16xi32>
    %add3A_2437 = arith.addi %select_n3A_2213, %add3A_2436 : vector<16xi32>
    %swap3A_2438 = arith.constant 22 : i32
    %swap3A_2439 = arith.index_cast %swap3A_2438 : i32 to index
    %swap3A_2440 = arith.constant 96 : index
    %swap3A_2441 = tpu.vector_load %arg12[%swap3A_2439, %swap3A_2440] {strides = array<i32>} : memref<36x128xi32, #tpu.memory_space<vmem>>, vector<1x16xi32>,
    %swap3A_2442 = vector.shape_cast %swap3A_2441 : vector<1x16xi32> to vector<16xi32>
    %swap3A_2443 = vector.shape_cast %add3A_2437 : vector<16xi32> to vector<1x16xi32>
    tpu.vector_store %arg12[%swap3A_2439, %swap3A_2440], %swap3A_2443 {strides = array<i32>} : memref<36x128xi32, #tpu.memory_space<vmem>>, vector<1x16xi32>,
    %add3A_2444 = arith.constant 368 : i32
    %add3A_2445 = arith.addi %mul3A_2, %add3A_2444 : i32
    %add3A_2446 = vector.broadcast %add3A_2445 : i32 to vector<16xi32>
    %add3A_2447 = arith.addi %select_n3A_2213, %add3A_2446 : vector<16xi32>
    %swap3A_2448 = arith.constant 23 : i32
    %swap3A_2449 = arith.index_cast %swap3A_2448 : i32 to index
    %swap3A_2450 = arith.constant 96 : index
    %swap3A_2451 = tpu.vector_load %arg12[%swap3A_2449, %swap3A_2450] {strides = array<i32>} : memref<36x128xi32, #tpu.memory_space<vmem>>, vector<1x16xi32>,
    %swap3A_2452 = vector.shape_cast %swap3A_2451 : vector<1x16xi32> to vector<16xi32>
    %swap3A_2453 = vector.shape_cast %add3A_2447 : vector<16xi32> to vector<1x16xi32>
    tpu.vector_store %arg12[%swap3A_2449, %swap3A_2450], %swap3A_2453 {strides = array<i32>} : memref<36x128xi32, #tpu.memory_space<vmem>>, vector<1x16xi32>,
    %add3A_2454 = arith.constant 384 : i32
    %add3A_2455 = arith.addi %mul3A_2, %add3A_2454 : i32
    %add3A_2456 = vector.broadcast %add3A_2455 : i32 to vector<16xi32>
    %add3A_2457 = arith.addi %select_n3A_2213, %add3A_2456 : vector<16xi32>
    %swap3A_2458 = arith.constant 24 : i32
    %swap3A_2459 = arith.index_cast %swap3A_2458 : i32 to index
    %swap3A_2460 = arith.constant 96 : index
    %swap3A_2461 = tpu.vector_load %arg12[%swap3A_2459, %swap3A_2460] {strides = array<i32>} : memref<36x128xi32, #tpu.memory_space<vmem>>, vector<1x16xi32>,
    %swap3A_2462 = vector.shape_cast %swap3A_2461 : vector<1x16xi32> to vector<16xi32>
    %swap3A_2463 = vector.shape_cast %add3A_2457 : vector<16xi32> to vector<1x16xi32>
    tpu.vector_store %arg12[%swap3A_2459, %swap3A_2460], %swap3A_2463 {strides = array<i32>} : memref<36x128xi32, #tpu.memory_space<vmem>>, vector<1x16xi32>,
    %add3A_2464 = arith.constant 400 : i32
    %add3A_2465 = arith.addi %mul3A_2, %add3A_2464 : i32
    %add3A_2466 = vector.broadcast %add3A_2465 : i32 to vector<16xi32>
    %add3A_2467 = arith.addi %select_n3A_2213, %add3A_2466 : vector<16xi32>
    %swap3A_2468 = arith.constant 25 : i32
    %swap3A_2469 = arith.index_cast %swap3A_2468 : i32 to index
    %swap3A_2470 = arith.constant 96 : index
    %swap3A_2471 = tpu.vector_load %arg12[%swap3A_2469, %swap3A_2470] {strides = array<i32>} : memref<36x128xi32, #tpu.memory_space<vmem>>, vector<1x16xi32>,
    %swap3A_2472 = vector.shape_cast %swap3A_2471 : vector<1x16xi32> to vector<16xi32>
    %swap3A_2473 = vector.shape_cast %add3A_2467 : vector<16xi32> to vector<1x16xi32>
    tpu.vector_store %arg12[%swap3A_2469, %swap3A_2470], %swap3A_2473 {strides = array<i32>} : memref<36x128xi32, #tpu.memory_space<vmem>>, vector<1x16xi32>,
    %add3A_2474 = arith.constant 416 : i32
    %add3A_2475 = arith.addi %mul3A_2, %add3A_2474 : i32
    %add3A_2476 = vector.broadcast %add3A_2475 : i32 to vector<16xi32>
    %add3A_2477 = arith.addi %select_n3A_2213, %add3A_2476 : vector<16xi32>
    %swap3A_2478 = arith.constant 26 : i32
    %swap3A_2479 = arith.index_cast %swap3A_2478 : i32 to index
    %swap3A_2480 = arith.constant 96 : index
    %swap3A_2481 = tpu.vector_load %arg12[%swap3A_2479, %swap3A_2480] {strides = array<i32>} : memref<36x128xi32, #tpu.memory_space<vmem>>, vector<1x16xi32>,
    %swap3A_2482 = vector.shape_cast %swap3A_2481 : vector<1x16xi32> to vector<16xi32>
    %swap3A_2483 = vector.shape_cast %add3A_2477 : vector<16xi32> to vector<1x16xi32>
    tpu.vector_store %arg12[%swap3A_2479, %swap3A_2480], %swap3A_2483 {strides = array<i32>} : memref<36x128xi32, #tpu.memory_space<vmem>>, vector<1x16xi32>,
    %add3A_2484 = arith.constant 432 : i32
    %add3A_2485 = arith.addi %mul3A_2, %add3A_2484 : i32
    %add3A_2486 = vector.broadcast %add3A_2485 : i32 to vector<16xi32>
    %add3A_2487 = arith.addi %select_n3A_2213, %add3A_2486 : vector<16xi32>
    %swap3A_2488 = arith.constant 27 : i32
    %swap3A_2489 = arith.index_cast %swap3A_2488 : i32 to index
    %swap3A_2490 = arith.constant 96 : index
    %swap3A_2491 = tpu.vector_load %arg12[%swap3A_2489, %swap3A_2490] {strides = array<i32>} : memref<36x128xi32, #tpu.memory_space<vmem>>, vector<1x16xi32>,
    %swap3A_2492 = vector.shape_cast %swap3A_2491 : vector<1x16xi32> to vector<16xi32>
    %swap3A_2493 = vector.shape_cast %add3A_2487 : vector<16xi32> to vector<1x16xi32>
    tpu.vector_store %arg12[%swap3A_2489, %swap3A_2490], %swap3A_2493 {strides = array<i32>} : memref<36x128xi32, #tpu.memory_space<vmem>>, vector<1x16xi32>,
    %add3A_2494 = arith.constant 448 : i32
    %add3A_2495 = arith.addi %mul3A_2, %add3A_2494 : i32
    %add3A_2496 = vector.broadcast %add3A_2495 : i32 to vector<16xi32>
    %add3A_2497 = arith.addi %select_n3A_2213, %add3A_2496 : vector<16xi32>
    %swap3A_2498 = arith.constant 28 : i32
    %swap3A_2499 = arith.index_cast %swap3A_2498 : i32 to index
    %swap3A_2500 = arith.constant 96 : index
    %swap3A_2501 = tpu.vector_load %arg12[%swap3A_2499, %swap3A_2500] {strides = array<i32>} : memref<36x128xi32, #tpu.memory_space<vmem>>, vector<1x16xi32>,
    %swap3A_2502 = vector.shape_cast %swap3A_2501 : vector<1x16xi32> to vector<16xi32>
    %swap3A_2503 = vector.shape_cast %add3A_2497 : vector<16xi32> to vector<1x16xi32>
    tpu.vector_store %arg12[%swap3A_2499, %swap3A_2500], %swap3A_2503 {strides = array<i32>} : memref<36x128xi32, #tpu.memory_space<vmem>>, vector<1x16xi32>,
    %add3A_2504 = arith.constant 464 : i32
    %add3A_2505 = arith.addi %mul3A_2, %add3A_2504 : i32
    %add3A_2506 = vector.broadcast %add3A_2505 : i32 to vector<16xi32>
    %add3A_2507 = arith.addi %select_n3A_2213, %add3A_2506 : vector<16xi32>
    %swap3A_2508 = arith.constant 29 : i32
    %swap3A_2509 = arith.index_cast %swap3A_2508 : i32 to index
    %swap3A_2510 = arith.constant 96 : index
    %swap3A_2511 = tpu.vector_load %arg12[%swap3A_2509, %swap3A_2510] {strides = array<i32>} : memref<36x128xi32, #tpu.memory_space<vmem>>, vector<1x16xi32>,
    %swap3A_2512 = vector.shape_cast %swap3A_2511 : vector<1x16xi32> to vector<16xi32>
    %swap3A_2513 = vector.shape_cast %add3A_2507 : vector<16xi32> to vector<1x16xi32>
    tpu.vector_store %arg12[%swap3A_2509, %swap3A_2510], %swap3A_2513 {strides = array<i32>} : memref<36x128xi32, #tpu.memory_space<vmem>>, vector<1x16xi32>,
    %add3A_2514 = arith.constant 480 : i32
    %add3A_2515 = arith.addi %mul3A_2, %add3A_2514 : i32
    %add3A_2516 = vector.broadcast %add3A_2515 : i32 to vector<16xi32>
    %add3A_2517 = arith.addi %select_n3A_2213, %add3A_2516 : vector<16xi32>
    %swap3A_2518 = arith.constant 30 : i32
    %swap3A_2519 = arith.index_cast %swap3A_2518 : i32 to index
    %swap3A_2520 = arith.constant 96 : index
    %swap3A_2521 = tpu.vector_load %arg12[%swap3A_2519, %swap3A_2520] {strides = array<i32>} : memref<36x128xi32, #tpu.memory_space<vmem>>, vector<1x16xi32>,
    %swap3A_2522 = vector.shape_cast %swap3A_2521 : vector<1x16xi32> to vector<16xi32>
    %swap3A_2523 = vector.shape_cast %add3A_2517 : vector<16xi32> to vector<1x16xi32>
    tpu.vector_store %arg12[%swap3A_2519, %swap3A_2520], %swap3A_2523 {strides = array<i32>} : memref<36x128xi32, #tpu.memory_space<vmem>>, vector<1x16xi32>,
    %add3A_2524 = arith.constant 496 : i32
    %add3A_2525 = arith.addi %mul3A_2, %add3A_2524 : i32
    %add3A_2526 = vector.broadcast %add3A_2525 : i32 to vector<16xi32>
    %add3A_2527 = arith.addi %select_n3A_2213, %add3A_2526 : vector<16xi32>
    %swap3A_2528 = arith.constant 31 : i32
    %swap3A_2529 = arith.index_cast %swap3A_2528 : i32 to index
    %swap3A_2530 = arith.constant 96 : index
    %swap3A_2531 = tpu.vector_load %arg12[%swap3A_2529, %swap3A_2530] {strides = array<i32>} : memref<36x128xi32, #tpu.memory_space<vmem>>, vector<1x16xi32>,
    %swap3A_2532 = vector.shape_cast %swap3A_2531 : vector<1x16xi32> to vector<16xi32>
    %swap3A_2533 = vector.shape_cast %add3A_2527 : vector<16xi32> to vector<1x16xi32>
    tpu.vector_store %arg12[%swap3A_2529, %swap3A_2530], %swap3A_2533 {strides = array<i32>} : memref<36x128xi32, #tpu.memory_space<vmem>>, vector<1x16xi32>,
    %add3A_2534 = arith.constant 512 : i32
    %add3A_2535 = arith.addi %mul3A_2, %add3A_2534 : i32
    %add3A_2536 = vector.broadcast %add3A_2535 : i32 to vector<16xi32>
    %add3A_2537 = arith.addi %select_n3A_2213, %add3A_2536 : vector<16xi32>
    %swap3A_2538 = arith.constant 32 : i32
    %swap3A_2539 = arith.index_cast %swap3A_2538 : i32 to index
    %swap3A_2540 = arith.constant 96 : index
    %swap3A_2541 = tpu.vector_load %arg12[%swap3A_2539, %swap3A_2540] {strides = array<i32>} : memref<36x128xi32, #tpu.memory_space<vmem>>, vector<1x16xi32>,
    %swap3A_2542 = vector.shape_cast %swap3A_2541 : vector<1x16xi32> to vector<16xi32>
    %swap3A_2543 = vector.shape_cast %add3A_2537 : vector<16xi32> to vector<1x16xi32>
    tpu.vector_store %arg12[%swap3A_2539, %swap3A_2540], %swap3A_2543 {strides = array<i32>} : memref<36x128xi32, #tpu.memory_space<vmem>>, vector<1x16xi32>,
    %add3A_2544 = arith.constant 528 : i32
    %add3A_2545 = arith.addi %mul3A_2, %add3A_2544 : i32
    %add3A_2546 = vector.broadcast %add3A_2545 : i32 to vector<16xi32>
    %add3A_2547 = arith.addi %select_n3A_2213, %add3A_2546 : vector<16xi32>
    %swap3A_2548 = arith.constant 33 : i32
    %swap3A_2549 = arith.index_cast %swap3A_2548 : i32 to index
    %swap3A_2550 = arith.constant 96 : index
    %swap3A_2551 = tpu.vector_load %arg12[%swap3A_2549, %swap3A_2550] {strides = array<i32>} : memref<36x128xi32, #tpu.memory_space<vmem>>, vector<1x16xi32>,
    %swap3A_2552 = vector.shape_cast %swap3A_2551 : vector<1x16xi32> to vector<16xi32>
    %swap3A_2553 = vector.shape_cast %add3A_2547 : vector<16xi32> to vector<1x16xi32>
    tpu.vector_store %arg12[%swap3A_2549, %swap3A_2550], %swap3A_2553 {strides = array<i32>} : memref<36x128xi32, #tpu.memory_space<vmem>>, vector<1x16xi32>,
    %add3A_2554 = arith.constant 544 : i32
    %add3A_2555 = arith.addi %mul3A_2, %add3A_2554 : i32
    %add3A_2556 = vector.broadcast %add3A_2555 : i32 to vector<16xi32>
    %add3A_2557 = arith.addi %select_n3A_2213, %add3A_2556 : vector<16xi32>
    %swap3A_2558 = arith.constant 34 : i32
    %swap3A_2559 = arith.index_cast %swap3A_2558 : i32 to index
    %swap3A_2560 = arith.constant 96 : index
    %swap3A_2561 = tpu.vector_load %arg12[%swap3A_2559, %swap3A_2560] {strides = array<i32>} : memref<36x128xi32, #tpu.memory_space<vmem>>, vector<1x16xi32>,
    %swap3A_2562 = vector.shape_cast %swap3A_2561 : vector<1x16xi32> to vector<16xi32>
    %swap3A_2563 = vector.shape_cast %add3A_2557 : vector<16xi32> to vector<1x16xi32>
    tpu.vector_store %arg12[%swap3A_2559, %swap3A_2560], %swap3A_2563 {strides = array<i32>} : memref<36x128xi32, #tpu.memory_space<vmem>>, vector<1x16xi32>,
    %add3A_2564 = arith.constant 560 : i32
    %add3A_2565 = arith.addi %mul3A_2, %add3A_2564 : i32
    %add3A_2566 = vector.broadcast %add3A_2565 : i32 to vector<16xi32>
    %add3A_2567 = arith.addi %select_n3A_2213, %add3A_2566 : vector<16xi32>
    %swap3A_2568 = arith.constant 35 : i32
    %swap3A_2569 = arith.index_cast %swap3A_2568 : i32 to index
    %swap3A_2570 = arith.constant 96 : index
    %swap3A_2571 = tpu.vector_load %arg12[%swap3A_2569, %swap3A_2570] {strides = array<i32>} : memref<36x128xi32, #tpu.memory_space<vmem>>, vector<1x16xi32>,
    %swap3A_2572 = vector.shape_cast %swap3A_2571 : vector<1x16xi32> to vector<16xi32>
    %swap3A_2573 = vector.shape_cast %add3A_2567 : vector<16xi32> to vector<1x16xi32>
    tpu.vector_store %arg12[%swap3A_2569, %swap3A_2570], %swap3A_2573 {strides = array<i32>} : memref<36x128xi32, #tpu.memory_space<vmem>>, vector<1x16xi32>,
    %lt3A_2574 = arith.constant 8 : i32
    %lt3A_2575 = vector.broadcast %lt3A_2574 : i32 to vector<16xi32>
    %lt3A_2576 = arith.cmpi slt, %iota3A, %lt3A_2575 : vector<16xi32>
    %jit3A_2577 = arith.constant 14 : i32
    %jit3A_2578 = arith.constant 15 : i32
    %broadcast_in_dim3A_2579 = vector.broadcast %jit3A_2577 : i32 to vector<16xi32>
    %broadcast_in_dim3A_2580 = vector.broadcast %jit3A_2578 : i32 to vector<16xi32>
    %select_n3A_2581 = arith.select %lt3A_2576, %broadcast_in_dim3A_2579, %broadcast_in_dim3A_2580 : vector<16xi1>, vector<16xi32>
    %add3A_2582 = arith.constant 0 : i32
    %add3A_2583 = arith.addi %mul3A_2, %add3A_2582 : i32
    %add3A_2584 = vector.broadcast %add3A_2583 : i32 to vector<16xi32>
    %add3A_2585 = arith.addi %select_n3A_2581, %add3A_2584 : vector<16xi32>
    %swap3A_2586 = arith.constant 0 : i32
    %swap3A_2587 = arith.index_cast %swap3A_2586 : i32 to index
    %swap3A_2588 = arith.constant 112 : index
    %swap3A_2589 = tpu.vector_load %arg12[%swap3A_2587, %swap3A_2588] {strides = array<i32>} : memref<36x128xi32, #tpu.memory_space<vmem>>, vector<1x16xi32>,
    %swap3A_2590 = vector.shape_cast %swap3A_2589 : vector<1x16xi32> to vector<16xi32>
    %swap3A_2591 = vector.shape_cast %add3A_2585 : vector<16xi32> to vector<1x16xi32>
    tpu.vector_store %arg12[%swap3A_2587, %swap3A_2588], %swap3A_2591 {strides = array<i32>} : memref<36x128xi32, #tpu.memory_space<vmem>>, vector<1x16xi32>,
    %add3A_2592 = arith.constant 16 : i32
    %add3A_2593 = arith.addi %mul3A_2, %add3A_2592 : i32
    %add3A_2594 = vector.broadcast %add3A_2593 : i32 to vector<16xi32>
    %add3A_2595 = arith.addi %select_n3A_2581, %add3A_2594 : vector<16xi32>
    %swap3A_2596 = arith.constant 1 : i32
    %swap3A_2597 = arith.index_cast %swap3A_2596 : i32 to index
    %swap3A_2598 = arith.constant 112 : index
    %swap3A_2599 = tpu.vector_load %arg12[%swap3A_2597, %swap3A_2598] {strides = array<i32>} : memref<36x128xi32, #tpu.memory_space<vmem>>, vector<1x16xi32>,
    %swap3A_2600 = vector.shape_cast %swap3A_2599 : vector<1x16xi32> to vector<16xi32>
    %swap3A_2601 = vector.shape_cast %add3A_2595 : vector<16xi32> to vector<1x16xi32>
    tpu.vector_store %arg12[%swap3A_2597, %swap3A_2598], %swap3A_2601 {strides = array<i32>} : memref<36x128xi32, #tpu.memory_space<vmem>>, vector<1x16xi32>,
    %add3A_2602 = arith.constant 32 : i32
    %add3A_2603 = arith.addi %mul3A_2, %add3A_2602 : i32
    %add3A_2604 = vector.broadcast %add3A_2603 : i32 to vector<16xi32>
    %add3A_2605 = arith.addi %select_n3A_2581, %add3A_2604 : vector<16xi32>
    %swap3A_2606 = arith.constant 2 : i32
    %swap3A_2607 = arith.index_cast %swap3A_2606 : i32 to index
    %swap3A_2608 = arith.constant 112 : index
    %swap3A_2609 = tpu.vector_load %arg12[%swap3A_2607, %swap3A_2608] {strides = array<i32>} : memref<36x128xi32, #tpu.memory_space<vmem>>, vector<1x16xi32>,
    %swap3A_2610 = vector.shape_cast %swap3A_2609 : vector<1x16xi32> to vector<16xi32>
    %swap3A_2611 = vector.shape_cast %add3A_2605 : vector<16xi32> to vector<1x16xi32>
    tpu.vector_store %arg12[%swap3A_2607, %swap3A_2608], %swap3A_2611 {strides = array<i32>} : memref<36x128xi32, #tpu.memory_space<vmem>>, vector<1x16xi32>,
    %add3A_2612 = arith.constant 48 : i32
    %add3A_2613 = arith.addi %mul3A_2, %add3A_2612 : i32
    %add3A_2614 = vector.broadcast %add3A_2613 : i32 to vector<16xi32>
    %add3A_2615 = arith.addi %select_n3A_2581, %add3A_2614 : vector<16xi32>
    %swap3A_2616 = arith.constant 3 : i32
    %swap3A_2617 = arith.index_cast %swap3A_2616 : i32 to index
    %swap3A_2618 = arith.constant 112 : index
    %swap3A_2619 = tpu.vector_load %arg12[%swap3A_2617, %swap3A_2618] {strides = array<i32>} : memref<36x128xi32, #tpu.memory_space<vmem>>, vector<1x16xi32>,
    %swap3A_2620 = vector.shape_cast %swap3A_2619 : vector<1x16xi32> to vector<16xi32>
    %swap3A_2621 = vector.shape_cast %add3A_2615 : vector<16xi32> to vector<1x16xi32>
    tpu.vector_store %arg12[%swap3A_2617, %swap3A_2618], %swap3A_2621 {strides = array<i32>} : memref<36x128xi32, #tpu.memory_space<vmem>>, vector<1x16xi32>,
    %add3A_2622 = arith.constant 64 : i32
    %add3A_2623 = arith.addi %mul3A_2, %add3A_2622 : i32
    %add3A_2624 = vector.broadcast %add3A_2623 : i32 to vector<16xi32>
    %add3A_2625 = arith.addi %select_n3A_2581, %add3A_2624 : vector<16xi32>
    %swap3A_2626 = arith.constant 4 : i32
    %swap3A_2627 = arith.index_cast %swap3A_2626 : i32 to index
    %swap3A_2628 = arith.constant 112 : index
    %swap3A_2629 = tpu.vector_load %arg12[%swap3A_2627, %swap3A_2628] {strides = array<i32>} : memref<36x128xi32, #tpu.memory_space<vmem>>, vector<1x16xi32>,
    %swap3A_2630 = vector.shape_cast %swap3A_2629 : vector<1x16xi32> to vector<16xi32>
    %swap3A_2631 = vector.shape_cast %add3A_2625 : vector<16xi32> to vector<1x16xi32>
    tpu.vector_store %arg12[%swap3A_2627, %swap3A_2628], %swap3A_2631 {strides = array<i32>} : memref<36x128xi32, #tpu.memory_space<vmem>>, vector<1x16xi32>,
    %add3A_2632 = arith.constant 80 : i32
    %add3A_2633 = arith.addi %mul3A_2, %add3A_2632 : i32
    %add3A_2634 = vector.broadcast %add3A_2633 : i32 to vector<16xi32>
    %add3A_2635 = arith.addi %select_n3A_2581, %add3A_2634 : vector<16xi32>
    %swap3A_2636 = arith.constant 5 : i32
    %swap3A_2637 = arith.index_cast %swap3A_2636 : i32 to index
    %swap3A_2638 = arith.constant 112 : index
    %swap3A_2639 = tpu.vector_load %arg12[%swap3A_2637, %swap3A_2638] {strides = array<i32>} : memref<36x128xi32, #tpu.memory_space<vmem>>, vector<1x16xi32>,
    %swap3A_2640 = vector.shape_cast %swap3A_2639 : vector<1x16xi32> to vector<16xi32>
    %swap3A_2641 = vector.shape_cast %add3A_2635 : vector<16xi32> to vector<1x16xi32>
    tpu.vector_store %arg12[%swap3A_2637, %swap3A_2638], %swap3A_2641 {strides = array<i32>} : memref<36x128xi32, #tpu.memory_space<vmem>>, vector<1x16xi32>,
    %add3A_2642 = arith.constant 96 : i32
    %add3A_2643 = arith.addi %mul3A_2, %add3A_2642 : i32
    %add3A_2644 = vector.broadcast %add3A_2643 : i32 to vector<16xi32>
    %add3A_2645 = arith.addi %select_n3A_2581, %add3A_2644 : vector<16xi32>
    %swap3A_2646 = arith.constant 6 : i32
    %swap3A_2647 = arith.index_cast %swap3A_2646 : i32 to index
    %swap3A_2648 = arith.constant 112 : index
    %swap3A_2649 = tpu.vector_load %arg12[%swap3A_2647, %swap3A_2648] {strides = array<i32>} : memref<36x128xi32, #tpu.memory_space<vmem>>, vector<1x16xi32>,
    %swap3A_2650 = vector.shape_cast %swap3A_2649 : vector<1x16xi32> to vector<16xi32>
    %swap3A_2651 = vector.shape_cast %add3A_2645 : vector<16xi32> to vector<1x16xi32>
    tpu.vector_store %arg12[%swap3A_2647, %swap3A_2648], %swap3A_2651 {strides = array<i32>} : memref<36x128xi32, #tpu.memory_space<vmem>>, vector<1x16xi32>,
    %add3A_2652 = arith.constant 112 : i32
    %add3A_2653 = arith.addi %mul3A_2, %add3A_2652 : i32
    %add3A_2654 = vector.broadcast %add3A_2653 : i32 to vector<16xi32>
    %add3A_2655 = arith.addi %select_n3A_2581, %add3A_2654 : vector<16xi32>
    %swap3A_2656 = arith.constant 7 : i32
    %swap3A_2657 = arith.index_cast %swap3A_2656 : i32 to index
    %swap3A_2658 = arith.constant 112 : index
    %swap3A_2659 = tpu.vector_load %arg12[%swap3A_2657, %swap3A_2658] {strides = array<i32>} : memref<36x128xi32, #tpu.memory_space<vmem>>, vector<1x16xi32>,
    %swap3A_2660 = vector.shape_cast %swap3A_2659 : vector<1x16xi32> to vector<16xi32>
    %swap3A_2661 = vector.shape_cast %add3A_2655 : vector<16xi32> to vector<1x16xi32>
    tpu.vector_store %arg12[%swap3A_2657, %swap3A_2658], %swap3A_2661 {strides = array<i32>} : memref<36x128xi32, #tpu.memory_space<vmem>>, vector<1x16xi32>,
    %add3A_2662 = arith.constant 128 : i32
    %add3A_2663 = arith.addi %mul3A_2, %add3A_2662 : i32
    %add3A_2664 = vector.broadcast %add3A_2663 : i32 to vector<16xi32>
    %add3A_2665 = arith.addi %select_n3A_2581, %add3A_2664 : vector<16xi32>
    %swap3A_2666 = arith.constant 8 : i32
    %swap3A_2667 = arith.index_cast %swap3A_2666 : i32 to index
    %swap3A_2668 = arith.constant 112 : index
    %swap3A_2669 = tpu.vector_load %arg12[%swap3A_2667, %swap3A_2668] {strides = array<i32>} : memref<36x128xi32, #tpu.memory_space<vmem>>, vector<1x16xi32>,
    %swap3A_2670 = vector.shape_cast %swap3A_2669 : vector<1x16xi32> to vector<16xi32>
    %swap3A_2671 = vector.shape_cast %add3A_2665 : vector<16xi32> to vector<1x16xi32>
    tpu.vector_store %arg12[%swap3A_2667, %swap3A_2668], %swap3A_2671 {strides = array<i32>} : memref<36x128xi32, #tpu.memory_space<vmem>>, vector<1x16xi32>,
    %add3A_2672 = arith.constant 144 : i32
    %add3A_2673 = arith.addi %mul3A_2, %add3A_2672 : i32
    %add3A_2674 = vector.broadcast %add3A_2673 : i32 to vector<16xi32>
    %add3A_2675 = arith.addi %select_n3A_2581, %add3A_2674 : vector<16xi32>
    %swap3A_2676 = arith.constant 9 : i32
    %swap3A_2677 = arith.index_cast %swap3A_2676 : i32 to index
    %swap3A_2678 = arith.constant 112 : index
    %swap3A_2679 = tpu.vector_load %arg12[%swap3A_2677, %swap3A_2678] {strides = array<i32>} : memref<36x128xi32, #tpu.memory_space<vmem>>, vector<1x16xi32>,
    %swap3A_2680 = vector.shape_cast %swap3A_2679 : vector<1x16xi32> to vector<16xi32>
    %swap3A_2681 = vector.shape_cast %add3A_2675 : vector<16xi32> to vector<1x16xi32>
    tpu.vector_store %arg12[%swap3A_2677, %swap3A_2678], %swap3A_2681 {strides = array<i32>} : memref<36x128xi32, #tpu.memory_space<vmem>>, vector<1x16xi32>,
    %add3A_2682 = arith.constant 160 : i32
    %add3A_2683 = arith.addi %mul3A_2, %add3A_2682 : i32
    %add3A_2684 = vector.broadcast %add3A_2683 : i32 to vector<16xi32>
    %add3A_2685 = arith.addi %select_n3A_2581, %add3A_2684 : vector<16xi32>
    %swap3A_2686 = arith.constant 10 : i32
    %swap3A_2687 = arith.index_cast %swap3A_2686 : i32 to index
    %swap3A_2688 = arith.constant 112 : index
    %swap3A_2689 = tpu.vector_load %arg12[%swap3A_2687, %swap3A_2688] {strides = array<i32>} : memref<36x128xi32, #tpu.memory_space<vmem>>, vector<1x16xi32>,
    %swap3A_2690 = vector.shape_cast %swap3A_2689 : vector<1x16xi32> to vector<16xi32>
    %swap3A_2691 = vector.shape_cast %add3A_2685 : vector<16xi32> to vector<1x16xi32>
    tpu.vector_store %arg12[%swap3A_2687, %swap3A_2688], %swap3A_2691 {strides = array<i32>} : memref<36x128xi32, #tpu.memory_space<vmem>>, vector<1x16xi32>,
    %add3A_2692 = arith.constant 176 : i32
    %add3A_2693 = arith.addi %mul3A_2, %add3A_2692 : i32
    %add3A_2694 = vector.broadcast %add3A_2693 : i32 to vector<16xi32>
    %add3A_2695 = arith.addi %select_n3A_2581, %add3A_2694 : vector<16xi32>
    %swap3A_2696 = arith.constant 11 : i32
    %swap3A_2697 = arith.index_cast %swap3A_2696 : i32 to index
    %swap3A_2698 = arith.constant 112 : index
    %swap3A_2699 = tpu.vector_load %arg12[%swap3A_2697, %swap3A_2698] {strides = array<i32>} : memref<36x128xi32, #tpu.memory_space<vmem>>, vector<1x16xi32>,
    %swap3A_2700 = vector.shape_cast %swap3A_2699 : vector<1x16xi32> to vector<16xi32>
    %swap3A_2701 = vector.shape_cast %add3A_2695 : vector<16xi32> to vector<1x16xi32>
    tpu.vector_store %arg12[%swap3A_2697, %swap3A_2698], %swap3A_2701 {strides = array<i32>} : memref<36x128xi32, #tpu.memory_space<vmem>>, vector<1x16xi32>,
    %add3A_2702 = arith.constant 192 : i32
    %add3A_2703 = arith.addi %mul3A_2, %add3A_2702 : i32
    %add3A_2704 = vector.broadcast %add3A_2703 : i32 to vector<16xi32>
    %add3A_2705 = arith.addi %select_n3A_2581, %add3A_2704 : vector<16xi32>
    %swap3A_2706 = arith.constant 12 : i32
    %swap3A_2707 = arith.index_cast %swap3A_2706 : i32 to index
    %swap3A_2708 = arith.constant 112 : index
    %swap3A_2709 = tpu.vector_load %arg12[%swap3A_2707, %swap3A_2708] {strides = array<i32>} : memref<36x128xi32, #tpu.memory_space<vmem>>, vector<1x16xi32>,
    %swap3A_2710 = vector.shape_cast %swap3A_2709 : vector<1x16xi32> to vector<16xi32>
    %swap3A_2711 = vector.shape_cast %add3A_2705 : vector<16xi32> to vector<1x16xi32>
    tpu.vector_store %arg12[%swap3A_2707, %swap3A_2708], %swap3A_2711 {strides = array<i32>} : memref<36x128xi32, #tpu.memory_space<vmem>>, vector<1x16xi32>,
    %add3A_2712 = arith.constant 208 : i32
    %add3A_2713 = arith.addi %mul3A_2, %add3A_2712 : i32
    %add3A_2714 = vector.broadcast %add3A_2713 : i32 to vector<16xi32>
    %add3A_2715 = arith.addi %select_n3A_2581, %add3A_2714 : vector<16xi32>
    %swap3A_2716 = arith.constant 13 : i32
    %swap3A_2717 = arith.index_cast %swap3A_2716 : i32 to index
    %swap3A_2718 = arith.constant 112 : index
    %swap3A_2719 = tpu.vector_load %arg12[%swap3A_2717, %swap3A_2718] {strides = array<i32>} : memref<36x128xi32, #tpu.memory_space<vmem>>, vector<1x16xi32>,
    %swap3A_2720 = vector.shape_cast %swap3A_2719 : vector<1x16xi32> to vector<16xi32>
    %swap3A_2721 = vector.shape_cast %add3A_2715 : vector<16xi32> to vector<1x16xi32>
    tpu.vector_store %arg12[%swap3A_2717, %swap3A_2718], %swap3A_2721 {strides = array<i32>} : memref<36x128xi32, #tpu.memory_space<vmem>>, vector<1x16xi32>,
    %add3A_2722 = arith.constant 224 : i32
    %add3A_2723 = arith.addi %mul3A_2, %add3A_2722 : i32
    %add3A_2724 = vector.broadcast %add3A_2723 : i32 to vector<16xi32>
    %add3A_2725 = arith.addi %select_n3A_2581, %add3A_2724 : vector<16xi32>
    %swap3A_2726 = arith.constant 14 : i32
    %swap3A_2727 = arith.index_cast %swap3A_2726 : i32 to index
    %swap3A_2728 = arith.constant 112 : index
    %swap3A_2729 = tpu.vector_load %arg12[%swap3A_2727, %swap3A_2728] {strides = array<i32>} : memref<36x128xi32, #tpu.memory_space<vmem>>, vector<1x16xi32>,
    %swap3A_2730 = vector.shape_cast %swap3A_2729 : vector<1x16xi32> to vector<16xi32>
    %swap3A_2731 = vector.shape_cast %add3A_2725 : vector<16xi32> to vector<1x16xi32>
    tpu.vector_store %arg12[%swap3A_2727, %swap3A_2728], %swap3A_2731 {strides = array<i32>} : memref<36x128xi32, #tpu.memory_space<vmem>>, vector<1x16xi32>,
    %add3A_2732 = arith.constant 240 : i32
    %add3A_2733 = arith.addi %mul3A_2, %add3A_2732 : i32
    %add3A_2734 = vector.broadcast %add3A_2733 : i32 to vector<16xi32>
    %add3A_2735 = arith.addi %select_n3A_2581, %add3A_2734 : vector<16xi32>
    %swap3A_2736 = arith.constant 15 : i32
    %swap3A_2737 = arith.index_cast %swap3A_2736 : i32 to index
    %swap3A_2738 = arith.constant 112 : index
    %swap3A_2739 = tpu.vector_load %arg12[%swap3A_2737, %swap3A_2738] {strides = array<i32>} : memref<36x128xi32, #tpu.memory_space<vmem>>, vector<1x16xi32>,
    %swap3A_2740 = vector.shape_cast %swap3A_2739 : vector<1x16xi32> to vector<16xi32>
    %swap3A_2741 = vector.shape_cast %add3A_2735 : vector<16xi32> to vector<1x16xi32>
    tpu.vector_store %arg12[%swap3A_2737, %swap3A_2738], %swap3A_2741 {strides = array<i32>} : memref<36x128xi32, #tpu.memory_space<vmem>>, vector<1x16xi32>,
    %add3A_2742 = arith.constant 256 : i32
    %add3A_2743 = arith.addi %mul3A_2, %add3A_2742 : i32
    %add3A_2744 = vector.broadcast %add3A_2743 : i32 to vector<16xi32>
    %add3A_2745 = arith.addi %select_n3A_2581, %add3A_2744 : vector<16xi32>
    %swap3A_2746 = arith.constant 16 : i32
    %swap3A_2747 = arith.index_cast %swap3A_2746 : i32 to index
    %swap3A_2748 = arith.constant 112 : index
    %swap3A_2749 = tpu.vector_load %arg12[%swap3A_2747, %swap3A_2748] {strides = array<i32>} : memref<36x128xi32, #tpu.memory_space<vmem>>, vector<1x16xi32>,
    %swap3A_2750 = vector.shape_cast %swap3A_2749 : vector<1x16xi32> to vector<16xi32>
    %swap3A_2751 = vector.shape_cast %add3A_2745 : vector<16xi32> to vector<1x16xi32>
    tpu.vector_store %arg12[%swap3A_2747, %swap3A_2748], %swap3A_2751 {strides = array<i32>} : memref<36x128xi32, #tpu.memory_space<vmem>>, vector<1x16xi32>,
    %add3A_2752 = arith.constant 272 : i32
    %add3A_2753 = arith.addi %mul3A_2, %add3A_2752 : i32
    %add3A_2754 = vector.broadcast %add3A_2753 : i32 to vector<16xi32>
    %add3A_2755 = arith.addi %select_n3A_2581, %add3A_2754 : vector<16xi32>
    %swap3A_2756 = arith.constant 17 : i32
    %swap3A_2757 = arith.index_cast %swap3A_2756 : i32 to index
    %swap3A_2758 = arith.constant 112 : index
    %swap3A_2759 = tpu.vector_load %arg12[%swap3A_2757, %swap3A_2758] {strides = array<i32>} : memref<36x128xi32, #tpu.memory_space<vmem>>, vector<1x16xi32>,
    %swap3A_2760 = vector.shape_cast %swap3A_2759 : vector<1x16xi32> to vector<16xi32>
    %swap3A_2761 = vector.shape_cast %add3A_2755 : vector<16xi32> to vector<1x16xi32>
    tpu.vector_store %arg12[%swap3A_2757, %swap3A_2758], %swap3A_2761 {strides = array<i32>} : memref<36x128xi32, #tpu.memory_space<vmem>>, vector<1x16xi32>,
    %add3A_2762 = arith.constant 288 : i32
    %add3A_2763 = arith.addi %mul3A_2, %add3A_2762 : i32
    %add3A_2764 = vector.broadcast %add3A_2763 : i32 to vector<16xi32>
    %add3A_2765 = arith.addi %select_n3A_2581, %add3A_2764 : vector<16xi32>
    %swap3A_2766 = arith.constant 18 : i32
    %swap3A_2767 = arith.index_cast %swap3A_2766 : i32 to index
    %swap3A_2768 = arith.constant 112 : index
    %swap3A_2769 = tpu.vector_load %arg12[%swap3A_2767, %swap3A_2768] {strides = array<i32>} : memref<36x128xi32, #tpu.memory_space<vmem>>, vector<1x16xi32>,
    %swap3A_2770 = vector.shape_cast %swap3A_2769 : vector<1x16xi32> to vector<16xi32>
    %swap3A_2771 = vector.shape_cast %add3A_2765 : vector<16xi32> to vector<1x16xi32>
    tpu.vector_store %arg12[%swap3A_2767, %swap3A_2768], %swap3A_2771 {strides = array<i32>} : memref<36x128xi32, #tpu.memory_space<vmem>>, vector<1x16xi32>,
    %add3A_2772 = arith.constant 304 : i32
    %add3A_2773 = arith.addi %mul3A_2, %add3A_2772 : i32
    %add3A_2774 = vector.broadcast %add3A_2773 : i32 to vector<16xi32>
    %add3A_2775 = arith.addi %select_n3A_2581, %add3A_2774 : vector<16xi32>
    %swap3A_2776 = arith.constant 19 : i32
    %swap3A_2777 = arith.index_cast %swap3A_2776 : i32 to index
    %swap3A_2778 = arith.constant 112 : index
    %swap3A_2779 = tpu.vector_load %arg12[%swap3A_2777, %swap3A_2778] {strides = array<i32>} : memref<36x128xi32, #tpu.memory_space<vmem>>, vector<1x16xi32>,
    %swap3A_2780 = vector.shape_cast %swap3A_2779 : vector<1x16xi32> to vector<16xi32>
    %swap3A_2781 = vector.shape_cast %add3A_2775 : vector<16xi32> to vector<1x16xi32>
    tpu.vector_store %arg12[%swap3A_2777, %swap3A_2778], %swap3A_2781 {strides = array<i32>} : memref<36x128xi32, #tpu.memory_space<vmem>>, vector<1x16xi32>,
    %add3A_2782 = arith.constant 320 : i32
    %add3A_2783 = arith.addi %mul3A_2, %add3A_2782 : i32
    %add3A_2784 = vector.broadcast %add3A_2783 : i32 to vector<16xi32>
    %add3A_2785 = arith.addi %select_n3A_2581, %add3A_2784 : vector<16xi32>
    %swap3A_2786 = arith.constant 20 : i32
    %swap3A_2787 = arith.index_cast %swap3A_2786 : i32 to index
    %swap3A_2788 = arith.constant 112 : index
    %swap3A_2789 = tpu.vector_load %arg12[%swap3A_2787, %swap3A_2788] {strides = array<i32>} : memref<36x128xi32, #tpu.memory_space<vmem>>, vector<1x16xi32>,
    %swap3A_2790 = vector.shape_cast %swap3A_2789 : vector<1x16xi32> to vector<16xi32>
    %swap3A_2791 = vector.shape_cast %add3A_2785 : vector<16xi32> to vector<1x16xi32>
    tpu.vector_store %arg12[%swap3A_2787, %swap3A_2788], %swap3A_2791 {strides = array<i32>} : memref<36x128xi32, #tpu.memory_space<vmem>>, vector<1x16xi32>,
    %add3A_2792 = arith.constant 336 : i32
    %add3A_2793 = arith.addi %mul3A_2, %add3A_2792 : i32
    %add3A_2794 = vector.broadcast %add3A_2793 : i32 to vector<16xi32>
    %add3A_2795 = arith.addi %select_n3A_2581, %add3A_2794 : vector<16xi32>
    %swap3A_2796 = arith.constant 21 : i32
    %swap3A_2797 = arith.index_cast %swap3A_2796 : i32 to index
    %swap3A_2798 = arith.constant 112 : index
    %swap3A_2799 = tpu.vector_load %arg12[%swap3A_2797, %swap3A_2798] {strides = array<i32>} : memref<36x128xi32, #tpu.memory_space<vmem>>, vector<1x16xi32>,
    %swap3A_2800 = vector.shape_cast %swap3A_2799 : vector<1x16xi32> to vector<16xi32>
    %swap3A_2801 = vector.shape_cast %add3A_2795 : vector<16xi32> to vector<1x16xi32>
    tpu.vector_store %arg12[%swap3A_2797, %swap3A_2798], %swap3A_2801 {strides = array<i32>} : memref<36x128xi32, #tpu.memory_space<vmem>>, vector<1x16xi32>,
    %add3A_2802 = arith.constant 352 : i32
    %add3A_2803 = arith.addi %mul3A_2, %add3A_2802 : i32
    %add3A_2804 = vector.broadcast %add3A_2803 : i32 to vector<16xi32>
    %add3A_2805 = arith.addi %select_n3A_2581, %add3A_2804 : vector<16xi32>
    %swap3A_2806 = arith.constant 22 : i32
    %swap3A_2807 = arith.index_cast %swap3A_2806 : i32 to index
    %swap3A_2808 = arith.constant 112 : index
    %swap3A_2809 = tpu.vector_load %arg12[%swap3A_2807, %swap3A_2808] {strides = array<i32>} : memref<36x128xi32, #tpu.memory_space<vmem>>, vector<1x16xi32>,
    %swap3A_2810 = vector.shape_cast %swap3A_2809 : vector<1x16xi32> to vector<16xi32>
    %swap3A_2811 = vector.shape_cast %add3A_2805 : vector<16xi32> to vector<1x16xi32>
    tpu.vector_store %arg12[%swap3A_2807, %swap3A_2808], %swap3A_2811 {strides = array<i32>} : memref<36x128xi32, #tpu.memory_space<vmem>>, vector<1x16xi32>,
    %add3A_2812 = arith.constant 368 : i32
    %add3A_2813 = arith.addi %mul3A_2, %add3A_2812 : i32
    %add3A_2814 = vector.broadcast %add3A_2813 : i32 to vector<16xi32>
    %add3A_2815 = arith.addi %select_n3A_2581, %add3A_2814 : vector<16xi32>
    %swap3A_2816 = arith.constant 23 : i32
    %swap3A_2817 = arith.index_cast %swap3A_2816 : i32 to index
    %swap3A_2818 = arith.constant 112 : index
    %swap3A_2819 = tpu.vector_load %arg12[%swap3A_2817, %swap3A_2818] {strides = array<i32>} : memref<36x128xi32, #tpu.memory_space<vmem>>, vector<1x16xi32>,
    %swap3A_2820 = vector.shape_cast %swap3A_2819 : vector<1x16xi32> to vector<16xi32>
    %swap3A_2821 = vector.shape_cast %add3A_2815 : vector<16xi32> to vector<1x16xi32>
    tpu.vector_store %arg12[%swap3A_2817, %swap3A_2818], %swap3A_2821 {strides = array<i32>} : memref<36x128xi32, #tpu.memory_space<vmem>>, vector<1x16xi32>,
    %add3A_2822 = arith.constant 384 : i32
    %add3A_2823 = arith.addi %mul3A_2, %add3A_2822 : i32
    %add3A_2824 = vector.broadcast %add3A_2823 : i32 to vector<16xi32>
    %add3A_2825 = arith.addi %select_n3A_2581, %add3A_2824 : vector<16xi32>
    %swap3A_2826 = arith.constant 24 : i32
    %swap3A_2827 = arith.index_cast %swap3A_2826 : i32 to index
    %swap3A_2828 = arith.constant 112 : index
    %swap3A_2829 = tpu.vector_load %arg12[%swap3A_2827, %swap3A_2828] {strides = array<i32>} : memref<36x128xi32, #tpu.memory_space<vmem>>, vector<1x16xi32>,
    %swap3A_2830 = vector.shape_cast %swap3A_2829 : vector<1x16xi32> to vector<16xi32>
    %swap3A_2831 = vector.shape_cast %add3A_2825 : vector<16xi32> to vector<1x16xi32>
    tpu.vector_store %arg12[%swap3A_2827, %swap3A_2828], %swap3A_2831 {strides = array<i32>} : memref<36x128xi32, #tpu.memory_space<vmem>>, vector<1x16xi32>,
    %add3A_2832 = arith.constant 400 : i32
    %add3A_2833 = arith.addi %mul3A_2, %add3A_2832 : i32
    %add3A_2834 = vector.broadcast %add3A_2833 : i32 to vector<16xi32>
    %add3A_2835 = arith.addi %select_n3A_2581, %add3A_2834 : vector<16xi32>
    %swap3A_2836 = arith.constant 25 : i32
    %swap3A_2837 = arith.index_cast %swap3A_2836 : i32 to index
    %swap3A_2838 = arith.constant 112 : index
    %swap3A_2839 = tpu.vector_load %arg12[%swap3A_2837, %swap3A_2838] {strides = array<i32>} : memref<36x128xi32, #tpu.memory_space<vmem>>, vector<1x16xi32>,
    %swap3A_2840 = vector.shape_cast %swap3A_2839 : vector<1x16xi32> to vector<16xi32>
    %swap3A_2841 = vector.shape_cast %add3A_2835 : vector<16xi32> to vector<1x16xi32>
    tpu.vector_store %arg12[%swap3A_2837, %swap3A_2838], %swap3A_2841 {strides = array<i32>} : memref<36x128xi32, #tpu.memory_space<vmem>>, vector<1x16xi32>,
    %add3A_2842 = arith.constant 416 : i32
    %add3A_2843 = arith.addi %mul3A_2, %add3A_2842 : i32
    %add3A_2844 = vector.broadcast %add3A_2843 : i32 to vector<16xi32>
    %add3A_2845 = arith.addi %select_n3A_2581, %add3A_2844 : vector<16xi32>
    %swap3A_2846 = arith.constant 26 : i32
    %swap3A_2847 = arith.index_cast %swap3A_2846 : i32 to index
    %swap3A_2848 = arith.constant 112 : index
    %swap3A_2849 = tpu.vector_load %arg12[%swap3A_2847, %swap3A_2848] {strides = array<i32>} : memref<36x128xi32, #tpu.memory_space<vmem>>, vector<1x16xi32>,
    %swap3A_2850 = vector.shape_cast %swap3A_2849 : vector<1x16xi32> to vector<16xi32>
    %swap3A_2851 = vector.shape_cast %add3A_2845 : vector<16xi32> to vector<1x16xi32>
    tpu.vector_store %arg12[%swap3A_2847, %swap3A_2848], %swap3A_2851 {strides = array<i32>} : memref<36x128xi32, #tpu.memory_space<vmem>>, vector<1x16xi32>,
    %add3A_2852 = arith.constant 432 : i32
    %add3A_2853 = arith.addi %mul3A_2, %add3A_2852 : i32
    %add3A_2854 = vector.broadcast %add3A_2853 : i32 to vector<16xi32>
    %add3A_2855 = arith.addi %select_n3A_2581, %add3A_2854 : vector<16xi32>
    %swap3A_2856 = arith.constant 27 : i32
    %swap3A_2857 = arith.index_cast %swap3A_2856 : i32 to index
    %swap3A_2858 = arith.constant 112 : index
    %swap3A_2859 = tpu.vector_load %arg12[%swap3A_2857, %swap3A_2858] {strides = array<i32>} : memref<36x128xi32, #tpu.memory_space<vmem>>, vector<1x16xi32>,
    %swap3A_2860 = vector.shape_cast %swap3A_2859 : vector<1x16xi32> to vector<16xi32>
    %swap3A_2861 = vector.shape_cast %add3A_2855 : vector<16xi32> to vector<1x16xi32>
    tpu.vector_store %arg12[%swap3A_2857, %swap3A_2858], %swap3A_2861 {strides = array<i32>} : memref<36x128xi32, #tpu.memory_space<vmem>>, vector<1x16xi32>,
    %add3A_2862 = arith.constant 448 : i32
    %add3A_2863 = arith.addi %mul3A_2, %add3A_2862 : i32
    %add3A_2864 = vector.broadcast %add3A_2863 : i32 to vector<16xi32>
    %add3A_2865 = arith.addi %select_n3A_2581, %add3A_2864 : vector<16xi32>
    %swap3A_2866 = arith.constant 28 : i32
    %swap3A_2867 = arith.index_cast %swap3A_2866 : i32 to index
    %swap3A_2868 = arith.constant 112 : index
    %swap3A_2869 = tpu.vector_load %arg12[%swap3A_2867, %swap3A_2868] {strides = array<i32>} : memref<36x128xi32, #tpu.memory_space<vmem>>, vector<1x16xi32>,
    %swap3A_2870 = vector.shape_cast %swap3A_2869 : vector<1x16xi32> to vector<16xi32>
    %swap3A_2871 = vector.shape_cast %add3A_2865 : vector<16xi32> to vector<1x16xi32>
    tpu.vector_store %arg12[%swap3A_2867, %swap3A_2868], %swap3A_2871 {strides = array<i32>} : memref<36x128xi32, #tpu.memory_space<vmem>>, vector<1x16xi32>,
    %add3A_2872 = arith.constant 464 : i32
    %add3A_2873 = arith.addi %mul3A_2, %add3A_2872 : i32
    %add3A_2874 = vector.broadcast %add3A_2873 : i32 to vector<16xi32>
    %add3A_2875 = arith.addi %select_n3A_2581, %add3A_2874 : vector<16xi32>
    %swap3A_2876 = arith.constant 29 : i32
    %swap3A_2877 = arith.index_cast %swap3A_2876 : i32 to index
    %swap3A_2878 = arith.constant 112 : index
    %swap3A_2879 = tpu.vector_load %arg12[%swap3A_2877, %swap3A_2878] {strides = array<i32>} : memref<36x128xi32, #tpu.memory_space<vmem>>, vector<1x16xi32>,
    %swap3A_2880 = vector.shape_cast %swap3A_2879 : vector<1x16xi32> to vector<16xi32>
    %swap3A_2881 = vector.shape_cast %add3A_2875 : vector<16xi32> to vector<1x16xi32>
    tpu.vector_store %arg12[%swap3A_2877, %swap3A_2878], %swap3A_2881 {strides = array<i32>} : memref<36x128xi32, #tpu.memory_space<vmem>>, vector<1x16xi32>,
    %add3A_2882 = arith.constant 480 : i32
    %add3A_2883 = arith.addi %mul3A_2, %add3A_2882 : i32
    %add3A_2884 = vector.broadcast %add3A_2883 : i32 to vector<16xi32>
    %add3A_2885 = arith.addi %select_n3A_2581, %add3A_2884 : vector<16xi32>
    %swap3A_2886 = arith.constant 30 : i32
    %swap3A_2887 = arith.index_cast %swap3A_2886 : i32 to index
    %swap3A_2888 = arith.constant 112 : index
    %swap3A_2889 = tpu.vector_load %arg12[%swap3A_2887, %swap3A_2888] {strides = array<i32>} : memref<36x128xi32, #tpu.memory_space<vmem>>, vector<1x16xi32>,
    %swap3A_2890 = vector.shape_cast %swap3A_2889 : vector<1x16xi32> to vector<16xi32>
    %swap3A_2891 = vector.shape_cast %add3A_2885 : vector<16xi32> to vector<1x16xi32>
    tpu.vector_store %arg12[%swap3A_2887, %swap3A_2888], %swap3A_2891 {strides = array<i32>} : memref<36x128xi32, #tpu.memory_space<vmem>>, vector<1x16xi32>,
    %add3A_2892 = arith.constant 496 : i32
    %add3A_2893 = arith.addi %mul3A_2, %add3A_2892 : i32
    %add3A_2894 = vector.broadcast %add3A_2893 : i32 to vector<16xi32>
    %add3A_2895 = arith.addi %select_n3A_2581, %add3A_2894 : vector<16xi32>
    %swap3A_2896 = arith.constant 31 : i32
    %swap3A_2897 = arith.index_cast %swap3A_2896 : i32 to index
    %swap3A_2898 = arith.constant 112 : index
    %swap3A_2899 = tpu.vector_load %arg12[%swap3A_2897, %swap3A_2898] {strides = array<i32>} : memref<36x128xi32, #tpu.memory_space<vmem>>, vector<1x16xi32>,
    %swap3A_2900 = vector.shape_cast %swap3A_2899 : vector<1x16xi32> to vector<16xi32>
    %swap3A_2901 = vector.shape_cast %add3A_2895 : vector<16xi32> to vector<1x16xi32>
    tpu.vector_store %arg12[%swap3A_2897, %swap3A_2898], %swap3A_2901 {strides = array<i32>} : memref<36x128xi32, #tpu.memory_space<vmem>>, vector<1x16xi32>,
    %add3A_2902 = arith.constant 512 : i32
    %add3A_2903 = arith.addi %mul3A_2, %add3A_2902 : i32
    %add3A_2904 = vector.broadcast %add3A_2903 : i32 to vector<16xi32>
    %add3A_2905 = arith.addi %select_n3A_2581, %add3A_2904 : vector<16xi32>
    %swap3A_2906 = arith.constant 32 : i32
    %swap3A_2907 = arith.index_cast %swap3A_2906 : i32 to index
    %swap3A_2908 = arith.constant 112 : index
    %swap3A_2909 = tpu.vector_load %arg12[%swap3A_2907, %swap3A_2908] {strides = array<i32>} : memref<36x128xi32, #tpu.memory_space<vmem>>, vector<1x16xi32>,
    %swap3A_2910 = vector.shape_cast %swap3A_2909 : vector<1x16xi32> to vector<16xi32>
    %swap3A_2911 = vector.shape_cast %add3A_2905 : vector<16xi32> to vector<1x16xi32>
    tpu.vector_store %arg12[%swap3A_2907, %swap3A_2908], %swap3A_2911 {strides = array<i32>} : memref<36x128xi32, #tpu.memory_space<vmem>>, vector<1x16xi32>,
    %add3A_2912 = arith.constant 528 : i32
    %add3A_2913 = arith.addi %mul3A_2, %add3A_2912 : i32
    %add3A_2914 = vector.broadcast %add3A_2913 : i32 to vector<16xi32>
    %add3A_2915 = arith.addi %select_n3A_2581, %add3A_2914 : vector<16xi32>
    %swap3A_2916 = arith.constant 33 : i32
    %swap3A_2917 = arith.index_cast %swap3A_2916 : i32 to index
    %swap3A_2918 = arith.constant 112 : index
    %swap3A_2919 = tpu.vector_load %arg12[%swap3A_2917, %swap3A_2918] {strides = array<i32>} : memref<36x128xi32, #tpu.memory_space<vmem>>, vector<1x16xi32>,
    %swap3A_2920 = vector.shape_cast %swap3A_2919 : vector<1x16xi32> to vector<16xi32>
    %swap3A_2921 = vector.shape_cast %add3A_2915 : vector<16xi32> to vector<1x16xi32>
    tpu.vector_store %arg12[%swap3A_2917, %swap3A_2918], %swap3A_2921 {strides = array<i32>} : memref<36x128xi32, #tpu.memory_space<vmem>>, vector<1x16xi32>,
    %add3A_2922 = arith.constant 544 : i32
    %add3A_2923 = arith.addi %mul3A_2, %add3A_2922 : i32
    %add3A_2924 = vector.broadcast %add3A_2923 : i32 to vector<16xi32>
    %add3A_2925 = arith.addi %select_n3A_2581, %add3A_2924 : vector<16xi32>
    %swap3A_2926 = arith.constant 34 : i32
    %swap3A_2927 = arith.index_cast %swap3A_2926 : i32 to index
    %swap3A_2928 = arith.constant 112 : index
    %swap3A_2929 = tpu.vector_load %arg12[%swap3A_2927, %swap3A_2928] {strides = array<i32>} : memref<36x128xi32, #tpu.memory_space<vmem>>, vector<1x16xi32>,
    %swap3A_2930 = vector.shape_cast %swap3A_2929 : vector<1x16xi32> to vector<16xi32>
    %swap3A_2931 = vector.shape_cast %add3A_2925 : vector<16xi32> to vector<1x16xi32>
    tpu.vector_store %arg12[%swap3A_2927, %swap3A_2928], %swap3A_2931 {strides = array<i32>} : memref<36x128xi32, #tpu.memory_space<vmem>>, vector<1x16xi32>,
    %add3A_2932 = arith.constant 560 : i32
    %add3A_2933 = arith.addi %mul3A_2, %add3A_2932 : i32
    %add3A_2934 = vector.broadcast %add3A_2933 : i32 to vector<16xi32>
    %add3A_2935 = arith.addi %select_n3A_2581, %add3A_2934 : vector<16xi32>
    %swap3A_2936 = arith.constant 35 : i32
    %swap3A_2937 = arith.index_cast %swap3A_2936 : i32 to index
    %swap3A_2938 = arith.constant 112 : index
    %swap3A_2939 = tpu.vector_load %arg12[%swap3A_2937, %swap3A_2938] {strides = array<i32>} : memref<36x128xi32, #tpu.memory_space<vmem>>, vector<1x16xi32>,
    %swap3A_2940 = vector.shape_cast %swap3A_2939 : vector<1x16xi32> to vector<16xi32>
    %swap3A_2941 = vector.shape_cast %add3A_2935 : vector<16xi32> to vector<1x16xi32>
    tpu.vector_store %arg12[%swap3A_2937, %swap3A_2938], %swap3A_2941 {strides = array<i32>} : memref<36x128xi32, #tpu.memory_space<vmem>>, vector<1x16xi32>,
    %broadcast_in_dim3A_2942 = arith.constant 0.000000e+00 : f32
    %broadcast_in_dim3A_2943 = vector.broadcast %broadcast_in_dim3A_2942 : f32 to vector<16x64xf32>
    %swap3A_2944 = arith.constant 0 : index
    %swap3A_2945 = arith.constant 0 : index
    %swap3A_2946 = tpu.vector_load %arg13[%swap3A_2944, %swap3A_2945] {strides = array<i32>} : memref<128x64xf32, #tpu.memory_space<vmem>>, vector<16x64xf32>,
    %swap3A_2947 = vector.shape_cast %swap3A_2946 : vector<16x64xf32> to vector<16x64xf32>
    %swap3A_2948 = vector.shape_cast %broadcast_in_dim3A_2943 : vector<16x64xf32> to vector<16x64xf32>
    tpu.vector_store %arg13[%swap3A_2944, %swap3A_2945], %swap3A_2948 {strides = array<i32>} : memref<128x64xf32, #tpu.memory_space<vmem>>, vector<16x64xf32>,
    %broadcast_in_dim3A_2949 = arith.constant 0.000000e+00 : f32
    %broadcast_in_dim3A_2950 = vector.broadcast %broadcast_in_dim3A_2949 : f32 to vector<16x64xf32>
    %swap3A_2951 = arith.constant 16 : index
    %swap3A_2952 = arith.constant 0 : index
    %swap3A_2953 = tpu.vector_load %arg13[%swap3A_2951, %swap3A_2952] {strides = array<i32>} : memref<128x64xf32, #tpu.memory_space<vmem>>, vector<16x64xf32>,
    %swap3A_2954 = vector.shape_cast %swap3A_2953 : vector<16x64xf32> to vector<16x64xf32>
    %swap3A_2955 = vector.shape_cast %broadcast_in_dim3A_2950 : vector<16x64xf32> to vector<16x64xf32>
    tpu.vector_store %arg13[%swap3A_2951, %swap3A_2952], %swap3A_2955 {strides = array<i32>} : memref<128x64xf32, #tpu.memory_space<vmem>>, vector<16x64xf32>,
    %broadcast_in_dim3A_2956 = arith.constant 0.000000e+00 : f32
    %broadcast_in_dim3A_2957 = vector.broadcast %broadcast_in_dim3A_2956 : f32 to vector<16x64xf32>
    %swap3A_2958 = arith.constant 32 : index
    %swap3A_2959 = arith.constant 0 : index
    %swap3A_2960 = tpu.vector_load %arg13[%swap3A_2958, %swap3A_2959] {strides = array<i32>} : memref<128x64xf32, #tpu.memory_space<vmem>>, vector<16x64xf32>,
    %swap3A_2961 = vector.shape_cast %swap3A_2960 : vector<16x64xf32> to vector<16x64xf32>
    %swap3A_2962 = vector.shape_cast %broadcast_in_dim3A_2957 : vector<16x64xf32> to vector<16x64xf32>
    tpu.vector_store %arg13[%swap3A_2958, %swap3A_2959], %swap3A_2962 {strides = array<i32>} : memref<128x64xf32, #tpu.memory_space<vmem>>, vector<16x64xf32>,
    %broadcast_in_dim3A_2963 = arith.constant 0.000000e+00 : f32
    %broadcast_in_dim3A_2964 = vector.broadcast %broadcast_in_dim3A_2963 : f32 to vector<16x64xf32>
    %swap3A_2965 = arith.constant 48 : index
    %swap3A_2966 = arith.constant 0 : index
    %swap3A_2967 = tpu.vector_load %arg13[%swap3A_2965, %swap3A_2966] {strides = array<i32>} : memref<128x64xf32, #tpu.memory_space<vmem>>, vector<16x64xf32>,
    %swap3A_2968 = vector.shape_cast %swap3A_2967 : vector<16x64xf32> to vector<16x64xf32>
    %swap3A_2969 = vector.shape_cast %broadcast_in_dim3A_2964 : vector<16x64xf32> to vector<16x64xf32>
    tpu.vector_store %arg13[%swap3A_2965, %swap3A_2966], %swap3A_2969 {strides = array<i32>} : memref<128x64xf32, #tpu.memory_space<vmem>>, vector<16x64xf32>,
    %broadcast_in_dim3A_2970 = arith.constant 0.000000e+00 : f32
    %broadcast_in_dim3A_2971 = vector.broadcast %broadcast_in_dim3A_2970 : f32 to vector<16x64xf32>
    %swap3A_2972 = arith.constant 64 : index
    %swap3A_2973 = arith.constant 0 : index
    %swap3A_2974 = tpu.vector_load %arg13[%swap3A_2972, %swap3A_2973] {strides = array<i32>} : memref<128x64xf32, #tpu.memory_space<vmem>>, vector<16x64xf32>,
    %swap3A_2975 = vector.shape_cast %swap3A_2974 : vector<16x64xf32> to vector<16x64xf32>
    %swap3A_2976 = vector.shape_cast %broadcast_in_dim3A_2971 : vector<16x64xf32> to vector<16x64xf32>
    tpu.vector_store %arg13[%swap3A_2972, %swap3A_2973], %swap3A_2976 {strides = array<i32>} : memref<128x64xf32, #tpu.memory_space<vmem>>, vector<16x64xf32>,
    %broadcast_in_dim3A_2977 = arith.constant 0.000000e+00 : f32
    %broadcast_in_dim3A_2978 = vector.broadcast %broadcast_in_dim3A_2977 : f32 to vector<16x64xf32>
    %swap3A_2979 = arith.constant 80 : index
    %swap3A_2980 = arith.constant 0 : index
    %swap3A_2981 = tpu.vector_load %arg13[%swap3A_2979, %swap3A_2980] {strides = array<i32>} : memref<128x64xf32, #tpu.memory_space<vmem>>, vector<16x64xf32>,
    %swap3A_2982 = vector.shape_cast %swap3A_2981 : vector<16x64xf32> to vector<16x64xf32>
    %swap3A_2983 = vector.shape_cast %broadcast_in_dim3A_2978 : vector<16x64xf32> to vector<16x64xf32>
    tpu.vector_store %arg13[%swap3A_2979, %swap3A_2980], %swap3A_2983 {strides = array<i32>} : memref<128x64xf32, #tpu.memory_space<vmem>>, vector<16x64xf32>,
    %broadcast_in_dim3A_2984 = arith.constant 0.000000e+00 : f32
    %broadcast_in_dim3A_2985 = vector.broadcast %broadcast_in_dim3A_2984 : f32 to vector<16x64xf32>
    %swap3A_2986 = arith.constant 96 : index
    %swap3A_2987 = arith.constant 0 : index
    %swap3A_2988 = tpu.vector_load %arg13[%swap3A_2986, %swap3A_2987] {strides = array<i32>} : memref<128x64xf32, #tpu.memory_space<vmem>>, vector<16x64xf32>,
    %swap3A_2989 = vector.shape_cast %swap3A_2988 : vector<16x64xf32> to vector<16x64xf32>
    %swap3A_2990 = vector.shape_cast %broadcast_in_dim3A_2985 : vector<16x64xf32> to vector<16x64xf32>
    tpu.vector_store %arg13[%swap3A_2986, %swap3A_2987], %swap3A_2990 {strides = array<i32>} : memref<128x64xf32, #tpu.memory_space<vmem>>, vector<16x64xf32>,
    %broadcast_in_dim3A_2991 = arith.constant 0.000000e+00 : f32
    %broadcast_in_dim3A_2992 = vector.broadcast %broadcast_in_dim3A_2991 : f32 to vector<16x64xf32>
    %swap3A_2993 = arith.constant 112 : index
    %swap3A_2994 = arith.constant 0 : index
    %swap3A_2995 = tpu.vector_load %arg13[%swap3A_2993, %swap3A_2994] {strides = array<i32>} : memref<128x64xf32, #tpu.memory_space<vmem>>, vector<16x64xf32>,
    %swap3A_2996 = vector.shape_cast %swap3A_2995 : vector<16x64xf32> to vector<16x64xf32>
    %swap3A_2997 = vector.shape_cast %broadcast_in_dim3A_2992 : vector<16x64xf32> to vector<16x64xf32>
    tpu.vector_store %arg13[%swap3A_2993, %swap3A_2994], %swap3A_2997 {strides = array<i32>} : memref<128x64xf32, #tpu.memory_space<vmem>>, vector<16x64xf32>,
    %add3A_2998 = arith.constant 0 : i32
    %add3A_2999 = arith.addi %mul3A_2, %add3A_2998 : i32
    "tpu.region"() ({
      %run_scoped3A = tpu.sem_alloc : memref<!tpu.dma_semaphore, #tpu.memory_space<semaphore_mem>>
      %dma_start3A_3054 = arith.constant 0 : i32
      %dma_start3A_3055 = tpu.memref_slice %arg14[%add3A_2999, %dma_start3A_3054] : memref<9216x64xf32, #tpu.memory_space<vmem_shared>> -> memref<128x64xf32, #tpu.memory_space<vmem_shared>>
      %dma_start3A_3056 = arith.constant 0 : i32
      %dma_start3A_3057 = tpu.memref_slice %arg14[%add3A_2999, %dma_start3A_3056] : memref<9216x64xf32, #tpu.memory_space<vmem_shared>> -> memref<128x64xf32, #tpu.memory_space<vmem_shared>>
      tpu.enqueue_dma source(%arg13 : memref<128x64xf32, #tpu.memory_space<vmem>>) target(%dma_start3A_3057 : memref<128x64xf32, #tpu.memory_space<vmem_shared>>) target_semaphore(%run_scoped3A : memref<!tpu.dma_semaphore, #tpu.memory_space<semaphore_mem>>)
      %dma_wait3A = arith.constant 0 : i32
      %dma_wait3A_3058 = tpu.memref_slice %arg14[%add3A_2999, %dma_wait3A] : memref<9216x64xf32, #tpu.memory_space<vmem_shared>> -> memref<128x64xf32, #tpu.memory_space<vmem_shared>>
      %dma_wait3A_3059 = arith.constant 0 : i32
      %dma_wait3A_3060 = tpu.memref_slice %arg14[%add3A_2999, %dma_wait3A_3059] : memref<9216x64xf32, #tpu.memory_space<vmem_shared>> -> memref<128x64xf32, #tpu.memory_space<vmem_shared>>
      tpu.wait_dma2 semaphore(%run_scoped3A : memref<!tpu.dma_semaphore, #tpu.memory_space<semaphore_mem>>) src(%arg13 : memref<128x64xf32, #tpu.memory_space<vmem>>) dst(%dma_wait3A_3060 : memref<128x64xf32, #tpu.memory_space<vmem_shared>>)
      tpu.yield
    }) : () -> ()
    %add3A_3000 = arith.constant 128 : i32
    %add3A_3001 = arith.addi %mul3A_2, %add3A_3000 : i32
    "tpu.region"() ({
      %run_scoped3A = tpu.sem_alloc : memref<!tpu.dma_semaphore, #tpu.memory_space<semaphore_mem>>
      %dma_start3A_3054 = arith.constant 0 : i32
      %dma_start3A_3055 = tpu.memref_slice %arg14[%add3A_3001, %dma_start3A_3054] : memref<9216x64xf32, #tpu.memory_space<vmem_shared>> -> memref<128x64xf32, #tpu.memory_space<vmem_shared>>
      %dma_start3A_3056 = arith.constant 0 : i32
      %dma_start3A_3057 = tpu.memref_slice %arg14[%add3A_3001, %dma_start3A_3056] : memref<9216x64xf32, #tpu.memory_space<vmem_shared>> -> memref<128x64xf32, #tpu.memory_space<vmem_shared>>
      tpu.enqueue_dma source(%arg13 : memref<128x64xf32, #tpu.memory_space<vmem>>) target(%dma_start3A_3057 : memref<128x64xf32, #tpu.memory_space<vmem_shared>>) target_semaphore(%run_scoped3A : memref<!tpu.dma_semaphore, #tpu.memory_space<semaphore_mem>>)
      %dma_wait3A = arith.constant 0 : i32
      %dma_wait3A_3058 = tpu.memref_slice %arg14[%add3A_3001, %dma_wait3A] : memref<9216x64xf32, #tpu.memory_space<vmem_shared>> -> memref<128x64xf32, #tpu.memory_space<vmem_shared>>
      %dma_wait3A_3059 = arith.constant 0 : i32
      %dma_wait3A_3060 = tpu.memref_slice %arg14[%add3A_3001, %dma_wait3A_3059] : memref<9216x64xf32, #tpu.memory_space<vmem_shared>> -> memref<128x64xf32, #tpu.memory_space<vmem_shared>>
      tpu.wait_dma2 semaphore(%run_scoped3A : memref<!tpu.dma_semaphore, #tpu.memory_space<semaphore_mem>>) src(%arg13 : memref<128x64xf32, #tpu.memory_space<vmem>>) dst(%dma_wait3A_3060 : memref<128x64xf32, #tpu.memory_space<vmem_shared>>)
      tpu.yield
    }) : () -> ()
    %add3A_3002 = arith.constant 256 : i32
    %add3A_3003 = arith.addi %mul3A_2, %add3A_3002 : i32
    "tpu.region"() ({
      %run_scoped3A = tpu.sem_alloc : memref<!tpu.dma_semaphore, #tpu.memory_space<semaphore_mem>>
      %dma_start3A_3054 = arith.constant 0 : i32
      %dma_start3A_3055 = tpu.memref_slice %arg14[%add3A_3003, %dma_start3A_3054] : memref<9216x64xf32, #tpu.memory_space<vmem_shared>> -> memref<128x64xf32, #tpu.memory_space<vmem_shared>>
      %dma_start3A_3056 = arith.constant 0 : i32
      %dma_start3A_3057 = tpu.memref_slice %arg14[%add3A_3003, %dma_start3A_3056] : memref<9216x64xf32, #tpu.memory_space<vmem_shared>> -> memref<128x64xf32, #tpu.memory_space<vmem_shared>>
      tpu.enqueue_dma source(%arg13 : memref<128x64xf32, #tpu.memory_space<vmem>>) target(%dma_start3A_3057 : memref<128x64xf32, #tpu.memory_space<vmem_shared>>) target_semaphore(%run_scoped3A : memref<!tpu.dma_semaphore, #tpu.memory_space<semaphore_mem>>)
      %dma_wait3A = arith.constant 0 : i32
      %dma_wait3A_3058 = tpu.memref_slice %arg14[%add3A_3003, %dma_wait3A] : memref<9216x64xf32, #tpu.memory_space<vmem_shared>> -> memref<128x64xf32, #tpu.memory_space<vmem_shared>>
      %dma_wait3A_3059 = arith.constant 0 : i32
      %dma_wait3A_3060 = tpu.memref_slice %arg14[%add3A_3003, %dma_wait3A_3059] : memref<9216x64xf32, #tpu.memory_space<vmem_shared>> -> memref<128x64xf32, #tpu.memory_space<vmem_shared>>
      tpu.wait_dma2 semaphore(%run_scoped3A : memref<!tpu.dma_semaphore, #tpu.memory_space<semaphore_mem>>) src(%arg13 : memref<128x64xf32, #tpu.memory_space<vmem>>) dst(%dma_wait3A_3060 : memref<128x64xf32, #tpu.memory_space<vmem_shared>>)
      tpu.yield
    }) : () -> ()
    %add3A_3004 = arith.constant 384 : i32
    %add3A_3005 = arith.addi %mul3A_2, %add3A_3004 : i32
    "tpu.region"() ({
      %run_scoped3A = tpu.sem_alloc : memref<!tpu.dma_semaphore, #tpu.memory_space<semaphore_mem>>
      %dma_start3A_3054 = arith.constant 0 : i32
      %dma_start3A_3055 = tpu.memref_slice %arg14[%add3A_3005, %dma_start3A_3054] : memref<9216x64xf32, #tpu.memory_space<vmem_shared>> -> memref<128x64xf32, #tpu.memory_space<vmem_shared>>
      %dma_start3A_3056 = arith.constant 0 : i32
      %dma_start3A_3057 = tpu.memref_slice %arg14[%add3A_3005, %dma_start3A_3056] : memref<9216x64xf32, #tpu.memory_space<vmem_shared>> -> memref<128x64xf32, #tpu.memory_space<vmem_shared>>
      tpu.enqueue_dma source(%arg13 : memref<128x64xf32, #tpu.memory_space<vmem>>) target(%dma_start3A_3057 : memref<128x64xf32, #tpu.memory_space<vmem_shared>>) target_semaphore(%run_scoped3A : memref<!tpu.dma_semaphore, #tpu.memory_space<semaphore_mem>>)
      %dma_wait3A = arith.constant 0 : i32
      %dma_wait3A_3058 = tpu.memref_slice %arg14[%add3A_3005, %dma_wait3A] : memref<9216x64xf32, #tpu.memory_space<vmem_shared>> -> memref<128x64xf32, #tpu.memory_space<vmem_shared>>
      %dma_wait3A_3059 = arith.constant 0 : i32
      %dma_wait3A_3060 = tpu.memref_slice %arg14[%add3A_3005, %dma_wait3A_3059] : memref<9216x64xf32, #tpu.memory_space<vmem_shared>> -> memref<128x64xf32, #tpu.memory_space<vmem_shared>>
      tpu.wait_dma2 semaphore(%run_scoped3A : memref<!tpu.dma_semaphore, #tpu.memory_space<semaphore_mem>>) src(%arg13 : memref<128x64xf32, #tpu.memory_space<vmem>>) dst(%dma_wait3A_3060 : memref<128x64xf32, #tpu.memory_space<vmem_shared>>)
      tpu.yield
    }) : () -> ()
    %dma_start3A = arith.constant 0 : i32
    %dma_start3A_3006 = arith.constant 0 : i32
    %dma_start3A_3007 = tpu.memref_slice %arg5[%dma_start3A, %dma_start3A_3006] : memref<36x128xi32, #tpu.memory_space<vmem>> -> memref<1x128xi32, #tpu.memory_space<vmem>>
    %dma_start3A_3008 = tpu.memref_squeeze %dma_start3A_3007 : memref<1x128xi32, #tpu.memory_space<vmem>> -> memref<128xi32, #tpu.memory_space<vmem>>
    %dma_start3A_3009 = arith.constant 0 : i32
    %dma_start3A_3010 = arith.constant 0 : i32
    %dma_start3A_3011 = tpu.memref_slice %arg2[%dma_start3A_3009, %dma_start3A_3010] : memref<8192x64xf32, #tpu.memory_space<hbm>> -> memref<8192x64xf32, #tpu.memory_space<hbm>>
    tpu.enqueue_indirect_dma source(%dma_start3A_3011 : memref<8192x64xf32, #tpu.memory_space<hbm>>) target(%arg6 : memref<128x64xf32, #tpu.memory_space<vmem>>) offsets(%dma_start3A_3008 : memref<128xi32, #tpu.memory_space<vmem>>) semaphore(%arg15 : memref<!tpu.dma_semaphore, #tpu.memory_space<semaphore_mem>>)
    %dma_start3A_3012 = arith.constant 1 : i32
    %dma_start3A_3013 = arith.constant 0 : i32
    %dma_start3A_3014 = tpu.memref_slice %arg5[%dma_start3A_3012, %dma_start3A_3013] : memref<36x128xi32, #tpu.memory_space<vmem>> -> memref<1x128xi32, #tpu.memory_space<vmem>>
    %dma_start3A_3015 = tpu.memref_squeeze %dma_start3A_3014 : memref<1x128xi32, #tpu.memory_space<vmem>> -> memref<128xi32, #tpu.memory_space<vmem>>
    %dma_start3A_3016 = arith.constant 0 : i32
    %dma_start3A_3017 = arith.constant 0 : i32
    %dma_start3A_3018 = tpu.memref_slice %arg2[%dma_start3A_3016, %dma_start3A_3017] : memref<8192x64xf32, #tpu.memory_space<hbm>> -> memref<8192x64xf32, #tpu.memory_space<hbm>>
    tpu.enqueue_indirect_dma source(%dma_start3A_3018 : memref<8192x64xf32, #tpu.memory_space<hbm>>) target(%arg7 : memref<128x64xf32, #tpu.memory_space<vmem>>) offsets(%dma_start3A_3015 : memref<128xi32, #tpu.memory_space<vmem>>) semaphore(%arg16 : memref<!tpu.dma_semaphore, #tpu.memory_space<semaphore_mem>>)
    %dma_start3A_3019 = arith.constant 2 : i32
    %dma_start3A_3020 = arith.constant 0 : i32
    %dma_start3A_3021 = tpu.memref_slice %arg5[%dma_start3A_3019, %dma_start3A_3020] : memref<36x128xi32, #tpu.memory_space<vmem>> -> memref<1x128xi32, #tpu.memory_space<vmem>>
    %dma_start3A_3022 = tpu.memref_squeeze %dma_start3A_3021 : memref<1x128xi32, #tpu.memory_space<vmem>> -> memref<128xi32, #tpu.memory_space<vmem>>
    %dma_start3A_3023 = arith.constant 0 : i32
    %dma_start3A_3024 = arith.constant 0 : i32
    %dma_start3A_3025 = tpu.memref_slice %arg2[%dma_start3A_3023, %dma_start3A_3024] : memref<8192x64xf32, #tpu.memory_space<hbm>> -> memref<8192x64xf32, #tpu.memory_space<hbm>>
    tpu.enqueue_indirect_dma source(%dma_start3A_3025 : memref<8192x64xf32, #tpu.memory_space<hbm>>) target(%arg8 : memref<128x64xf32, #tpu.memory_space<vmem>>) offsets(%dma_start3A_3022 : memref<128xi32, #tpu.memory_space<vmem>>) semaphore(%arg17 : memref<!tpu.dma_semaphore, #tpu.memory_space<semaphore_mem>>)
    %dma_start3A_3026 = arith.constant 3 : i32
    %dma_start3A_3027 = arith.constant 0 : i32
    %dma_start3A_3028 = tpu.memref_slice %arg5[%dma_start3A_3026, %dma_start3A_3027] : memref<36x128xi32, #tpu.memory_space<vmem>> -> memref<1x128xi32, #tpu.memory_space<vmem>>
    %dma_start3A_3029 = tpu.memref_squeeze %dma_start3A_3028 : memref<1x128xi32, #tpu.memory_space<vmem>> -> memref<128xi32, #tpu.memory_space<vmem>>
    %dma_start3A_3030 = arith.constant 0 : i32
    %dma_start3A_3031 = arith.constant 0 : i32
    %dma_start3A_3032 = tpu.memref_slice %arg2[%dma_start3A_3030, %dma_start3A_3031] : memref<8192x64xf32, #tpu.memory_space<hbm>> -> memref<8192x64xf32, #tpu.memory_space<hbm>>
    tpu.enqueue_indirect_dma source(%dma_start3A_3032 : memref<8192x64xf32, #tpu.memory_space<hbm>>) target(%arg9 : memref<128x64xf32, #tpu.memory_space<vmem>>) offsets(%dma_start3A_3029 : memref<128xi32, #tpu.memory_space<vmem>>) semaphore(%arg18 : memref<!tpu.dma_semaphore, #tpu.memory_space<semaphore_mem>>)
    %dma_start3A_3033 = arith.constant 4 : i32
    %dma_start3A_3034 = arith.constant 0 : i32
    %dma_start3A_3035 = tpu.memref_slice %arg5[%dma_start3A_3033, %dma_start3A_3034] : memref<36x128xi32, #tpu.memory_space<vmem>> -> memref<1x128xi32, #tpu.memory_space<vmem>>
    %dma_start3A_3036 = tpu.memref_squeeze %dma_start3A_3035 : memref<1x128xi32, #tpu.memory_space<vmem>> -> memref<128xi32, #tpu.memory_space<vmem>>
    %dma_start3A_3037 = arith.constant 0 : i32
    %dma_start3A_3038 = arith.constant 0 : i32
    %dma_start3A_3039 = tpu.memref_slice %arg2[%dma_start3A_3037, %dma_start3A_3038] : memref<8192x64xf32, #tpu.memory_space<hbm>> -> memref<8192x64xf32, #tpu.memory_space<hbm>>
    tpu.enqueue_indirect_dma source(%dma_start3A_3039 : memref<8192x64xf32, #tpu.memory_space<hbm>>) target(%arg10 : memref<128x64xf32, #tpu.memory_space<vmem>>) offsets(%dma_start3A_3036 : memref<128xi32, #tpu.memory_space<vmem>>) semaphore(%arg19 : memref<!tpu.dma_semaphore, #tpu.memory_space<semaphore_mem>>)
    %dma_start3A_3040 = arith.constant 5 : i32
    %dma_start3A_3041 = arith.constant 0 : i32
    %dma_start3A_3042 = tpu.memref_slice %arg5[%dma_start3A_3040, %dma_start3A_3041] : memref<36x128xi32, #tpu.memory_space<vmem>> -> memref<1x128xi32, #tpu.memory_space<vmem>>
    %dma_start3A_3043 = tpu.memref_squeeze %dma_start3A_3042 : memref<1x128xi32, #tpu.memory_space<vmem>> -> memref<128xi32, #tpu.memory_space<vmem>>
    %dma_start3A_3044 = arith.constant 0 : i32
    %dma_start3A_3045 = arith.constant 0 : i32
    %dma_start3A_3046 = tpu.memref_slice %arg2[%dma_start3A_3044, %dma_start3A_3045] : memref<8192x64xf32, #tpu.memory_space<hbm>> -> memref<8192x64xf32, #tpu.memory_space<hbm>>
    tpu.enqueue_indirect_dma source(%dma_start3A_3046 : memref<8192x64xf32, #tpu.memory_space<hbm>>) target(%arg11 : memref<128x64xf32, #tpu.memory_space<vmem>>) offsets(%dma_start3A_3043 : memref<128xi32, #tpu.memory_space<vmem>>) semaphore(%arg20 : memref<!tpu.dma_semaphore, #tpu.memory_space<semaphore_mem>>)
    %scan3A = arith.constant 0 : i32
    %scan3A_3047 = arith.constant 0 : i32
    %scan3A_3048 = arith.constant 6 : i32
    %scan3A_3049 = arith.addi %scan3A_3047, %scan3A_3048 : i32
    %scan3A_3050 = arith.constant 1 : i32
    scf.for %scan3A_3054 = %scan3A_3047 to %scan3A_3049 step %scan3A_3050  : i32 {
      %mul3A_3055 = arith.constant 6 : i32
      %mul3A_3056 = arith.muli %scan3A_3054, %mul3A_3055 : i32
      %add3A_3057 = arith.constant 0 : i32
      %add3A_3058 = arith.addi %mul3A_3056, %add3A_3057 : i32
      %dma_wait3A = arith.constant 0 : i32
      %dma_wait3A_3059 = tpu.memref_slice %arg5[%add3A_3058, %dma_wait3A] : memref<36x128xi32, #tpu.memory_space<vmem>> -> memref<1x128xi32, #tpu.memory_space<vmem>>
      %dma_wait3A_3060 = tpu.memref_squeeze %dma_wait3A_3059 : memref<1x128xi32, #tpu.memory_space<vmem>> -> memref<128xi32, #tpu.memory_space<vmem>>
      %dma_wait3A_3061 = arith.constant 0 : i32
      %dma_wait3A_3062 = arith.constant 0 : i32
      %dma_wait3A_3063 = tpu.memref_slice %arg2[%dma_wait3A_3061, %dma_wait3A_3062] : memref<8192x64xf32, #tpu.memory_space<hbm>> -> memref<8192x64xf32, #tpu.memory_space<hbm>>
      tpu.wait_indirect_dma semaphore(%arg15 : memref<!tpu.dma_semaphore, #tpu.memory_space<semaphore_mem>>) src(%dma_wait3A_3063 : memref<8192x64xf32, #tpu.memory_space<hbm>>) dst(%arg6 : memref<128x64xf32, #tpu.memory_space<vmem>>)
      %dma_start3A_3064 = arith.constant 0 : i32
      %dma_start3A_3065 = tpu.memref_slice %arg12[%add3A_3058, %dma_start3A_3064] : memref<36x128xi32, #tpu.memory_space<vmem>> -> memref<1x128xi32, #tpu.memory_space<vmem>>
      %dma_start3A_3066 = tpu.memref_squeeze %dma_start3A_3065 : memref<1x128xi32, #tpu.memory_space<vmem>> -> memref<128xi32, #tpu.memory_space<vmem>>
      %dma_start3A_3067 = arith.constant 0 : i32
      %dma_start3A_3068 = arith.constant 0 : i32
      %dma_start3A_3069 = tpu.memref_slice %arg14[%dma_start3A_3067, %dma_start3A_3068] : memref<9216x64xf32, #tpu.memory_space<vmem_shared>> -> memref<9216x64xf32, #tpu.memory_space<vmem_shared>>
      tpu.enqueue_indirect_dma source(%arg6 : memref<128x64xf32, #tpu.memory_space<vmem>>) target(%dma_start3A_3069 : memref<9216x64xf32, #tpu.memory_space<vmem_shared>>) offsets(%dma_start3A_3066 : memref<128xi32, #tpu.memory_space<vmem>>) semaphore(%arg21 : memref<!tpu.dma_semaphore, #tpu.memory_space<semaphore_mem>>) {add = true}
      %dma_wait3A_3070 = arith.constant 0 : i32
      %dma_wait3A_3071 = tpu.memref_slice %arg12[%add3A_3058, %dma_wait3A_3070] : memref<36x128xi32, #tpu.memory_space<vmem>> -> memref<1x128xi32, #tpu.memory_space<vmem>>
      %dma_wait3A_3072 = tpu.memref_squeeze %dma_wait3A_3071 : memref<1x128xi32, #tpu.memory_space<vmem>> -> memref<128xi32, #tpu.memory_space<vmem>>
      %dma_wait3A_3073 = arith.constant 0 : i32
      %dma_wait3A_3074 = arith.constant 0 : i32
      %dma_wait3A_3075 = tpu.memref_slice %arg14[%dma_wait3A_3073, %dma_wait3A_3074] : memref<9216x64xf32, #tpu.memory_space<vmem_shared>> -> memref<9216x64xf32, #tpu.memory_space<vmem_shared>>
      tpu.wait_indirect_dma semaphore(%arg21 : memref<!tpu.dma_semaphore, #tpu.memory_space<semaphore_mem>>) src(%arg6 : memref<128x64xf32, #tpu.memory_space<vmem>>) dst(%dma_wait3A_3075 : memref<9216x64xf32, #tpu.memory_space<vmem_shared>>)
      %add3A_3076 = arith.constant 6 : i32
      %add3A_3077 = arith.addi %add3A_3058, %add3A_3076 : i32
      %lt3A_3078 = arith.constant 36 : i32
      %lt3A_3079 = arith.cmpi slt, %add3A_3077, %lt3A_3078 : i32
      %convert_element_type3A = arith.extui %lt3A_3079 : i1 to i32
      %cond3A = arith.constant 0 : i32
      %cond3A_3080 = arith.cmpi ne, %convert_element_type3A, %cond3A : i32
      scf.if %cond3A_3080 {
        %add3A_3216 = arith.constant 6 : i32
        %add3A_3217 = arith.addi %add3A_3058, %add3A_3216 : i32
        %dma_start3A_3218 = arith.constant 0 : i32
        %dma_start3A_3219 = tpu.memref_slice %arg5[%add3A_3217, %dma_start3A_3218] : memref<36x128xi32, #tpu.memory_space<vmem>> -> memref<1x128xi32, #tpu.memory_space<vmem>>
        %dma_start3A_3220 = tpu.memref_squeeze %dma_start3A_3219 : memref<1x128xi32, #tpu.memory_space<vmem>> -> memref<128xi32, #tpu.memory_space<vmem>>
        %dma_start3A_3221 = arith.constant 0 : i32
        %dma_start3A_3222 = arith.constant 0 : i32
        %dma_start3A_3223 = tpu.memref_slice %arg2[%dma_start3A_3221, %dma_start3A_3222] : memref<8192x64xf32, #tpu.memory_space<hbm>> -> memref<8192x64xf32, #tpu.memory_space<hbm>>
        tpu.enqueue_indirect_dma source(%dma_start3A_3223 : memref<8192x64xf32, #tpu.memory_space<hbm>>) target(%arg6 : memref<128x64xf32, #tpu.memory_space<vmem>>) offsets(%dma_start3A_3220 : memref<128xi32, #tpu.memory_space<vmem>>) semaphore(%arg15 : memref<!tpu.dma_semaphore, #tpu.memory_space<semaphore_mem>>)
      } else {
      }
      %add3A_3081 = arith.constant 1 : i32
      %add3A_3082 = arith.addi %mul3A_3056, %add3A_3081 : i32
      %dma_wait3A_3083 = arith.constant 0 : i32
      %dma_wait3A_3084 = tpu.memref_slice %arg5[%add3A_3082, %dma_wait3A_3083] : memref<36x128xi32, #tpu.memory_space<vmem>> -> memref<1x128xi32, #tpu.memory_space<vmem>>
      %dma_wait3A_3085 = tpu.memref_squeeze %dma_wait3A_3084 : memref<1x128xi32, #tpu.memory_space<vmem>> -> memref<128xi32, #tpu.memory_space<vmem>>
      %dma_wait3A_3086 = arith.constant 0 : i32
      %dma_wait3A_3087 = arith.constant 0 : i32
      %dma_wait3A_3088 = tpu.memref_slice %arg2[%dma_wait3A_3086, %dma_wait3A_3087] : memref<8192x64xf32, #tpu.memory_space<hbm>> -> memref<8192x64xf32, #tpu.memory_space<hbm>>
      tpu.wait_indirect_dma semaphore(%arg16 : memref<!tpu.dma_semaphore, #tpu.memory_space<semaphore_mem>>) src(%dma_wait3A_3088 : memref<8192x64xf32, #tpu.memory_space<hbm>>) dst(%arg7 : memref<128x64xf32, #tpu.memory_space<vmem>>)
      %dma_start3A_3089 = arith.constant 0 : i32
      %dma_start3A_3090 = tpu.memref_slice %arg12[%add3A_3082, %dma_start3A_3089] : memref<36x128xi32, #tpu.memory_space<vmem>> -> memref<1x128xi32, #tpu.memory_space<vmem>>
      %dma_start3A_3091 = tpu.memref_squeeze %dma_start3A_3090 : memref<1x128xi32, #tpu.memory_space<vmem>> -> memref<128xi32, #tpu.memory_space<vmem>>
      %dma_start3A_3092 = arith.constant 0 : i32
      %dma_start3A_3093 = arith.constant 0 : i32
      %dma_start3A_3094 = tpu.memref_slice %arg14[%dma_start3A_3092, %dma_start3A_3093] : memref<9216x64xf32, #tpu.memory_space<vmem_shared>> -> memref<9216x64xf32, #tpu.memory_space<vmem_shared>>
      tpu.enqueue_indirect_dma source(%arg7 : memref<128x64xf32, #tpu.memory_space<vmem>>) target(%dma_start3A_3094 : memref<9216x64xf32, #tpu.memory_space<vmem_shared>>) offsets(%dma_start3A_3091 : memref<128xi32, #tpu.memory_space<vmem>>) semaphore(%arg22 : memref<!tpu.dma_semaphore, #tpu.memory_space<semaphore_mem>>) {add = true}
      %dma_wait3A_3095 = arith.constant 0 : i32
      %dma_wait3A_3096 = tpu.memref_slice %arg12[%add3A_3082, %dma_wait3A_3095] : memref<36x128xi32, #tpu.memory_space<vmem>> -> memref<1x128xi32, #tpu.memory_space<vmem>>
      %dma_wait3A_3097 = tpu.memref_squeeze %dma_wait3A_3096 : memref<1x128xi32, #tpu.memory_space<vmem>> -> memref<128xi32, #tpu.memory_space<vmem>>
      %dma_wait3A_3098 = arith.constant 0 : i32
      %dma_wait3A_3099 = arith.constant 0 : i32
      %dma_wait3A_3100 = tpu.memref_slice %arg14[%dma_wait3A_3098, %dma_wait3A_3099] : memref<9216x64xf32, #tpu.memory_space<vmem_shared>> -> memref<9216x64xf32, #tpu.memory_space<vmem_shared>>
      tpu.wait_indirect_dma semaphore(%arg22 : memref<!tpu.dma_semaphore, #tpu.memory_space<semaphore_mem>>) src(%arg7 : memref<128x64xf32, #tpu.memory_space<vmem>>) dst(%dma_wait3A_3100 : memref<9216x64xf32, #tpu.memory_space<vmem_shared>>)
      %add3A_3101 = arith.constant 6 : i32
      %add3A_3102 = arith.addi %add3A_3082, %add3A_3101 : i32
      %lt3A_3103 = arith.constant 36 : i32
      %lt3A_3104 = arith.cmpi slt, %add3A_3102, %lt3A_3103 : i32
      %convert_element_type3A_3105 = arith.extui %lt3A_3104 : i1 to i32
      %cond3A_3106 = arith.constant 0 : i32
      %cond3A_3107 = arith.cmpi ne, %convert_element_type3A_3105, %cond3A_3106 : i32
      scf.if %cond3A_3107 {
        %add3A_3216 = arith.constant 6 : i32
        %add3A_3217 = arith.addi %add3A_3082, %add3A_3216 : i32
        %dma_start3A_3218 = arith.constant 0 : i32
        %dma_start3A_3219 = tpu.memref_slice %arg5[%add3A_3217, %dma_start3A_3218] : memref<36x128xi32, #tpu.memory_space<vmem>> -> memref<1x128xi32, #tpu.memory_space<vmem>>
        %dma_start3A_3220 = tpu.memref_squeeze %dma_start3A_3219 : memref<1x128xi32, #tpu.memory_space<vmem>> -> memref<128xi32, #tpu.memory_space<vmem>>
        %dma_start3A_3221 = arith.constant 0 : i32
        %dma_start3A_3222 = arith.constant 0 : i32
        %dma_start3A_3223 = tpu.memref_slice %arg2[%dma_start3A_3221, %dma_start3A_3222] : memref<8192x64xf32, #tpu.memory_space<hbm>> -> memref<8192x64xf32, #tpu.memory_space<hbm>>
        tpu.enqueue_indirect_dma source(%dma_start3A_3223 : memref<8192x64xf32, #tpu.memory_space<hbm>>) target(%arg7 : memref<128x64xf32, #tpu.memory_space<vmem>>) offsets(%dma_start3A_3220 : memref<128xi32, #tpu.memory_space<vmem>>) semaphore(%arg16 : memref<!tpu.dma_semaphore, #tpu.memory_space<semaphore_mem>>)
      } else {
      }
      %add3A_3108 = arith.constant 2 : i32
      %add3A_3109 = arith.addi %mul3A_3056, %add3A_3108 : i32
      %dma_wait3A_3110 = arith.constant 0 : i32
      %dma_wait3A_3111 = tpu.memref_slice %arg5[%add3A_3109, %dma_wait3A_3110] : memref<36x128xi32, #tpu.memory_space<vmem>> -> memref<1x128xi32, #tpu.memory_space<vmem>>
      %dma_wait3A_3112 = tpu.memref_squeeze %dma_wait3A_3111 : memref<1x128xi32, #tpu.memory_space<vmem>> -> memref<128xi32, #tpu.memory_space<vmem>>
      %dma_wait3A_3113 = arith.constant 0 : i32
      %dma_wait3A_3114 = arith.constant 0 : i32
      %dma_wait3A_3115 = tpu.memref_slice %arg2[%dma_wait3A_3113, %dma_wait3A_3114] : memref<8192x64xf32, #tpu.memory_space<hbm>> -> memref<8192x64xf32, #tpu.memory_space<hbm>>
      tpu.wait_indirect_dma semaphore(%arg17 : memref<!tpu.dma_semaphore, #tpu.memory_space<semaphore_mem>>) src(%dma_wait3A_3115 : memref<8192x64xf32, #tpu.memory_space<hbm>>) dst(%arg8 : memref<128x64xf32, #tpu.memory_space<vmem>>)
      %dma_start3A_3116 = arith.constant 0 : i32
      %dma_start3A_3117 = tpu.memref_slice %arg12[%add3A_3109, %dma_start3A_3116] : memref<36x128xi32, #tpu.memory_space<vmem>> -> memref<1x128xi32, #tpu.memory_space<vmem>>
      %dma_start3A_3118 = tpu.memref_squeeze %dma_start3A_3117 : memref<1x128xi32, #tpu.memory_space<vmem>> -> memref<128xi32, #tpu.memory_space<vmem>>
      %dma_start3A_3119 = arith.constant 0 : i32
      %dma_start3A_3120 = arith.constant 0 : i32
      %dma_start3A_3121 = tpu.memref_slice %arg14[%dma_start3A_3119, %dma_start3A_3120] : memref<9216x64xf32, #tpu.memory_space<vmem_shared>> -> memref<9216x64xf32, #tpu.memory_space<vmem_shared>>
      tpu.enqueue_indirect_dma source(%arg8 : memref<128x64xf32, #tpu.memory_space<vmem>>) target(%dma_start3A_3121 : memref<9216x64xf32, #tpu.memory_space<vmem_shared>>) offsets(%dma_start3A_3118 : memref<128xi32, #tpu.memory_space<vmem>>) semaphore(%arg23 : memref<!tpu.dma_semaphore, #tpu.memory_space<semaphore_mem>>) {add = true}
      %dma_wait3A_3122 = arith.constant 0 : i32
      %dma_wait3A_3123 = tpu.memref_slice %arg12[%add3A_3109, %dma_wait3A_3122] : memref<36x128xi32, #tpu.memory_space<vmem>> -> memref<1x128xi32, #tpu.memory_space<vmem>>
      %dma_wait3A_3124 = tpu.memref_squeeze %dma_wait3A_3123 : memref<1x128xi32, #tpu.memory_space<vmem>> -> memref<128xi32, #tpu.memory_space<vmem>>
      %dma_wait3A_3125 = arith.constant 0 : i32
      %dma_wait3A_3126 = arith.constant 0 : i32
      %dma_wait3A_3127 = tpu.memref_slice %arg14[%dma_wait3A_3125, %dma_wait3A_3126] : memref<9216x64xf32, #tpu.memory_space<vmem_shared>> -> memref<9216x64xf32, #tpu.memory_space<vmem_shared>>
      tpu.wait_indirect_dma semaphore(%arg23 : memref<!tpu.dma_semaphore, #tpu.memory_space<semaphore_mem>>) src(%arg8 : memref<128x64xf32, #tpu.memory_space<vmem>>) dst(%dma_wait3A_3127 : memref<9216x64xf32, #tpu.memory_space<vmem_shared>>)
      %add3A_3128 = arith.constant 6 : i32
      %add3A_3129 = arith.addi %add3A_3109, %add3A_3128 : i32
      %lt3A_3130 = arith.constant 36 : i32
      %lt3A_3131 = arith.cmpi slt, %add3A_3129, %lt3A_3130 : i32
      %convert_element_type3A_3132 = arith.extui %lt3A_3131 : i1 to i32
      %cond3A_3133 = arith.constant 0 : i32
      %cond3A_3134 = arith.cmpi ne, %convert_element_type3A_3132, %cond3A_3133 : i32
      scf.if %cond3A_3134 {
        %add3A_3216 = arith.constant 6 : i32
        %add3A_3217 = arith.addi %add3A_3109, %add3A_3216 : i32
        %dma_start3A_3218 = arith.constant 0 : i32
        %dma_start3A_3219 = tpu.memref_slice %arg5[%add3A_3217, %dma_start3A_3218] : memref<36x128xi32, #tpu.memory_space<vmem>> -> memref<1x128xi32, #tpu.memory_space<vmem>>
        %dma_start3A_3220 = tpu.memref_squeeze %dma_start3A_3219 : memref<1x128xi32, #tpu.memory_space<vmem>> -> memref<128xi32, #tpu.memory_space<vmem>>
        %dma_start3A_3221 = arith.constant 0 : i32
        %dma_start3A_3222 = arith.constant 0 : i32
        %dma_start3A_3223 = tpu.memref_slice %arg2[%dma_start3A_3221, %dma_start3A_3222] : memref<8192x64xf32, #tpu.memory_space<hbm>> -> memref<8192x64xf32, #tpu.memory_space<hbm>>
        tpu.enqueue_indirect_dma source(%dma_start3A_3223 : memref<8192x64xf32, #tpu.memory_space<hbm>>) target(%arg8 : memref<128x64xf32, #tpu.memory_space<vmem>>) offsets(%dma_start3A_3220 : memref<128xi32, #tpu.memory_space<vmem>>) semaphore(%arg17 : memref<!tpu.dma_semaphore, #tpu.memory_space<semaphore_mem>>)
      } else {
      }
      %add3A_3135 = arith.constant 3 : i32
      %add3A_3136 = arith.addi %mul3A_3056, %add3A_3135 : i32
      %dma_wait3A_3137 = arith.constant 0 : i32
      %dma_wait3A_3138 = tpu.memref_slice %arg5[%add3A_3136, %dma_wait3A_3137] : memref<36x128xi32, #tpu.memory_space<vmem>> -> memref<1x128xi32, #tpu.memory_space<vmem>>
      %dma_wait3A_3139 = tpu.memref_squeeze %dma_wait3A_3138 : memref<1x128xi32, #tpu.memory_space<vmem>> -> memref<128xi32, #tpu.memory_space<vmem>>
      %dma_wait3A_3140 = arith.constant 0 : i32
      %dma_wait3A_3141 = arith.constant 0 : i32
      %dma_wait3A_3142 = tpu.memref_slice %arg2[%dma_wait3A_3140, %dma_wait3A_3141] : memref<8192x64xf32, #tpu.memory_space<hbm>> -> memref<8192x64xf32, #tpu.memory_space<hbm>>
      tpu.wait_indirect_dma semaphore(%arg18 : memref<!tpu.dma_semaphore, #tpu.memory_space<semaphore_mem>>) src(%dma_wait3A_3142 : memref<8192x64xf32, #tpu.memory_space<hbm>>) dst(%arg9 : memref<128x64xf32, #tpu.memory_space<vmem>>)
      %dma_start3A_3143 = arith.constant 0 : i32
      %dma_start3A_3144 = tpu.memref_slice %arg12[%add3A_3136, %dma_start3A_3143] : memref<36x128xi32, #tpu.memory_space<vmem>> -> memref<1x128xi32, #tpu.memory_space<vmem>>
      %dma_start3A_3145 = tpu.memref_squeeze %dma_start3A_3144 : memref<1x128xi32, #tpu.memory_space<vmem>> -> memref<128xi32, #tpu.memory_space<vmem>>
      %dma_start3A_3146 = arith.constant 0 : i32
      %dma_start3A_3147 = arith.constant 0 : i32
      %dma_start3A_3148 = tpu.memref_slice %arg14[%dma_start3A_3146, %dma_start3A_3147] : memref<9216x64xf32, #tpu.memory_space<vmem_shared>> -> memref<9216x64xf32, #tpu.memory_space<vmem_shared>>
      tpu.enqueue_indirect_dma source(%arg9 : memref<128x64xf32, #tpu.memory_space<vmem>>) target(%dma_start3A_3148 : memref<9216x64xf32, #tpu.memory_space<vmem_shared>>) offsets(%dma_start3A_3145 : memref<128xi32, #tpu.memory_space<vmem>>) semaphore(%arg24 : memref<!tpu.dma_semaphore, #tpu.memory_space<semaphore_mem>>) {add = true}
      %dma_wait3A_3149 = arith.constant 0 : i32
      %dma_wait3A_3150 = tpu.memref_slice %arg12[%add3A_3136, %dma_wait3A_3149] : memref<36x128xi32, #tpu.memory_space<vmem>> -> memref<1x128xi32, #tpu.memory_space<vmem>>
      %dma_wait3A_3151 = tpu.memref_squeeze %dma_wait3A_3150 : memref<1x128xi32, #tpu.memory_space<vmem>> -> memref<128xi32, #tpu.memory_space<vmem>>
      %dma_wait3A_3152 = arith.constant 0 : i32
      %dma_wait3A_3153 = arith.constant 0 : i32
      %dma_wait3A_3154 = tpu.memref_slice %arg14[%dma_wait3A_3152, %dma_wait3A_3153] : memref<9216x64xf32, #tpu.memory_space<vmem_shared>> -> memref<9216x64xf32, #tpu.memory_space<vmem_shared>>
      tpu.wait_indirect_dma semaphore(%arg24 : memref<!tpu.dma_semaphore, #tpu.memory_space<semaphore_mem>>) src(%arg9 : memref<128x64xf32, #tpu.memory_space<vmem>>) dst(%dma_wait3A_3154 : memref<9216x64xf32, #tpu.memory_space<vmem_shared>>)
      %add3A_3155 = arith.constant 6 : i32
      %add3A_3156 = arith.addi %add3A_3136, %add3A_3155 : i32
      %lt3A_3157 = arith.constant 36 : i32
      %lt3A_3158 = arith.cmpi slt, %add3A_3156, %lt3A_3157 : i32
      %convert_element_type3A_3159 = arith.extui %lt3A_3158 : i1 to i32
      %cond3A_3160 = arith.constant 0 : i32
      %cond3A_3161 = arith.cmpi ne, %convert_element_type3A_3159, %cond3A_3160 : i32
      scf.if %cond3A_3161 {
        %add3A_3216 = arith.constant 6 : i32
        %add3A_3217 = arith.addi %add3A_3136, %add3A_3216 : i32
        %dma_start3A_3218 = arith.constant 0 : i32
        %dma_start3A_3219 = tpu.memref_slice %arg5[%add3A_3217, %dma_start3A_3218] : memref<36x128xi32, #tpu.memory_space<vmem>> -> memref<1x128xi32, #tpu.memory_space<vmem>>
        %dma_start3A_3220 = tpu.memref_squeeze %dma_start3A_3219 : memref<1x128xi32, #tpu.memory_space<vmem>> -> memref<128xi32, #tpu.memory_space<vmem>>
        %dma_start3A_3221 = arith.constant 0 : i32
        %dma_start3A_3222 = arith.constant 0 : i32
        %dma_start3A_3223 = tpu.memref_slice %arg2[%dma_start3A_3221, %dma_start3A_3222] : memref<8192x64xf32, #tpu.memory_space<hbm>> -> memref<8192x64xf32, #tpu.memory_space<hbm>>
        tpu.enqueue_indirect_dma source(%dma_start3A_3223 : memref<8192x64xf32, #tpu.memory_space<hbm>>) target(%arg9 : memref<128x64xf32, #tpu.memory_space<vmem>>) offsets(%dma_start3A_3220 : memref<128xi32, #tpu.memory_space<vmem>>) semaphore(%arg18 : memref<!tpu.dma_semaphore, #tpu.memory_space<semaphore_mem>>)
      } else {
      }
      %add3A_3162 = arith.constant 4 : i32
      %add3A_3163 = arith.addi %mul3A_3056, %add3A_3162 : i32
      %dma_wait3A_3164 = arith.constant 0 : i32
      %dma_wait3A_3165 = tpu.memref_slice %arg5[%add3A_3163, %dma_wait3A_3164] : memref<36x128xi32, #tpu.memory_space<vmem>> -> memref<1x128xi32, #tpu.memory_space<vmem>>
      %dma_wait3A_3166 = tpu.memref_squeeze %dma_wait3A_3165 : memref<1x128xi32, #tpu.memory_space<vmem>> -> memref<128xi32, #tpu.memory_space<vmem>>
      %dma_wait3A_3167 = arith.constant 0 : i32
      %dma_wait3A_3168 = arith.constant 0 : i32
      %dma_wait3A_3169 = tpu.memref_slice %arg2[%dma_wait3A_3167, %dma_wait3A_3168] : memref<8192x64xf32, #tpu.memory_space<hbm>> -> memref<8192x64xf32, #tpu.memory_space<hbm>>
      tpu.wait_indirect_dma semaphore(%arg19 : memref<!tpu.dma_semaphore, #tpu.memory_space<semaphore_mem>>) src(%dma_wait3A_3169 : memref<8192x64xf32, #tpu.memory_space<hbm>>) dst(%arg10 : memref<128x64xf32, #tpu.memory_space<vmem>>)
      %dma_start3A_3170 = arith.constant 0 : i32
      %dma_start3A_3171 = tpu.memref_slice %arg12[%add3A_3163, %dma_start3A_3170] : memref<36x128xi32, #tpu.memory_space<vmem>> -> memref<1x128xi32, #tpu.memory_space<vmem>>
      %dma_start3A_3172 = tpu.memref_squeeze %dma_start3A_3171 : memref<1x128xi32, #tpu.memory_space<vmem>> -> memref<128xi32, #tpu.memory_space<vmem>>
      %dma_start3A_3173 = arith.constant 0 : i32
      %dma_start3A_3174 = arith.constant 0 : i32
      %dma_start3A_3175 = tpu.memref_slice %arg14[%dma_start3A_3173, %dma_start3A_3174] : memref<9216x64xf32, #tpu.memory_space<vmem_shared>> -> memref<9216x64xf32, #tpu.memory_space<vmem_shared>>
      tpu.enqueue_indirect_dma source(%arg10 : memref<128x64xf32, #tpu.memory_space<vmem>>) target(%dma_start3A_3175 : memref<9216x64xf32, #tpu.memory_space<vmem_shared>>) offsets(%dma_start3A_3172 : memref<128xi32, #tpu.memory_space<vmem>>) semaphore(%arg25 : memref<!tpu.dma_semaphore, #tpu.memory_space<semaphore_mem>>) {add = true}
      %dma_wait3A_3176 = arith.constant 0 : i32
      %dma_wait3A_3177 = tpu.memref_slice %arg12[%add3A_3163, %dma_wait3A_3176] : memref<36x128xi32, #tpu.memory_space<vmem>> -> memref<1x128xi32, #tpu.memory_space<vmem>>
      %dma_wait3A_3178 = tpu.memref_squeeze %dma_wait3A_3177 : memref<1x128xi32, #tpu.memory_space<vmem>> -> memref<128xi32, #tpu.memory_space<vmem>>
      %dma_wait3A_3179 = arith.constant 0 : i32
      %dma_wait3A_3180 = arith.constant 0 : i32
      %dma_wait3A_3181 = tpu.memref_slice %arg14[%dma_wait3A_3179, %dma_wait3A_3180] : memref<9216x64xf32, #tpu.memory_space<vmem_shared>> -> memref<9216x64xf32, #tpu.memory_space<vmem_shared>>
      tpu.wait_indirect_dma semaphore(%arg25 : memref<!tpu.dma_semaphore, #tpu.memory_space<semaphore_mem>>) src(%arg10 : memref<128x64xf32, #tpu.memory_space<vmem>>) dst(%dma_wait3A_3181 : memref<9216x64xf32, #tpu.memory_space<vmem_shared>>)
      %add3A_3182 = arith.constant 6 : i32
      %add3A_3183 = arith.addi %add3A_3163, %add3A_3182 : i32
      %lt3A_3184 = arith.constant 36 : i32
      %lt3A_3185 = arith.cmpi slt, %add3A_3183, %lt3A_3184 : i32
      %convert_element_type3A_3186 = arith.extui %lt3A_3185 : i1 to i32
      %cond3A_3187 = arith.constant 0 : i32
      %cond3A_3188 = arith.cmpi ne, %convert_element_type3A_3186, %cond3A_3187 : i32
      scf.if %cond3A_3188 {
        %add3A_3216 = arith.constant 6 : i32
        %add3A_3217 = arith.addi %add3A_3163, %add3A_3216 : i32
        %dma_start3A_3218 = arith.constant 0 : i32
        %dma_start3A_3219 = tpu.memref_slice %arg5[%add3A_3217, %dma_start3A_3218] : memref<36x128xi32, #tpu.memory_space<vmem>> -> memref<1x128xi32, #tpu.memory_space<vmem>>
        %dma_start3A_3220 = tpu.memref_squeeze %dma_start3A_3219 : memref<1x128xi32, #tpu.memory_space<vmem>> -> memref<128xi32, #tpu.memory_space<vmem>>
        %dma_start3A_3221 = arith.constant 0 : i32
        %dma_start3A_3222 = arith.constant 0 : i32
        %dma_start3A_3223 = tpu.memref_slice %arg2[%dma_start3A_3221, %dma_start3A_3222] : memref<8192x64xf32, #tpu.memory_space<hbm>> -> memref<8192x64xf32, #tpu.memory_space<hbm>>
        tpu.enqueue_indirect_dma source(%dma_start3A_3223 : memref<8192x64xf32, #tpu.memory_space<hbm>>) target(%arg10 : memref<128x64xf32, #tpu.memory_space<vmem>>) offsets(%dma_start3A_3220 : memref<128xi32, #tpu.memory_space<vmem>>) semaphore(%arg19 : memref<!tpu.dma_semaphore, #tpu.memory_space<semaphore_mem>>)
      } else {
      }
      %add3A_3189 = arith.constant 5 : i32
      %add3A_3190 = arith.addi %mul3A_3056, %add3A_3189 : i32
      %dma_wait3A_3191 = arith.constant 0 : i32
      %dma_wait3A_3192 = tpu.memref_slice %arg5[%add3A_3190, %dma_wait3A_3191] : memref<36x128xi32, #tpu.memory_space<vmem>> -> memref<1x128xi32, #tpu.memory_space<vmem>>
      %dma_wait3A_3193 = tpu.memref_squeeze %dma_wait3A_3192 : memref<1x128xi32, #tpu.memory_space<vmem>> -> memref<128xi32, #tpu.memory_space<vmem>>
      %dma_wait3A_3194 = arith.constant 0 : i32
      %dma_wait3A_3195 = arith.constant 0 : i32
      %dma_wait3A_3196 = tpu.memref_slice %arg2[%dma_wait3A_3194, %dma_wait3A_3195] : memref<8192x64xf32, #tpu.memory_space<hbm>> -> memref<8192x64xf32, #tpu.memory_space<hbm>>
      tpu.wait_indirect_dma semaphore(%arg20 : memref<!tpu.dma_semaphore, #tpu.memory_space<semaphore_mem>>) src(%dma_wait3A_3196 : memref<8192x64xf32, #tpu.memory_space<hbm>>) dst(%arg11 : memref<128x64xf32, #tpu.memory_space<vmem>>)
      %dma_start3A_3197 = arith.constant 0 : i32
      %dma_start3A_3198 = tpu.memref_slice %arg12[%add3A_3190, %dma_start3A_3197] : memref<36x128xi32, #tpu.memory_space<vmem>> -> memref<1x128xi32, #tpu.memory_space<vmem>>
      %dma_start3A_3199 = tpu.memref_squeeze %dma_start3A_3198 : memref<1x128xi32, #tpu.memory_space<vmem>> -> memref<128xi32, #tpu.memory_space<vmem>>
      %dma_start3A_3200 = arith.constant 0 : i32
      %dma_start3A_3201 = arith.constant 0 : i32
      %dma_start3A_3202 = tpu.memref_slice %arg14[%dma_start3A_3200, %dma_start3A_3201] : memref<9216x64xf32, #tpu.memory_space<vmem_shared>> -> memref<9216x64xf32, #tpu.memory_space<vmem_shared>>
      tpu.enqueue_indirect_dma source(%arg11 : memref<128x64xf32, #tpu.memory_space<vmem>>) target(%dma_start3A_3202 : memref<9216x64xf32, #tpu.memory_space<vmem_shared>>) offsets(%dma_start3A_3199 : memref<128xi32, #tpu.memory_space<vmem>>) semaphore(%arg26 : memref<!tpu.dma_semaphore, #tpu.memory_space<semaphore_mem>>) {add = true}
      %dma_wait3A_3203 = arith.constant 0 : i32
      %dma_wait3A_3204 = tpu.memref_slice %arg12[%add3A_3190, %dma_wait3A_3203] : memref<36x128xi32, #tpu.memory_space<vmem>> -> memref<1x128xi32, #tpu.memory_space<vmem>>
      %dma_wait3A_3205 = tpu.memref_squeeze %dma_wait3A_3204 : memref<1x128xi32, #tpu.memory_space<vmem>> -> memref<128xi32, #tpu.memory_space<vmem>>
      %dma_wait3A_3206 = arith.constant 0 : i32
      %dma_wait3A_3207 = arith.constant 0 : i32
      %dma_wait3A_3208 = tpu.memref_slice %arg14[%dma_wait3A_3206, %dma_wait3A_3207] : memref<9216x64xf32, #tpu.memory_space<vmem_shared>> -> memref<9216x64xf32, #tpu.memory_space<vmem_shared>>
      tpu.wait_indirect_dma semaphore(%arg26 : memref<!tpu.dma_semaphore, #tpu.memory_space<semaphore_mem>>) src(%arg11 : memref<128x64xf32, #tpu.memory_space<vmem>>) dst(%dma_wait3A_3208 : memref<9216x64xf32, #tpu.memory_space<vmem_shared>>)
      %add3A_3209 = arith.constant 6 : i32
      %add3A_3210 = arith.addi %add3A_3190, %add3A_3209 : i32
      %lt3A_3211 = arith.constant 36 : i32
      %lt3A_3212 = arith.cmpi slt, %add3A_3210, %lt3A_3211 : i32
      %convert_element_type3A_3213 = arith.extui %lt3A_3212 : i1 to i32
      %cond3A_3214 = arith.constant 0 : i32
      %cond3A_3215 = arith.cmpi ne, %convert_element_type3A_3213, %cond3A_3214 : i32
      scf.if %cond3A_3215 {
        %add3A_3216 = arith.constant 6 : i32
        %add3A_3217 = arith.addi %add3A_3190, %add3A_3216 : i32
        %dma_start3A_3218 = arith.constant 0 : i32
        %dma_start3A_3219 = tpu.memref_slice %arg5[%add3A_3217, %dma_start3A_3218] : memref<36x128xi32, #tpu.memory_space<vmem>> -> memref<1x128xi32, #tpu.memory_space<vmem>>
        %dma_start3A_3220 = tpu.memref_squeeze %dma_start3A_3219 : memref<1x128xi32, #tpu.memory_space<vmem>> -> memref<128xi32, #tpu.memory_space<vmem>>
        %dma_start3A_3221 = arith.constant 0 : i32
        %dma_start3A_3222 = arith.constant 0 : i32
        %dma_start3A_3223 = tpu.memref_slice %arg2[%dma_start3A_3221, %dma_start3A_3222] : memref<8192x64xf32, #tpu.memory_space<hbm>> -> memref<8192x64xf32, #tpu.memory_space<hbm>>
        tpu.enqueue_indirect_dma source(%dma_start3A_3223 : memref<8192x64xf32, #tpu.memory_space<hbm>>) target(%arg11 : memref<128x64xf32, #tpu.memory_space<vmem>>) offsets(%dma_start3A_3220 : memref<128xi32, #tpu.memory_space<vmem>>) semaphore(%arg20 : memref<!tpu.dma_semaphore, #tpu.memory_space<semaphore_mem>>)
      } else {
      }
    }
    %scan3A_3051 = arith.constant 6 : i32
    %mul3A_3052 = arith.constant 576 : i32
    %mul3A_3053 = arith.muli %add3A, %mul3A_3052 : i32
    "tpu.region"() ({
      %run_scoped3A = tpu.sem_alloc : memref<!tpu.dma_semaphore, #tpu.memory_space<semaphore_mem>>
      %dma_start3A_3054 = arith.constant 0 : i32
      %dma_start3A_3055 = tpu.memref_slice %arg4[%mul3A_3053, %dma_start3A_3054] : memref<18432x64xf32, #tpu.memory_space<hbm>> -> memref<576x64xf32, #tpu.memory_space<hbm>>
      %dma_start3A_3056 = arith.constant 0 : i32
      %dma_start3A_3057 = tpu.memref_slice %arg14[%mul3A_2, %dma_start3A_3056] : memref<9216x64xf32, #tpu.memory_space<vmem_shared>> -> memref<576x64xf32, #tpu.memory_space<vmem_shared>>
      tpu.enqueue_dma source(%dma_start3A_3057 : memref<576x64xf32, #tpu.memory_space<vmem_shared>>) target(%dma_start3A_3055 : memref<576x64xf32, #tpu.memory_space<hbm>>) target_semaphore(%run_scoped3A : memref<!tpu.dma_semaphore, #tpu.memory_space<semaphore_mem>>)
      %dma_wait3A = arith.constant 0 : i32
      %dma_wait3A_3058 = tpu.memref_slice %arg4[%mul3A_3053, %dma_wait3A] : memref<18432x64xf32, #tpu.memory_space<hbm>> -> memref<576x64xf32, #tpu.memory_space<hbm>>
      %dma_wait3A_3059 = arith.constant 0 : i32
      %dma_wait3A_3060 = tpu.memref_slice %arg14[%mul3A_2, %dma_wait3A_3059] : memref<9216x64xf32, #tpu.memory_space<vmem_shared>> -> memref<576x64xf32, #tpu.memory_space<vmem_shared>>
      tpu.wait_dma2 semaphore(%run_scoped3A : memref<!tpu.dma_semaphore, #tpu.memory_space<semaphore_mem>>) src(%dma_wait3A_3060 : memref<576x64xf32, #tpu.memory_space<vmem_shared>>) dst(%dma_wait3A_3058 : memref<576x64xf32, #tpu.memory_space<hbm>>)
      tpu.yield
    }) : () -> ()
    return
  }
}

module attributes {stable_mosaic.version = 14 : i64} {
  func.func @_tc_index_body(%arg0: i32, %arg1: memref<512x768xf32, #tpu.memory_space<vmem>>, %arg2: memref<8x768x64xf32, #tpu.memory_space<vmem>>, %arg3: memref<8x1024x64xf32, #tpu.memory_space<vmem>>, %arg4: memref<512x8xi32, #tpu.memory_space<vmem>>, %arg5: memref<768x512xf32, #tpu.memory_space<vmem>>, %arg6: memref<8x64x1024xf32, #tpu.memory_space<vmem>>) attributes {dimension_semantics = [#tpu.dimension_semantics<arbitrary>], iteration_bounds = array<i64: 36>, scalar_prefetch = 0 : i64, scratch_operands = 2 : i64, tpu.core_type = #tpu.core_type<tc>, window_params = [{transform_indices = @transform_0, window_bounds = array<i64: 512, 768>}, {pipeline_mode = #tpu.pipeline_mode<synchronous>, transform_indices = @transform_1, window_bounds = array<i64: 8, 768, 64>}, {pipeline_mode = #tpu.pipeline_mode<synchronous>, transform_indices = @transform_2, window_bounds = array<i64: 8, 1024, 64>}, {transform_indices = @transform_3, window_bounds = array<i64: 512, 8>}]} {
    %eq3A = arith.constant 0 : i32
    %eq3A_0 = arith.cmpi eq, %arg0, %eq3A : i32
    %convert_element_type3A = arith.extui %eq3A_0 : i1 to i32
    %cond3A = arith.constant 0 : i32
    %cond3A_1 = arith.cmpi ne, %convert_element_type3A, %cond3A : i32
    scf.if %cond3A_1 {
      %get3A_177 = arith.constant 0 : index
      %get3A_178 = arith.constant 0 : index
      %get3A_179 = arith.constant 0 : index
      %get3A_180 = vector.load %arg2[%get3A_177, %get3A_178, %get3A_179] : memref<8x768x64xf32, #tpu.memory_space<vmem>>, vector<1x768x64xf32>
      %get3A_181 = vector.shape_cast %get3A_180 : vector<1x768x64xf32> to vector<768x64xf32>
      %mul3A_182 = arith.constant -2.000000e+00 : f32
      %mul3A_183 = vector.broadcast %mul3A_182 : f32 to vector<768x64xf32>
      %mul3A_184 = arith.mulf %get3A_181, %mul3A_183 : vector<768x64xf32>
      %swap3A_185 = arith.constant 0 : index
      %swap3A_186 = arith.constant 0 : index
      %swap3A_187 = vector.load %arg5[%swap3A_185, %swap3A_186] : memref<768x512xf32, #tpu.memory_space<vmem>>, vector<768x64xf32>
      tpu.vector_store %arg5[%swap3A_185, %swap3A_186], %mul3A_184 {strides = array<i32>} : memref<768x512xf32, #tpu.memory_space<vmem>>, vector<768x64xf32>,
      %get3A_188 = arith.constant 0 : index
      %get3A_189 = arith.constant 0 : index
      %get3A_190 = arith.constant 0 : index
      %get3A_191 = vector.load %arg3[%get3A_188, %get3A_189, %get3A_190] : memref<8x1024x64xf32, #tpu.memory_space<vmem>>, vector<1x1024x64xf32>
      %get3A_192 = vector.shape_cast %get3A_191 : vector<1x1024x64xf32> to vector<1024x64xf32>
      %transpose3A = tpu.transpose %get3A_192, [1, 0] : vector<1024x64xf32> -> vector<64x1024xf32>
      %swap3A_193 = arith.constant 0 : index
      %swap3A_194 = arith.constant 0 : index
      %swap3A_195 = arith.constant 0 : index
      %swap3A_196 = vector.load %arg6[%swap3A_193, %swap3A_194, %swap3A_195] : memref<8x64x1024xf32, #tpu.memory_space<vmem>>, vector<1x64x1024xf32>
      %swap3A_197 = vector.shape_cast %swap3A_196 : vector<1x64x1024xf32> to vector<64x1024xf32>
      %swap3A_198 = vector.shape_cast %transpose3A : vector<64x1024xf32> to vector<1x64x1024xf32>
      tpu.vector_store %arg6[%swap3A_193, %swap3A_194, %swap3A_195], %swap3A_198 {strides = array<i32>} : memref<8x64x1024xf32, #tpu.memory_space<vmem>>, vector<1x64x1024xf32>,
      %get3A_199 = arith.constant 1 : index
      %get3A_200 = arith.constant 0 : index
      %get3A_201 = arith.constant 0 : index
      %get3A_202 = vector.load %arg2[%get3A_199, %get3A_200, %get3A_201] : memref<8x768x64xf32, #tpu.memory_space<vmem>>, vector<1x768x64xf32>
      %get3A_203 = vector.shape_cast %get3A_202 : vector<1x768x64xf32> to vector<768x64xf32>
      %mul3A_204 = arith.constant -2.000000e+00 : f32
      %mul3A_205 = vector.broadcast %mul3A_204 : f32 to vector<768x64xf32>
      %mul3A_206 = arith.mulf %get3A_203, %mul3A_205 : vector<768x64xf32>
      %swap3A_207 = arith.constant 0 : index
      %swap3A_208 = arith.constant 64 : index
      %swap3A_209 = vector.load %arg5[%swap3A_207, %swap3A_208] : memref<768x512xf32, #tpu.memory_space<vmem>>, vector<768x64xf32>
      tpu.vector_store %arg5[%swap3A_207, %swap3A_208], %mul3A_206 {strides = array<i32>} : memref<768x512xf32, #tpu.memory_space<vmem>>, vector<768x64xf32>,
      %get3A_210 = arith.constant 1 : index
      %get3A_211 = arith.constant 0 : index
      %get3A_212 = arith.constant 0 : index
      %get3A_213 = vector.load %arg3[%get3A_210, %get3A_211, %get3A_212] : memref<8x1024x64xf32, #tpu.memory_space<vmem>>, vector<1x1024x64xf32>
      %get3A_214 = vector.shape_cast %get3A_213 : vector<1x1024x64xf32> to vector<1024x64xf32>
      %transpose3A_215 = tpu.transpose %get3A_214, [1, 0] : vector<1024x64xf32> -> vector<64x1024xf32>
      %swap3A_216 = arith.constant 1 : index
      %swap3A_217 = arith.constant 0 : index
      %swap3A_218 = arith.constant 0 : index
      %swap3A_219 = vector.load %arg6[%swap3A_216, %swap3A_217, %swap3A_218] : memref<8x64x1024xf32, #tpu.memory_space<vmem>>, vector<1x64x1024xf32>
      %swap3A_220 = vector.shape_cast %swap3A_219 : vector<1x64x1024xf32> to vector<64x1024xf32>
      %swap3A_221 = vector.shape_cast %transpose3A_215 : vector<64x1024xf32> to vector<1x64x1024xf32>
      tpu.vector_store %arg6[%swap3A_216, %swap3A_217, %swap3A_218], %swap3A_221 {strides = array<i32>} : memref<8x64x1024xf32, #tpu.memory_space<vmem>>, vector<1x64x1024xf32>,
      %get3A_222 = arith.constant 2 : index
      %get3A_223 = arith.constant 0 : index
      %get3A_224 = arith.constant 0 : index
      %get3A_225 = vector.load %arg2[%get3A_222, %get3A_223, %get3A_224] : memref<8x768x64xf32, #tpu.memory_space<vmem>>, vector<1x768x64xf32>
      %get3A_226 = vector.shape_cast %get3A_225 : vector<1x768x64xf32> to vector<768x64xf32>
      %mul3A_227 = arith.constant -2.000000e+00 : f32
      %mul3A_228 = vector.broadcast %mul3A_227 : f32 to vector<768x64xf32>
      %mul3A_229 = arith.mulf %get3A_226, %mul3A_228 : vector<768x64xf32>
      %swap3A_230 = arith.constant 0 : index
      %swap3A_231 = arith.constant 128 : index
      %swap3A_232 = vector.load %arg5[%swap3A_230, %swap3A_231] : memref<768x512xf32, #tpu.memory_space<vmem>>, vector<768x64xf32>
      tpu.vector_store %arg5[%swap3A_230, %swap3A_231], %mul3A_229 {strides = array<i32>} : memref<768x512xf32, #tpu.memory_space<vmem>>, vector<768x64xf32>,
      %get3A_233 = arith.constant 2 : index
      %get3A_234 = arith.constant 0 : index
      %get3A_235 = arith.constant 0 : index
      %get3A_236 = vector.load %arg3[%get3A_233, %get3A_234, %get3A_235] : memref<8x1024x64xf32, #tpu.memory_space<vmem>>, vector<1x1024x64xf32>
      %get3A_237 = vector.shape_cast %get3A_236 : vector<1x1024x64xf32> to vector<1024x64xf32>
      %transpose3A_238 = tpu.transpose %get3A_237, [1, 0] : vector<1024x64xf32> -> vector<64x1024xf32>
      %swap3A_239 = arith.constant 2 : index
      %swap3A_240 = arith.constant 0 : index
      %swap3A_241 = arith.constant 0 : index
      %swap3A_242 = vector.load %arg6[%swap3A_239, %swap3A_240, %swap3A_241] : memref<8x64x1024xf32, #tpu.memory_space<vmem>>, vector<1x64x1024xf32>
      %swap3A_243 = vector.shape_cast %swap3A_242 : vector<1x64x1024xf32> to vector<64x1024xf32>
      %swap3A_244 = vector.shape_cast %transpose3A_238 : vector<64x1024xf32> to vector<1x64x1024xf32>
      tpu.vector_store %arg6[%swap3A_239, %swap3A_240, %swap3A_241], %swap3A_244 {strides = array<i32>} : memref<8x64x1024xf32, #tpu.memory_space<vmem>>, vector<1x64x1024xf32>,
      %get3A_245 = arith.constant 3 : index
      %get3A_246 = arith.constant 0 : index
      %get3A_247 = arith.constant 0 : index
      %get3A_248 = vector.load %arg2[%get3A_245, %get3A_246, %get3A_247] : memref<8x768x64xf32, #tpu.memory_space<vmem>>, vector<1x768x64xf32>
      %get3A_249 = vector.shape_cast %get3A_248 : vector<1x768x64xf32> to vector<768x64xf32>
      %mul3A_250 = arith.constant -2.000000e+00 : f32
      %mul3A_251 = vector.broadcast %mul3A_250 : f32 to vector<768x64xf32>
      %mul3A_252 = arith.mulf %get3A_249, %mul3A_251 : vector<768x64xf32>
      %swap3A_253 = arith.constant 0 : index
      %swap3A_254 = arith.constant 192 : index
      %swap3A_255 = vector.load %arg5[%swap3A_253, %swap3A_254] : memref<768x512xf32, #tpu.memory_space<vmem>>, vector<768x64xf32>
      tpu.vector_store %arg5[%swap3A_253, %swap3A_254], %mul3A_252 {strides = array<i32>} : memref<768x512xf32, #tpu.memory_space<vmem>>, vector<768x64xf32>,
      %get3A_256 = arith.constant 3 : index
      %get3A_257 = arith.constant 0 : index
      %get3A_258 = arith.constant 0 : index
      %get3A_259 = vector.load %arg3[%get3A_256, %get3A_257, %get3A_258] : memref<8x1024x64xf32, #tpu.memory_space<vmem>>, vector<1x1024x64xf32>
      %get3A_260 = vector.shape_cast %get3A_259 : vector<1x1024x64xf32> to vector<1024x64xf32>
      %transpose3A_261 = tpu.transpose %get3A_260, [1, 0] : vector<1024x64xf32> -> vector<64x1024xf32>
      %swap3A_262 = arith.constant 3 : index
      %swap3A_263 = arith.constant 0 : index
      %swap3A_264 = arith.constant 0 : index
      %swap3A_265 = vector.load %arg6[%swap3A_262, %swap3A_263, %swap3A_264] : memref<8x64x1024xf32, #tpu.memory_space<vmem>>, vector<1x64x1024xf32>
      %swap3A_266 = vector.shape_cast %swap3A_265 : vector<1x64x1024xf32> to vector<64x1024xf32>
      %swap3A_267 = vector.shape_cast %transpose3A_261 : vector<64x1024xf32> to vector<1x64x1024xf32>
      tpu.vector_store %arg6[%swap3A_262, %swap3A_263, %swap3A_264], %swap3A_267 {strides = array<i32>} : memref<8x64x1024xf32, #tpu.memory_space<vmem>>, vector<1x64x1024xf32>,
      %get3A_268 = arith.constant 4 : index
      %get3A_269 = arith.constant 0 : index
      %get3A_270 = arith.constant 0 : index
      %get3A_271 = vector.load %arg2[%get3A_268, %get3A_269, %get3A_270] : memref<8x768x64xf32, #tpu.memory_space<vmem>>, vector<1x768x64xf32>
      %get3A_272 = vector.shape_cast %get3A_271 : vector<1x768x64xf32> to vector<768x64xf32>
      %mul3A_273 = arith.constant -2.000000e+00 : f32
      %mul3A_274 = vector.broadcast %mul3A_273 : f32 to vector<768x64xf32>
      %mul3A_275 = arith.mulf %get3A_272, %mul3A_274 : vector<768x64xf32>
      %swap3A_276 = arith.constant 0 : index
      %swap3A_277 = arith.constant 256 : index
      %swap3A_278 = vector.load %arg5[%swap3A_276, %swap3A_277] : memref<768x512xf32, #tpu.memory_space<vmem>>, vector<768x64xf32>
      tpu.vector_store %arg5[%swap3A_276, %swap3A_277], %mul3A_275 {strides = array<i32>} : memref<768x512xf32, #tpu.memory_space<vmem>>, vector<768x64xf32>,
      %get3A_279 = arith.constant 4 : index
      %get3A_280 = arith.constant 0 : index
      %get3A_281 = arith.constant 0 : index
      %get3A_282 = vector.load %arg3[%get3A_279, %get3A_280, %get3A_281] : memref<8x1024x64xf32, #tpu.memory_space<vmem>>, vector<1x1024x64xf32>
      %get3A_283 = vector.shape_cast %get3A_282 : vector<1x1024x64xf32> to vector<1024x64xf32>
      %transpose3A_284 = tpu.transpose %get3A_283, [1, 0] : vector<1024x64xf32> -> vector<64x1024xf32>
      %swap3A_285 = arith.constant 4 : index
      %swap3A_286 = arith.constant 0 : index
      %swap3A_287 = arith.constant 0 : index
      %swap3A_288 = vector.load %arg6[%swap3A_285, %swap3A_286, %swap3A_287] : memref<8x64x1024xf32, #tpu.memory_space<vmem>>, vector<1x64x1024xf32>
      %swap3A_289 = vector.shape_cast %swap3A_288 : vector<1x64x1024xf32> to vector<64x1024xf32>
      %swap3A_290 = vector.shape_cast %transpose3A_284 : vector<64x1024xf32> to vector<1x64x1024xf32>
      tpu.vector_store %arg6[%swap3A_285, %swap3A_286, %swap3A_287], %swap3A_290 {strides = array<i32>} : memref<8x64x1024xf32, #tpu.memory_space<vmem>>, vector<1x64x1024xf32>,
      %get3A_291 = arith.constant 5 : index
      %get3A_292 = arith.constant 0 : index
      %get3A_293 = arith.constant 0 : index
      %get3A_294 = vector.load %arg2[%get3A_291, %get3A_292, %get3A_293] : memref<8x768x64xf32, #tpu.memory_space<vmem>>, vector<1x768x64xf32>
      %get3A_295 = vector.shape_cast %get3A_294 : vector<1x768x64xf32> to vector<768x64xf32>
      %mul3A_296 = arith.constant -2.000000e+00 : f32
      %mul3A_297 = vector.broadcast %mul3A_296 : f32 to vector<768x64xf32>
      %mul3A_298 = arith.mulf %get3A_295, %mul3A_297 : vector<768x64xf32>
      %swap3A_299 = arith.constant 0 : index
      %swap3A_300 = arith.constant 320 : index
      %swap3A_301 = vector.load %arg5[%swap3A_299, %swap3A_300] : memref<768x512xf32, #tpu.memory_space<vmem>>, vector<768x64xf32>
      tpu.vector_store %arg5[%swap3A_299, %swap3A_300], %mul3A_298 {strides = array<i32>} : memref<768x512xf32, #tpu.memory_space<vmem>>, vector<768x64xf32>,
      %get3A_302 = arith.constant 5 : index
      %get3A_303 = arith.constant 0 : index
      %get3A_304 = arith.constant 0 : index
      %get3A_305 = vector.load %arg3[%get3A_302, %get3A_303, %get3A_304] : memref<8x1024x64xf32, #tpu.memory_space<vmem>>, vector<1x1024x64xf32>
      %get3A_306 = vector.shape_cast %get3A_305 : vector<1x1024x64xf32> to vector<1024x64xf32>
      %transpose3A_307 = tpu.transpose %get3A_306, [1, 0] : vector<1024x64xf32> -> vector<64x1024xf32>
      %swap3A_308 = arith.constant 5 : index
      %swap3A_309 = arith.constant 0 : index
      %swap3A_310 = arith.constant 0 : index
      %swap3A_311 = vector.load %arg6[%swap3A_308, %swap3A_309, %swap3A_310] : memref<8x64x1024xf32, #tpu.memory_space<vmem>>, vector<1x64x1024xf32>
      %swap3A_312 = vector.shape_cast %swap3A_311 : vector<1x64x1024xf32> to vector<64x1024xf32>
      %swap3A_313 = vector.shape_cast %transpose3A_307 : vector<64x1024xf32> to vector<1x64x1024xf32>
      tpu.vector_store %arg6[%swap3A_308, %swap3A_309, %swap3A_310], %swap3A_313 {strides = array<i32>} : memref<8x64x1024xf32, #tpu.memory_space<vmem>>, vector<1x64x1024xf32>,
      %get3A_314 = arith.constant 6 : index
      %get3A_315 = arith.constant 0 : index
      %get3A_316 = arith.constant 0 : index
      %get3A_317 = vector.load %arg2[%get3A_314, %get3A_315, %get3A_316] : memref<8x768x64xf32, #tpu.memory_space<vmem>>, vector<1x768x64xf32>
      %get3A_318 = vector.shape_cast %get3A_317 : vector<1x768x64xf32> to vector<768x64xf32>
      %mul3A_319 = arith.constant -2.000000e+00 : f32
      %mul3A_320 = vector.broadcast %mul3A_319 : f32 to vector<768x64xf32>
      %mul3A_321 = arith.mulf %get3A_318, %mul3A_320 : vector<768x64xf32>
      %swap3A_322 = arith.constant 0 : index
      %swap3A_323 = arith.constant 384 : index
      %swap3A_324 = vector.load %arg5[%swap3A_322, %swap3A_323] : memref<768x512xf32, #tpu.memory_space<vmem>>, vector<768x64xf32>
      tpu.vector_store %arg5[%swap3A_322, %swap3A_323], %mul3A_321 {strides = array<i32>} : memref<768x512xf32, #tpu.memory_space<vmem>>, vector<768x64xf32>,
      %get3A_325 = arith.constant 6 : index
      %get3A_326 = arith.constant 0 : index
      %get3A_327 = arith.constant 0 : index
      %get3A_328 = vector.load %arg3[%get3A_325, %get3A_326, %get3A_327] : memref<8x1024x64xf32, #tpu.memory_space<vmem>>, vector<1x1024x64xf32>
      %get3A_329 = vector.shape_cast %get3A_328 : vector<1x1024x64xf32> to vector<1024x64xf32>
      %transpose3A_330 = tpu.transpose %get3A_329, [1, 0] : vector<1024x64xf32> -> vector<64x1024xf32>
      %swap3A_331 = arith.constant 6 : index
      %swap3A_332 = arith.constant 0 : index
      %swap3A_333 = arith.constant 0 : index
      %swap3A_334 = vector.load %arg6[%swap3A_331, %swap3A_332, %swap3A_333] : memref<8x64x1024xf32, #tpu.memory_space<vmem>>, vector<1x64x1024xf32>
      %swap3A_335 = vector.shape_cast %swap3A_334 : vector<1x64x1024xf32> to vector<64x1024xf32>
      %swap3A_336 = vector.shape_cast %transpose3A_330 : vector<64x1024xf32> to vector<1x64x1024xf32>
      tpu.vector_store %arg6[%swap3A_331, %swap3A_332, %swap3A_333], %swap3A_336 {strides = array<i32>} : memref<8x64x1024xf32, #tpu.memory_space<vmem>>, vector<1x64x1024xf32>,
      %get3A_337 = arith.constant 7 : index
      %get3A_338 = arith.constant 0 : index
      %get3A_339 = arith.constant 0 : index
      %get3A_340 = vector.load %arg2[%get3A_337, %get3A_338, %get3A_339] : memref<8x768x64xf32, #tpu.memory_space<vmem>>, vector<1x768x64xf32>
      %get3A_341 = vector.shape_cast %get3A_340 : vector<1x768x64xf32> to vector<768x64xf32>
      %mul3A_342 = arith.constant -2.000000e+00 : f32
      %mul3A_343 = vector.broadcast %mul3A_342 : f32 to vector<768x64xf32>
      %mul3A_344 = arith.mulf %get3A_341, %mul3A_343 : vector<768x64xf32>
      %swap3A_345 = arith.constant 0 : index
      %swap3A_346 = arith.constant 448 : index
      %swap3A_347 = vector.load %arg5[%swap3A_345, %swap3A_346] : memref<768x512xf32, #tpu.memory_space<vmem>>, vector<768x64xf32>
      tpu.vector_store %arg5[%swap3A_345, %swap3A_346], %mul3A_344 {strides = array<i32>} : memref<768x512xf32, #tpu.memory_space<vmem>>, vector<768x64xf32>,
      %get3A_348 = arith.constant 7 : index
      %get3A_349 = arith.constant 0 : index
      %get3A_350 = arith.constant 0 : index
      %get3A_351 = vector.load %arg3[%get3A_348, %get3A_349, %get3A_350] : memref<8x1024x64xf32, #tpu.memory_space<vmem>>, vector<1x1024x64xf32>
      %get3A_352 = vector.shape_cast %get3A_351 : vector<1x1024x64xf32> to vector<1024x64xf32>
      %transpose3A_353 = tpu.transpose %get3A_352, [1, 0] : vector<1024x64xf32> -> vector<64x1024xf32>
      %swap3A_354 = arith.constant 7 : index
      %swap3A_355 = arith.constant 0 : index
      %swap3A_356 = arith.constant 0 : index
      %swap3A_357 = vector.load %arg6[%swap3A_354, %swap3A_355, %swap3A_356] : memref<8x64x1024xf32, #tpu.memory_space<vmem>>, vector<1x64x1024xf32>
      %swap3A_358 = vector.shape_cast %swap3A_357 : vector<1x64x1024xf32> to vector<64x1024xf32>
      %swap3A_359 = vector.shape_cast %transpose3A_353 : vector<64x1024xf32> to vector<1x64x1024xf32>
      tpu.vector_store %arg6[%swap3A_354, %swap3A_355, %swap3A_356], %swap3A_359 {strides = array<i32>} : memref<8x64x1024xf32, #tpu.memory_space<vmem>>, vector<1x64x1024xf32>,
    } else {
    }
    %get3A = arith.constant 0 : index
    %get3A_2 = arith.constant 0 : index
    %get3A_3 = vector.load %arg1[%get3A, %get3A_2] : memref<512x768xf32, #tpu.memory_space<vmem>>, vector<512x768xf32>
    %get3A_4 = arith.constant 0 : index
    %get3A_5 = arith.constant 0 : index
    %get3A_6 = vector.load %arg5[%get3A_4, %get3A_5] : memref<768x512xf32, #tpu.memory_space<vmem>>, vector<768x512xf32>
    %dot_general3A = arith.constant dense<0.000000e+00> : vector<512x512xf32>
    %dot_general3A_7 = tpu.matmul %get3A_3, %get3A_6, %dot_general3A {dimension_numbers = #tpu.dot_dimension_numbers<[1], [0], [0], [1], [0, 0, 1, 1], [], []>, transpose_lhs_hint = false} : vector<512x768xf32>, vector<768x512xf32>, vector<512x512xf32> -> vector<512x512xf32>
    %get3A_8 = arith.constant 0 : index
    %get3A_9 = arith.constant 0 : index
    %get3A_10 = arith.constant 0 : index
    %get3A_11 = vector.load %arg6[%get3A_8, %get3A_9, %get3A_10] : memref<8x64x1024xf32, #tpu.memory_space<vmem>>, vector<1x64x1024xf32>
    %get3A_12 = vector.shape_cast %get3A_11 : vector<1x64x1024xf32> to vector<64x1024xf32>
    %slice3A = vector.extract_strided_slice %dot_general3A_7 {offsets = [0, 0], sizes = [512, 64], strides = [1, 1]} : vector<512x512xf32> to vector<512x64xf32>
    %dot_general3A_13 = arith.constant dense<0.000000e+00> : vector<512x1024xf32>
    %dot_general3A_14 = tpu.matmul %slice3A, %get3A_12, %dot_general3A_13 {dimension_numbers = #tpu.dot_dimension_numbers<[1], [0], [0], [1], [0, 0, 1, 1], [], []>, transpose_lhs_hint = false} : vector<512x64xf32>, vector<64x1024xf32>, vector<512x1024xf32> -> vector<512x1024xf32>
    %mul3A = arith.mulf %get3A_12, %get3A_12 : vector<64x1024xf32>
    %reduce_sum3A = arith.constant dense<0.000000e+00> : vector<1024xf32>
    %reduce_sum3A_15 = vector.multi_reduction <add>, %mul3A, %reduce_sum3A [0] : vector<64x1024xf32> to vector<1024xf32>
    %broadcast_in_dim3A = vector.shape_cast %reduce_sum3A_15 : vector<1024xf32> to vector<1x1024xf32>
    %add3A = vector.broadcast %broadcast_in_dim3A : vector<1x1024xf32> to vector<512x1024xf32>
    %add3A_16 = arith.addf %dot_general3A_14, %add3A : vector<512x1024xf32>
    %argmin3A = tpu.reduce_index %add3A_16 {axis = 1 : i32, kind = #tpu.reduction_kind<arg_min>} : vector<512x1024xf32> -> vector<512xi32>
    %broadcast_in_dim3A_17 = vector.shape_cast %argmin3A : vector<512xi32> to vector<512x1xi32>
    %add3A_18 = arith.constant 0 : i32
    %add3A_19 = vector.broadcast %add3A_18 : i32 to vector<512x1xi32>
    %add3A_20 = arith.addi %broadcast_in_dim3A_17, %add3A_19 : vector<512x1xi32>
    %swap3A = arith.constant 0 : index
    %swap3A_21 = arith.constant 0 : index
    %swap3A_22 = vector.load %arg4[%swap3A, %swap3A_21] : memref<512x8xi32, #tpu.memory_space<vmem>>, vector<512x1xi32>
    tpu.vector_store %arg4[%swap3A, %swap3A_21], %add3A_20 {strides = array<i32>} : memref<512x8xi32, #tpu.memory_space<vmem>>, vector<512x1xi32>,
    %get3A_23 = arith.constant 1 : index
    %get3A_24 = arith.constant 0 : index
    %get3A_25 = arith.constant 0 : index
    %get3A_26 = vector.load %arg6[%get3A_23, %get3A_24, %get3A_25] : memref<8x64x1024xf32, #tpu.memory_space<vmem>>, vector<1x64x1024xf32>
    %get3A_27 = vector.shape_cast %get3A_26 : vector<1x64x1024xf32> to vector<64x1024xf32>
    %slice3A_28 = vector.extract_strided_slice %dot_general3A_7 {offsets = [0, 64], sizes = [512, 64], strides = [1, 1]} : vector<512x512xf32> to vector<512x64xf32>
    %dot_general3A_29 = arith.constant dense<0.000000e+00> : vector<512x1024xf32>
    %dot_general3A_30 = tpu.matmul %slice3A_28, %get3A_27, %dot_general3A_29 {dimension_numbers = #tpu.dot_dimension_numbers<[1], [0], [0], [1], [0, 0, 1, 1], [], []>, transpose_lhs_hint = false} : vector<512x64xf32>, vector<64x1024xf32>, vector<512x1024xf32> -> vector<512x1024xf32>
    %mul3A_31 = arith.mulf %get3A_27, %get3A_27 : vector<64x1024xf32>
    %reduce_sum3A_32 = arith.constant dense<0.000000e+00> : vector<1024xf32>
    %reduce_sum3A_33 = vector.multi_reduction <add>, %mul3A_31, %reduce_sum3A_32 [0] : vector<64x1024xf32> to vector<1024xf32>
    %broadcast_in_dim3A_34 = vector.shape_cast %reduce_sum3A_33 : vector<1024xf32> to vector<1x1024xf32>
    %add3A_35 = vector.broadcast %broadcast_in_dim3A_34 : vector<1x1024xf32> to vector<512x1024xf32>
    %add3A_36 = arith.addf %dot_general3A_30, %add3A_35 : vector<512x1024xf32>
    %argmin3A_37 = tpu.reduce_index %add3A_36 {axis = 1 : i32, kind = #tpu.reduction_kind<arg_min>} : vector<512x1024xf32> -> vector<512xi32>
    %broadcast_in_dim3A_38 = vector.shape_cast %argmin3A_37 : vector<512xi32> to vector<512x1xi32>
    %add3A_39 = arith.constant 1024 : i32
    %add3A_40 = vector.broadcast %add3A_39 : i32 to vector<512x1xi32>
    %add3A_41 = arith.addi %broadcast_in_dim3A_38, %add3A_40 : vector<512x1xi32>
    %swap3A_42 = arith.constant 0 : index
    %swap3A_43 = arith.constant 1 : index
    %swap3A_44 = vector.load %arg4[%swap3A_42, %swap3A_43] : memref<512x8xi32, #tpu.memory_space<vmem>>, vector<512x1xi32>
    tpu.vector_store %arg4[%swap3A_42, %swap3A_43], %add3A_41 {strides = array<i32>} : memref<512x8xi32, #tpu.memory_space<vmem>>, vector<512x1xi32>,
    %get3A_45 = arith.constant 2 : index
    %get3A_46 = arith.constant 0 : index
    %get3A_47 = arith.constant 0 : index
    %get3A_48 = vector.load %arg6[%get3A_45, %get3A_46, %get3A_47] : memref<8x64x1024xf32, #tpu.memory_space<vmem>>, vector<1x64x1024xf32>
    %get3A_49 = vector.shape_cast %get3A_48 : vector<1x64x1024xf32> to vector<64x1024xf32>
    %slice3A_50 = vector.extract_strided_slice %dot_general3A_7 {offsets = [0, 128], sizes = [512, 64], strides = [1, 1]} : vector<512x512xf32> to vector<512x64xf32>
    %dot_general3A_51 = arith.constant dense<0.000000e+00> : vector<512x1024xf32>
    %dot_general3A_52 = tpu.matmul %slice3A_50, %get3A_49, %dot_general3A_51 {dimension_numbers = #tpu.dot_dimension_numbers<[1], [0], [0], [1], [0, 0, 1, 1], [], []>, transpose_lhs_hint = false} : vector<512x64xf32>, vector<64x1024xf32>, vector<512x1024xf32> -> vector<512x1024xf32>
    %mul3A_53 = arith.mulf %get3A_49, %get3A_49 : vector<64x1024xf32>
    %reduce_sum3A_54 = arith.constant dense<0.000000e+00> : vector<1024xf32>
    %reduce_sum3A_55 = vector.multi_reduction <add>, %mul3A_53, %reduce_sum3A_54 [0] : vector<64x1024xf32> to vector<1024xf32>
    %broadcast_in_dim3A_56 = vector.shape_cast %reduce_sum3A_55 : vector<1024xf32> to vector<1x1024xf32>
    %add3A_57 = vector.broadcast %broadcast_in_dim3A_56 : vector<1x1024xf32> to vector<512x1024xf32>
    %add3A_58 = arith.addf %dot_general3A_52, %add3A_57 : vector<512x1024xf32>
    %argmin3A_59 = tpu.reduce_index %add3A_58 {axis = 1 : i32, kind = #tpu.reduction_kind<arg_min>} : vector<512x1024xf32> -> vector<512xi32>
    %broadcast_in_dim3A_60 = vector.shape_cast %argmin3A_59 : vector<512xi32> to vector<512x1xi32>
    %add3A_61 = arith.constant 2048 : i32
    %add3A_62 = vector.broadcast %add3A_61 : i32 to vector<512x1xi32>
    %add3A_63 = arith.addi %broadcast_in_dim3A_60, %add3A_62 : vector<512x1xi32>
    %swap3A_64 = arith.constant 0 : index
    %swap3A_65 = arith.constant 2 : index
    %swap3A_66 = vector.load %arg4[%swap3A_64, %swap3A_65] : memref<512x8xi32, #tpu.memory_space<vmem>>, vector<512x1xi32>
    tpu.vector_store %arg4[%swap3A_64, %swap3A_65], %add3A_63 {strides = array<i32>} : memref<512x8xi32, #tpu.memory_space<vmem>>, vector<512x1xi32>,
    %get3A_67 = arith.constant 3 : index
    %get3A_68 = arith.constant 0 : index
    %get3A_69 = arith.constant 0 : index
    %get3A_70 = vector.load %arg6[%get3A_67, %get3A_68, %get3A_69] : memref<8x64x1024xf32, #tpu.memory_space<vmem>>, vector<1x64x1024xf32>
    %get3A_71 = vector.shape_cast %get3A_70 : vector<1x64x1024xf32> to vector<64x1024xf32>
    %slice3A_72 = vector.extract_strided_slice %dot_general3A_7 {offsets = [0, 192], sizes = [512, 64], strides = [1, 1]} : vector<512x512xf32> to vector<512x64xf32>
    %dot_general3A_73 = arith.constant dense<0.000000e+00> : vector<512x1024xf32>
    %dot_general3A_74 = tpu.matmul %slice3A_72, %get3A_71, %dot_general3A_73 {dimension_numbers = #tpu.dot_dimension_numbers<[1], [0], [0], [1], [0, 0, 1, 1], [], []>, transpose_lhs_hint = false} : vector<512x64xf32>, vector<64x1024xf32>, vector<512x1024xf32> -> vector<512x1024xf32>
    %mul3A_75 = arith.mulf %get3A_71, %get3A_71 : vector<64x1024xf32>
    %reduce_sum3A_76 = arith.constant dense<0.000000e+00> : vector<1024xf32>
    %reduce_sum3A_77 = vector.multi_reduction <add>, %mul3A_75, %reduce_sum3A_76 [0] : vector<64x1024xf32> to vector<1024xf32>
    %broadcast_in_dim3A_78 = vector.shape_cast %reduce_sum3A_77 : vector<1024xf32> to vector<1x1024xf32>
    %add3A_79 = vector.broadcast %broadcast_in_dim3A_78 : vector<1x1024xf32> to vector<512x1024xf32>
    %add3A_80 = arith.addf %dot_general3A_74, %add3A_79 : vector<512x1024xf32>
    %argmin3A_81 = tpu.reduce_index %add3A_80 {axis = 1 : i32, kind = #tpu.reduction_kind<arg_min>} : vector<512x1024xf32> -> vector<512xi32>
    %broadcast_in_dim3A_82 = vector.shape_cast %argmin3A_81 : vector<512xi32> to vector<512x1xi32>
    %add3A_83 = arith.constant 3072 : i32
    %add3A_84 = vector.broadcast %add3A_83 : i32 to vector<512x1xi32>
    %add3A_85 = arith.addi %broadcast_in_dim3A_82, %add3A_84 : vector<512x1xi32>
    %swap3A_86 = arith.constant 0 : index
    %swap3A_87 = arith.constant 3 : index
    %swap3A_88 = vector.load %arg4[%swap3A_86, %swap3A_87] : memref<512x8xi32, #tpu.memory_space<vmem>>, vector<512x1xi32>
    tpu.vector_store %arg4[%swap3A_86, %swap3A_87], %add3A_85 {strides = array<i32>} : memref<512x8xi32, #tpu.memory_space<vmem>>, vector<512x1xi32>,
    %get3A_89 = arith.constant 4 : index
    %get3A_90 = arith.constant 0 : index
    %get3A_91 = arith.constant 0 : index
    %get3A_92 = vector.load %arg6[%get3A_89, %get3A_90, %get3A_91] : memref<8x64x1024xf32, #tpu.memory_space<vmem>>, vector<1x64x1024xf32>
    %get3A_93 = vector.shape_cast %get3A_92 : vector<1x64x1024xf32> to vector<64x1024xf32>
    %slice3A_94 = vector.extract_strided_slice %dot_general3A_7 {offsets = [0, 256], sizes = [512, 64], strides = [1, 1]} : vector<512x512xf32> to vector<512x64xf32>
    %dot_general3A_95 = arith.constant dense<0.000000e+00> : vector<512x1024xf32>
    %dot_general3A_96 = tpu.matmul %slice3A_94, %get3A_93, %dot_general3A_95 {dimension_numbers = #tpu.dot_dimension_numbers<[1], [0], [0], [1], [0, 0, 1, 1], [], []>, transpose_lhs_hint = false} : vector<512x64xf32>, vector<64x1024xf32>, vector<512x1024xf32> -> vector<512x1024xf32>
    %mul3A_97 = arith.mulf %get3A_93, %get3A_93 : vector<64x1024xf32>
    %reduce_sum3A_98 = arith.constant dense<0.000000e+00> : vector<1024xf32>
    %reduce_sum3A_99 = vector.multi_reduction <add>, %mul3A_97, %reduce_sum3A_98 [0] : vector<64x1024xf32> to vector<1024xf32>
    %broadcast_in_dim3A_100 = vector.shape_cast %reduce_sum3A_99 : vector<1024xf32> to vector<1x1024xf32>
    %add3A_101 = vector.broadcast %broadcast_in_dim3A_100 : vector<1x1024xf32> to vector<512x1024xf32>
    %add3A_102 = arith.addf %dot_general3A_96, %add3A_101 : vector<512x1024xf32>
    %argmin3A_103 = tpu.reduce_index %add3A_102 {axis = 1 : i32, kind = #tpu.reduction_kind<arg_min>} : vector<512x1024xf32> -> vector<512xi32>
    %broadcast_in_dim3A_104 = vector.shape_cast %argmin3A_103 : vector<512xi32> to vector<512x1xi32>
    %add3A_105 = arith.constant 4096 : i32
    %add3A_106 = vector.broadcast %add3A_105 : i32 to vector<512x1xi32>
    %add3A_107 = arith.addi %broadcast_in_dim3A_104, %add3A_106 : vector<512x1xi32>
    %swap3A_108 = arith.constant 0 : index
    %swap3A_109 = arith.constant 4 : index
    %swap3A_110 = vector.load %arg4[%swap3A_108, %swap3A_109] : memref<512x8xi32, #tpu.memory_space<vmem>>, vector<512x1xi32>
    tpu.vector_store %arg4[%swap3A_108, %swap3A_109], %add3A_107 {strides = array<i32>} : memref<512x8xi32, #tpu.memory_space<vmem>>, vector<512x1xi32>,
    %get3A_111 = arith.constant 5 : index
    %get3A_112 = arith.constant 0 : index
    %get3A_113 = arith.constant 0 : index
    %get3A_114 = vector.load %arg6[%get3A_111, %get3A_112, %get3A_113] : memref<8x64x1024xf32, #tpu.memory_space<vmem>>, vector<1x64x1024xf32>
    %get3A_115 = vector.shape_cast %get3A_114 : vector<1x64x1024xf32> to vector<64x1024xf32>
    %slice3A_116 = vector.extract_strided_slice %dot_general3A_7 {offsets = [0, 320], sizes = [512, 64], strides = [1, 1]} : vector<512x512xf32> to vector<512x64xf32>
    %dot_general3A_117 = arith.constant dense<0.000000e+00> : vector<512x1024xf32>
    %dot_general3A_118 = tpu.matmul %slice3A_116, %get3A_115, %dot_general3A_117 {dimension_numbers = #tpu.dot_dimension_numbers<[1], [0], [0], [1], [0, 0, 1, 1], [], []>, transpose_lhs_hint = false} : vector<512x64xf32>, vector<64x1024xf32>, vector<512x1024xf32> -> vector<512x1024xf32>
    %mul3A_119 = arith.mulf %get3A_115, %get3A_115 : vector<64x1024xf32>
    %reduce_sum3A_120 = arith.constant dense<0.000000e+00> : vector<1024xf32>
    %reduce_sum3A_121 = vector.multi_reduction <add>, %mul3A_119, %reduce_sum3A_120 [0] : vector<64x1024xf32> to vector<1024xf32>
    %broadcast_in_dim3A_122 = vector.shape_cast %reduce_sum3A_121 : vector<1024xf32> to vector<1x1024xf32>
    %add3A_123 = vector.broadcast %broadcast_in_dim3A_122 : vector<1x1024xf32> to vector<512x1024xf32>
    %add3A_124 = arith.addf %dot_general3A_118, %add3A_123 : vector<512x1024xf32>
    %argmin3A_125 = tpu.reduce_index %add3A_124 {axis = 1 : i32, kind = #tpu.reduction_kind<arg_min>} : vector<512x1024xf32> -> vector<512xi32>
    %broadcast_in_dim3A_126 = vector.shape_cast %argmin3A_125 : vector<512xi32> to vector<512x1xi32>
    %add3A_127 = arith.constant 5120 : i32
    %add3A_128 = vector.broadcast %add3A_127 : i32 to vector<512x1xi32>
    %add3A_129 = arith.addi %broadcast_in_dim3A_126, %add3A_128 : vector<512x1xi32>
    %swap3A_130 = arith.constant 0 : index
    %swap3A_131 = arith.constant 5 : index
    %swap3A_132 = vector.load %arg4[%swap3A_130, %swap3A_131] : memref<512x8xi32, #tpu.memory_space<vmem>>, vector<512x1xi32>
    tpu.vector_store %arg4[%swap3A_130, %swap3A_131], %add3A_129 {strides = array<i32>} : memref<512x8xi32, #tpu.memory_space<vmem>>, vector<512x1xi32>,
    %get3A_133 = arith.constant 6 : index
    %get3A_134 = arith.constant 0 : index
    %get3A_135 = arith.constant 0 : index
    %get3A_136 = vector.load %arg6[%get3A_133, %get3A_134, %get3A_135] : memref<8x64x1024xf32, #tpu.memory_space<vmem>>, vector<1x64x1024xf32>
    %get3A_137 = vector.shape_cast %get3A_136 : vector<1x64x1024xf32> to vector<64x1024xf32>
    %slice3A_138 = vector.extract_strided_slice %dot_general3A_7 {offsets = [0, 384], sizes = [512, 64], strides = [1, 1]} : vector<512x512xf32> to vector<512x64xf32>
    %dot_general3A_139 = arith.constant dense<0.000000e+00> : vector<512x1024xf32>
    %dot_general3A_140 = tpu.matmul %slice3A_138, %get3A_137, %dot_general3A_139 {dimension_numbers = #tpu.dot_dimension_numbers<[1], [0], [0], [1], [0, 0, 1, 1], [], []>, transpose_lhs_hint = false} : vector<512x64xf32>, vector<64x1024xf32>, vector<512x1024xf32> -> vector<512x1024xf32>
    %mul3A_141 = arith.mulf %get3A_137, %get3A_137 : vector<64x1024xf32>
    %reduce_sum3A_142 = arith.constant dense<0.000000e+00> : vector<1024xf32>
    %reduce_sum3A_143 = vector.multi_reduction <add>, %mul3A_141, %reduce_sum3A_142 [0] : vector<64x1024xf32> to vector<1024xf32>
    %broadcast_in_dim3A_144 = vector.shape_cast %reduce_sum3A_143 : vector<1024xf32> to vector<1x1024xf32>
    %add3A_145 = vector.broadcast %broadcast_in_dim3A_144 : vector<1x1024xf32> to vector<512x1024xf32>
    %add3A_146 = arith.addf %dot_general3A_140, %add3A_145 : vector<512x1024xf32>
    %argmin3A_147 = tpu.reduce_index %add3A_146 {axis = 1 : i32, kind = #tpu.reduction_kind<arg_min>} : vector<512x1024xf32> -> vector<512xi32>
    %broadcast_in_dim3A_148 = vector.shape_cast %argmin3A_147 : vector<512xi32> to vector<512x1xi32>
    %add3A_149 = arith.constant 6144 : i32
    %add3A_150 = vector.broadcast %add3A_149 : i32 to vector<512x1xi32>
    %add3A_151 = arith.addi %broadcast_in_dim3A_148, %add3A_150 : vector<512x1xi32>
    %swap3A_152 = arith.constant 0 : index
    %swap3A_153 = arith.constant 6 : index
    %swap3A_154 = vector.load %arg4[%swap3A_152, %swap3A_153] : memref<512x8xi32, #tpu.memory_space<vmem>>, vector<512x1xi32>
    tpu.vector_store %arg4[%swap3A_152, %swap3A_153], %add3A_151 {strides = array<i32>} : memref<512x8xi32, #tpu.memory_space<vmem>>, vector<512x1xi32>,
    %get3A_155 = arith.constant 7 : index
    %get3A_156 = arith.constant 0 : index
    %get3A_157 = arith.constant 0 : index
    %get3A_158 = vector.load %arg6[%get3A_155, %get3A_156, %get3A_157] : memref<8x64x1024xf32, #tpu.memory_space<vmem>>, vector<1x64x1024xf32>
    %get3A_159 = vector.shape_cast %get3A_158 : vector<1x64x1024xf32> to vector<64x1024xf32>
    %slice3A_160 = vector.extract_strided_slice %dot_general3A_7 {offsets = [0, 448], sizes = [512, 64], strides = [1, 1]} : vector<512x512xf32> to vector<512x64xf32>
    %dot_general3A_161 = arith.constant dense<0.000000e+00> : vector<512x1024xf32>
    %dot_general3A_162 = tpu.matmul %slice3A_160, %get3A_159, %dot_general3A_161 {dimension_numbers = #tpu.dot_dimension_numbers<[1], [0], [0], [1], [0, 0, 1, 1], [], []>, transpose_lhs_hint = false} : vector<512x64xf32>, vector<64x1024xf32>, vector<512x1024xf32> -> vector<512x1024xf32>
    %mul3A_163 = arith.mulf %get3A_159, %get3A_159 : vector<64x1024xf32>
    %reduce_sum3A_164 = arith.constant dense<0.000000e+00> : vector<1024xf32>
    %reduce_sum3A_165 = vector.multi_reduction <add>, %mul3A_163, %reduce_sum3A_164 [0] : vector<64x1024xf32> to vector<1024xf32>
    %broadcast_in_dim3A_166 = vector.shape_cast %reduce_sum3A_165 : vector<1024xf32> to vector<1x1024xf32>
    %add3A_167 = vector.broadcast %broadcast_in_dim3A_166 : vector<1x1024xf32> to vector<512x1024xf32>
    %add3A_168 = arith.addf %dot_general3A_162, %add3A_167 : vector<512x1024xf32>
    %argmin3A_169 = tpu.reduce_index %add3A_168 {axis = 1 : i32, kind = #tpu.reduction_kind<arg_min>} : vector<512x1024xf32> -> vector<512xi32>
    %broadcast_in_dim3A_170 = vector.shape_cast %argmin3A_169 : vector<512xi32> to vector<512x1xi32>
    %add3A_171 = arith.constant 7168 : i32
    %add3A_172 = vector.broadcast %add3A_171 : i32 to vector<512x1xi32>
    %add3A_173 = arith.addi %broadcast_in_dim3A_170, %add3A_172 : vector<512x1xi32>
    %swap3A_174 = arith.constant 0 : index
    %swap3A_175 = arith.constant 7 : index
    %swap3A_176 = vector.load %arg4[%swap3A_174, %swap3A_175] : memref<512x8xi32, #tpu.memory_space<vmem>>, vector<512x1xi32>
    tpu.vector_store %arg4[%swap3A_174, %swap3A_175], %add3A_173 {strides = array<i32>} : memref<512x8xi32, #tpu.memory_space<vmem>>, vector<512x1xi32>,
    return
  }
  func.func @transform_0(%arg0: i32) -> (i32, i32) {
    %c0_i32 = arith.constant 0 : i32
    %c0_i32_0 = arith.constant 0 : i32
    return %arg0, %c0_i32 : i32, i32
  }
  func.func @transform_1(%arg0: i32) -> (i32, i32, i32) {
    %c0_i32 = arith.constant 0 : i32
    %c0_i32_0 = arith.constant 0 : i32
    %c0_i32_1 = arith.constant 0 : i32
    %c0_i32_2 = arith.constant 0 : i32
    return %c0_i32, %c0_i32_0, %c0_i32_1 : i32, i32, i32
  }
  func.func @transform_2(%arg0: i32) -> (i32, i32, i32) {
    %c0_i32 = arith.constant 0 : i32
    %c0_i32_0 = arith.constant 0 : i32
    %c0_i32_1 = arith.constant 0 : i32
    %c0_i32_2 = arith.constant 0 : i32
    return %c0_i32, %c0_i32_0, %c0_i32_1 : i32, i32, i32
  }
  func.func @transform_3(%arg0: i32) -> (i32, i32) {
    %c0_i32 = arith.constant 0 : i32
    %c0_i32_0 = arith.constant 0 : i32
    return %arg0, %c0_i32 : i32, i32
  }
}

</mosaic_0001>

<sc_bundles>
// kernel: kernel.4.cloned.1.call-start
scs
__scs_entry_jumppad:
0x0: {  	(pc) =	sbr.rel $0x88, $3  }
0x1: {  	(tag) =	ssettag $0x0;
	lr =	simm.s32 $0x1  }
0x2: {  	[smem:$0x3F9D] =	sst lr;
	_ =	strace $0xD0000000  }
0x3: {  	_ = 	snop  }
0x4: {  	_ = 	snop  }
0x5: {  	_ = 	snop  }
0x6: {  	_ = 	snop  }
0x7: {  	_ = 	snop  }
__scs_overlays_trampoline_lowered:
0x8: {  	[smem:$0x3FAC] =	sst s0  }
0x9: {  	[smem:$0x3FAD] =	sst s1  }
0xa: {  	[smem:$0x3FAE] =	sst s2  }
0xb: {  	[smem:$0x3FAF] =	sst s3  }
0xc: {  	[smem:$0x3FB0] =	sst s4  }
0xd: {  	[smem:$0x3FB1] =	sst s5  }
0xe: {  	[smem:$0x3FB2] =	sst s6  }
0xf: {  	[smem:$0x3FB3] =	sst s7  }
0x10: {  	[smem:$0x3FB4] =	sst s8  }
0x11: {  	[smem:$0x3FB5] =	sst s9;
	s0 =	simm.s32 @!p0 $0x0  }
0x12: {  	s1 =	sld [smem:$0x3F9B];
	s0 =	simm.s32 @p0 $0x1  }
0x13: {  	[smem:$0x3FB6] =	sst s0;
	s0 =	simm.s32 @!p1 $0x0  }
0x14: {  	s2 =	sld [smem:$0x3F9A];
	s0 =	simm.s32 @p1 $0x1  }
0x15: {  	[smem:$0x3FB7] =	sst s0;
	s0 =	simm.s32 @!p2 $0x0  }
0x16: {  	s3 =	sld [smem:$0x3FDB];
	s0 =	simm.s32 @p2 $0x1  }
0x17: {  	s4 =	simm.s32 $0x1BF5;
	[smem:$0x3FB9] =	sst s0  }
0x18: {  	s0 =	sld [smem:$0x3F9C];
	_ =	swait.ge [sflag:s4], $0x0  }
0x19: {  	s7 =	sld [smem:$0x3F9D]  }
0x1a: {  	s8 =	sadd.s32 $0xFFFFE003, lr  }
0x1b: {  	s9 =	sadd.s32 $0xFFFFFEF7, lr;
	s5 =	simm.s32 $0xFFFFFFFF;
	p2 =	slt.u32 s8, $0xFFFFF086  }
0x1c: {  	p1 =	slt.u32 s9, $0xF7A;
	s5 =	simm.s32 @!p2 $0x0  }
0x1d: {  	s5 =	simm.s32 @p1 $0x1;
	p0 =	seq.s32 s7, s2  }
0x1e: {  	s7 =	smul.u32 @!p0 $0xF7A, s2;
	p2 =	seq.s32 @!p0 s5, $0x0  }
0x1f: {  	s9 =	smul.u32 $0xF7A, s1;
	s8 =	simm.s32 @!p0 $0x1BF5;
	p2 =	por !p2, p0  }
0x20: {  	[sflag:s8] =	ssyncset.s32 @!p0 $0xFFFFF086;
	s6 =	sadd.s32 @!p0 s3, s7;
	s7 =	simm.s32 @!p0 $0x108  }
0x21: {  	s3 =	sadd.s32 s3, s9;
	s6 =	sadd.s32 @!p0 $0x88, s6;
	s7 =	simm.s32 @p2 $0x1082  }
0x22: {  	[simem:s7], [sflag:s8] =	dma.local @!p0 [hbm:s6], $0xF7A  }
0x23: {  	s9 =	sor.u32 $0xD0000000, s2;
	s6 =	simm.s32 $0x108;
	_ =	swait.ge @!p0 [sflag:s8], $0x0  }
0x24: {  	s3 =	sadd.s32 $0x88, s3;
	s6 =	simm.s32 @!p1 $0x1082;
	[sflag:s4] =	ssyncset.s32 $0xFFFFF086  }
0x25: {  	[simem:s6], [sflag:s4] =	dma.local [hbm:s3], $0xF7A  }
0x26: {  	[smem:$0x3F9D] =	sst s1;
	(tag) =	ssettag s2;
	_ =	strace s9  }
0x27: {  	s1 =	sld [smem:$0x3FAD]  }
0x28: {  	s2 =	sld [smem:$0x3FAE]  }
0x29: {  	s4 =	sld [smem:$0x3FB0]  }
0x2a: {  	p0 =	seq.s32 s5, $0x0;
	s5 =	sld [smem:$0x3FB1]  }
0x2b: {  	s6 =	sld [smem:$0x3FB2]  }
0x2c: {  	s7 =	sld [smem:$0x3FB3]  }
0x2d: {  	s3 =	simm.s32 $0x108;
	s8 =	sld [smem:$0x3FB4]  }
0x2e: {  	s3 =	simm.s32 @!p0 $0x1082;
	s9 =	sld [smem:$0x3FB5]  }
0x2f: {  	lr =	sadd.s32 s0, s3;
	s0 =	sld [smem:$0x3FAC]  }
0x30: {  	s3 =	sld [smem:$0x3FAF]  }
0x31: {  	[smem:$0x3FB8] =	sst s10  }
0x32: {  	s10 =	sld [smem:$0x3FB6];
	_ =	sdelay $0x3  }
0x33: {  	p0 =	seq.s32 s10, $0x1;
	s10 =	sld [smem:$0x3FB8];
	_ =	sdelay $0x3  }
0x34: {  	[smem:$0x3FB8] =	sst s10  }
0x35: {  	s10 =	sld [smem:$0x3FB7];
	_ =	sdelay $0x3  }
0x36: {  	p1 =	seq.s32 s10, $0x1;
	s10 =	sld [smem:$0x3FB8];
	_ =	sdelay $0x3  }
0x37: {  	[smem:$0x3FB8] =	sst s10  }
0x38: {  	s10 =	sld [smem:$0x3FB9]  }
0x39: {  	_ = 	snop;
	(pc) =	sbr.ind lr, $3  }
0x3a: {  	_ = 	snop  }
0x3b: {  	_ = 	snop  }
0x3c: {  	p2 =	seq.s32 s10, $0x1;
	s10 =	sld [smem:$0x3FB8]  }
0x3d: {  	_ =	shalt  }
0x3e: {  	_ =	shalt  }
0x3f: {  	_ =	shalt  }
0x40: {  	_ =	shalt  }
0x41: {  	_ =	shalt  }
0x42: {  	_ =	shalt  }
0x43: {  	_ =	shalt  }
0x44: {  	_ =	shalt  }
0x45: {  	_ =	shalt  }
0x46: {  	_ =	shalt  }
0x47: {  	_ =	shalt  }
0x48: {  	_ =	shalt  }
0x49: {  	_ =	shalt  }
0x4a: {  	_ =	shalt  }
0x4b: {  	_ =	shalt  }
0x4c: {  	_ =	shalt  }
0x4d: {  	_ =	shalt  }
0x4e: {  	_ =	shalt  }
0x4f: {  	_ =	shalt  }
0x50: {  	_ =	shalt  }
0x51: {  	_ =	shalt  }
0x52: {  	_ =	shalt  }
0x53: {  	_ =	shalt  }
0x54: {  	_ =	shalt  }
0x55: {  	_ =	shalt  }
0x56: {  	_ =	shalt  }
0x57: {  	_ =	shalt  }
0x58: {  	_ =	shalt  }
0x59: {  	_ =	shalt  }
0x5a: {  	_ =	shalt  }
0x5b: {  	_ =	shalt  }
0x5c: {  	_ =	shalt  }
0x5d: {  	_ =	shalt  }
0x5e: {  	_ =	shalt  }
0x5f: {  	_ =	shalt  }
0x60: {  	_ =	shalt  }
0x61: {  	_ =	shalt  }
0x62: {  	_ =	shalt  }
0x63: {  	_ =	shalt  }
0x64: {  	_ =	shalt  }
0x65: {  	_ =	shalt  }
0x66: {  	_ =	shalt  }
0x67: {  	_ =	shalt  }
0x68: {  	_ =	shalt  }
0x69: {  	_ =	shalt  }
0x6a: {  	_ =	shalt  }
0x6b: {  	_ =	shalt  }
0x6c: {  	_ =	shalt  }
0x6d: {  	_ =	shalt  }
0x6e: {  	_ =	shalt  }
0x6f: {  	_ =	shalt  }
0x70: {  	_ =	shalt  }
0x71: {  	_ =	shalt  }
0x72: {  	_ =	shalt  }
0x73: {  	_ =	shalt  }
0x74: {  	_ =	shalt  }
0x75: {  	_ =	shalt  }
0x76: {  	_ =	shalt  }
0x77: {  	_ =	shalt  }
0x78: {  	_ =	shalt  }
0x79: {  	_ =	shalt  }
0x7a: {  	_ =	shalt  }
0x7b: {  	_ =	shalt  }
0x7c: {  	_ =	shalt  }
0x7d: {  	_ =	shalt  }
0x7e: {  	_ =	shalt  }
0x7f: {  	_ =	shalt  }
0x80: {  	_ =	shalt  }
0x81: {  	_ =	shalt  }
0x82: {  	_ =	shalt  }
0x83: {  	_ =	shalt  }
0x84: {  	_ =	shalt  }
0x85: {  	_ =	shalt  }
0x86: {  	_ =	shalt  }
0x87: {  	_ =	shalt  }
.Lfunc_end0:
.L_simem_size_0:
called_computation_lowered:
.L_overlay_start_0:
0x88: {  	s2 =	sld [smem:$0x3FD9]  }
0x89: {  	s3 =	sld [smem:$0x3FFE];
	_ =	sdelay $0x1  }
0x8a: {  	s1 =	srdreg.scid  }
0x8b: {  	s0 =	sand.u32 $0x1, s1  }
0x8c: {  	s17 =	sshll.u32 s0, $0xA;
	s2 =	sadd.s32 s3, s2  }
0x8d: {  	s2 =	sadd.s32 s2, s17  }
0x8e: {  	[smem:$0x3FC4] =	sst s2  }
0x8f: {  	_ = 	snop  }
0x90: {  	s2 =	sld [smem:$0x3FD0];
	(tm) =	ssettm $0x1  }
0x91: {  	s18 =	sld [smem:$0x3FFB];
	_ =	sdelay $0x3  }
0x92: {  	_ =	strace s18  }
0x93: {  	s3 =	sld [smem:$0x3FFC];
	_ =	sdelay $0x3  }
0x94: {  	_ =	strace s3  }
0x95: {  	s3 =	sld [smem:$0x3FFD];
	_ =	sdelay $0x3  }
0x96: {  	_ =	strace s3  }
0x97: {  	_ =	strace $0x8FFFFFFF  }
0x98: {  	s19 =	sld [smem:$0x3FDB];
	_ =	sdelay $0x1  }
0x99: {  	s4 =	simm.s32 $_scs_section_size  }
0x9a: {  	s5 =	simm.s32 $_size__tile_overlayer_lowered;
	s6 =	simm.s32 $_tile_overlayer_lowered  }
0x9b: {  	s22 =	simm.s32 $0x1BFF;
	s21 =	sshll.u32 s6, $0x1;
	s3 =	sadd.s32 s4, s19  }
0x9c: {  	s7 =	simm.s32 $0x0;
	s20 =	sshll.u32 s5, $0x1;
	s5 =	sadd.s32 s21, s3  }
0x9d: {  	[timem:s7], [sflag:s22] =	dma.local [hbm:s5], s20  }
0x9e: {  	_ =	swait.ge [sflag:s22], s20  }
0x9f: {  	s4 =	ssub.s32 $0x0, s20;
	[sflag:s22] =	ssyncset.done $0x0  }
0xa0: {  	[sflag:s22] =	ssyncadd.s32 s4;
	_ =	sdelay $0x1  }
0xa1: {  	s23 =	simm.s32 $0x1B8B  }
0xa2: {  	_ =	swait.ge [sflag:s23], $0x1  }
0xa3: {  	[sflag:s23] =	ssyncset.done $0x0  }
0xa4: {  	s25 =	simm.s32 $0x1B8E;
	s24 =	sld [smem:$0x3FFE];
	[sflag:s23] =	ssyncadd.s32 $0xFFFFFFFF  }
0xa5: {  	s26 =	simm.s32 $execute0_lowered;
	[smem:$0x3FD2] =	sst s25  }
0xa6: {  	s5 =	sshll.u32 s26, $0x1;
	_ =	strace $0x80000046;
	[dreg:$0x1] =	wrdreg $0xFFFFFFFF  }
0xa7: {  	s28 =	simm.s32 $_size_execute0_lowered;
	s3 =	sadd.s32 s3, s5;
	[dreg:$0x0] =	wrdreg $0x0  }
0xa8: {  	s5 =	sshll.u32 s28, $0x1;
	[dreg:$0x2] =	wrdreg s3  }
0xa9: {  	[dreg:$0x3] =	wrdreg s5  }
0xaa: {  	[dreg:$0x4] =	wrdreg $0xC0  }
0xab: {  	_ =	task [dreg:s7], $0x5FFFF  }
0xac: {  	[dreg:$0x1] =	wrdreg $0xFFFFFFFF  }
0xad: {  	[dreg:$0x0] =	wrdreg $0x60  }
0xae: {  	[dreg:$0x2] =	wrdreg s24  }
0xaf: {  	[dreg:$0x3] =	wrdreg s2  }
0xb0: {  	[dreg:$0x4] =	wrdreg $0x104000  }
0xb1: {  	[dreg:$0x5] =	wrdreg $0x9  }
0xb2: {  	_ =	task.clear_ibuf [dreg:s7], $0x6FFFF;
	_ =	strace $0x90000046  }
0xb3: {  	s29 =	simm.s32 $0x9;
	_ =	strace $0x80000048  }
0xb4: {  	_ =	swait.ge [sflag:s29], $0x1  }
0xb5: {  	[sflag:s29] =	ssyncadd.s32 $0xFFFFFFFF  }
0xb6: {  	_ =	strace $0x90000048  }
0xb7: {  	_ =	sfence  }
0xb8: {  	s30 =	sld [smem:$0x0];
	_ =	sdelay $0x2  }
0xb9: {  	s31 =	sshll.u32 s1, $0xD;
	s1 =	sshrl.u32 s1, $0x2  }
0xba: {  	s3 =	sand.u32 $0x4000, s31;
	s1 =	sadd.s32 s1, s30  }
0xbb: {  	s0 =	sor.u32 s3, s0;
	s1 =	sshll.u32 s1, $0x11  }
0xbc: {  	s0 =	sor.u32 s1, s0  }
0xbd: {  	s0 =	sadd.s32 $0x8F2B, s0  }
0xbe: {  	[sflag:s0] =	ssyncadd.remote.s32 $0x1  }
0xbf: {  	_ =	sfence.sel $0xFFFF  }
0xc0: {  	[dreg:$0x0] =	wrdreg $0xFFFFFFFF;
	(pc) =	sbr.abs _section_cstart, $3  }
0xc1: {  	[dreg:$0x1] =	wrdreg $0xFFFFFFFF  }
0xc2: {  	_ =	task.clear_ibuf [dreg:s7], $0x2FFFF;
	_ =	strace $0x9FFFFFFF  }
0xc3: {  	(tm) =	ssettm $0x7FFFFFFF  }
tec
execute0_lowered:
.L_overlay_start_1:
0x0: {  	(tag) =	ssettag $0x1  }
0x1: {  	s25 =	stileid.u32  }
0x2: {  	v0 =	vlaneseq.u32;
	s0 =	smul.u32 $0x240, s25  }
0x3: {  	v24 =	vshrl.u32 v0, $0x3  }
0x4: {  	s13 =	sor.u32 $0x10, s0;
	v0 =	vor.u32 s0, v24  }
0x5: {  	s16 =	sor.u32 $0x20, s0;
	[tilespmem:$0x1F1E0] =	vst v0;
	v0 =	vor.u32 s13, v24  }
0x6: {  	s17 =	sor.u32 $0x30, s0;
	[tilespmem:$0x1F1F0] =	vst v0;
	v0 =	vor.u32 s16, v24  }
0x7: {  	s18 =	sadd.s32 $0x40, s0;
	[tilespmem:$0x1F200] =	vst v0;
	v0 =	vor.u32 s17, v24  }
0x8: {  	s19 =	sadd.s32 $0x50, s0;
	[tilespmem:$0x1F210] =	vst v0;
	v0 =	vor.u32 s18, v24  }
0x9: {  	s20 =	sadd.s32 $0x60, s0;
	[tilespmem:$0x1F220] =	vst v0;
	v0 =	vor.u32 s19, v24  }
0xa: {  	s21 =	sadd.s32 $0x70, s0;
	[tilespmem:$0x1F230] =	vst v0;
	v0 =	vor.u32 s20, v24  }
0xb: {  	s4 =	sadd.s32 $0x80, s0;
	[tilespmem:$0x1F240] =	vst v0;
	v0 =	vor.u32 s21, v24  }
0xc: {  	s23 =	sadd.s32 $0x90, s0;
	[tilespmem:$0x1F250] =	vst v0;
	v0 =	vor.u32 s4, v24  }
0xd: {  	s22 =	sadd.s32 $0xA0, s0;
	[tilespmem:$0x1F260] =	vst v0;
	v0 =	vor.u32 s23, v24  }
0xe: {  	s24 =	sadd.s32 $0xB0, s0;
	[tilespmem:$0x1F270] =	vst v0;
	v0 =	vor.u32 s22, v24  }
0xf: {  	s14 =	sadd.s32 $0xC0, s0;
	[tilespmem:$0x1F280] =	vst v0;
	v0 =	vor.u32 s24, v24  }
0x10: {  	s2 =	sadd.s32 $0xD0, s0;
	[tilespmem:$0x1F290] =	vst v0;
	v0 =	vor.u32 s14, v24  }
0x11: {  	s15 =	sadd.s32 $0xE0, s0;
	[tilespmem:$0x1F2A0] =	vst v0;
	v0 =	vor.u32 s2, v24  }
0x12: {  	s1 =	sadd.s32 $0xF0, s0;
	[tilespmem:$0x1F2B0] =	vst v0;
	v0 =	vor.u32 s15, v24  }
0x13: {  	s5 =	sadd.s32 $0x100, s0;
	[tilespmem:$0x1F2C0] =	vst v0;
	v0 =	vor.u32 s1, v24  }
0x14: {  	s7 =	sadd.s32 $0x110, s0;
	[tilespmem:$0x1F2D0] =	vst v0;
	v0 =	vor.u32 s5, v24  }
0x15: {  	s8 =	sadd.s32 $0x120, s0;
	[tilespmem:$0x1F2E0] =	vst v0;
	v0 =	vor.u32 s7, v24  }
0x16: {  	s9 =	sadd.s32 $0x130, s0;
	[tilespmem:$0x1F2F0] =	vst v0;
	v0 =	vor.u32 s8, v24  }
0x17: {  	s3 =	sadd.s32 $0x140, s0;
	[tilespmem:$0x1F300] =	vst v0;
	v0 =	vor.u32 s9, v24  }
0x18: {  	s6 =	sadd.s32 $0x150, s0;
	[tilespmem:$0x1F310] =	vst v0;
	v0 =	vor.u32 s3, v24  }
0x19: {  	s10 =	sadd.s32 $0x160, s0;
	[tilespmem:$0x1F320] =	vst v0;
	v0 =	vor.u32 s6, v24  }
0x1a: {  	s11 =	sadd.s32 $0x170, s0;
	[tilespmem:$0x1F330] =	vst v0;
	v0 =	vor.u32 s10, v24  }
0x1b: {  	v25 =	vor.u32 $0x2, v24;
	[tilespmem:$0x1F340] =	vst v0;
	v0 =	vor.u32 s11, v24  }
0x1c: {  	v26 =	vor.u32 $0x4, v24;
	[tilespmem:$0x1F350] =	vst v0;
	v0 =	vor.u32 s13, v25  }
0x1d: {  	v27 =	vor.u32 $0x6, v24;
	[tilespmem:$0x1F360] =	vst v0;
	v0 =	vor.u32 s13, v26  }
0x1e: {  	v28 =	vor.u32 $0x8, v24;
	[tilespmem:$0x1F370] =	vst v0;
	v0 =	vor.u32 s13, v27  }
0x1f: {  	v29 =	vor.u32 $0xA, v24;
	[tilespmem:$0x1F380] =	vst v0;
	v0 =	vor.u32 s13, v28  }
0x20: {  	v30 =	vor.u32 $0xC, v24;
	[tilespmem:$0x1F390] =	vst v0;
	v0 =	vor.u32 s13, v29  }
0x21: {  	v31 =	vor.u32 $0xE, v24;
	[tilespmem:$0x1F3A0] =	vst v0;
	v0 =	vor.u32 s13, v30  }
0x22: {  	s12 =	sadd.s32 $0x180, s0;
	[tilespmem:$0x1F3B0] =	vst v0;
	v0 =	vor.u32 s13, v31  }
0x23: {  	s13 =	sadd.s32 $0x190, s0;
	[tilespmem:$0x1F3C0] =	vst v0;
	v0 =	vor.u32 s12, v24  }
0x24: {  	[tilespmem:$0x1F3D0] =	vst v0;
	v0 =	vor.u32 s13, v24  }
0x25: {  	[tilespmem:$0x1F3E0] =	vst v0;
	v0 =	vor.u32 s16, v25  }
0x26: {  	[tilespmem:$0x1F3F0] =	vst v0;
	v0 =	vor.u32 s17, v25  }
0x27: {  	[tilespmem:$0x1F400] =	vst v0;
	v0 =	vor.u32 s18, v25  }
0x28: {  	[tilespmem:$0x1F410] =	vst v0;
	v0 =	vor.u32 s19, v25  }
0x29: {  	[tilespmem:$0x1F420] =	vst v0;
	v0 =	vor.u32 s16, v26  }
0x2a: {  	[tilespmem:$0x1F430] =	vst v0;
	v0 =	vor.u32 s17, v26  }
0x2b: {  	[tilespmem:$0x1F440] =	vst v0;
	v0 =	vor.u32 s18, v26  }
0x2c: {  	[tilespmem:$0x1F450] =	vst v0;
	v0 =	vor.u32 s19, v26  }
0x2d: {  	[tilespmem:$0x1F460] =	vst v0;
	v0 =	vor.u32 s16, v27  }
0x2e: {  	[tilespmem:$0x1F470] =	vst v0;
	v0 =	vor.u32 s17, v27  }
0x2f: {  	[tilespmem:$0x1F480] =	vst v0;
	v0 =	vor.u32 s18, v27  }
0x30: {  	[tilespmem:$0x1F490] =	vst v0;
	v0 =	vor.u32 s19, v27  }
0x31: {  	[tilespmem:$0x1F4A0] =	vst v0;
	v0 =	vor.u32 s16, v28  }
0x32: {  	[tilespmem:$0x1F4B0] =	vst v0;
	v0 =	vor.u32 s17, v28  }
0x33: {  	[tilespmem:$0x1F4C0] =	vst v0;
	v0 =	vor.u32 s18, v28  }
0x34: {  	[tilespmem:$0x1F4D0] =	vst v0;
	v0 =	vor.u32 s19, v28  }
0x35: {  	[tilespmem:$0x1F4E0] =	vst v0;
	v0 =	vor.u32 s16, v29  }
0x36: {  	[tilespmem:$0x1F4F0] =	vst v0;
	v0 =	vor.u32 s17, v29  }
0x37: {  	[tilespmem:$0x1F500] =	vst v0;
	v0 =	vor.u32 s18, v29  }
0x38: {  	[tilespmem:$0x1F510] =	vst v0;
	v0 =	vor.u32 s16, v30  }
0x39: {  	[tilespmem:$0x1F520] =	vst v0;
	v0 =	vor.u32 s17, v30  }
0x3a: {  	[tilespmem:$0x1F530] =	vst v0;
	v0 =	vor.u32 s18, v30  }
0x3b: {  	[tilespmem:$0x1F540] =	vst v0;
	v0 =	vor.u32 s16, v31  }
0x3c: {  	[tilespmem:$0x1F550] =	vst v0;
	v0 =	vor.u32 s17, v31  }
0x3d: {  	[tilespmem:$0x1F560] =	vst v0;
	v0 =	vor.u32 s18, v31  }
0x3e: {  	[tilespmem:$0x1F570] =	vst v0;
	v0 =	vor.u32 s19, v29  }
0x3f: {  	[tilespmem:$0x1F580] =	vst v0;
	v0 =	vor.u32 s19, v30  }
0x40: {  	s17 =	sadd.s32 $0x1A0, s0;
	[tilespmem:$0x1F590] =	vst v0;
	v0 =	vor.u32 s19, v31  }
0x41: {  	s18 =	sadd.s32 $0x1B0, s0;
	[tilespmem:$0x1F5A0] =	vst v0;
	v0 =	vor.u32 s17, v24  }
0x42: {  	s16 =	sadd.s32 $0x1C0, s0;
	[tilespmem:$0x1F5B0] =	vst v0;
	v0 =	vor.u32 s18, v24  }
0x43: {  	s19 =	sadd.s32 $0x1D0, s0;
	[tilespmem:$0x1F5C0] =	vst v0;
	v0 =	vor.u32 s16, v24  }
0x44: {  	[tilespmem:$0x1F5D0] =	vst v0;
	v0 =	vor.u32 s19, v24  }
0x45: {  	[tilespmem:$0x1F5E0] =	vst v0;
	v0 =	vor.u32 s20, v25  }
0x46: {  	[tilespmem:$0x1F5F0] =	vst v0;
	v0 =	vor.u32 s21, v25  }
0x47: {  	[tilespmem:$0x1F600] =	vst v0;
	v0 =	vor.u32 s23, v25  }
0x48: {  	[tilespmem:$0x1F610] =	vst v0;
	v0 =	vor.u32 s22, v25  }
0x49: {  	[tilespmem:$0x1F620] =	vst v0;
	v0 =	vor.u32 s24, v25  }
0x4a: {  	[tilespmem:$0x1F630] =	vst v0;
	v0 =	vor.u32 s20, v26  }
0x4b: {  	[tilespmem:$0x1F640] =	vst v0;
	v0 =	vor.u32 s21, v26  }
0x4c: {  	[tilespmem:$0x1F650] =	vst v0;
	v0 =	vor.u32 s23, v26  }
0x4d: {  	[tilespmem:$0x1F660] =	vst v0;
	v0 =	vor.u32 s22, v26  }
0x4e: {  	[tilespmem:$0x1F670] =	vst v0;
	v0 =	vor.u32 s24, v26  }
0x4f: {  	[tilespmem:$0x1F680] =	vst v0;
	v0 =	vor.u32 s20, v27  }
0x50: {  	[tilespmem:$0x1F690] =	vst v0;
	v0 =	vor.u32 s21, v27  }
0x51: {  	[tilespmem:$0x1F6A0] =	vst v0;
	v0 =	vor.u32 s23, v27  }
0x52: {  	[tilespmem:$0x1F6B0] =	vst v0;
	v0 =	vor.u32 s22, v27  }
0x53: {  	[tilespmem:$0x1F6C0] =	vst v0;
	v0 =	vor.u32 s24, v27  }
0x54: {  	[tilespmem:$0x1F6D0] =	vst v0;
	v0 =	vor.u32 s20, v28  }
0x55: {  	[tilespmem:$0x1F6E0] =	vst v0;
	v0 =	vor.u32 s21, v28  }
0x56: {  	[tilespmem:$0x1F6F0] =	vst v0;
	v0 =	vor.u32 s23, v28  }
0x57: {  	[tilespmem:$0x1F700] =	vst v0;
	v0 =	vor.u32 s22, v28  }
0x58: {  	[tilespmem:$0x1F710] =	vst v0;
	v0 =	vor.u32 s24, v28  }
0x59: {  	[tilespmem:$0x1F720] =	vst v0;
	v0 =	vor.u32 s20, v29  }
0x5a: {  	[tilespmem:$0x1F730] =	vst v0;
	v0 =	vor.u32 s21, v29  }
0x5b: {  	[tilespmem:$0x1F740] =	vst v0;
	v0 =	vor.u32 s23, v29  }
0x5c: {  	[tilespmem:$0x1F750] =	vst v0;
	v0 =	vor.u32 s22, v29  }
0x5d: {  	[tilespmem:$0x1F760] =	vst v0;
	v0 =	vor.u32 s24, v29  }
0x5e: {  	[tilespmem:$0x1F770] =	vst v0;
	v0 =	vor.u32 s20, v30  }
0x5f: {  	[tilespmem:$0x1F780] =	vst v0;
	v0 =	vor.u32 s21, v30  }
0x60: {  	[tilespmem:$0x1F790] =	vst v0;
	v0 =	vor.u32 s23, v30  }
0x61: {  	[tilespmem:$0x1F7A0] =	vst v0;
	v0 =	vor.u32 s22, v30  }
0x62: {  	[tilespmem:$0x1F7B0] =	vst v0;
	v0 =	vor.u32 s20, v31  }
0x63: {  	[tilespmem:$0x1F7C0] =	vst v0;
	v0 =	vor.u32 s21, v31  }
0x64: {  	[tilespmem:$0x1F7D0] =	vst v0;
	v0 =	vor.u32 s23, v31  }
0x65: {  	[tilespmem:$0x1F7E0] =	vst v0;
	v0 =	vor.u32 s24, v30  }
0x66: {  	[tilespmem:$0x1F7F0] =	vst v0;
	v0 =	vor.u32 s22, v31  }
0x67: {  	s23 =	sadd.s32 $0x1E0, s0;
	[tilespmem:$0x1F800] =	vst v0;
	v0 =	vor.u32 s24, v31  }
0x68: {  	s20 =	sadd.s32 $0x1F0, s0;
	[tilespmem:$0x1F810] =	vst v0;
	v0 =	vor.u32 s23, v24  }
0x69: {  	s21 =	sadd.s32 $0x200, s0;
	[tilespmem:$0x1F820] =	vst v0;
	v0 =	vor.u32 s20, v24  }
0x6a: {  	s24 =	sadd.s32 $0x210, s0;
	[tilespmem:$0x1F830] =	vst v0;
	v0 =	vor.u32 s21, v24  }
0x6b: {  	s22 =	sadd.s32 $0x220, s0;
	[tilespmem:$0x1F840] =	vst v0;
	v0 =	vor.u32 s24, v24  }
0x6c: {  	[tilespmem:$0x1F850] =	vst v0;
	v0 =	vor.u32 s22, v24  }
0x6d: {  	[tilespmem:$0x1F860] =	vst v0;
	v0 =	vor.u32 s0, v25  }
0x6e: {  	[tilespmem:$0x1F870] =	vst v0;
	v0 =	vor.u32 s4, v25  }
0x6f: {  	[tilespmem:$0x1F880] =	vst v0;
	v0 =	vor.u32 s14, v25  }
0x70: {  	[tilespmem:$0x1F890] =	vst v0;
	v0 =	vor.u32 s2, v25  }
0x71: {  	[tilespmem:$0x1F8A0] =	vst v0;
	v0 =	vor.u32 s15, v25  }
0x72: {  	[tilespmem:$0x1F8B0] =	vst v0;
	v0 =	vor.u32 s1, v25  }
0x73: {  	[tilespmem:$0x1F8C0] =	vst v0;
	v0 =	vor.u32 s5, v25  }
0x74: {  	[tilespmem:$0x1F8D0] =	vst v0;
	v0 =	vor.u32 s7, v25  }
0x75: {  	[tilespmem:$0x1F8E0] =	vst v0;
	v0 =	vor.u32 s8, v25  }
0x76: {  	[tilespmem:$0x1F8F0] =	vst v0;
	v0 =	vor.u32 s9, v25  }
0x77: {  	[tilespmem:$0x1F900] =	vst v0;
	v0 =	vor.u32 s3, v25  }
0x78: {  	[tilespmem:$0x1F910] =	vst v0;
	v0 =	vor.u32 s6, v25  }
0x79: {  	[tilespmem:$0x1F920] =	vst v0;
	v0 =	vor.u32 s10, v25  }
0x7a: {  	[tilespmem:$0x1F930] =	vst v0;
	v0 =	vor.u32 s11, v25  }
0x7b: {  	[tilespmem:$0x1F940] =	vst v0;
	v0 =	vor.u32 s12, v25  }
0x7c: {  	[tilespmem:$0x1F950] =	vst v0;
	v0 =	vor.u32 s13, v25  }
0x7d: {  	[tilespmem:$0x1F960] =	vst v0;
	v0 =	vor.u32 s17, v25  }
0x7e: {  	[tilespmem:$0x1F970] =	vst v0;
	v0 =	vor.u32 s18, v25  }
0x7f: {  	[tilespmem:$0x1F980] =	vst v0;
	v0 =	vor.u32 s16, v25  }
0x80: {  	[tilespmem:$0x1F990] =	vst v0;
	v0 =	vor.u32 s19, v25  }
0x81: {  	[tilespmem:$0x1F9A0] =	vst v0;
	v0 =	vor.u32 s23, v25  }
0x82: {  	[tilespmem:$0x1F9B0] =	vst v0;
	v0 =	vor.u32 s20, v25  }
0x83: {  	[tilespmem:$0x1F9C0] =	vst v0;
	v0 =	vor.u32 s21, v25  }
0x84: {  	[tilespmem:$0x1F9D0] =	vst v0;
	v0 =	vor.u32 s24, v25  }
0x85: {  	[tilespmem:$0x1F9E0] =	vst v0;
	v0 =	vor.u32 s22, v25  }
0x86: {  	[tilespmem:$0x1F9F0] =	vst v0;
	v0 =	vor.u32 s4, v26  }
0x87: {  	[tilespmem:$0x1FA00] =	vst v0;
	v0 =	vor.u32 s14, v26  }
0x88: {  	[tilespmem:$0x1FA10] =	vst v0;
	v0 =	vor.u32 s2, v26  }
0x89: {  	[tilespmem:$0x1FA20] =	vst v0;
	v0 =	vor.u32 s15, v26  }
0x8a: {  	[tilespmem:$0x1FA30] =	vst v0;
	v0 =	vor.u32 s1, v26  }
0x8b: {  	[tilespmem:$0x1FA40] =	vst v0;
	v0 =	vor.u32 s5, v26  }
0x8c: {  	[tilespmem:$0x1FA50] =	vst v0;
	v0 =	vor.u32 s7, v26  }
0x8d: {  	[tilespmem:$0x1FA60] =	vst v0;
	v0 =	vor.u32 s8, v26  }
0x8e: {  	[tilespmem:$0x1FA70] =	vst v0;
	v0 =	vor.u32 s9, v26  }
0x8f: {  	[tilespmem:$0x1FA80] =	vst v0;
	v0 =	vor.u32 s3, v26  }
0x90: {  	[tilespmem:$0x1FA90] =	vst v0;
	v0 =	vor.u32 s6, v26  }
0x91: {  	[tilespmem:$0x1FAA0] =	vst v0;
	v0 =	vor.u32 s10, v26  }
0x92: {  	[tilespmem:$0x1FAB0] =	vst v0;
	v0 =	vor.u32 s11, v26  }
0x93: {  	[tilespmem:$0x1FAC0] =	vst v0;
	v0 =	vor.u32 s12, v26  }
0x94: {  	[tilespmem:$0x1FAD0] =	vst v0;
	v0 =	vor.u32 s13, v26  }
0x95: {  	[tilespmem:$0x1FAE0] =	vst v0;
	v0 =	vor.u32 s17, v26  }
0x96: {  	[tilespmem:$0x1FAF0] =	vst v0;
	v0 =	vor.u32 s18, v26  }
0x97: {  	[tilespmem:$0x1FB00] =	vst v0;
	v0 =	vor.u32 s16, v26  }
0x98: {  	[tilespmem:$0x1FB10] =	vst v0;
	v0 =	vor.u32 s19, v26  }
0x99: {  	[tilespmem:$0x1FB20] =	vst v0;
	v0 =	vor.u32 s23, v26  }
0x9a: {  	[tilespmem:$0x1FB30] =	vst v0;
	v0 =	vor.u32 s20, v26  }
0x9b: {  	[tilespmem:$0x1FB40] =	vst v0;
	v0 =	vor.u32 s21, v26  }
0x9c: {  	[tilespmem:$0x1FB50] =	vst v0;
	v0 =	vor.u32 s24, v26  }
0x9d: {  	[tilespmem:$0x1FB60] =	vst v0;
	v0 =	vor.u32 s22, v26  }
0x9e: {  	[tilespmem:$0x1FB70] =	vst v0;
	v0 =	vor.u32 s4, v27  }
0x9f: {  	[tilespmem:$0x1FB80] =	vst v0;
	v0 =	vor.u32 s14, v27  }
0xa0: {  	[tilespmem:$0x1FB90] =	vst v0;
	v0 =	vor.u32 s2, v27  }
0xa1: {  	[tilespmem:$0x1FBA0] =	vst v0;
	v0 =	vor.u32 s15, v27  }
0xa2: {  	[tilespmem:$0x1FBB0] =	vst v0;
	v0 =	vor.u32 s1, v27  }
0xa3: {  	[tilespmem:$0x1FBC0] =	vst v0;
	v0 =	vor.u32 s5, v27  }
0xa4: {  	[tilespmem:$0x1FBD0] =	vst v0;
	v0 =	vor.u32 s7, v27  }
0xa5: {  	[tilespmem:$0x1FBE0] =	vst v0;
	v0 =	vor.u32 s8, v27  }
0xa6: {  	[tilespmem:$0x1FBF0] =	vst v0;
	v0 =	vor.u32 s9, v27  }
0xa7: {  	[tilespmem:$0x1FC00] =	vst v0;
	v0 =	vor.u32 s3, v27  }
0xa8: {  	[tilespmem:$0x1FC10] =	vst v0;
	v0 =	vor.u32 s6, v27  }
0xa9: {  	[tilespmem:$0x1FC20] =	vst v0;
	v0 =	vor.u32 s10, v27  }
0xaa: {  	[tilespmem:$0x1FC30] =	vst v0;
	v0 =	vor.u32 s11, v27  }
0xab: {  	[tilespmem:$0x1FC40] =	vst v0;
	v0 =	vor.u32 s12, v27  }
0xac: {  	[tilespmem:$0x1FC50] =	vst v0;
	v0 =	vor.u32 s13, v27  }
0xad: {  	[tilespmem:$0x1FC60] =	vst v0;
	v0 =	vor.u32 s17, v27  }
0xae: {  	[tilespmem:$0x1FC70] =	vst v0;
	v0 =	vor.u32 s18, v27  }
0xaf: {  	[tilespmem:$0x1FC80] =	vst v0;
	v0 =	vor.u32 s16, v27  }
0xb0: {  	[tilespmem:$0x1FC90] =	vst v0;
	v0 =	vor.u32 s19, v27  }
0xb1: {  	[tilespmem:$0x1FCA0] =	vst v0;
	v0 =	vor.u32 s23, v27  }
0xb2: {  	[tilespmem:$0x1FCB0] =	vst v0;
	v0 =	vor.u32 s20, v27  }
0xb3: {  	[tilespmem:$0x1FCC0] =	vst v0;
	v0 =	vor.u32 s21, v27  }
0xb4: {  	[tilespmem:$0x1FCD0] =	vst v0;
	v0 =	vor.u32 s24, v27  }
0xb5: {  	[tilespmem:$0x1FCE0] =	vst v0;
	v0 =	vor.u32 s22, v27  }
0xb6: {  	[tilespmem:$0x1FCF0] =	vst v0;
	v0 =	vor.u32 s4, v28  }
0xb7: {  	[tilespmem:$0x1FD00] =	vst v0;
	v0 =	vor.u32 s14, v28  }
0xb8: {  	[tilespmem:$0x1FD10] =	vst v0;
	v0 =	vor.u32 s2, v28  }
0xb9: {  	[tilespmem:$0x1FD20] =	vst v0;
	v0 =	vor.u32 s15, v28  }
0xba: {  	[tilespmem:$0x1FD30] =	vst v0;
	v0 =	vor.u32 s1, v28  }
0xbb: {  	[tilespmem:$0x1FD40] =	vst v0;
	v0 =	vor.u32 s5, v28  }
0xbc: {  	[tilespmem:$0x1FD50] =	vst v0;
	v0 =	vor.u32 s7, v28  }
0xbd: {  	[tilespmem:$0x1FD60] =	vst v0;
	v0 =	vor.u32 s8, v28  }
0xbe: {  	[tilespmem:$0x1FD70] =	vst v0;
	v0 =	vor.u32 s9, v28  }
0xbf: {  	[tilespmem:$0x1FD80] =	vst v0;
	v0 =	vor.u32 s3, v28  }
0xc0: {  	[tilespmem:$0x1FD90] =	vst v0;
	v0 =	vor.u32 s6, v28  }
0xc1: {  	[tilespmem:$0x1FDA0] =	vst v0;
	v0 =	vor.u32 s10, v28  }
0xc2: {  	[tilespmem:$0x1FDB0] =	vst v0;
	v0 =	vor.u32 s11, v28  }
0xc3: {  	[tilespmem:$0x1FDC0] =	vst v0;
	v0 =	vor.u32 s12, v28  }
0xc4: {  	[tilespmem:$0x1FDD0] =	vst v0;
	v0 =	vor.u32 s13, v28  }
0xc5: {  	[tilespmem:$0x1FDE0] =	vst v0;
	v0 =	vor.u32 s17, v28  }
0xc6: {  	[tilespmem:$0x1FDF0] =	vst v0;
	v0 =	vor.u32 s18, v28  }
0xc7: {  	[tilespmem:$0x1FE00] =	vst v0;
	v0 =	vor.u32 s16, v28  }
0xc8: {  	[tilespmem:$0x1FE10] =	vst v0;
	v0 =	vor.u32 s19, v28  }
0xc9: {  	[tilespmem:$0x1FE20] =	vst v0;
	v0 =	vor.u32 s23, v28  }
0xca: {  	[tilespmem:$0x1FE30] =	vst v0;
	v0 =	vor.u32 s20, v28  }
0xcb: {  	v32 =	vimm.f32 $0.0e+00;
	v18 =	vor.u32 s0, v26;
	[tilespmem:$0x1FE40] =	vst v0;
	v0 =	vor.u32 s21, v28  }
0xcc: {  	v19 =	vor.u32 s0, v27;
	v20 =	vor.u32 s0, v28;
	[tilespmem:$0x1FE50] =	vst v0;
	v0 =	vor.u32 s24, v28  }
0xcd: {  	v21 =	vor.u32 s0, v29;
	v22 =	vor.u32 s0, v30;
	[tilespmem:$0x1FE60] =	vst v0;
	v0 =	vor.u32 s22, v28  }
0xce: {  	v23 =	vor.u32 s0, v31;
	v34 =	vor.u32 s14, v30;
	[tilespmem:$0x1FE70] =	vst v0;
	v0 =	vor.u32 s4, v29  }
0xcf: {  	v35 =	vor.u32 s2, v30;
	v36 =	vor.u32 s15, v30;
	[tilespmem:$0x1FE80] =	vst v0;
	v0 =	vor.u32 s14, v29  }
0xd0: {  	v37 =	vor.u32 s1, v30;
	v38 =	vor.u32 s5, v30;
	[tilespmem:$0x1FE90] =	vst v0;
	v0 =	vor.u32 s2, v29  }
0xd1: {  	v39 =	vor.u32 s14, v31;
	v40 =	vor.u32 s7, v30;
	[tilespmem:$0x1FEA0] =	vst v0;
	v0 =	vor.u32 s15, v29  }
0xd2: {  	v41 =	vor.u32 s2, v31;
	v42 =	vor.u32 s15, v31;
	[tilespmem:$0x1FEB0] =	vst v0;
	v0 =	vor.u32 s1, v29  }
0xd3: {  	v43 =	vor.u32 s8, v30;
	v44 =	vor.u32 s9, v30;
	[tilespmem:$0x1FEC0] =	vst v0;
	v0 =	vor.u32 s5, v29  }
0xd4: {  	v45 =	vor.u32 s1, v31;
	v46 =	vor.u32 s7, v31;
	[tilespmem:$0x1FED0] =	vst v0;
	v0 =	vor.u32 s7, v29  }
0xd5: {  	v47 =	vor.u32 s8, v31;
	v48 =	vor.u32 s9, v31;
	[tilespmem:$0x1FEE0] =	vst v0;
	v0 =	vor.u32 s8, v29  }
0xd6: {  	v49 =	vor.u32 s3, v30;
	v50 =	vor.u32 s6, v30;
	[tilespmem:$0x1FEF0] =	vst v0;
	v0 =	vor.u32 s9, v29  }
0xd7: {  	v51 =	vor.u32 s10, v30;
	v52 =	vor.u32 s11, v30;
	[tilespmem:$0x1FF00] =	vst v0;
	v0 =	vor.u32 s3, v29  }
0xd8: {  	s26 =	srdreg.scid;
	v53 =	vor.u32 s12, v30;
	v56 =	vor.u32 s4, v31;
	[tilespmem:$0x1FF10] =	vst v0;
	v0 =	vor.u32 s6, v29  }
0xd9: {  	s28 =	simm.s32 $0x9;
	s29 =	simm.s32 $0x5;
	v57 =	vor.u32 s3, v31;
	v59 =	vor.u32 s5, v31;
	s14 =	rddreg [dreg:$0x0];
	[tilespmem:$0x1FF20] =	vst v0;
	v0 =	vor.u32 s10, v29  }
0xda: {  	s30 =	simm.s32 $0xB;
	v60 =	vor.u32 s6, v31;
	v3 =	vor.u32 s10, v31;
	s0 =	sadd.s32 $0x230, s0;
	s15 =	rddreg [dreg:$0x1];
	[tilespmem:$0x1FF30] =	vst v0;
	v0 =	vor.u32 s11, v29  }
0xdb: {  	v4 =	vor.u32 s11, v31;
	v5 =	vor.u32 s12, v31;
	s2 =	sand.u32 $0x1, s26;
	s26 =	sshll.u32 s25, $0x1;
	s1 =	rddreg [dreg:$0x2];
	[tilespmem:$0x1FF40] =	vst v0;
	v0 =	vor.u32 s12, v29  }
0xdc: {  	v54 =	vor.u32 s13, v30;
	v6 =	vor.u32 s13, v31;
	s5 =	sshll.u32 s5, $0x6;
	s7 =	sor.u32 s2, s26;
	s9 =	smul.u32 $0x24000, s25;
	[tilespmem:$0x1FF50] =	vst v0;
	v0 =	vor.u32 s13, v29  }
0xdd: {  	v61 =	vor.u32 s16, v30;
	v9 =	vor.u32 s16, v31;
	s8 =	ssub.s32 $0x2, s2;
	s2 =	simm.s32 $0x0;
	s25 =	smul.u32 $0x240, s7;
	[tilespmem:$0x1FF60] =	vst v0;
	v0 =	vor.u32 s17, v29  }
0xde: {  	v55 =	vor.u32 s17, v30;
	v7 =	vor.u32 s17, v31;
	s26 =	sshrl.u32 s8, $0x1;
	[smem:$0x7FF] =	sst s2;
	s7 =	smul.u32 $0x1200, s7;
	[tilespmem:$0x1FF70] =	vst v0;
	v0 =	vor.u32 s18, v29  }
0xdf: {  	v58 =	vor.u32 s18, v30;
	v8 =	vor.u32 s18, v31;
	s8 =	ssub.s32 s8, s26;
	s26 =	sshll.u32 s12, $0x6;
	s9 =	sshrl.u32 s9, $0x2;
	[tilespmem:$0x1FF80] =	vst v0;
	v0 =	vor.u32 s16, v29  }
0xe0: {  	v62 =	vor.u32 s19, v30;
	v15 =	vor.u32 s22, v29;
	s6 =	sadd.s32 s26, s1;
	s7 =	sadd.s32 s15, s7;
	s8 =	smax.u32 s8, $0x1;
	[tilespmem:$0x1FF90] =	vst v0;
	v0 =	vor.u32 s19, v29  }
0xe1: {  	v16 =	vor.u32 s22, v30;
	v17 =	vor.u32 s22, v31;
	s15 =	simm.s32 $0x5200;
	s22 =	sadd.s32 s25, s14;
	s25 =	simm.s32 $0x7;
	[tilespmem:$0x1FFA0] =	vst v0;
	v0 =	vor.u32 s23, v29  }
0xe2: {  	v10 =	vor.u32 s19, v31;
	v12 =	vor.u32 s20, v31;
	s26 =	simm.s32 $0x3;
	s3 =	sadd.s32 s9, s1;
	s9 =	sadd.s32 s5, s1;
	[tilespmem:$0x1FFB0] =	vst v0;
	v0 =	vor.u32 s20, v29  }
0xe3: {  	v1 =	vor.u32 s21, v30;
	v13 =	vor.u32 s21, v31;
	s10 =	simm.s32 $0xE400;
	s31 =	sadd.s32 $0x800, s22;
	s22 =	simm.s32 $0x6;
	[tilespmem:$0x1FFC0] =	vst v0;
	v0 =	vor.u32 s21, v29  }
.Ltmp0:
0xe4: {  	v63 =	vor.u32 s23, v30;
	v11 =	vor.u32 s23, v31;
	[dreg:$0x5] =	wrdreg s9;
	s9 =	simm.s32 $0xD;
	[tilespmem:$0x1FFD0] =	vst v0;
	v0 =	vor.u32 s24, v29;
	(pc) =	sbr.rel .LBB2_1-.Ltmp0, $4  }
0xe5: {  	v2 =	vor.u32 s24, v30;
	v14 =	vor.u32 s24, v31;
	s11 =	simm.s32 $0x80;
	s12 =	simm.s32 $0x1200;
	[tilespmem:$0x1FFE0] =	vst v0;
	v0 =	vor.u32 s4, v30;
	s4 =	sshll.u32 s4, $0x6  }
0xe6: {  	v24 =	vor.u32 s0, v24;
	v31 =	vor.u32 s0, v31;
	v25 =	vor.u32 s0, v25;
	s13 =	simm.s32 $0x0;
	s19 =	simm.s32 $0x9200;
	s4 =	sadd.s32 s4, s1  }
0xe7: {  	v26 =	vor.u32 s0, v26;
	v27 =	vor.u32 s0, v27;
	v28 =	vor.u32 s0, v28;
	s23 =	simm.s32 $0x1;
	s21 =	simm.s32 $0xB200;
	[tilespmem:$0x1FFF0] =	vst v0;
	[dreg:$0x4] =	wrdreg s4  }
0xe8: {  	s24 =	sadd.s32 $0x5000, s14;
	v29 =	vor.u32 s0, v29;
	v0 =	vor.u32 s20, v30;
	v30 =	vor.u32 s0, v30;
	s0 =	simm.s32 $0xC;
	_ =	strace $0x80000047  }
.LBB2_4:
0xe9: {  	_ =	swait.ge [sflag:s22], $0x2000  }
0xea: {  	[sflag:s22] =	ssyncset.done $0x0  }
0xeb: {  	s2 =	stileid.u32;
	[sflag:s22] =	ssyncadd.s32 $0xFFFFE000  }
0xec: {  	[spmem:s1] =	stream.indirect.scatter.add.f32 [tilespmem:s21], [sflag:$0xC], $0x40, s17, s11, $0xb8;
	[tilespmem:$0x19400] =	vst v63  }
0xed: {  	s4 =	sshrl.u32 s3, $0x3;
	s13 =	sadd.s32 $0x1, s13;
	_ =	swait.ge [sflag:s0], $0x2000  }
0xee: {  	s2 =	sshll.u32 s2, $0x6;
	p0 =	sne.s32 s13, s8;
	[sflag:s0] =	ssyncset.done $0x0  }
.Ltmp1:
0xef: {  	s2 =	sor.u32 $0x1C0D, s2;
	[sflag:s0] =	ssyncadd.s32 $0xFFFFE000;
	(pc) =	sbr.rel @!p0 .LBB2_5-.Ltmp1, $4  }
0xf0: {  	[hbm:s7], [sflag:s2] =	dma.local [spmem:s4], $0x1200  }
0xf1: {  	_ =	swait.ge [sflag:s9], $0x1200  }
0xf2: {  	[sflag:s9] =	ssyncset.done $0x0  }
0xf3: {  	[sflag:s9] =	ssyncadd.s32 $0xFFFFEE00  }
.LBB2_1:
0xf4: {  	s2 =	simm.s32 $0x0  }
0xf5: {  	[tilespmem:s2], [sflag:$0xD] =	stream.linear.gather [hbm4b:s31+s2], $0x1200, $0x38;
	[tilespmem:$0x19400] =	vst v63  }
0xf6: {  	_ =	swait.ge [sflag:s9], $0x1200  }
0xf7: {  	v33 =	vld [tilespmem:$0x1F1E0];
	_ =	sdelay $0x2  }
0xf8: {  	[sflag:s9] =	ssyncset.done $0x0  }
0xf9: {  	[sflag:s9] =	ssyncadd.s32 $0xFFFFEE00  }
0xfa: {  	[tilespmem:$0xD200] =	vst v33;
	v33 =	vld [tilespmem:$0x1F1F0];
	_ =	sdelay $0x4  }
0xfb: {  	[tilespmem:$0xD280] =	vst v33;
	v33 =	vld [tilespmem:$0x1F200];
	_ =	sdelay $0x4  }
0xfc: {  	[tilespmem:$0xD300] =	vst v33;
	v33 =	vld [tilespmem:$0x1F210];
	_ =	sdelay $0x4  }
0xfd: {  	[tilespmem:$0xD380] =	vst v33;
	v33 =	vld [tilespmem:$0x1F220];
	_ =	sdelay $0x4  }
0xfe: {  	[tilespmem:$0xD400] =	vst v33;
	v33 =	vld [tilespmem:$0x1F230];
	_ =	sdelay $0x4  }
0xff: {  	[tilespmem:$0xD480] =	vst v33;
	v33 =	vld [tilespmem:$0x1F240];
	_ =	sdelay $0x4  }
0x100: {  	[tilespmem:$0xD500] =	vst v33;
	v33 =	vld [tilespmem:$0x1F250];
	_ =	sdelay $0x4  }
0x101: {  	[tilespmem:$0xD580] =	vst v33;
	v33 =	vld [tilespmem:$0x1F260];
	_ =	sdelay $0x4  }
0x102: {  	[tilespmem:$0xD600] =	vst v33;
	v33 =	vld [tilespmem:$0x1F270];
	_ =	sdelay $0x4  }
0x103: {  	[tilespmem:$0xD680] =	vst v33;
	v33 =	vld [tilespmem:$0x1F280];
	_ =	sdelay $0x4  }
0x104: {  	[tilespmem:$0xD700] =	vst v33;
	v33 =	vld [tilespmem:$0x1F290];
	_ =	sdelay $0x4  }
0x105: {  	[tilespmem:$0xD780] =	vst v33;
	v33 =	vld [tilespmem:$0x1F2A0];
	_ =	sdelay $0x4  }
0x106: {  	[tilespmem:$0xD800] =	vst v33;
	v33 =	vld [tilespmem:$0x1F2B0];
	_ =	sdelay $0x4  }
0x107: {  	[tilespmem:$0xD880] =	vst v33;
	v33 =	vld [tilespmem:$0x1F2C0];
	_ =	sdelay $0x4  }
0x108: {  	[tilespmem:$0xD900] =	vst v33;
	v33 =	vld [tilespmem:$0x1F2D0];
	_ =	sdelay $0x4  }
0x109: {  	[tilespmem:$0xD980] =	vst v33;
	v33 =	vld [tilespmem:$0x1F2E0];
	_ =	sdelay $0x4  }
0x10a: {  	[tilespmem:$0xDA00] =	vst v33;
	v33 =	vld [tilespmem:$0x1F2F0];
	_ =	sdelay $0x4  }
0x10b: {  	[tilespmem:$0xDA80] =	vst v33;
	v33 =	vld [tilespmem:$0x1F300];
	_ =	sdelay $0x4  }
0x10c: {  	[tilespmem:$0xDB00] =	vst v33;
	v33 =	vld [tilespmem:$0x1F310];
	_ =	sdelay $0x4  }
0x10d: {  	[tilespmem:$0xDB80] =	vst v33;
	v33 =	vld [tilespmem:$0x1F320];
	_ =	sdelay $0x4  }
0x10e: {  	[tilespmem:$0xDC00] =	vst v33;
	v33 =	vld [tilespmem:$0x1F330];
	_ =	sdelay $0x4  }
0x10f: {  	[tilespmem:$0xDC80] =	vst v33;
	v33 =	vld [tilespmem:$0x1F340];
	_ =	sdelay $0x4  }
0x110: {  	[tilespmem:$0xDD00] =	vst v33  }
0x111: {  	v33 =	vld [tilespmem:$0x1F350];
	_ =	sdelay $0x4  }
0x112: {  	[tilespmem:$0xDD80] =	vst v33;
	v33 =	vld [tilespmem:$0x1F3D0];
	_ =	sdelay $0x4  }
0x113: {  	[tilespmem:$0xDE00] =	vst v33;
	v33 =	vld [tilespmem:$0x1F3E0];
	_ =	sdelay $0x4  }
0x114: {  	[tilespmem:$0xDE80] =	vst v33;
	v33 =	vld [tilespmem:$0x1F5B0];
	_ =	sdelay $0x4  }
0x115: {  	[tilespmem:$0xDF00] =	vst v33;
	v33 =	vld [tilespmem:$0x1F5C0];
	_ =	sdelay $0x4  }
0x116: {  	[tilespmem:$0xDF80] =	vst v33;
	v33 =	vld [tilespmem:$0x1F5D0];
	_ =	sdelay $0x4  }
0x117: {  	[tilespmem:$0xE000] =	vst v33;
	v33 =	vld [tilespmem:$0x1F5E0];
	_ =	sdelay $0x4  }
0x118: {  	[tilespmem:$0xE080] =	vst v33;
	v33 =	vld [tilespmem:$0x1F820];
	_ =	sdelay $0x4  }
0x119: {  	[tilespmem:$0xE100] =	vst v33;
	v33 =	vld [tilespmem:$0x1F830];
	_ =	sdelay $0x4  }
0x11a: {  	[tilespmem:$0xE180] =	vst v33;
	v33 =	vld [tilespmem:$0x1F840];
	_ =	sdelay $0x4  }
0x11b: {  	[tilespmem:$0xE200] =	vst v33;
	v33 =	vld [tilespmem:$0x1F850];
	_ =	sdelay $0x4  }
0x11c: {  	[tilespmem:$0xE280] =	vst v33;
	v33 =	vld [tilespmem:$0x1F860];
	_ =	sdelay $0x4  }
0x11d: {  	[tilespmem:$0xE300] =	vst v33;
	v33 =	vld [tilespmem:$0x1F870];
	_ =	sdelay $0x4  }
0x11e: {  	[tilespmem:$0xD210] =	vst v33;
	v33 =	vld [tilespmem:$0x1F360];
	_ =	sdelay $0x4  }
0x11f: {  	[tilespmem:$0xD290] =	vst v33;
	v33 =	vld [tilespmem:$0x1F3F0];
	_ =	sdelay $0x4  }
0x120: {  	[tilespmem:$0xD310] =	vst v33;
	v33 =	vld [tilespmem:$0x1F400];
	_ =	sdelay $0x4  }
0x121: {  	[tilespmem:$0xD390] =	vst v33;
	v33 =	vld [tilespmem:$0x1F410];
	_ =	sdelay $0x4  }
0x122: {  	[tilespmem:$0xD410] =	vst v33;
	v33 =	vld [tilespmem:$0x1F420];
	_ =	sdelay $0x4  }
0x123: {  	[tilespmem:$0xD490] =	vst v33;
	v33 =	vld [tilespmem:$0x1F5F0];
	_ =	sdelay $0x4  }
0x124: {  	[tilespmem:$0xD510] =	vst v33;
	v33 =	vld [tilespmem:$0x1F600];
	_ =	sdelay $0x4  }
0x125: {  	[tilespmem:$0xD590] =	vst v33;
	v33 =	vld [tilespmem:$0x1F880];
	_ =	sdelay $0x4  }
0x126: {  	[tilespmem:$0xD610] =	vst v33;
	v33 =	vld [tilespmem:$0x1F610];
	_ =	sdelay $0x4  }
0x127: {  	[tilespmem:$0xD690] =	vst v33;
	v33 =	vld [tilespmem:$0x1F620];
	_ =	sdelay $0x4  }
0x128: {  	[tilespmem:$0xD710] =	vst v33;
	v33 =	vld [tilespmem:$0x1F630];
	_ =	sdelay $0x4  }
0x129: {  	[tilespmem:$0xD790] =	vst v33;
	v33 =	vld [tilespmem:$0x1F890];
	_ =	sdelay $0x4  }
0x12a: {  	[tilespmem:$0xD810] =	vst v33;
	v33 =	vld [tilespmem:$0x1F8A0];
	_ =	sdelay $0x4  }
0x12b: {  	[tilespmem:$0xD890] =	vst v33;
	v33 =	vld [tilespmem:$0x1F8B0];
	_ =	sdelay $0x4  }
0x12c: {  	[tilespmem:$0xD910] =	vst v33;
	v33 =	vld [tilespmem:$0x1F8C0];
	_ =	sdelay $0x4  }
0x12d: {  	[tilespmem:$0xD990] =	vst v33;
	v33 =	vld [tilespmem:$0x1F8D0];
	_ =	sdelay $0x4  }
0x12e: {  	[tilespmem:$0xDA10] =	vst v33;
	v33 =	vld [tilespmem:$0x1F8E0];
	_ =	sdelay $0x4  }
0x12f: {  	[tilespmem:$0xDA90] =	vst v33;
	v33 =	vld [tilespmem:$0x1F8F0];
	_ =	sdelay $0x4  }
0x130: {  	[tilespmem:$0xDB10] =	vst v33;
	v33 =	vld [tilespmem:$0x1F900];
	_ =	sdelay $0x4  }
0x131: {  	[tilespmem:$0xDB90] =	vst v33;
	v33 =	vld [tilespmem:$0x1F910];
	_ =	sdelay $0x4  }
0x132: {  	[tilespmem:$0xDC10] =	vst v33;
	v33 =	vld [tilespmem:$0x1F920];
	_ =	sdelay $0x4  }
0x133: {  	[tilespmem:$0xDC90] =	vst v33;
	v33 =	vld [tilespmem:$0x1F930];
	_ =	sdelay $0x4  }
0x134: {  	[tilespmem:$0xDD10] =	vst v33;
	v33 =	vld [tilespmem:$0x1F940];
	_ =	sdelay $0x4  }
0x135: {  	[tilespmem:$0xDD90] =	vst v33;
	v33 =	vld [tilespmem:$0x1F950];
	_ =	sdelay $0x4  }
0x136: {  	[tilespmem:$0xDE10] =	vst v33;
	v33 =	vld [tilespmem:$0x1F960];
	_ =	sdelay $0x4  }
0x137: {  	[tilespmem:$0xDE90] =	vst v33;
	v33 =	vld [tilespmem:$0x1F970];
	_ =	sdelay $0x4  }
0x138: {  	[tilespmem:$0xDF10] =	vst v33;
	v33 =	vld [tilespmem:$0x1F980];
	_ =	sdelay $0x4  }
0x139: {  	[tilespmem:$0xDF90] =	vst v33;
	v33 =	vld [tilespmem:$0x1F990];
	_ =	sdelay $0x4  }
0x13a: {  	[tilespmem:$0xE010] =	vst v33;
	v33 =	vld [tilespmem:$0x1F9A0];
	_ =	sdelay $0x4  }
0x13b: {  	[tilespmem:$0xE090] =	vst v33;
	v33 =	vld [tilespmem:$0x1F9B0];
	_ =	sdelay $0x4  }
0x13c: {  	[tilespmem:$0xE110] =	vst v33;
	v33 =	vld [tilespmem:$0x1F9C0];
	_ =	sdelay $0x4  }
0x13d: {  	[tilespmem:$0xE190] =	vst v33;
	v33 =	vld [tilespmem:$0x1F9D0];
	_ =	sdelay $0x4  }
0x13e: {  	[tilespmem:$0xE210] =	vst v33;
	v33 =	vld [tilespmem:$0x1F9E0];
	_ =	sdelay $0x4  }
0x13f: {  	[tilespmem:$0xE290] =	vst v33;
	v33 =	vld [tilespmem:$0x1F9F0];
	_ =	sdelay $0x4  }
0x140: {  	[tilespmem:$0xE310] =	vst v33;
	v33 =	vld [tilespmem:$0x1F370];
	_ =	sdelay $0x4  }
0x141: {  	[tilespmem:$0xD2A0] =	vst v33;
	v33 =	vld [tilespmem:$0x1F430];
	_ =	sdelay $0x4  }
0x142: {  	[tilespmem:$0xD320] =	vst v33;
	v33 =	vld [tilespmem:$0x1F440];
	_ =	sdelay $0x4  }
0x143: {  	[tilespmem:$0xD3A0] =	vst v33;
	v33 =	vld [tilespmem:$0x1F450];
	_ =	sdelay $0x4  }
0x144: {  	[tilespmem:$0xD420] =	vst v33;
	v33 =	vld [tilespmem:$0x1F460];
	_ =	sdelay $0x4  }
0x145: {  	[tilespmem:$0xD4A0] =	vst v33;
	v33 =	vld [tilespmem:$0x1F640];
	_ =	sdelay $0x4  }
0x146: {  	[tilespmem:$0xD520] =	vst v33;
	v33 =	vld [tilespmem:$0x1F650];
	_ =	sdelay $0x4  }
0x147: {  	[tilespmem:$0xD5A0] =	vst v33;
	v33 =	vld [tilespmem:$0x1FA00];
	_ =	sdelay $0x4  }
0x148: {  	[tilespmem:$0xD620] =	vst v33;
	v33 =	vld [tilespmem:$0x1F660];
	_ =	sdelay $0x4  }
0x149: {  	[tilespmem:$0xD6A0] =	vst v33;
	v33 =	vld [tilespmem:$0x1F670];
	_ =	sdelay $0x4  }
0x14a: {  	[tilespmem:$0xD720] =	vst v33;
	v33 =	vld [tilespmem:$0x1F680];
	_ =	sdelay $0x4  }
0x14b: {  	[tilespmem:$0xD7A0] =	vst v33;
	v33 =	vld [tilespmem:$0x1FA10];
	_ =	sdelay $0x4  }
0x14c: {  	[tilespmem:$0xD820] =	vst v33;
	v33 =	vld [tilespmem:$0x1FA20];
	_ =	sdelay $0x4  }
0x14d: {  	[tilespmem:$0xD8A0] =	vst v33;
	v33 =	vld [tilespmem:$0x1FA30];
	_ =	sdelay $0x4  }
0x14e: {  	[tilespmem:$0xD920] =	vst v33;
	v33 =	vld [tilespmem:$0x1FA40];
	_ =	sdelay $0x4  }
0x14f: {  	[tilespmem:$0xD9A0] =	vst v33;
	v33 =	vld [tilespmem:$0x1FA50];
	_ =	sdelay $0x4  }
0x150: {  	[tilespmem:$0xDA20] =	vst v33;
	v33 =	vld [tilespmem:$0x1FA60];
	_ =	sdelay $0x4  }
0x151: {  	[tilespmem:$0xDAA0] =	vst v33;
	v33 =	vld [tilespmem:$0x1FA70];
	_ =	sdelay $0x4  }
0x152: {  	[tilespmem:$0xDB20] =	vst v33;
	v33 =	vld [tilespmem:$0x1FA80];
	_ =	sdelay $0x4  }
0x153: {  	[tilespmem:$0xDBA0] =	vst v33;
	v33 =	vld [tilespmem:$0x1FA90];
	_ =	sdelay $0x4  }
0x154: {  	[tilespmem:$0xDC20] =	vst v33;
	v33 =	vld [tilespmem:$0x1FAA0];
	_ =	sdelay $0x4  }
0x155: {  	[tilespmem:$0xDCA0] =	vst v33;
	v33 =	vld [tilespmem:$0x1FAB0];
	_ =	sdelay $0x4  }
0x156: {  	[tilespmem:$0xDD20] =	vst v33;
	v33 =	vld [tilespmem:$0x1FAC0];
	_ =	sdelay $0x4  }
0x157: {  	[tilespmem:$0xDDA0] =	vst v33;
	v33 =	vld [tilespmem:$0x1FAD0];
	_ =	sdelay $0x4  }
0x158: {  	[tilespmem:$0xDE20] =	vst v33;
	v33 =	vld [tilespmem:$0x1FAE0];
	_ =	sdelay $0x4  }
0x159: {  	[tilespmem:$0xDEA0] =	vst v33;
	v33 =	vld [tilespmem:$0x1FAF0];
	_ =	sdelay $0x4  }
0x15a: {  	[tilespmem:$0xDF20] =	vst v33;
	v33 =	vld [tilespmem:$0x1FB00];
	_ =	sdelay $0x4  }
0x15b: {  	[tilespmem:$0xDFA0] =	vst v33;
	v33 =	vld [tilespmem:$0x1FB10];
	_ =	sdelay $0x4  }
0x15c: {  	[tilespmem:$0xE020] =	vst v33;
	v33 =	vld [tilespmem:$0x1FB20];
	_ =	sdelay $0x4  }
0x15d: {  	[tilespmem:$0xE0A0] =	vst v33;
	v33 =	vld [tilespmem:$0x1FB30];
	_ =	sdelay $0x4  }
0x15e: {  	[tilespmem:$0xE120] =	vst v33;
	v33 =	vld [tilespmem:$0x1FB40];
	_ =	sdelay $0x4  }
0x15f: {  	[tilespmem:$0xE1A0] =	vst v33;
	v33 =	vld [tilespmem:$0x1FB50];
	_ =	sdelay $0x4  }
0x160: {  	[tilespmem:$0xE220] =	vst v33;
	v33 =	vld [tilespmem:$0x1FB60];
	_ =	sdelay $0x4  }
0x161: {  	[tilespmem:$0xE2A0] =	vst v33;
	v33 =	vld [tilespmem:$0x1FB70];
	_ =	sdelay $0x4  }
0x162: {  	[tilespmem:$0xE320] =	vst v33;
	v33 =	vld [tilespmem:$0x1F380];
	_ =	sdelay $0x4  }
0x163: {  	[tilespmem:$0xD2B0] =	vst v33;
	v33 =	vld [tilespmem:$0x1F470];
	_ =	sdelay $0x4  }
0x164: {  	[tilespmem:$0xD330] =	vst v33;
	v33 =	vld [tilespmem:$0x1F480];
	_ =	sdelay $0x4  }
0x165: {  	[tilespmem:$0xD3B0] =	vst v33;
	v33 =	vld [tilespmem:$0x1F490];
	_ =	sdelay $0x4  }
0x166: {  	[tilespmem:$0xD430] =	vst v33;
	v33 =	vld [tilespmem:$0x1F4A0];
	_ =	sdelay $0x4  }
0x167: {  	[tilespmem:$0xD4B0] =	vst v33;
	v33 =	vld [tilespmem:$0x1F690];
	_ =	sdelay $0x4  }
0x168: {  	[tilespmem:$0xD530] =	vst v33;
	v33 =	vld [tilespmem:$0x1F6A0];
	_ =	sdelay $0x4  }
0x169: {  	[tilespmem:$0xD5B0] =	vst v33;
	v33 =	vld [tilespmem:$0x1FB80];
	_ =	sdelay $0x4  }
0x16a: {  	[tilespmem:$0xD630] =	vst v33;
	v33 =	vld [tilespmem:$0x1F6B0];
	_ =	sdelay $0x4  }
0x16b: {  	[tilespmem:$0xD6B0] =	vst v33;
	v33 =	vld [tilespmem:$0x1F6C0];
	_ =	sdelay $0x4  }
0x16c: {  	[tilespmem:$0xD730] =	vst v33;
	v33 =	vld [tilespmem:$0x1F6D0];
	_ =	sdelay $0x4  }
0x16d: {  	[tilespmem:$0xD7B0] =	vst v33;
	v33 =	vld [tilespmem:$0x1FB90];
	_ =	sdelay $0x4  }
0x16e: {  	[tilespmem:$0xD830] =	vst v33;
	v33 =	vld [tilespmem:$0x1FBA0];
	_ =	sdelay $0x4  }
0x16f: {  	[tilespmem:$0xD8B0] =	vst v33;
	v33 =	vld [tilespmem:$0x1FBB0];
	_ =	sdelay $0x4  }
0x170: {  	[tilespmem:$0xD930] =	vst v33;
	v33 =	vld [tilespmem:$0x1FBC0];
	_ =	sdelay $0x4  }
0x171: {  	[tilespmem:$0xD9B0] =	vst v33;
	v33 =	vld [tilespmem:$0x1FBD0];
	_ =	sdelay $0x4  }
0x172: {  	[tilespmem:$0xDA30] =	vst v33;
	v33 =	vld [tilespmem:$0x1FBE0];
	_ =	sdelay $0x4  }
0x173: {  	[tilespmem:$0xDAB0] =	vst v33;
	v33 =	vld [tilespmem:$0x1FBF0];
	_ =	sdelay $0x4  }
0x174: {  	[tilespmem:$0xDB30] =	vst v33;
	v33 =	vld [tilespmem:$0x1FC00];
	_ =	sdelay $0x4  }
0x175: {  	[tilespmem:$0xDBB0] =	vst v33;
	v33 =	vld [tilespmem:$0x1FC10];
	_ =	sdelay $0x4  }
0x176: {  	[tilespmem:$0xDC30] =	vst v33;
	v33 =	vld [tilespmem:$0x1FC20];
	_ =	sdelay $0x4  }
0x177: {  	[tilespmem:$0xDCB0] =	vst v33;
	v33 =	vld [tilespmem:$0x1FC30];
	_ =	sdelay $0x4  }
0x178: {  	[tilespmem:$0xDD30] =	vst v33;
	v33 =	vld [tilespmem:$0x1FC40];
	_ =	sdelay $0x4  }
0x179: {  	[tilespmem:$0xDDB0] =	vst v33;
	v33 =	vld [tilespmem:$0x1FC50];
	_ =	sdelay $0x4  }
0x17a: {  	[tilespmem:$0xDE30] =	vst v33;
	v33 =	vld [tilespmem:$0x1FC60];
	_ =	sdelay $0x4  }
0x17b: {  	[tilespmem:$0xDEB0] =	vst v33;
	v33 =	vld [tilespmem:$0x1FC70];
	_ =	sdelay $0x4  }
0x17c: {  	[tilespmem:$0xDF30] =	vst v33;
	v33 =	vld [tilespmem:$0x1FC80];
	_ =	sdelay $0x4  }
0x17d: {  	[tilespmem:$0xDFB0] =	vst v33;
	v33 =	vld [tilespmem:$0x1FC90];
	_ =	sdelay $0x4  }
0x17e: {  	[tilespmem:$0xE030] =	vst v33;
	v33 =	vld [tilespmem:$0x1FCA0];
	_ =	sdelay $0x4  }
0x17f: {  	[tilespmem:$0xE0B0] =	vst v33;
	v33 =	vld [tilespmem:$0x1FCB0];
	_ =	sdelay $0x4  }
0x180: {  	[tilespmem:$0xE130] =	vst v33;
	v33 =	vld [tilespmem:$0x1FCC0];
	_ =	sdelay $0x4  }
0x181: {  	[tilespmem:$0xE1B0] =	vst v33;
	v33 =	vld [tilespmem:$0x1FCD0];
	_ =	sdelay $0x4  }
0x182: {  	[tilespmem:$0xE230] =	vst v33;
	v33 =	vld [tilespmem:$0x1FCE0];
	_ =	sdelay $0x4  }
0x183: {  	[tilespmem:$0xE2B0] =	vst v33;
	v33 =	vld [tilespmem:$0x1FCF0];
	_ =	sdelay $0x4  }
0x184: {  	[tilespmem:$0xE330] =	vst v33;
	v33 =	vld [tilespmem:$0x1F390];
	_ =	sdelay $0x4  }
0x185: {  	[tilespmem:$0xD2C0] =	vst v33;
	v33 =	vld [tilespmem:$0x1F4B0];
	_ =	sdelay $0x4  }
0x186: {  	[tilespmem:$0xD340] =	vst v33;
	v33 =	vld [tilespmem:$0x1F4C0];
	_ =	sdelay $0x4  }
0x187: {  	[tilespmem:$0xD3C0] =	vst v33;
	v33 =	vld [tilespmem:$0x1F4D0];
	_ =	sdelay $0x4  }
0x188: {  	[tilespmem:$0xD440] =	vst v33;
	v33 =	vld [tilespmem:$0x1F4E0];
	_ =	sdelay $0x4  }
0x189: {  	[tilespmem:$0xD4C0] =	vst v33;
	v33 =	vld [tilespmem:$0x1F6E0];
	_ =	sdelay $0x4  }
0x18a: {  	[tilespmem:$0xD540] =	vst v33;
	v33 =	vld [tilespmem:$0x1F6F0];
	_ =	sdelay $0x4  }
0x18b: {  	[tilespmem:$0xD5C0] =	vst v33;
	v33 =	vld [tilespmem:$0x1FD00];
	_ =	sdelay $0x4  }
0x18c: {  	[tilespmem:$0xD640] =	vst v33;
	v33 =	vld [tilespmem:$0x1F700];
	_ =	sdelay $0x4  }
0x18d: {  	[tilespmem:$0xD6C0] =	vst v33;
	v33 =	vld [tilespmem:$0x1F710];
	_ =	sdelay $0x4  }
0x18e: {  	[tilespmem:$0xD740] =	vst v33;
	v33 =	vld [tilespmem:$0x1F720];
	_ =	sdelay $0x4  }
0x18f: {  	[tilespmem:$0xD7C0] =	vst v33;
	v33 =	vld [tilespmem:$0x1FD10];
	_ =	sdelay $0x4  }
0x190: {  	[tilespmem:$0xD840] =	vst v33;
	v33 =	vld [tilespmem:$0x1FD20];
	_ =	sdelay $0x4  }
0x191: {  	[tilespmem:$0xD8C0] =	vst v33;
	v33 =	vld [tilespmem:$0x1FD30];
	_ =	sdelay $0x4  }
0x192: {  	[tilespmem:$0xD940] =	vst v33;
	v33 =	vld [tilespmem:$0x1FD40];
	_ =	sdelay $0x4  }
0x193: {  	[tilespmem:$0xD9C0] =	vst v33;
	v33 =	vld [tilespmem:$0x1FD50];
	_ =	sdelay $0x4  }
0x194: {  	[tilespmem:$0xDA40] =	vst v33;
	v33 =	vld [tilespmem:$0x1FD60];
	_ =	sdelay $0x4  }
0x195: {  	[tilespmem:$0xDAC0] =	vst v33;
	v33 =	vld [tilespmem:$0x1FD70];
	_ =	sdelay $0x4  }
0x196: {  	[tilespmem:$0xDB40] =	vst v33;
	v33 =	vld [tilespmem:$0x1FD80];
	_ =	sdelay $0x4  }
0x197: {  	[tilespmem:$0xDBC0] =	vst v33;
	v33 =	vld [tilespmem:$0x1FD90];
	_ =	sdelay $0x4  }
0x198: {  	[tilespmem:$0xDC40] =	vst v33;
	v33 =	vld [tilespmem:$0x1FDA0];
	_ =	sdelay $0x4  }
0x199: {  	[tilespmem:$0xDCC0] =	vst v33;
	v33 =	vld [tilespmem:$0x1FDB0];
	_ =	sdelay $0x4  }
0x19a: {  	[tilespmem:$0xDD40] =	vst v33;
	v33 =	vld [tilespmem:$0x1FDC0];
	_ =	sdelay $0x4  }
0x19b: {  	[tilespmem:$0xDDC0] =	vst v33;
	v33 =	vld [tilespmem:$0x1FDD0];
	_ =	sdelay $0x4  }
0x19c: {  	[tilespmem:$0xDE40] =	vst v33;
	v33 =	vld [tilespmem:$0x1FDE0];
	_ =	sdelay $0x4  }
0x19d: {  	[tilespmem:$0xDEC0] =	vst v33;
	v33 =	vld [tilespmem:$0x1FDF0];
	_ =	sdelay $0x4  }
0x19e: {  	[tilespmem:$0xDF40] =	vst v33;
	v33 =	vld [tilespmem:$0x1FE00];
	_ =	sdelay $0x4  }
0x19f: {  	[tilespmem:$0xDFC0] =	vst v33;
	v33 =	vld [tilespmem:$0x1FE10];
	_ =	sdelay $0x4  }
0x1a0: {  	[tilespmem:$0xE040] =	vst v33;
	v33 =	vld [tilespmem:$0x1FE20];
	_ =	sdelay $0x4  }
0x1a1: {  	[tilespmem:$0xE0C0] =	vst v33;
	v33 =	vld [tilespmem:$0x1FE30];
	_ =	sdelay $0x4  }
0x1a2: {  	[tilespmem:$0xE140] =	vst v33;
	v33 =	vld [tilespmem:$0x1FE40];
	_ =	sdelay $0x4  }
0x1a3: {  	[tilespmem:$0xE1C0] =	vst v33;
	v33 =	vld [tilespmem:$0x1FE50];
	_ =	sdelay $0x4  }
0x1a4: {  	[tilespmem:$0xE240] =	vst v33;
	v33 =	vld [tilespmem:$0x1FE60];
	_ =	sdelay $0x4  }
0x1a5: {  	[tilespmem:$0xE2C0] =	vst v33;
	v33 =	vld [tilespmem:$0x1FE70];
	_ =	sdelay $0x4  }
0x1a6: {  	[tilespmem:$0xE340] =	vst v33;
	v33 =	vld [tilespmem:$0x1F3A0];
	_ =	sdelay $0x4  }
0x1a7: {  	[tilespmem:$0xD2D0] =	vst v33;
	v33 =	vld [tilespmem:$0x1F4F0];
	_ =	sdelay $0x4  }
0x1a8: {  	[tilespmem:$0xD350] =	vst v33;
	v33 =	vld [tilespmem:$0x1F500];
	_ =	sdelay $0x4  }
0x1a9: {  	[tilespmem:$0xD3D0] =	vst v33;
	v33 =	vld [tilespmem:$0x1F510];
	_ =	sdelay $0x4  }
0x1aa: {  	[tilespmem:$0xD450] =	vst v33;
	v33 =	vld [tilespmem:$0x1F580];
	_ =	sdelay $0x4  }
0x1ab: {  	[tilespmem:$0xD4D0] =	vst v33;
	v33 =	vld [tilespmem:$0x1F730];
	_ =	sdelay $0x4  }
0x1ac: {  	[tilespmem:$0xD550] =	vst v33;
	v33 =	vld [tilespmem:$0x1F740];
	_ =	sdelay $0x4  }
0x1ad: {  	[tilespmem:$0xD5D0] =	vst v33;
	v33 =	vld [tilespmem:$0x1FE80];
	_ =	sdelay $0x4  }
0x1ae: {  	[tilespmem:$0xD650] =	vst v33;
	v33 =	vld [tilespmem:$0x1F750];
	_ =	sdelay $0x4  }
0x1af: {  	[tilespmem:$0xD6D0] =	vst v33;
	v33 =	vld [tilespmem:$0x1F760];
	_ =	sdelay $0x4  }
0x1b0: {  	[tilespmem:$0xD750] =	vst v33;
	v33 =	vld [tilespmem:$0x1F770];
	_ =	sdelay $0x4  }
0x1b1: {  	[tilespmem:$0xD7D0] =	vst v33;
	v33 =	vld [tilespmem:$0x1FE90];
	_ =	sdelay $0x4  }
0x1b2: {  	[tilespmem:$0xD850] =	vst v33;
	v33 =	vld [tilespmem:$0x1FEA0];
	_ =	sdelay $0x4  }
0x1b3: {  	[tilespmem:$0xD8D0] =	vst v33;
	v33 =	vld [tilespmem:$0x1FEB0];
	_ =	sdelay $0x4  }
0x1b4: {  	[tilespmem:$0xD950] =	vst v33;
	v33 =	vld [tilespmem:$0x1FEC0];
	_ =	sdelay $0x4  }
0x1b5: {  	[tilespmem:$0xD9D0] =	vst v33;
	v33 =	vld [tilespmem:$0x1FED0];
	_ =	sdelay $0x4  }
0x1b6: {  	[tilespmem:$0xDA50] =	vst v33;
	v33 =	vld [tilespmem:$0x1FEE0];
	_ =	sdelay $0x4  }
0x1b7: {  	[tilespmem:$0xDAD0] =	vst v33;
	v33 =	vld [tilespmem:$0x1FEF0];
	_ =	sdelay $0x4  }
0x1b8: {  	[tilespmem:$0xDB50] =	vst v33;
	v33 =	vld [tilespmem:$0x1FF00];
	_ =	sdelay $0x4  }
0x1b9: {  	[tilespmem:$0xDBD0] =	vst v33;
	v33 =	vld [tilespmem:$0x1FF10];
	_ =	sdelay $0x4  }
0x1ba: {  	[tilespmem:$0xDC50] =	vst v33;
	v33 =	vld [tilespmem:$0x1FF20];
	_ =	sdelay $0x4  }
0x1bb: {  	[tilespmem:$0xDCD0] =	vst v33;
	v33 =	vld [tilespmem:$0x1FF30];
	_ =	sdelay $0x4  }
0x1bc: {  	[tilespmem:$0xDD50] =	vst v33;
	v33 =	vld [tilespmem:$0x1FF40];
	_ =	sdelay $0x4  }
0x1bd: {  	[tilespmem:$0xDDD0] =	vst v33;
	v33 =	vld [tilespmem:$0x1FF50];
	_ =	sdelay $0x4  }
0x1be: {  	[tilespmem:$0xDE50] =	vst v33;
	v33 =	vld [tilespmem:$0x1FF60];
	_ =	sdelay $0x4  }
0x1bf: {  	[tilespmem:$0xDED0] =	vst v33;
	v33 =	vld [tilespmem:$0x1FF70];
	_ =	sdelay $0x4  }
0x1c0: {  	[tilespmem:$0xDF50] =	vst v33;
	v33 =	vld [tilespmem:$0x1FF80];
	_ =	sdelay $0x4  }
0x1c1: {  	[tilespmem:$0xDFD0] =	vst v33;
	v33 =	vld [tilespmem:$0x1FF90];
	_ =	sdelay $0x4  }
0x1c2: {  	[tilespmem:$0xE050] =	vst v33;
	v33 =	vld [tilespmem:$0x1FFA0];
	_ =	sdelay $0x4  }
0x1c3: {  	[tilespmem:$0xE0D0] =	vst v33;
	v33 =	vld [tilespmem:$0x1FFB0];
	_ =	sdelay $0x4  }
0x1c4: {  	[tilespmem:$0xE150] =	vst v33;
	v33 =	vld [tilespmem:$0x1FFC0];
	_ =	sdelay $0x2  }
0x1c5: {  	[tilespmem:$0xE380] =	vst v24  }
0x1c6: {  	[tilespmem:$0xE390] =	vst v25  }
0x1c7: {  	[tilespmem:$0xE1D0] =	vst v33;
	v33 =	vld [tilespmem:$0x1FFD0]  }
0x1c8: {  	[tilespmem:$0xD220] =	vst v18  }
0x1c9: {  	[tilespmem:$0xE3A0] =	vst v26  }
0x1ca: {  	[tilespmem:$0xD230] =	vst v19  }
0x1cb: {  	[tilespmem:$0xE3B0] =	vst v27  }
0x1cc: {  	[tilespmem:$0xE250] =	vst v33;
	v33 =	vld [tilespmem:$0x1FFE0]  }
0x1cd: {  	[tilespmem:$0xD240] =	vst v20  }
0x1ce: {  	[tilespmem:$0xE3C0] =	vst v28  }
0x1cf: {  	[tilespmem:$0xD250] =	vst v21  }
0x1d0: {  	[tilespmem:$0xE350] =	vst v15  }
0x1d1: {  	[tilespmem:$0xE2D0] =	vst v33;
	v33 =	vld [tilespmem:$0x1F3B0]  }
0x1d2: {  	[tilespmem:$0xE3D0] =	vst v29  }
0x1d3: {  	[tilespmem:$0xD260] =	vst v22  }
0x1d4: {  	[tilespmem:$0xD860] =	vst v34  }
0x1d5: {  	[tilespmem:$0xD8E0] =	vst v35  }
0x1d6: {  	[tilespmem:$0xD2E0] =	vst v33;
	v33 =	vld [tilespmem:$0x1F520]  }
0x1d7: {  	[tilespmem:$0xD960] =	vst v36  }
0x1d8: {  	[tilespmem:$0xD9E0] =	vst v37  }
0x1d9: {  	[tilespmem:$0xDA60] =	vst v38  }
0x1da: {  	[tilespmem:$0xDAE0] =	vst v40  }
0x1db: {  	[tilespmem:$0xD360] =	vst v33;
	v33 =	vld [tilespmem:$0x1F530]  }
0x1dc: {  	[tilespmem:$0xDB60] =	vst v43  }
0x1dd: {  	[tilespmem:$0xDBE0] =	vst v44  }
0x1de: {  	[tilespmem:$0xDC60] =	vst v49  }
0x1df: {  	[tilespmem:$0xDCE0] =	vst v50  }
0x1e0: {  	[tilespmem:$0xD3E0] =	vst v33;
	v33 =	vld [tilespmem:$0x1F540]  }
0x1e1: {  	[tilespmem:$0xDD60] =	vst v51  }
0x1e2: {  	[tilespmem:$0xDDE0] =	vst v52  }
0x1e3: {  	[tilespmem:$0xDE60] =	vst v53  }
0x1e4: {  	[tilespmem:$0xDEE0] =	vst v54  }
0x1e5: {  	[tilespmem:$0xD460] =	vst v33;
	v33 =	vld [tilespmem:$0x1F590]  }
0x1e6: {  	[tilespmem:$0xDF60] =	vst v55  }
0x1e7: {  	[tilespmem:$0xDFE0] =	vst v58  }
0x1e8: {  	[tilespmem:$0xE060] =	vst v61  }
0x1e9: {  	[tilespmem:$0xE0E0] =	vst v62  }
0x1ea: {  	[tilespmem:$0xD4E0] =	vst v33;
	v33 =	vld [tilespmem:$0x1F780]  }
0x1eb: {  	[tilespmem:$0xE160] =	vst v63  }
0x1ec: {  	[tilespmem:$0xE1E0] =	vst v0  }
0x1ed: {  	[tilespmem:$0xE260] =	vst v1  }
0x1ee: {  	[tilespmem:$0xE2E0] =	vst v2  }
0x1ef: {  	[tilespmem:$0xD560] =	vst v33;
	v33 =	vld [tilespmem:$0x1F790]  }
0x1f0: {  	[tilespmem:$0xE360] =	vst v16  }
0x1f1: {  	[tilespmem:$0xE3E0] =	vst v30  }
0x1f2: {  	[tilespmem:$0xD270] =	vst v23  }
0x1f3: {  	[tilespmem:$0xE5C0] =	vst v32  }
0x1f4: {  	[tilespmem:$0xD5E0] =	vst v33;
	v33 =	vld [tilespmem:$0x1FFF0]  }
0x1f5: {  	[tilespmem:$0xE5B0] =	vst v32  }
0x1f6: {  	[tilespmem:$0xE5A0] =	vst v32  }
0x1f7: {  	[tilespmem:$0xE590] =	vst v32  }
0x1f8: {  	[tilespmem:$0xE580] =	vst v32  }
0x1f9: {  	[tilespmem:$0xD660] =	vst v33;
	v33 =	vld [tilespmem:$0x1F7A0]  }
0x1fa: {  	[tilespmem:$0xE570] =	vst v32  }
0x1fb: {  	[tilespmem:$0xE560] =	vst v32  }
0x1fc: {  	[tilespmem:$0xE550] =	vst v32  }
0x1fd: {  	[tilespmem:$0xE540] =	vst v32  }
0x1fe: {  	[tilespmem:$0xD6E0] =	vst v33;
	v33 =	vld [tilespmem:$0x1F7B0]  }
0x1ff: {  	[tilespmem:$0xE530] =	vst v32  }
0x200: {  	[tilespmem:$0xE520] =	vst v32  }
0x201: {  	[tilespmem:$0xE510] =	vst v32  }
0x202: {  	[tilespmem:$0xE500] =	vst v32  }
0x203: {  	[tilespmem:$0xD760] =	vst v33;
	v33 =	vld [tilespmem:$0x1F7F0]  }
0x204: {  	[tilespmem:$0xE4F0] =	vst v32  }
0x205: {  	[tilespmem:$0xE4E0] =	vst v32  }
0x206: {  	[tilespmem:$0xE4D0] =	vst v32  }
0x207: {  	[tilespmem:$0xE4C0] =	vst v32  }
0x208: {  	[tilespmem:$0xD7E0] =	vst v33;
	v33 =	vld [tilespmem:$0x1F3C0]  }
0x209: {  	[tilespmem:$0xE4B0] =	vst v32  }
0x20a: {  	[tilespmem:$0xE4A0] =	vst v32  }
0x20b: {  	[tilespmem:$0xE490] =	vst v32  }
0x20c: {  	[tilespmem:$0xE480] =	vst v32  }
0x20d: {  	[tilespmem:$0xD2F0] =	vst v33;
	v33 =	vld [tilespmem:$0x1F550]  }
0x20e: {  	[tilespmem:$0xE470] =	vst v32  }
0x20f: {  	[tilespmem:$0xE460] =	vst v32  }
0x210: {  	[tilespmem:$0xE450] =	vst v32  }
0x211: {  	[tilespmem:$0xE440] =	vst v32  }
0x212: {  	[tilespmem:$0xD370] =	vst v33;
	v33 =	vld [tilespmem:$0x1F810]  }
0x213: {  	[tilespmem:$0xE430] =	vst v32  }
0x214: {  	[tilespmem:$0xE420] =	vst v32  }
0x215: {  	[tilespmem:$0xE410] =	vst v32  }
0x216: {  	[tilespmem:$0xE400] =	vst v32  }
0x217: {  	[tilespmem:$0xD7F0] =	vst v33;
	v33 =	vld [tilespmem:$0x1F800]  }
0x218: {  	[tilespmem:$0xE3F0] =	vst v31  }
0x219: {  	[tilespmem:$0xE370] =	vst v17  }
0x21a: {  	[tilespmem:$0xE2F0] =	vst v14  }
0x21b: {  	[tilespmem:$0xE270] =	vst v13  }
0x21c: {  	[tilespmem:$0xD770] =	vst v33;
	v33 =	vld [tilespmem:$0x1F7E0]  }
0x21d: {  	[tilespmem:$0xE1F0] =	vst v12  }
0x21e: {  	[tilespmem:$0xE170] =	vst v11  }
0x21f: {  	[tilespmem:$0xE0F0] =	vst v10  }
0x220: {  	[tilespmem:$0xE070] =	vst v9  }
0x221: {  	[tilespmem:$0xD6F0] =	vst v33;
	v33 =	vld [tilespmem:$0x1F7D0]  }
0x222: {  	[tilespmem:$0xDFF0] =	vst v8  }
0x223: {  	[tilespmem:$0xDF70] =	vst v7  }
0x224: {  	[tilespmem:$0xDEF0] =	vst v6  }
0x225: {  	[tilespmem:$0xDE70] =	vst v5  }
0x226: {  	[tilespmem:$0xD5F0] =	vst v33;
	v33 =	vld [tilespmem:$0x1F7C0]  }
0x227: {  	[tilespmem:$0xDDF0] =	vst v4  }
0x228: {  	[tilespmem:$0xDD70] =	vst v3  }
0x229: {  	[tilespmem:$0xDCF0] =	vst v60  }
0x22a: {  	[tilespmem:$0xDC70] =	vst v57  }
0x22b: {  	[tilespmem:$0xD570] =	vst v33;
	v33 =	vld [tilespmem:$0x1F5A0]  }
0x22c: {  	[tilespmem:$0xDBF0] =	vst v48  }
0x22d: {  	[tilespmem:$0xDB70] =	vst v47  }
0x22e: {  	[tilespmem:$0xDAF0] =	vst v46  }
0x22f: {  	[tilespmem:$0xDA70] =	vst v59  }
0x230: {  	[tilespmem:$0xD4F0] =	vst v33;
	v33 =	vld [tilespmem:$0x1F570]  }
0x231: {  	[tilespmem:$0xD9F0] =	vst v45  }
0x232: {  	[tilespmem:$0xD970] =	vst v42  }
0x233: {  	[tilespmem:$0xD8F0] =	vst v41  }
0x234: {  	[tilespmem:$0xD870] =	vst v39  }
0x235: {  	[tilespmem:$0xD470] =	vst v33;
	v33 =	vld [tilespmem:$0x1F560]  }
0x236: {  	[tilespmem:$0xD670] =	vst v56  }
0x237: {  	[tilespmem:$0xE5D0] =	vst v32  }
0x238: {  	[tilespmem:$0xE5E0] =	vst v32  }
0x239: {  	[tilespmem:$0xE5F0] =	vst v32  }
0x23a: {  	[tilespmem:$0xD3F0] =	vst v33  }
0x23b: {  	[tilespmem:$0xE600] =	vst v32  }
0x23c: {  	[tilespmem:$0xE610] =	vst v32  }
0x23d: {  	[tilespmem:$0xE620] =	vst v32  }
0x23e: {  	[tilespmem:$0xE630] =	vst v32  }
0x23f: {  	[tilespmem:$0xE640] =	vst v32  }
0x240: {  	[tilespmem:$0xE650] =	vst v32  }
0x241: {  	[tilespmem:$0xE660] =	vst v32  }
0x242: {  	[tilespmem:$0xE670] =	vst v32  }
0x243: {  	[tilespmem:$0xE680] =	vst v32  }
0x244: {  	[tilespmem:$0xE690] =	vst v32  }
0x245: {  	[tilespmem:$0xE6A0] =	vst v32  }
0x246: {  	[tilespmem:$0xE6B0] =	vst v32  }
0x247: {  	[tilespmem:$0xE6C0] =	vst v32  }
0x248: {  	[tilespmem:$0xE6D0] =	vst v32  }
0x249: {  	[tilespmem:$0xE6E0] =	vst v32  }
0x24a: {  	[tilespmem:$0xE6F0] =	vst v32  }
0x24b: {  	[tilespmem:$0xE700] =	vst v32  }
0x24c: {  	[tilespmem:$0xE710] =	vst v32  }
0x24d: {  	[tilespmem:$0xE720] =	vst v32  }
0x24e: {  	[tilespmem:$0xE730] =	vst v32  }
0x24f: {  	[tilespmem:$0xE740] =	vst v32  }
0x250: {  	[tilespmem:$0xE750] =	vst v32  }
0x251: {  	[tilespmem:$0xE760] =	vst v32  }
0x252: {  	[tilespmem:$0xE770] =	vst v32  }
0x253: {  	[tilespmem:$0xE780] =	vst v32  }
0x254: {  	[tilespmem:$0xE790] =	vst v32  }
0x255: {  	[tilespmem:$0xE7A0] =	vst v32  }
0x256: {  	[tilespmem:$0xE7B0] =	vst v32  }
0x257: {  	[tilespmem:$0xE7C0] =	vst v32  }
0x258: {  	[tilespmem:$0xE7D0] =	vst v32  }
0x259: {  	[tilespmem:$0xE7E0] =	vst v32  }
0x25a: {  	[tilespmem:$0xE7F0] =	vst v32  }
0x25b: {  	[tilespmem:$0xE800] =	vst v32  }
0x25c: {  	[tilespmem:$0xE810] =	vst v32  }
0x25d: {  	[tilespmem:$0xE820] =	vst v32  }
0x25e: {  	[tilespmem:$0xE830] =	vst v32  }
0x25f: {  	[tilespmem:$0xE840] =	vst v32  }
0x260: {  	[tilespmem:$0xE850] =	vst v32  }
0x261: {  	[tilespmem:$0xE860] =	vst v32  }
0x262: {  	[tilespmem:$0xE870] =	vst v32  }
0x263: {  	[tilespmem:$0xE880] =	vst v32  }
0x264: {  	[tilespmem:$0xE890] =	vst v32  }
0x265: {  	[tilespmem:$0xE8A0] =	vst v32  }
0x266: {  	[tilespmem:$0xE8B0] =	vst v32  }
0x267: {  	[tilespmem:$0xE8C0] =	vst v32  }
0x268: {  	[tilespmem:$0xE8D0] =	vst v32  }
0x269: {  	[tilespmem:$0xE8E0] =	vst v32  }
0x26a: {  	[tilespmem:$0xE8F0] =	vst v32  }
0x26b: {  	[tilespmem:$0xE900] =	vst v32  }
0x26c: {  	[tilespmem:$0xE910] =	vst v32  }
0x26d: {  	[tilespmem:$0xE920] =	vst v32  }
0x26e: {  	[tilespmem:$0xE930] =	vst v32  }
0x26f: {  	[tilespmem:$0xE940] =	vst v32  }
0x270: {  	[tilespmem:$0xE950] =	vst v32  }
0x271: {  	[tilespmem:$0xE960] =	vst v32  }
0x272: {  	[tilespmem:$0xE970] =	vst v32  }
0x273: {  	[tilespmem:$0xE980] =	vst v32  }
0x274: {  	[tilespmem:$0xE990] =	vst v32  }
0x275: {  	[tilespmem:$0xE9A0] =	vst v32  }
0x276: {  	[tilespmem:$0xE9B0] =	vst v32  }
0x277: {  	[tilespmem:$0xE9C0] =	vst v32  }
0x278: {  	[tilespmem:$0xE9D0] =	vst v32  }
0x279: {  	[tilespmem:$0xE9E0] =	vst v32  }
0x27a: {  	[tilespmem:$0xE9F0] =	vst v32  }
0x27b: {  	[tilespmem:$0xEA00] =	vst v32  }
0x27c: {  	[tilespmem:$0xEA10] =	vst v32  }
0x27d: {  	[tilespmem:$0xEA20] =	vst v32  }
0x27e: {  	[tilespmem:$0xEA30] =	vst v32  }
0x27f: {  	[tilespmem:$0xEA40] =	vst v32  }
0x280: {  	[tilespmem:$0xEA50] =	vst v32  }
0x281: {  	[tilespmem:$0xEA60] =	vst v32  }
0x282: {  	[tilespmem:$0xEA70] =	vst v32  }
0x283: {  	[tilespmem:$0xEA80] =	vst v32  }
0x284: {  	[tilespmem:$0xEA90] =	vst v32  }
0x285: {  	[tilespmem:$0xEAA0] =	vst v32  }
0x286: {  	[tilespmem:$0xEAB0] =	vst v32  }
0x287: {  	[tilespmem:$0xEAC0] =	vst v32  }
0x288: {  	[tilespmem:$0xEAD0] =	vst v32  }
0x289: {  	[tilespmem:$0xEAE0] =	vst v32  }
0x28a: {  	[tilespmem:$0xEAF0] =	vst v32  }
0x28b: {  	[tilespmem:$0xEB00] =	vst v32  }
0x28c: {  	[tilespmem:$0xEB10] =	vst v32  }
0x28d: {  	[tilespmem:$0xEB20] =	vst v32  }
0x28e: {  	[tilespmem:$0xEB30] =	vst v32  }
0x28f: {  	[tilespmem:$0xEB40] =	vst v32  }
0x290: {  	[tilespmem:$0xEB50] =	vst v32  }
0x291: {  	[tilespmem:$0xEB60] =	vst v32  }
0x292: {  	[tilespmem:$0xEB70] =	vst v32  }
0x293: {  	[tilespmem:$0xEB80] =	vst v32  }
0x294: {  	[tilespmem:$0xEB90] =	vst v32  }
0x295: {  	[tilespmem:$0xEBA0] =	vst v32  }
0x296: {  	[tilespmem:$0xEBB0] =	vst v32  }
0x297: {  	[tilespmem:$0xEBC0] =	vst v32  }
0x298: {  	[tilespmem:$0xEBD0] =	vst v32  }
0x299: {  	[tilespmem:$0xEBE0] =	vst v32  }
0x29a: {  	[tilespmem:$0xEBF0] =	vst v32  }
0x29b: {  	[tilespmem:$0xEC00] =	vst v32  }
0x29c: {  	[tilespmem:$0xEC10] =	vst v32  }
0x29d: {  	[tilespmem:$0xEC20] =	vst v32  }
0x29e: {  	[tilespmem:$0xEC30] =	vst v32  }
0x29f: {  	[tilespmem:$0xEC40] =	vst v32  }
0x2a0: {  	[tilespmem:$0xEC50] =	vst v32  }
0x2a1: {  	[tilespmem:$0xEC60] =	vst v32  }
0x2a2: {  	[tilespmem:$0xEC70] =	vst v32  }
0x2a3: {  	[tilespmem:$0xEC80] =	vst v32  }
0x2a4: {  	[tilespmem:$0xEC90] =	vst v32  }
0x2a5: {  	[tilespmem:$0xECA0] =	vst v32  }
0x2a6: {  	[tilespmem:$0xECB0] =	vst v32  }
0x2a7: {  	[tilespmem:$0xECC0] =	vst v32  }
0x2a8: {  	[tilespmem:$0xECD0] =	vst v32  }
0x2a9: {  	[tilespmem:$0xECE0] =	vst v32  }
0x2aa: {  	[tilespmem:$0xECF0] =	vst v32  }
0x2ab: {  	[tilespmem:$0xED00] =	vst v32  }
0x2ac: {  	[tilespmem:$0xED10] =	vst v32  }
0x2ad: {  	[tilespmem:$0xED20] =	vst v32  }
0x2ae: {  	[tilespmem:$0xED30] =	vst v32  }
0x2af: {  	[tilespmem:$0xED40] =	vst v32  }
0x2b0: {  	[tilespmem:$0xED50] =	vst v32  }
0x2b1: {  	[tilespmem:$0xED60] =	vst v32  }
0x2b2: {  	[tilespmem:$0xED70] =	vst v32  }
0x2b3: {  	[tilespmem:$0xED80] =	vst v32  }
0x2b4: {  	[tilespmem:$0xED90] =	vst v32  }
0x2b5: {  	[tilespmem:$0xEDA0] =	vst v32  }
0x2b6: {  	[tilespmem:$0xEDB0] =	vst v32  }
0x2b7: {  	[tilespmem:$0xEDC0] =	vst v32  }
0x2b8: {  	[tilespmem:$0xEDD0] =	vst v32  }
0x2b9: {  	[tilespmem:$0xEDE0] =	vst v32  }
0x2ba: {  	[tilespmem:$0xEDF0] =	vst v32  }
0x2bb: {  	[tilespmem:$0xEE00] =	vst v32  }
0x2bc: {  	[tilespmem:$0xEE10] =	vst v32  }
0x2bd: {  	[tilespmem:$0xEE20] =	vst v32  }
0x2be: {  	[tilespmem:$0xEE30] =	vst v32  }
0x2bf: {  	[tilespmem:$0xEE40] =	vst v32  }
0x2c0: {  	[tilespmem:$0xEE50] =	vst v32  }
0x2c1: {  	[tilespmem:$0xEE60] =	vst v32  }
0x2c2: {  	[tilespmem:$0xEE70] =	vst v32  }
0x2c3: {  	[tilespmem:$0xEE80] =	vst v32  }
0x2c4: {  	[tilespmem:$0xEE90] =	vst v32  }
0x2c5: {  	[tilespmem:$0xEEA0] =	vst v32  }
0x2c6: {  	[tilespmem:$0xEEB0] =	vst v32  }
0x2c7: {  	[tilespmem:$0xEEC0] =	vst v32  }
0x2c8: {  	[tilespmem:$0xEED0] =	vst v32  }
0x2c9: {  	[tilespmem:$0xEEE0] =	vst v32  }
0x2ca: {  	[tilespmem:$0xEEF0] =	vst v32  }
0x2cb: {  	[tilespmem:$0xEF00] =	vst v32  }
0x2cc: {  	[tilespmem:$0xEF10] =	vst v32  }
0x2cd: {  	[tilespmem:$0xEF20] =	vst v32  }
0x2ce: {  	[tilespmem:$0xEF30] =	vst v32  }
0x2cf: {  	[tilespmem:$0xEF40] =	vst v32  }
0x2d0: {  	[tilespmem:$0xEF50] =	vst v32  }
0x2d1: {  	[tilespmem:$0xEF60] =	vst v32  }
0x2d2: {  	[tilespmem:$0xEF70] =	vst v32  }
0x2d3: {  	[tilespmem:$0xEF80] =	vst v32  }
0x2d4: {  	[tilespmem:$0xEF90] =	vst v32  }
0x2d5: {  	[tilespmem:$0xEFA0] =	vst v32  }
0x2d6: {  	[tilespmem:$0xEFB0] =	vst v32  }
0x2d7: {  	[tilespmem:$0xEFC0] =	vst v32  }
0x2d8: {  	[tilespmem:$0xEFD0] =	vst v32  }
0x2d9: {  	[tilespmem:$0xEFE0] =	vst v32  }
0x2da: {  	[tilespmem:$0xEFF0] =	vst v32  }
0x2db: {  	[tilespmem:$0xF000] =	vst v32  }
0x2dc: {  	[tilespmem:$0xF010] =	vst v32  }
0x2dd: {  	[tilespmem:$0xF020] =	vst v32  }
0x2de: {  	[tilespmem:$0xF030] =	vst v32  }
0x2df: {  	[tilespmem:$0xF040] =	vst v32  }
0x2e0: {  	[tilespmem:$0xF050] =	vst v32  }
0x2e1: {  	[tilespmem:$0xF060] =	vst v32  }
0x2e2: {  	[tilespmem:$0xF070] =	vst v32  }
0x2e3: {  	[tilespmem:$0xF080] =	vst v32  }
0x2e4: {  	[tilespmem:$0xF090] =	vst v32  }
0x2e5: {  	[tilespmem:$0xF0A0] =	vst v32  }
0x2e6: {  	[tilespmem:$0xF0B0] =	vst v32  }
0x2e7: {  	[tilespmem:$0xF0C0] =	vst v32  }
0x2e8: {  	[tilespmem:$0xF0D0] =	vst v32  }
0x2e9: {  	[tilespmem:$0xF0E0] =	vst v32  }
0x2ea: {  	[tilespmem:$0xF0F0] =	vst v32  }
0x2eb: {  	[tilespmem:$0xF100] =	vst v32  }
0x2ec: {  	[tilespmem:$0xF110] =	vst v32  }
0x2ed: {  	[tilespmem:$0xF120] =	vst v32  }
0x2ee: {  	[tilespmem:$0xF130] =	vst v32  }
0x2ef: {  	[tilespmem:$0xF140] =	vst v32  }
0x2f0: {  	[tilespmem:$0xF150] =	vst v32  }
0x2f1: {  	[tilespmem:$0xF160] =	vst v32  }
0x2f2: {  	[tilespmem:$0xF170] =	vst v32  }
0x2f3: {  	[tilespmem:$0xF180] =	vst v32  }
0x2f4: {  	[tilespmem:$0xF190] =	vst v32  }
0x2f5: {  	[tilespmem:$0xF1A0] =	vst v32  }
0x2f6: {  	[tilespmem:$0xF1B0] =	vst v32  }
0x2f7: {  	[tilespmem:$0xF1C0] =	vst v32  }
0x2f8: {  	[tilespmem:$0xF1D0] =	vst v32  }
0x2f9: {  	[tilespmem:$0xF1E0] =	vst v32  }
0x2fa: {  	[tilespmem:$0xF1F0] =	vst v32  }
0x2fb: {  	[tilespmem:$0xF200] =	vst v32  }
0x2fc: {  	[tilespmem:$0xF210] =	vst v32  }
0x2fd: {  	[tilespmem:$0xF220] =	vst v32  }
0x2fe: {  	[tilespmem:$0xF230] =	vst v32  }
0x2ff: {  	[tilespmem:$0xF240] =	vst v32  }
0x300: {  	[tilespmem:$0xF250] =	vst v32  }
0x301: {  	[tilespmem:$0xF260] =	vst v32  }
0x302: {  	[tilespmem:$0xF270] =	vst v32  }
0x303: {  	[tilespmem:$0xF280] =	vst v32  }
0x304: {  	[tilespmem:$0xF290] =	vst v32  }
0x305: {  	[tilespmem:$0xF2A0] =	vst v32  }
0x306: {  	[tilespmem:$0xF2B0] =	vst v32  }
0x307: {  	[tilespmem:$0xF2C0] =	vst v32  }
0x308: {  	[tilespmem:$0xF2D0] =	vst v32  }
0x309: {  	[tilespmem:$0xF2E0] =	vst v32  }
0x30a: {  	[tilespmem:$0xF2F0] =	vst v32  }
0x30b: {  	[tilespmem:$0xF300] =	vst v32  }
0x30c: {  	[tilespmem:$0xF310] =	vst v32  }
0x30d: {  	[tilespmem:$0xF320] =	vst v32  }
0x30e: {  	[tilespmem:$0xF330] =	vst v32  }
0x30f: {  	[tilespmem:$0xF340] =	vst v32  }
0x310: {  	[tilespmem:$0xF350] =	vst v32  }
0x311: {  	[tilespmem:$0xF360] =	vst v32  }
0x312: {  	[tilespmem:$0xF370] =	vst v32  }
0x313: {  	[tilespmem:$0xF380] =	vst v32  }
0x314: {  	[tilespmem:$0xF390] =	vst v32  }
0x315: {  	[tilespmem:$0xF3A0] =	vst v32  }
0x316: {  	[tilespmem:$0xF3B0] =	vst v32  }
0x317: {  	[tilespmem:$0xF3C0] =	vst v32  }
0x318: {  	[tilespmem:$0xF3D0] =	vst v32  }
0x319: {  	[tilespmem:$0xF3E0] =	vst v32  }
0x31a: {  	[tilespmem:$0xF3F0] =	vst v32  }
0x31b: {  	[tilespmem:$0xF400] =	vst v32  }
0x31c: {  	[tilespmem:$0xF410] =	vst v32  }
0x31d: {  	[tilespmem:$0xF420] =	vst v32  }
0x31e: {  	[tilespmem:$0xF430] =	vst v32  }
0x31f: {  	[tilespmem:$0xF440] =	vst v32  }
0x320: {  	[tilespmem:$0xF450] =	vst v32  }
0x321: {  	[tilespmem:$0xF460] =	vst v32  }
0x322: {  	[tilespmem:$0xF470] =	vst v32  }
0x323: {  	[tilespmem:$0xF480] =	vst v32  }
0x324: {  	[tilespmem:$0xF490] =	vst v32  }
0x325: {  	[tilespmem:$0xF4A0] =	vst v32  }
0x326: {  	[tilespmem:$0xF4B0] =	vst v32  }
0x327: {  	[tilespmem:$0xF4C0] =	vst v32  }
0x328: {  	[tilespmem:$0xF4D0] =	vst v32  }
0x329: {  	[tilespmem:$0xF4E0] =	vst v32  }
0x32a: {  	[tilespmem:$0xF4F0] =	vst v32  }
0x32b: {  	[tilespmem:$0xF500] =	vst v32  }
0x32c: {  	[tilespmem:$0xF510] =	vst v32  }
0x32d: {  	[tilespmem:$0xF520] =	vst v32  }
0x32e: {  	[tilespmem:$0xF530] =	vst v32  }
0x32f: {  	[tilespmem:$0xF540] =	vst v32  }
0x330: {  	[tilespmem:$0xF550] =	vst v32  }
0x331: {  	[tilespmem:$0xF560] =	vst v32  }
0x332: {  	[tilespmem:$0xF570] =	vst v32  }
0x333: {  	[tilespmem:$0xF580] =	vst v32  }
0x334: {  	[tilespmem:$0xF590] =	vst v32  }
0x335: {  	[tilespmem:$0xF5A0] =	vst v32  }
0x336: {  	[tilespmem:$0xF5B0] =	vst v32  }
0x337: {  	[tilespmem:$0xF5C0] =	vst v32  }
0x338: {  	[tilespmem:$0xF5D0] =	vst v32  }
0x339: {  	[tilespmem:$0x103E0] =	vst v32  }
0x33a: {  	[tilespmem:$0x103D0] =	vst v32  }
0x33b: {  	[tilespmem:$0xF5E0] =	vst v32  }
0x33c: {  	[tilespmem:$0xF5F0] =	vst v32  }
0x33d: {  	[tilespmem:$0xF600] =	vst v32  }
0x33e: {  	[tilespmem:$0xF610] =	vst v32  }
0x33f: {  	[tilespmem:$0xF620] =	vst v32  }
0x340: {  	[tilespmem:$0xF630] =	vst v32  }
0x341: {  	[tilespmem:$0xF640] =	vst v32  }
0x342: {  	[tilespmem:$0xF650] =	vst v32  }
0x343: {  	[tilespmem:$0xF660] =	vst v32  }
0x344: {  	[tilespmem:$0xF670] =	vst v32  }
0x345: {  	[tilespmem:$0xF680] =	vst v32  }
0x346: {  	[tilespmem:$0xF690] =	vst v32  }
0x347: {  	[tilespmem:$0xF6A0] =	vst v32  }
0x348: {  	[tilespmem:$0xF6B0] =	vst v32  }
0x349: {  	[tilespmem:$0xF6C0] =	vst v32  }
0x34a: {  	[tilespmem:$0xF6D0] =	vst v32  }
0x34b: {  	[tilespmem:$0xF6E0] =	vst v32  }
0x34c: {  	[tilespmem:$0xF6F0] =	vst v32  }
0x34d: {  	[tilespmem:$0xF700] =	vst v32  }
0x34e: {  	[tilespmem:$0xF710] =	vst v32  }
0x34f: {  	[tilespmem:$0xF720] =	vst v32  }
0x350: {  	[tilespmem:$0xF730] =	vst v32  }
0x351: {  	[tilespmem:$0xF740] =	vst v32  }
0x352: {  	[tilespmem:$0xF750] =	vst v32  }
0x353: {  	[tilespmem:$0xF760] =	vst v32  }
0x354: {  	[tilespmem:$0xF770] =	vst v32  }
0x355: {  	[tilespmem:$0xF780] =	vst v32  }
0x356: {  	[tilespmem:$0xF790] =	vst v32  }
0x357: {  	[tilespmem:$0xF7A0] =	vst v32  }
0x358: {  	[tilespmem:$0xF7B0] =	vst v32  }
0x359: {  	[tilespmem:$0xF7C0] =	vst v32  }
0x35a: {  	[tilespmem:$0xF7D0] =	vst v32  }
0x35b: {  	[tilespmem:$0xF7E0] =	vst v32  }
0x35c: {  	[tilespmem:$0xF7F0] =	vst v32  }
0x35d: {  	[tilespmem:$0xF800] =	vst v32  }
0x35e: {  	[tilespmem:$0xF810] =	vst v32  }
0x35f: {  	[tilespmem:$0xF820] =	vst v32  }
0x360: {  	[tilespmem:$0xF830] =	vst v32  }
0x361: {  	[tilespmem:$0xF840] =	vst v32  }
0x362: {  	[tilespmem:$0xF850] =	vst v32  }
0x363: {  	[tilespmem:$0xF860] =	vst v32  }
0x364: {  	[tilespmem:$0xF870] =	vst v32  }
0x365: {  	[tilespmem:$0xF880] =	vst v32  }
0x366: {  	[tilespmem:$0xF890] =	vst v32  }
0x367: {  	[tilespmem:$0xF8A0] =	vst v32  }
0x368: {  	[tilespmem:$0xF8B0] =	vst v32  }
0x369: {  	[tilespmem:$0xF8C0] =	vst v32  }
0x36a: {  	[tilespmem:$0xF8D0] =	vst v32  }
0x36b: {  	[tilespmem:$0xF8E0] =	vst v32  }
0x36c: {  	[tilespmem:$0xF8F0] =	vst v32  }
0x36d: {  	[tilespmem:$0xF900] =	vst v32  }
0x36e: {  	[tilespmem:$0xF910] =	vst v32  }
0x36f: {  	[tilespmem:$0xF920] =	vst v32  }
0x370: {  	[tilespmem:$0xF930] =	vst v32  }
0x371: {  	[tilespmem:$0xF940] =	vst v32  }
0x372: {  	[tilespmem:$0xF950] =	vst v32  }
0x373: {  	[tilespmem:$0xF960] =	vst v32  }
0x374: {  	[tilespmem:$0xF970] =	vst v32  }
0x375: {  	[tilespmem:$0xF980] =	vst v32  }
0x376: {  	[tilespmem:$0xF990] =	vst v32  }
0x377: {  	[tilespmem:$0xF9A0] =	vst v32  }
0x378: {  	[tilespmem:$0xF9B0] =	vst v32  }
0x379: {  	[tilespmem:$0xF9C0] =	vst v32  }
0x37a: {  	[tilespmem:$0xF9D0] =	vst v32  }
0x37b: {  	[tilespmem:$0xF9E0] =	vst v32  }
0x37c: {  	[tilespmem:$0xF9F0] =	vst v32  }
0x37d: {  	[tilespmem:$0xFA00] =	vst v32  }
0x37e: {  	[tilespmem:$0xFA10] =	vst v32  }
0x37f: {  	[tilespmem:$0xFA20] =	vst v32  }
0x380: {  	[tilespmem:$0xFA30] =	vst v32  }
0x381: {  	[tilespmem:$0xFA40] =	vst v32  }
0x382: {  	[tilespmem:$0xFA50] =	vst v32  }
0x383: {  	[tilespmem:$0xFA60] =	vst v32  }
0x384: {  	[tilespmem:$0xFA70] =	vst v32  }
0x385: {  	[tilespmem:$0xFA80] =	vst v32  }
0x386: {  	[tilespmem:$0xFA90] =	vst v32  }
0x387: {  	[tilespmem:$0xFAA0] =	vst v32  }
0x388: {  	[tilespmem:$0xFAB0] =	vst v32  }
0x389: {  	[tilespmem:$0xFAC0] =	vst v32  }
0x38a: {  	[tilespmem:$0xFAD0] =	vst v32  }
0x38b: {  	[tilespmem:$0xFAE0] =	vst v32  }
0x38c: {  	[tilespmem:$0xFAF0] =	vst v32  }
0x38d: {  	[tilespmem:$0xFB00] =	vst v32  }
0x38e: {  	[tilespmem:$0xFB10] =	vst v32  }
0x38f: {  	[tilespmem:$0xFB20] =	vst v32  }
0x390: {  	[tilespmem:$0xFB30] =	vst v32  }
0x391: {  	[tilespmem:$0xFB40] =	vst v32  }
0x392: {  	[tilespmem:$0xFB50] =	vst v32  }
0x393: {  	[tilespmem:$0xFB60] =	vst v32  }
0x394: {  	[tilespmem:$0xFB70] =	vst v32  }
0x395: {  	[tilespmem:$0xFB80] =	vst v32  }
0x396: {  	[tilespmem:$0xFB90] =	vst v32  }
0x397: {  	[tilespmem:$0xFBA0] =	vst v32  }
0x398: {  	[tilespmem:$0xFBB0] =	vst v32  }
0x399: {  	[tilespmem:$0xFBC0] =	vst v32  }
0x39a: {  	[tilespmem:$0xFBD0] =	vst v32  }
0x39b: {  	[tilespmem:$0xFBE0] =	vst v32  }
0x39c: {  	[tilespmem:$0xFBF0] =	vst v32  }
0x39d: {  	[tilespmem:$0xFC00] =	vst v32  }
0x39e: {  	[tilespmem:$0xFC10] =	vst v32  }
0x39f: {  	[tilespmem:$0xFC20] =	vst v32  }
0x3a0: {  	[tilespmem:$0xFC30] =	vst v32  }
0x3a1: {  	[tilespmem:$0xFC40] =	vst v32  }
0x3a2: {  	[tilespmem:$0xFC50] =	vst v32  }
0x3a3: {  	[tilespmem:$0xFC60] =	vst v32  }
0x3a4: {  	[tilespmem:$0xFC70] =	vst v32  }
0x3a5: {  	[tilespmem:$0xFC80] =	vst v32  }
0x3a6: {  	[tilespmem:$0xFC90] =	vst v32  }
0x3a7: {  	[tilespmem:$0xFCA0] =	vst v32  }
0x3a8: {  	[tilespmem:$0xFCB0] =	vst v32  }
0x3a9: {  	[tilespmem:$0xFCC0] =	vst v32  }
0x3aa: {  	[tilespmem:$0xFCD0] =	vst v32  }
0x3ab: {  	[tilespmem:$0xFCE0] =	vst v32  }
0x3ac: {  	[tilespmem:$0xFCF0] =	vst v32  }
0x3ad: {  	[tilespmem:$0xFD00] =	vst v32  }
0x3ae: {  	[tilespmem:$0xFD10] =	vst v32  }
0x3af: {  	[tilespmem:$0xFD20] =	vst v32  }
0x3b0: {  	[tilespmem:$0xFD30] =	vst v32  }
0x3b1: {  	[tilespmem:$0xFD40] =	vst v32  }
0x3b2: {  	[tilespmem:$0xFD50] =	vst v32  }
0x3b3: {  	[tilespmem:$0xFD60] =	vst v32  }
0x3b4: {  	[tilespmem:$0xFD70] =	vst v32  }
0x3b5: {  	[tilespmem:$0xFD80] =	vst v32  }
0x3b6: {  	[tilespmem:$0xFD90] =	vst v32  }
0x3b7: {  	[tilespmem:$0xFDA0] =	vst v32  }
0x3b8: {  	[tilespmem:$0xFDB0] =	vst v32  }
0x3b9: {  	[tilespmem:$0xFDC0] =	vst v32  }
0x3ba: {  	[tilespmem:$0xFDD0] =	vst v32  }
0x3bb: {  	[tilespmem:$0xFDE0] =	vst v32  }
0x3bc: {  	[tilespmem:$0xFDF0] =	vst v32  }
0x3bd: {  	[tilespmem:$0xFE00] =	vst v32  }
0x3be: {  	[tilespmem:$0xFE10] =	vst v32  }
0x3bf: {  	[tilespmem:$0xFE20] =	vst v32  }
0x3c0: {  	[tilespmem:$0xFE30] =	vst v32  }
0x3c1: {  	[tilespmem:$0xFE40] =	vst v32  }
0x3c2: {  	[tilespmem:$0xFE50] =	vst v32  }
0x3c3: {  	[tilespmem:$0xFE60] =	vst v32  }
0x3c4: {  	[tilespmem:$0xFE70] =	vst v32  }
0x3c5: {  	[tilespmem:$0xFE80] =	vst v32  }
0x3c6: {  	[tilespmem:$0xFE90] =	vst v32  }
0x3c7: {  	[tilespmem:$0xFEA0] =	vst v32  }
0x3c8: {  	[tilespmem:$0xFEB0] =	vst v32  }
0x3c9: {  	[tilespmem:$0xFEC0] =	vst v32  }
0x3ca: {  	[tilespmem:$0xFED0] =	vst v32  }
0x3cb: {  	[tilespmem:$0xFEE0] =	vst v32  }
0x3cc: {  	[tilespmem:$0xFEF0] =	vst v32  }
0x3cd: {  	[tilespmem:$0xFF00] =	vst v32  }
0x3ce: {  	[tilespmem:$0xFF10] =	vst v32  }
0x3cf: {  	[tilespmem:$0xFF20] =	vst v32  }
0x3d0: {  	[tilespmem:$0xFF30] =	vst v32  }
0x3d1: {  	[tilespmem:$0xFF40] =	vst v32  }
0x3d2: {  	[tilespmem:$0xFF50] =	vst v32  }
0x3d3: {  	[tilespmem:$0xFF60] =	vst v32  }
0x3d4: {  	[tilespmem:$0xFF70] =	vst v32  }
0x3d5: {  	[tilespmem:$0xFF80] =	vst v32  }
0x3d6: {  	[tilespmem:$0xFF90] =	vst v32  }
0x3d7: {  	[tilespmem:$0xFFA0] =	vst v32  }
0x3d8: {  	[tilespmem:$0xFFB0] =	vst v32  }
0x3d9: {  	[tilespmem:$0xFFC0] =	vst v32  }
0x3da: {  	[tilespmem:$0xFFD0] =	vst v32  }
0x3db: {  	[tilespmem:$0xFFE0] =	vst v32  }
0x3dc: {  	[tilespmem:$0xFFF0] =	vst v32  }
0x3dd: {  	[tilespmem:$0x10000] =	vst v32  }
0x3de: {  	[tilespmem:$0x10010] =	vst v32  }
0x3df: {  	[tilespmem:$0x10020] =	vst v32  }
0x3e0: {  	[tilespmem:$0x10030] =	vst v32  }
0x3e1: {  	[tilespmem:$0x10040] =	vst v32  }
0x3e2: {  	[tilespmem:$0x10050] =	vst v32  }
0x3e3: {  	[tilespmem:$0x10060] =	vst v32  }
0x3e4: {  	[tilespmem:$0x10070] =	vst v32  }
0x3e5: {  	[tilespmem:$0x10080] =	vst v32  }
0x3e6: {  	[tilespmem:$0x10090] =	vst v32  }
0x3e7: {  	[tilespmem:$0x100A0] =	vst v32  }
0x3e8: {  	[tilespmem:$0x100B0] =	vst v32  }
0x3e9: {  	[tilespmem:$0x100C0] =	vst v32  }
0x3ea: {  	[tilespmem:$0x100D0] =	vst v32  }
0x3eb: {  	[tilespmem:$0x100E0] =	vst v32  }
0x3ec: {  	[tilespmem:$0x100F0] =	vst v32  }
0x3ed: {  	[tilespmem:$0x10100] =	vst v32  }
0x3ee: {  	[tilespmem:$0x10110] =	vst v32  }
0x3ef: {  	[tilespmem:$0x10120] =	vst v32  }
0x3f0: {  	[tilespmem:$0x10130] =	vst v32  }
0x3f1: {  	[tilespmem:$0x10140] =	vst v32  }
0x3f2: {  	[tilespmem:$0x10150] =	vst v32  }
0x3f3: {  	[tilespmem:$0x10160] =	vst v32  }
0x3f4: {  	[tilespmem:$0x10170] =	vst v32  }
0x3f5: {  	[tilespmem:$0x10180] =	vst v32  }
0x3f6: {  	[tilespmem:$0x10190] =	vst v32  }
0x3f7: {  	[tilespmem:$0x101A0] =	vst v32  }
0x3f8: {  	[tilespmem:$0x101B0] =	vst v32  }
0x3f9: {  	[tilespmem:$0x101C0] =	vst v32  }
0x3fa: {  	[tilespmem:$0x101D0] =	vst v32  }
0x3fb: {  	[tilespmem:$0x101E0] =	vst v32  }
0x3fc: {  	[tilespmem:$0x101F0] =	vst v32  }
0x3fd: {  	[tilespmem:$0x10200] =	vst v32  }
0x3fe: {  	[tilespmem:$0x10210] =	vst v32  }
0x3ff: {  	[tilespmem:$0x10220] =	vst v32  }
0x400: {  	[tilespmem:$0x10230] =	vst v32  }
0x401: {  	[tilespmem:$0x10240] =	vst v32  }
0x402: {  	[tilespmem:$0x10250] =	vst v32  }
0x403: {  	[tilespmem:$0x10260] =	vst v32  }
0x404: {  	[tilespmem:$0x10270] =	vst v32  }
0x405: {  	[tilespmem:$0x10280] =	vst v32  }
0x406: {  	[tilespmem:$0x10290] =	vst v32  }
0x407: {  	[tilespmem:$0x102A0] =	vst v32  }
0x408: {  	[tilespmem:$0x102B0] =	vst v32  }
0x409: {  	[tilespmem:$0x102C0] =	vst v32  }
0x40a: {  	[tilespmem:$0x102D0] =	vst v32  }
0x40b: {  	[tilespmem:$0x102E0] =	vst v32  }
0x40c: {  	[tilespmem:$0x102F0] =	vst v32  }
0x40d: {  	[tilespmem:$0x10300] =	vst v32  }
0x40e: {  	[tilespmem:$0x10310] =	vst v32  }
0x40f: {  	[tilespmem:$0x10320] =	vst v32  }
0x410: {  	[tilespmem:$0x10330] =	vst v32  }
0x411: {  	[tilespmem:$0x10340] =	vst v32  }
0x412: {  	[tilespmem:$0x10350] =	vst v32  }
0x413: {  	[tilespmem:$0x10360] =	vst v32  }
0x414: {  	[tilespmem:$0x10370] =	vst v32  }
0x415: {  	[tilespmem:$0x10380] =	vst v32  }
0x416: {  	[tilespmem:$0x10390] =	vst v32  }
0x417: {  	[tilespmem:$0x103A0] =	vst v32  }
0x418: {  	[tilespmem:$0x103B0] =	vst v32  }
0x419: {  	[tilespmem:$0x103C0] =	vst v32  }
0x41a: {  	[tilespmem:$0x103F0] =	vst v32  }
0x41b: {  	[spmem:s3] =	stream.linear.scatter [tilespmem:s10], [sflag:$0xD], $0x2000, $0x38;
	[tilespmem:$0x19400] =	vst v63  }
0x41c: {  	_ =	swait.ge [sflag:s9], $0x2000  }
0x41d: {  	[sflag:s9] =	ssyncset.done $0x0  }
0x41e: {  	s4 =	rddreg [dreg:$0x4];
	[sflag:s9] =	ssyncadd.s32 $0xFFFFE000  }
0x41f: {  	[spmem:s4] =	stream.linear.scatter [tilespmem:s10], [sflag:$0xD], $0x2000, $0x38;
	[tilespmem:$0x19400] =	vst v63  }
0x420: {  	_ =	swait.ge [sflag:s9], $0x2000  }
0x421: {  	[sflag:s9] =	ssyncset.done $0x0  }
0x422: {  	s20 =	rddreg [dreg:$0x5];
	[sflag:s9] =	ssyncadd.s32 $0xFFFFE000  }
0x423: {  	[spmem:s20] =	stream.linear.scatter [tilespmem:s10], [sflag:$0xD], $0x2000, $0x38;
	[tilespmem:$0x19400] =	vst v63  }
0x424: {  	_ =	swait.ge [sflag:s9], $0x2000  }
0x425: {  	[sflag:s9] =	ssyncset.done $0x0  }
0x426: {  	[sflag:s9] =	ssyncadd.s32 $0xFFFFE000  }
0x427: {  	[spmem:s6] =	stream.linear.scatter [tilespmem:s10], [sflag:$0xD], $0x2000, $0x38;
	[tilespmem:$0x19400] =	vst v63  }
0x428: {  	_ =	swait.ge [sflag:s9], $0x2000  }
0x429: {  	[sflag:s9] =	ssyncset.done $0x0  }
0x42a: {  	[sflag:s9] =	ssyncadd.s32 $0xFFFFE000  }
0x42b: {  	[tilespmem:s12], [sflag:$0x1] =	stream.indirect.gather [hbm4b:s24+s11], $0x40, s2, s11, $0xb8;
	[tilespmem:$0x19400] =	vst v63  }
0x42c: {  	s5 =	simm.s32 $0x3200  }
0x42d: {  	[tilespmem:s5], [sflag:$0x2] =	stream.indirect.gather [hbm4b:s24+s11], $0x40, s11, s11, $0xb8;
	[tilespmem:$0x19400] =	vst v63  }
0x42e: {  	s14 =	simm.s32 $0x100  }
0x42f: {  	[tilespmem:s15], [sflag:$0x3] =	stream.indirect.gather [hbm4b:s24+s11], $0x40, s14, s11, $0xb8;
	[tilespmem:$0x19400] =	vst v63  }
0x430: {  	s16 =	simm.s32 $0x180;
	s17 =	simm.s32 $0x7200  }
0x431: {  	[tilespmem:s17], [sflag:$0x4] =	stream.indirect.gather [hbm4b:s24+s11], $0x40, s16, s11, $0xb8;
	[tilespmem:$0x19400] =	vst v63  }
0x432: {  	s18 =	simm.s32 $0x200  }
0x433: {  	[tilespmem:s19], [sflag:$0x5] =	stream.indirect.gather [hbm4b:s24+s11], $0x40, s18, s11, $0xb8;
	[tilespmem:$0x19400] =	vst v63  }
0x434: {  	s20 =	simm.s32 $0x280;
	s14 =	simm.s32 $0x0  }
0x435: {  	[tilespmem:s21], [sflag:$0x6] =	stream.indirect.gather [hbm4b:s24+s11], $0x40, s20, s11, $0xb8;
	[tilespmem:$0x19400] =	vst v63  }
.LBB2_2:
0x436: {  	_ =	swait.ge [sflag:s23], $0x2000  }
0x437: {  	s16 =	sshra.s32 s14, $0x2;
	[sflag:s23] =	ssyncset.done $0x0  }
0x438: {  	s17 =	sadd.s32 $0xD200, s16;
	[sflag:s23] =	ssyncadd.s32 $0xFFFFE000  }
0x439: {  	[spmem:s1] =	stream.indirect.scatter.add.f32 [tilespmem:s12], [sflag:$0x7], $0x40, s17, s11, $0xb8;
	[tilespmem:$0x19400] =	vst v63  }
0x43a: {  	_ =	swait.ge [sflag:s25], $0x2000  }
0x43b: {  	p0 =	seq.s32 s14, $0x3C00;
	[sflag:s25] =	ssyncset.done $0x0  }
0x43c: {  	s17 =	simm.s32 @p0 $0x2;
	[sflag:s25] =	ssyncadd.s32 $0xFFFFE000  }
0x43d: {  	_ =	swait.ge @p0 [sflag:s17], $0x2000  }
0x43e: {  	[sflag:s17] =	ssyncset.done @p0 $0x0  }
0x43f: {  	[sflag:s17] =	ssyncadd.s32 @p0 $0xFFFFE000;
	s17 =	sshra.s32 @p0 s14, $0x2  }
0x440: {  	s20 =	simm.s32 @p0 $0x80;
	s2 =	simm.s32 @p0 $0x3200;
	s18 =	sadd.s32 @p0 $0xD280, s17  }
0x441: {  	[spmem:s1] =	stream.indirect.scatter.add.f32 @p0 [tilespmem:s2], [sflag:$0x8], $0x40, s18, s20, $0xb8;
	[tilespmem:$0x19400] =	vst v63  }
0x442: {  	s2 =	simm.s32 @p0 $0x8  }
0x443: {  	_ =	swait.ge @p0 [sflag:s2], $0x2000  }
0x444: {  	[sflag:s2] =	ssyncset.done @p0 $0x0  }
0x445: {  	[sflag:s2] =	ssyncadd.s32 @p0 $0xFFFFE000;
	s2 =	sshra.s32 @!p0 s14, $0x2  }
0x446: {  	s4 =	simm.s32 @!p0 $0x80;
	s5 =	simm.s32 @!p0 $0x1200;
	s18 =	sadd.s32 @!p0 $0x300, s2  }
0x447: {  	[tilespmem:s5], [sflag:$0x1] =	stream.indirect.gather @!p0 [hbm4b:s24+s4], $0x40, s18, s4, $0xb8;
	[tilespmem:$0x19400] =	vst v63  }
0x448: {  	s5 =	simm.s32 @!p0 $0x2  }
0x449: {  	_ =	swait.ge @!p0 [sflag:s5], $0x2000  }
0x44a: {  	[sflag:s5] =	ssyncset.done @!p0 $0x0  }
0x44b: {  	s18 =	simm.s32 @!p0 $0x3200;
	[sflag:s5] =	ssyncadd.s32 @!p0 $0xFFFFE000;
	s5 =	sadd.s32 @!p0 $0xD280, s2  }
0x44c: {  	[spmem:s1] =	stream.indirect.scatter.add.f32 @!p0 [tilespmem:s18], [sflag:$0x8], $0x40, s5, s4, $0xb8;
	[tilespmem:$0x19400] =	vst v63  }
0x44d: {  	s5 =	simm.s32 @!p0 $0x8  }
0x44e: {  	_ =	swait.ge @!p0 [sflag:s5], $0x2000  }
0x44f: {  	[sflag:s5] =	ssyncset.done @!p0 $0x0  }
0x450: {  	[sflag:s5] =	ssyncadd.s32 @!p0 $0xFFFFE000;
	s5 =	sadd.s32 @!p0 $0x380, s2  }
0x451: {  	[tilespmem:s18], [sflag:$0x2] =	stream.indirect.gather @!p0 [hbm4b:s24+s4], $0x40, s5, s4, $0xb8;
	[tilespmem:$0x19400] =	vst v63  }
0x452: {  	_ =	swait.ge [sflag:s26], $0x2000  }
0x453: {  	[sflag:s26] =	ssyncset.done $0x0  }
0x454: {  	s18 =	sadd.s32 $0xD300, s16;
	[sflag:s26] =	ssyncadd.s32 $0xFFFFE000  }
0x455: {  	[spmem:s1] =	stream.indirect.scatter.add.f32 [tilespmem:s15], [sflag:$0x9], $0x40, s18, s11, $0xb8;
	[tilespmem:$0x19400] =	vst v63  }
0x456: {  	_ =	swait.ge [sflag:s28], $0x2000  }
0x457: {  	[sflag:s28] =	ssyncset.done $0x0  }
0x458: {  	s5 =	simm.s32 @p0 $0x4;
	[sflag:s28] =	ssyncadd.s32 $0xFFFFE000  }
0x459: {  	_ =	swait.ge @p0 [sflag:s5], $0x2000  }
0x45a: {  	[sflag:s5] =	ssyncset.done @p0 $0x0  }
0x45b: {  	[sflag:s5] =	ssyncadd.s32 @p0 $0xFFFFE000;
	s5 =	sadd.s32 @p0 $0xD380, s17;
	s17 =	simm.s32 @p0 $0x7200  }
0x45c: {  	[spmem:s1] =	stream.indirect.scatter.add.f32 @p0 [tilespmem:s17], [sflag:$0xA], $0x40, s5, s20, $0xb8;
	[tilespmem:$0x19400] =	vst v63  }
0x45d: {  	s5 =	simm.s32 @p0 $0xA  }
0x45e: {  	_ =	swait.ge @p0 [sflag:s5], $0x2000  }
0x45f: {  	[sflag:s5] =	ssyncset.done @p0 $0x0  }
0x460: {  	s17 =	simm.s32 @!p0 $0x5200;
	[sflag:s5] =	ssyncadd.s32 @p0 $0xFFFFE000;
	s5 =	sadd.s32 @!p0 $0x400, s2  }
0x461: {  	[tilespmem:s17], [sflag:$0x3] =	stream.indirect.gather @!p0 [hbm4b:s24+s4], $0x40, s5, s4, $0xb8;
	[tilespmem:$0x19400] =	vst v63  }
0x462: {  	s5 =	simm.s32 @!p0 $0x4  }
0x463: {  	_ =	swait.ge @!p0 [sflag:s5], $0x2000  }
0x464: {  	[sflag:s5] =	ssyncset.done @!p0 $0x0  }
0x465: {  	s17 =	simm.s32 @!p0 $0x7200;
	[sflag:s5] =	ssyncadd.s32 @!p0 $0xFFFFE000;
	s5 =	sadd.s32 @!p0 $0xD380, s2  }
0x466: {  	[spmem:s1] =	stream.indirect.scatter.add.f32 @!p0 [tilespmem:s17], [sflag:$0xA], $0x40, s5, s4, $0xb8;
	[tilespmem:$0x19400] =	vst v63  }
0x467: {  	s5 =	simm.s32 @!p0 $0xA  }
0x468: {  	_ =	swait.ge @!p0 [sflag:s5], $0x2000  }
0x469: {  	[sflag:s5] =	ssyncset.done @!p0 $0x0  }
0x46a: {  	s2 =	sadd.s32 @!p0 $0x480, s2;
	[sflag:s5] =	ssyncadd.s32 @!p0 $0xFFFFE000  }
0x46b: {  	[tilespmem:s17], [sflag:$0x4] =	stream.indirect.gather @!p0 [hbm4b:s24+s4], $0x40, s2, s4, $0xb8;
	[tilespmem:$0x19400] =	vst v63  }
0x46c: {  	_ =	swait.ge [sflag:s29], $0x2000  }
0x46d: {  	[sflag:s29] =	ssyncset.done $0x0  }
.Ltmp2:
0x46e: {  	s20 =	sadd.s32 $0xD400, s16;
	[sflag:s29] =	ssyncadd.s32 $0xFFFFE000;
	(pc) =	sbr.rel @p0 .LBB2_4-.Ltmp2, $4  }
0x46f: {  	[spmem:s1] =	stream.indirect.scatter.add.f32 [tilespmem:s19], [sflag:$0xB], $0x40, s20, s11, $0xb8;
	[tilespmem:$0x19400] =	vst v63  }
0x470: {  	_ =	swait.ge [sflag:s30], $0x2000  }
0x471: {  	[sflag:s30] =	ssyncset.done $0x0  }
0x472: {  	s17 =	sadd.s32 $0xD480, s16;
	[sflag:s30] =	ssyncadd.s32 $0xFFFFE000  }
0x473: {  	s2 =	sadd.s32 $0x500, s16  }
0x474: {  	[tilespmem:s19], [sflag:$0x5] =	stream.indirect.gather [hbm4b:s24+s11], $0x40, s2, s11, $0xb8;
	[tilespmem:$0x19400] =	vst v63  }
0x475: {  	_ =	swait.ge [sflag:s22], $0x2000  }
0x476: {  	[sflag:s22] =	ssyncset.done $0x0  }
0x477: {  	[sflag:s22] =	ssyncadd.s32 $0xFFFFE000  }
0x478: {  	[spmem:s1] =	stream.indirect.scatter.add.f32 [tilespmem:s21], [sflag:$0xC], $0x40, s17, s11, $0xb8;
	[tilespmem:$0x19400] =	vst v63  }
.Ltmp3:
0x479: {  	_ = 	snop;
	(pc) =	sbr.rel .LBB2_2-.Ltmp3, $4  }
0x47a: {  	_ =	swait.ge [sflag:s0], $0x2000  }
0x47b: {  	[sflag:s0] =	ssyncset.done $0x0  }
0x47c: {  	s20 =	sadd.s32 $0x580, s16;
	s14 =	sadd.s32 $0xC00, s14;
	[sflag:s0] =	ssyncadd.s32 $0xFFFFE000  }
0x47d: {  	[tilespmem:s21], [sflag:$0x6] =	stream.indirect.gather [hbm4b:s24+s11], $0x40, s20, s11, $0xb8;
	[tilespmem:$0x19400] =	vst v63  }
.LBB2_5:
0x47e: {  	_ =	sfence.sel $0x180000  }
0x47f: {  	[bflag:$0x0] =	sbarrier.arrive $0xFFFF  }
0x480: {  	_ =	strace $0x90000047  }
0x481: {  	s0 =	stileid.u32;
	[bflag:$0x2] =	sbarrier.arrive $0xFFFF  }
0x482: {  	p0 =	sne.s32 s0, $0x0;
	s0 =	rddreg [dreg:$0x3]  }
0x483: {  	s0 =	sadd.s32 @!p0 $0x100000, s0  }
0x484: {  	[sflag:s0] =	ssyncadd.tile.s32 @!p0 $0x1;
	_ =	shalt  }
.Lfunc_end2:
_tile_overlayer_lowered:
.L_overlay_start_2:
0x485: {  	(tag) =	ssettag $0x2  }
0x486: {  	s0 =	rddreg [dreg:$0x0];
	s2 =	stileid.u32  }
0x487: {  	s1 =	rddreg [dreg:$0x1];
	p0 =	sne.s32 s2, $0x0  }
0x488: {  	s3 =	rddreg [dreg:$0x2];
	[bflag:$0x3] =	sbarrier.arrive $0xFFFF;
	s2 =	simm.s32 @!p0 $0x1C0D  }
0x489: {  	[timem:s3], [sflag:s2] =	dma.local @!p0 [hbm:s0], s1  }
0x48a: {  	s0 =	simm.s32 @!p0 $0xD  }
0x48b: {  	_ =	swait.ge @!p0 [sflag:s0], s1  }
0x48c: {  	s1 =	ssub.s32 @!p0 $0x0, s1;
	[sflag:s0] =	ssyncset.done @!p0 $0x0  }
0x48d: {  	[sflag:s0] =	ssyncadd.s32 @!p0 s1  }
0x48e: {  	[bflag:$0x3] =	sbarrier.arrive $0xFFFF  }
0x48f: {  	_ =	shalt  }

</sc_bundles>
